<compile_context>
chip_gen: v7x
topology: tpu7x:2x2x1
jax: 0.10.2.dev20260603
libtpu: 0.0.44.dev20260713+nightly
codegen_flags: <defaults>
</compile_context>

<pallas_src>
import functools

import jax
import jax.numpy as jnp
from jax import lax
from jax.experimental import pallas as pl
from jax.experimental.pallas import tpu as pltpu
from jax.experimental.pallas import tpu_sc as plsc

N = 10000
E = 320000
H = 128
G = 256
NLAYERS = 5
EPS = 1e-5

NTILES = 32
CHUNK = 128
NCHUNK = 80
EPT_PAD = NCHUNK * CHUNK
E_PAD = EPT_PAD * NTILES
NP = 10112
NCHK_N = NP // CHUNK
GP = 264
NBLK = 8
BLK = NP // NBLK


def _scatter_call():
    mesh = plsc.VectorSubcoreMesh(core_axis_name="c", subcore_axis_name="s")

    @functools.partial(
        pl.kernel,
        out_type=jax.ShapeDtypeStruct((2, NP, H), jnp.float32),
        mesh=mesh,
        scratch_types=[
            pltpu.VMEM((NCHUNK, CHUNK), jnp.int32),
            pltpu.VMEM((NCHUNK, CHUNK), jnp.int32),
            pltpu.VMEM((CHUNK, H), jnp.float32),
            pltpu.VMEM_SHARED((NP, H), jnp.float32),
            pltpu.SemaphoreType.DMA,
        ],
        compiler_params=pltpu.CompilerParams(needs_layout_passes=False),
    )
    def scatter_k(y_hbm, src_hbm, dst_hbm, zero_hbm, out_hbm,
                  src_v, dst_v, rows_v, acc_sh, sem):
        c = lax.axis_index("c")
        s = lax.axis_index("s")
        wid = c * 16 + s
        pltpu.sync_copy(src_hbm.at[wid], src_v)
        pltpu.sync_copy(dst_hbm.at[wid], dst_v)
        pltpu.sync_copy(zero_hbm, rows_v)

        def zero_body(i, carry):
            ch = i * 16 + s

            @pl.when(ch < NCHK_N)
            def _():
                pltpu.sync_copy(rows_v, acc_sh.at[pl.ds(ch * CHUNK, CHUNK)])
            return carry

        lax.fori_loop(0, 5, zero_body, 0)
        plsc.subcore_barrier()

        def chunk_body(j, carry):
            pltpu.async_copy(y_hbm.at[src_v.at[j]], rows_v, sem).wait()
            pltpu.sync_copy(rows_v, acc_sh.at[dst_v.at[j]], add=True)
            return carry

        lax.fori_loop(0, NCHUNK, chunk_body, 0)
        plsc.subcore_barrier()

        def wb_body(i, carry):
            ch = i * 16 + s

            @pl.when(ch < NCHK_N)
            def _():
                pltpu.sync_copy(acc_sh.at[pl.ds(ch * CHUNK, CHUNK)],
                                out_hbm.at[c, pl.ds(ch * CHUNK, CHUNK)])
            return carry

        lax.fori_loop(0, 5, wb_body, 0)

    return scatter_k


def _pool_call():
    mesh = plsc.VectorSubcoreMesh(core_axis_name="c", subcore_axis_name="s")

    @functools.partial(
        pl.kernel,
        out_type=(
            jax.ShapeDtypeStruct((2, GP, H), jnp.float32),
            jax.ShapeDtypeStruct((2, GP, H), jnp.float32),
            jax.ShapeDtypeStruct((NTILES, GP, H), jnp.float32),
        ),
        mesh=mesh,
        scratch_types=[
            pltpu.VMEM((CHUNK, H), jnp.float32),
            pltpu.VMEM((3, CHUNK), jnp.int32),
            pltpu.VMEM((GP, H), jnp.float32),
            pltpu.VMEM((CHUNK, H), jnp.float32),
            pltpu.VMEM_SHARED((GP, H), jnp.float32),
            pltpu.VMEM_SHARED((GP, H), jnp.float32),
        ],
        compiler_params=pltpu.CompilerParams(needs_layout_passes=False),
    )
    def pool_k(hx_hbm, b3_hbm, zgp_hbm, ni_hbm, ones_hbm,
               sum_hbm, cnt_hbm, max_hbm,
               hx_v, b_v, accm_v, ones_v, sum_sh, cnt_sh):
        c = lax.axis_index("c")
        s = lax.axis_index("s")
        wid = c * 16 + s
        pltpu.sync_copy(zgp_hbm.at[pl.ds(s * 16, 16)],
                        sum_sh.at[pl.ds(s * 16, 16)])
        pltpu.sync_copy(zgp_hbm.at[pl.ds(s * 16, 16)],
                        cnt_sh.at[pl.ds(s * 16, 16)])

        @pl.when(s == 0)
        def _():
            pltpu.sync_copy(zgp_hbm.at[pl.ds(256, 8)], sum_sh.at[pl.ds(256, 8)])
            pltpu.sync_copy(zgp_hbm.at[pl.ds(256, 8)], cnt_sh.at[pl.ds(256, 8)])

        pltpu.sync_copy(ones_hbm, ones_v)
        pltpu.sync_copy(ni_hbm, accm_v)
        plsc.subcore_barrier()

        lanes = lax.iota(jnp.int32, 16)
        for k in range(3):
            ch = wid + 32 * k

            @pl.when(ch < NCHK_N)
            def _():
                pltpu.sync_copy(b3_hbm.at[ch], b_v.at[pl.ds(k, 1)])
                pltpu.sync_copy(hx_hbm.at[pl.ds(ch * CHUNK, CHUNK)], hx_v)
                pltpu.sync_copy(hx_v, sum_sh.at[b_v.at[k]], add=True)
                pltpu.sync_copy(ones_v, cnt_sh.at[b_v.at[k]], add=True)
                kvec = jnp.full((16,), k, jnp.int32)

                def body(r, carry):
                    rvec = jnp.full((16,), r, jnp.int32)
                    segv = plsc.load_gather(b_v, [kvec, rvec])
                    for kk in range(8):
                        col = kk * 16 + lanes
                        row = plsc.load_gather(hx_v, [rvec, col])
                        cur = plsc.load_gather(accm_v, [segv, col])
                        plsc.store_scatter(accm_v, [segv, col],
                                           jnp.maximum(cur, row))
                    return carry

                lax.fori_loop(0, CHUNK, body, 0)

        plsc.subcore_barrier()
        pltpu.sync_copy(accm_v, max_hbm.at[wid])
        pltpu.sync_copy(sum_sh.at[pl.ds(s * 16, 16)],
                        sum_hbm.at[c, pl.ds(s * 16, 16)])
        pltpu.sync_copy(cnt_sh.at[pl.ds(s * 16, 16)],
                        cnt_hbm.at[c, pl.ds(s * 16, 16)])

        @pl.when(s == 0)
        def _():
            pltpu.sync_copy(sum_sh.at[pl.ds(256, 8)],
                            sum_hbm.at[c, pl.ds(256, 8)])
            pltpu.sync_copy(cnt_sh.at[pl.ds(256, 8)],
                            cnt_hbm.at[c, pl.ds(256, 8)])

    return pool_k


def _layer_call(s_part, hx, wrel, wroot, brel, gamma, beta, add_residual):

    def pass1(s_ref, hx_ref, wrel_ref, wroot_ref, brel_ref, u_ref, st_ref):
        j = pl.program_id(0)
        agg = (s_ref[0] + s_ref[1]).astype(jnp.bfloat16)
        u = (jnp.dot(agg, wrel_ref[...].astype(jnp.bfloat16),
                     preferred_element_type=jnp.float32)
             + brel_ref[...]
             + jnp.dot(hx_ref[...].astype(jnp.bfloat16),
                       wroot_ref[...].astype(jnp.bfloat16),
                       preferred_element_type=jnp.float32))
        u_ref[...] = u
        rows = j * BLK + lax.broadcasted_iota(jnp.int32, (BLK, 1), 0)
        um = jnp.where(rows < N, u, 0.0)
        ps = jnp.sum(um, axis=0, keepdims=True)
        pq = jnp.sum(um * um, axis=0, keepdims=True)

        @pl.when(j == 0)
        def _():
            st_ref[0:1, :] = ps
            st_ref[1:2, :] = pq
            st_ref[2:8, :] = jnp.zeros((6, H), jnp.float32)

        @pl.when(j > 0)
        def _():
            st_ref[0:1, :] += ps
            st_ref[1:2, :] += pq

    u, stats = pl.pallas_call(
        pass1,
        grid=(NBLK,),
        in_specs=[
            pl.BlockSpec((2, BLK, H), lambda j: (0, j, 0)),
            pl.BlockSpec((BLK, H), lambda j: (j, 0)),
            pl.BlockSpec((H, H), lambda j: (0, 0)),
            pl.BlockSpec((H, H), lambda j: (0, 0)),
            pl.BlockSpec((1, H), lambda j: (0, 0)),
        ],
        out_specs=[pl.BlockSpec((BLK, H), lambda j: (j, 0)),
                   pl.BlockSpec((8, H), lambda j: (0, 0))],
        out_shape=[jax.ShapeDtypeStruct((NP, H), jnp.float32),
                   jax.ShapeDtypeStruct((8, H), jnp.float32)],
    )(s_part, hx, wrel, wroot, brel.reshape(1, H))

    def pass2(u_ref, st_ref, hx_ref, g_ref, b_ref, hxo_ref):
        mean = st_ref[0:1, :] * jnp.float32(1.0 / N)
        var = st_ref[1:2, :] * jnp.float32(1.0 / N) - mean * mean
        h = jnp.maximum(
            g_ref[...] * (u_ref[...] - mean) / jnp.sqrt(var + EPS)
            + b_ref[...], 0.0)
        if add_residual:
            h = h + hx_ref[...]
        hxo_ref[...] = h

    return pl.pallas_call(
        pass2,
        grid=(NBLK,),
        in_specs=[
            pl.BlockSpec((BLK, H), lambda j: (j, 0)),
            pl.BlockSpec((8, H), lambda j: (0, 0)),
            pl.BlockSpec((BLK, H), lambda j: (j, 0)),
            pl.BlockSpec((1, H), lambda j: (0, 0)),
            pl.BlockSpec((1, H), lambda j: (0, 0)),
        ],
        out_specs=pl.BlockSpec((BLK, H), lambda j: (j, 0)),
        out_shape=jax.ShapeDtypeStruct((NP, H), jnp.float32),
    )(u, stats, hx, gamma.reshape(1, H), beta.reshape(1, H))


def _head_call(sums, cnts, maxs, adme_p, hp):
    def bn_relu(h, gm, bt):
        m = jnp.mean(h, axis=0, keepdims=True)
        v = jnp.mean((h - m) * (h - m), axis=0, keepdims=True)
        return jnp.maximum((h - m) * lax.rsqrt(v + EPS) * gm + bt, 0.0)

    def fdot(a, b):
        return jnp.dot(a.astype(jnp.bfloat16), b.astype(jnp.bfloat16),
                       preferred_element_type=jnp.float32)

    def r16(a):
        return a

    def body(sum_ref, cnt_ref, max_ref, adme_ref,
             w1m_ref, w1x_ref, w1a_ref, b1_ref, g1_ref, be1_ref,
             w2_ref, b2_ref, g2_ref, be2_ref,
             w3_ref, b3_ref, g3_ref, be3_ref,
             wo_ref, bo_ref, o_ref):
        ssum = jnp.sum(sum_ref[...], axis=0)[:G]
        smax = jnp.max(max_ref[...], axis=0)[:G]
        cnt = jnp.sum(cnt_ref[...], axis=0)[:G, 0:1]
        mean_pool = ssum / jnp.maximum(cnt, 1.0)
        max_pool = jnp.where(cnt > 0, smax, 0.0)
        h = (fdot(r16(mean_pool), w1m_ref[...])
             + fdot(r16(max_pool), w1x_ref[...])
             + fdot(r16(adme_ref[...]), w1a_ref[...]) + b1_ref[...])
        h = bn_relu(h, g1_ref[...], be1_ref[...])
        h = fdot(h, w2_ref[...]) + b2_ref[...]
        h = bn_relu(h, g2_ref[...], be2_ref[...])
        h = fdot(h, w3_ref[...]) + b3_ref[...]
        h = bn_relu(h, g3_ref[...], be3_ref[...])
        o_ref[...] = fdot(h, wo_ref[...]) + bo_ref[...]

    lin = hp["lin"]
    bn = hp["bn"]
    w1 = lin[0]["W"]
    w1m, w1x = w1[:H], w1[H:2 * H]
    w1a = jnp.pad(w1[2 * H:], ((0, 1), (0, 0)))
    args = (sums, cnts, maxs, adme_p,
            w1m, w1x, w1a, lin[0]["b"].reshape(1, -1),
            bn[0]["gamma"].reshape(1, -1), bn[0]["beta"].reshape(1, -1),
            lin[1]["W"], lin[1]["b"].reshape(1, -1),
            bn[1]["gamma"].reshape(1, -1), bn[1]["beta"].reshape(1, -1),
            lin[2]["W"], lin[2]["b"].reshape(1, -1),
            bn[2]["gamma"].reshape(1, -1), bn[2]["beta"].reshape(1, -1),
            hp["out"]["W"], hp["out"]["b"].reshape(1, 1))
    out = pl.pallas_call(
        body,
        out_shape=jax.ShapeDtypeStruct((G, 1), jnp.float32),
    )(*args)
    return out[:, 0]


def kernel(x, edge_index, batch, adme_features, params):
    src = edge_index[0]
    dst = edge_index[1]
    dst_s, src_s = lax.sort([dst, src], dimension=0, num_keys=1,
                            is_stable=True)
    srcp = jnp.pad(src_s, (0, E_PAD - E)).reshape(NTILES, NCHUNK, CHUNK)
    dstp = jnp.pad(dst_s, (0, E_PAD - E),
                   constant_values=N).reshape(NTILES, NCHUNK, CHUNK)
    x_pad = jnp.pad(x, ((0, NP - N), (0, 0)))
    b1 = jnp.pad(batch, (0, NP - N), constant_values=G)
    b3 = b1.reshape(NCHK_N, 1, CHUNK)
    zero_rows = jnp.zeros((CHUNK, H), jnp.float32)
    zgp = jnp.zeros((GP, H), jnp.float32)
    ni = jnp.full((GP, H), -jnp.inf, jnp.float32)
    ones_rows = jnp.ones((CHUNK, H), jnp.float32)
    adme_p = jnp.pad(adme_features, ((0, 0), (0, 1)))

    scatter = _scatter_call()
    convs = params["convs"]
    norms = params["norms"]

    hx = x_pad
    for i in range(NLAYERS):
        s_part = scatter(hx, srcp, dstp, zero_rows)
        hx = _layer_call(s_part, hx, convs[i]["Wrel"], convs[i]["Wroot"],
                         convs[i]["brel"], norms[i]["gamma"],
                         norms[i]["beta"], add_residual=(i > 0))

    pool = _pool_call()
    sums, cnts, maxs = pool(hx, b3, zgp, ni, ones_rows)
    return _head_call(sums, cnts, maxs, adme_p, params["head"])

# --- scband reference (transcript-rebuilt; emitter-appended) ---
"""Pipeline reference for scband-optimized-molecular-gnn-111669150104 (READ-ONLY COPY).

The authoritative reference and input builder live on the scoring server;
editing this copy changes nothing except your own understanding.
"""

import jax, jax.numpy as jnp
import numpy as np

N = 10000
E = 320000
D_IN = 128
H = 128
L = 5
G = 256
ADME = 15
HEAD_DIMS = (256, 128, 64)


def _lin(key, fan_in, fan_out, bias=True):
    k1, k2 = jax.random.split(key)
    s = 1.0 / np.sqrt(fan_in)
    W = jax.random.uniform(k1, (fan_in, fan_out), minval=-s, maxval=s, dtype=jnp.float32)
    if bias:
        b = jax.random.uniform(k2, (fan_out,), minval=-s, maxval=s, dtype=jnp.float32)
        return W, b
    return W, None


def setup_inputs(seed: int = 0) -> dict:
    key = jax.random.key(seed)
    ks = jax.random.split(key, 8)
    x = jax.random.normal(ks[0], (N, D_IN), dtype=jnp.float32)
    edge_index = jax.random.randint(ks[1], (2, E), 0, N, dtype=jnp.int32)
    batch = jnp.sort(jax.random.randint(ks[2], (N,), 0, G, dtype=jnp.int32))
    adme_features = jax.random.normal(ks[3], (G, ADME), dtype=jnp.float32)

    convs = []
    norms = []
    for i in range(L):
        fan = D_IN if i == 0 else H
        kc = jax.random.fold_in(key, 100 + i)
        k1, k2 = jax.random.split(kc)
        Wrel, brel = _lin(k1, fan, H, bias=True)
        Wroot, _ = _lin(k2, fan, H, bias=False)
        convs.append({"Wrel": Wrel, "brel": brel, "Wroot": Wroot})
        norms.append({"gamma": jnp.ones((H,), jnp.float32), "beta": jnp.zeros((H,), jnp.float32)})

    combined_dim = 2 * H + ADME
    lin = []
    bns = []
    cur = combined_dim
    for i, hd in enumerate(HEAD_DIMS):
        kh = jax.random.fold_in(key, 200 + i)
        W, b = _lin(kh, cur, hd, bias=True)
        lin.append({"W": W, "b": b})
        bns.append({"gamma": jnp.ones((hd,), jnp.float32), "beta": jnp.zeros((hd,), jnp.float32)})
        cur = hd
    Wo, bo = _lin(jax.random.fold_in(key, 300), cur, 1, bias=True)
    head = {"lin": lin, "bn": bns, "out": {"W": Wo, "b": bo}}

    params = {"convs": convs, "norms": norms, "head": head}
    return {"x": x, "edge_index": edge_index, "batch": batch, "adme_features": adme_features, "params": params}


def _bn(h, gamma, beta, eps=1e-5):
    mean = jnp.mean(h, axis=0)
    var = jnp.var(h, axis=0)
    return gamma * (h - mean) / jnp.sqrt(var + eps) + beta


def _graph_conv(x, src, dst, p):
    agg = jnp.zeros((x.shape[0], x.shape[1]), x.dtype).at[dst].add(x[src])
    return agg @ p["Wrel"] + p["brel"] + x @ p["Wroot"]


def _forward(x, adme_features, params, edge_index, batch):
    src = edge_index[0]
    dst = edge_index[1]
    hx = x
    for i in range(L):
        h = _graph_conv(hx, src, dst, params["convs"][i])
        h = _bn(h, params["norms"][i]["gamma"], params["norms"][i]["beta"])
        h = jax.nn.relu(h)
        hx = hx + h if i > 0 else h
    counts = jax.ops.segment_sum(jnp.ones((hx.shape[0],), hx.dtype), batch, num_segments=G)
    sums = jax.ops.segment_sum(hx, batch, num_segments=G)
    mean_pool = sums / jnp.maximum(counts, 1.0)[:, None]
    max_pool = jax.ops.segment_max(hx, batch, num_segments=G)
    max_pool = jnp.where(counts[:, None] > 0, max_pool, 0.0)
    combined = jnp.concatenate([mean_pool, max_pool, adme_features], axis=-1)
    h = combined
    for ln, bn in zip(params["head"]["lin"], params["head"]["bn"]):
        h = h @ ln["W"] + ln["b"]
        h = _bn(h, bn["gamma"], bn["beta"])
        h = jax.nn.relu(h)
    out = h @ params["head"]["out"]["W"] + params["head"]["out"]["b"]
    return out.squeeze(-1)


def reference(x, edge_index, batch, adme_features, params):
    return _forward(x, adme_features, params, edge_index, batch)

if __name__ == "__main__":
    import jax
    _d = setup_inputs()
    print(jax.jit(kernel)(*tuple(_d.values())))

</pallas_src>

<mosaic_0001>
#map = affine_map<(d0, d1) -> (0, 0)>
#map1 = affine_map<(d0, d1) -> (0, 0, 0)>
module attributes {stable_mosaic.version = 14 : i64} {
  func.func @scatter_k(%arg0: i32, %arg1: i32, %arg2: memref<10112x128xf32, #tpu.memory_space<hbm>>, %arg3: memref<32x80x128xi32, #tpu.memory_space<hbm>>, %arg4: memref<32x80x128xi32, #tpu.memory_space<hbm>>, %arg5: memref<128x128xf32, #tpu.memory_space<hbm>>, %arg6: memref<2x10112x128xf32, #tpu.memory_space<hbm>>, %arg7: memref<80x128xi32, #tpu.memory_space<vmem>>, %arg8: memref<80x128xi32, #tpu.memory_space<vmem>>, %arg9: memref<128x128xf32, #tpu.memory_space<vmem>>, %arg10: memref<10112x128xf32, #tpu.memory_space<vmem_shared>>, %arg11: memref<!tpu.dma_semaphore, #tpu.memory_space<semaphore_mem>>) attributes {dimension_semantics = [#tpu.dimension_semantics<core_parallel>, #tpu.dimension_semantics<subcore_parallel>], iteration_bounds = array<i64: 2, 16>, scalar_prefetch = 0 : i64, scratch_operands = 5 : i64, tpu.core_type = #tpu.core_type<sc_vector_subcore>, window_params = [{transform_indices = #map}, {transform_indices = #map1}, {transform_indices = #map1}, {transform_indices = #map}, {transform_indices = #map1}]} {
    %mul3A = arith.constant 16 : i32
    %mul3A_0 = arith.muli %arg0, %mul3A : i32
    %add3A = arith.addi %mul3A_0, %arg1 : i32
    "tpu.region"() ({
      %run_scoped3A = tpu.sem_alloc : memref<!tpu.dma_semaphore, #tpu.memory_space<semaphore_mem>>
      %dma_start3A = arith.constant 0 : i32
      %dma_start3A_19 = arith.constant 0 : i32
      %dma_start3A_20 = tpu.memref_slice %arg3[%add3A, %dma_start3A, %dma_start3A_19] : memref<32x80x128xi32, #tpu.memory_space<hbm>> -> memref<1x80x128xi32, #tpu.memory_space<hbm>>
      %dma_start3A_21 = tpu.memref_squeeze %dma_start3A_20 : memref<1x80x128xi32, #tpu.memory_space<hbm>> -> memref<80x128xi32, #tpu.memory_space<hbm>>
      %dma_start3A_22 = arith.constant 0 : i32
      %dma_start3A_23 = arith.constant 0 : i32
      %dma_start3A_24 = tpu.memref_slice %arg3[%add3A, %dma_start3A_22, %dma_start3A_23] : memref<32x80x128xi32, #tpu.memory_space<hbm>> -> memref<1x80x128xi32, #tpu.memory_space<hbm>>
      %dma_start3A_25 = tpu.memref_squeeze %dma_start3A_24 : memref<1x80x128xi32, #tpu.memory_space<hbm>> -> memref<80x128xi32, #tpu.memory_space<hbm>>
      tpu.enqueue_dma source(%dma_start3A_25 : memref<80x128xi32, #tpu.memory_space<hbm>>) target(%arg7 : memref<80x128xi32, #tpu.memory_space<vmem>>) target_semaphore(%run_scoped3A : memref<!tpu.dma_semaphore, #tpu.memory_space<semaphore_mem>>)
      %dma_wait3A = arith.constant 0 : i32
      %dma_wait3A_26 = arith.constant 0 : i32
      %dma_wait3A_27 = tpu.memref_slice %arg3[%add3A, %dma_wait3A, %dma_wait3A_26] : memref<32x80x128xi32, #tpu.memory_space<hbm>> -> memref<1x80x128xi32, #tpu.memory_space<hbm>>
      %dma_wait3A_28 = tpu.memref_squeeze %dma_wait3A_27 : memref<1x80x128xi32, #tpu.memory_space<hbm>> -> memref<80x128xi32, #tpu.memory_space<hbm>>
      %dma_wait3A_29 = arith.constant 0 : i32
      %dma_wait3A_30 = arith.constant 0 : i32
      %dma_wait3A_31 = tpu.memref_slice %arg3[%add3A, %dma_wait3A_29, %dma_wait3A_30] : memref<32x80x128xi32, #tpu.memory_space<hbm>> -> memref<1x80x128xi32, #tpu.memory_space<hbm>>
      %dma_wait3A_32 = tpu.memref_squeeze %dma_wait3A_31 : memref<1x80x128xi32, #tpu.memory_space<hbm>> -> memref<80x128xi32, #tpu.memory_space<hbm>>
      tpu.wait_dma2 semaphore(%run_scoped3A : memref<!tpu.dma_semaphore, #tpu.memory_space<semaphore_mem>>) src(%dma_wait3A_32 : memref<80x128xi32, #tpu.memory_space<hbm>>) dst(%arg7 : memref<80x128xi32, #tpu.memory_space<vmem>>)
      tpu.yield
    }) : () -> ()
    "tpu.region"() ({
      %run_scoped3A = tpu.sem_alloc : memref<!tpu.dma_semaphore, #tpu.memory_space<semaphore_mem>>
      %dma_start3A = arith.constant 0 : i32
      %dma_start3A_19 = arith.constant 0 : i32
      %dma_start3A_20 = tpu.memref_slice %arg4[%add3A, %dma_start3A, %dma_start3A_19] : memref<32x80x128xi32, #tpu.memory_space<hbm>> -> memref<1x80x128xi32, #tpu.memory_space<hbm>>
      %dma_start3A_21 = tpu.memref_squeeze %dma_start3A_20 : memref<1x80x128xi32, #tpu.memory_space<hbm>> -> memref<80x128xi32, #tpu.memory_space<hbm>>
      %dma_start3A_22 = arith.constant 0 : i32
      %dma_start3A_23 = arith.constant 0 : i32
      %dma_start3A_24 = tpu.memref_slice %arg4[%add3A, %dma_start3A_22, %dma_start3A_23] : memref<32x80x128xi32, #tpu.memory_space<hbm>> -> memref<1x80x128xi32, #tpu.memory_space<hbm>>
      %dma_start3A_25 = tpu.memref_squeeze %dma_start3A_24 : memref<1x80x128xi32, #tpu.memory_space<hbm>> -> memref<80x128xi32, #tpu.memory_space<hbm>>
      tpu.enqueue_dma source(%dma_start3A_25 : memref<80x128xi32, #tpu.memory_space<hbm>>) target(%arg8 : memref<80x128xi32, #tpu.memory_space<vmem>>) target_semaphore(%run_scoped3A : memref<!tpu.dma_semaphore, #tpu.memory_space<semaphore_mem>>)
      %dma_wait3A = arith.constant 0 : i32
      %dma_wait3A_26 = arith.constant 0 : i32
      %dma_wait3A_27 = tpu.memref_slice %arg4[%add3A, %dma_wait3A, %dma_wait3A_26] : memref<32x80x128xi32, #tpu.memory_space<hbm>> -> memref<1x80x128xi32, #tpu.memory_space<hbm>>
      %dma_wait3A_28 = tpu.memref_squeeze %dma_wait3A_27 : memref<1x80x128xi32, #tpu.memory_space<hbm>> -> memref<80x128xi32, #tpu.memory_space<hbm>>
      %dma_wait3A_29 = arith.constant 0 : i32
      %dma_wait3A_30 = arith.constant 0 : i32
      %dma_wait3A_31 = tpu.memref_slice %arg4[%add3A, %dma_wait3A_29, %dma_wait3A_30] : memref<32x80x128xi32, #tpu.memory_space<hbm>> -> memref<1x80x128xi32, #tpu.memory_space<hbm>>
      %dma_wait3A_32 = tpu.memref_squeeze %dma_wait3A_31 : memref<1x80x128xi32, #tpu.memory_space<hbm>> -> memref<80x128xi32, #tpu.memory_space<hbm>>
      tpu.wait_dma2 semaphore(%run_scoped3A : memref<!tpu.dma_semaphore, #tpu.memory_space<semaphore_mem>>) src(%dma_wait3A_32 : memref<80x128xi32, #tpu.memory_space<hbm>>) dst(%arg8 : memref<80x128xi32, #tpu.memory_space<vmem>>)
      tpu.yield
    }) : () -> ()
    "tpu.region"() ({
      %run_scoped3A = tpu.sem_alloc : memref<!tpu.dma_semaphore, #tpu.memory_space<semaphore_mem>>
      tpu.enqueue_dma source(%arg5 : memref<128x128xf32, #tpu.memory_space<hbm>>) target(%arg9 : memref<128x128xf32, #tpu.memory_space<vmem>>) target_semaphore(%run_scoped3A : memref<!tpu.dma_semaphore, #tpu.memory_space<semaphore_mem>>)
      tpu.wait_dma2 semaphore(%run_scoped3A : memref<!tpu.dma_semaphore, #tpu.memory_space<semaphore_mem>>) src(%arg5 : memref<128x128xf32, #tpu.memory_space<hbm>>) dst(%arg9 : memref<128x128xf32, #tpu.memory_space<vmem>>)
      tpu.yield
    }) : () -> ()
    %scan3A = arith.constant 0 : i32
    %scan3A_1 = arith.constant 0 : i32
    %scan3A_2 = arith.constant 5 : i32
    %scan3A_3 = arith.addi %scan3A_1, %scan3A_2 : i32
    %scan3A_4 = arith.constant 1 : i32
    scf.for %scan3A_19 = %scan3A_1 to %scan3A_3 step %scan3A_4  : i32 {
      %mul3A_20 = arith.constant 16 : i32
      %mul3A_21 = arith.muli %scan3A_19, %mul3A_20 : i32
      %add3A_22 = arith.addi %mul3A_21, %arg1 : i32
      %lt3A = arith.constant 79 : i32
      %lt3A_23 = arith.cmpi slt, %add3A_22, %lt3A : i32
      %convert_element_type3A = arith.extui %lt3A_23 : i1 to i32
      %cond3A = arith.constant 0 : i32
      %cond3A_24 = arith.cmpi ne, %convert_element_type3A, %cond3A : i32
      scf.if %cond3A_24 {
        %mul3A_25 = arith.constant 128 : i32
        %mul3A_26 = arith.muli %add3A_22, %mul3A_25 : i32
        "tpu.region"() ({
          %run_scoped3A = tpu.sem_alloc : memref<!tpu.dma_semaphore, #tpu.memory_space<semaphore_mem>>
          %dma_start3A = arith.constant 0 : i32
          %dma_start3A_27 = tpu.memref_slice %arg10[%mul3A_26, %dma_start3A] : memref<10112x128xf32, #tpu.memory_space<vmem_shared>> -> memref<128x128xf32, #tpu.memory_space<vmem_shared>>
          %dma_start3A_28 = arith.constant 0 : i32
          %dma_start3A_29 = tpu.memref_slice %arg10[%mul3A_26, %dma_start3A_28] : memref<10112x128xf32, #tpu.memory_space<vmem_shared>> -> memref<128x128xf32, #tpu.memory_space<vmem_shared>>
          tpu.enqueue_dma source(%arg9 : memref<128x128xf32, #tpu.memory_space<vmem>>) target(%dma_start3A_29 : memref<128x128xf32, #tpu.memory_space<vmem_shared>>) target_semaphore(%run_scoped3A : memref<!tpu.dma_semaphore, #tpu.memory_space<semaphore_mem>>)
          %dma_wait3A = arith.constant 0 : i32
          %dma_wait3A_30 = tpu.memref_slice %arg10[%mul3A_26, %dma_wait3A] : memref<10112x128xf32, #tpu.memory_space<vmem_shared>> -> memref<128x128xf32, #tpu.memory_space<vmem_shared>>
          %dma_wait3A_31 = arith.constant 0 : i32
          %dma_wait3A_32 = tpu.memref_slice %arg10[%mul3A_26, %dma_wait3A_31] : memref<10112x128xf32, #tpu.memory_space<vmem_shared>> -> memref<128x128xf32, #tpu.memory_space<vmem_shared>>
          tpu.wait_dma2 semaphore(%run_scoped3A : memref<!tpu.dma_semaphore, #tpu.memory_space<semaphore_mem>>) src(%arg9 : memref<128x128xf32, #tpu.memory_space<vmem>>) dst(%dma_wait3A_32 : memref<128x128xf32, #tpu.memory_space<vmem_shared>>)
          tpu.yield
        }) : () -> ()
      } else {
      }
    }
    %scan3A_5 = arith.constant 5 : i32
    %barrier3A = arith.constant 0 : index
    tpu.barrier barrier_id(%barrier3A)
    %scan3A_6 = arith.constant 0 : i32
    %scan3A_7 = arith.constant 0 : i32
    %scan3A_8 = arith.constant 80 : i32
    %scan3A_9 = arith.addi %scan3A_7, %scan3A_8 : i32
    %scan3A_10 = arith.constant 1 : i32
    scf.for %scan3A_19 = %scan3A_7 to %scan3A_9 step %scan3A_10  : i32 {
      %dma_start3A = arith.constant 0 : i32
      %dma_start3A_20 = tpu.memref_slice %arg7[%scan3A_19, %dma_start3A] : memref<80x128xi32, #tpu.memory_space<vmem>> -> memref<1x128xi32, #tpu.memory_space<vmem>>
      %dma_start3A_21 = tpu.memref_squeeze %dma_start3A_20 : memref<1x128xi32, #tpu.memory_space<vmem>> -> memref<128xi32, #tpu.memory_space<vmem>>
      %dma_start3A_22 = arith.constant 0 : i32
      %dma_start3A_23 = arith.constant 0 : i32
      %dma_start3A_24 = tpu.memref_slice %arg2[%dma_start3A_22, %dma_start3A_23] : memref<10112x128xf32, #tpu.memory_space<hbm>> -> memref<10112x128xf32, #tpu.memory_space<hbm>>
      tpu.enqueue_indirect_dma source(%dma_start3A_24 : memref<10112x128xf32, #tpu.memory_space<hbm>>) target(%arg9 : memref<128x128xf32, #tpu.memory_space<vmem>>) offsets(%dma_start3A_21 : memref<128xi32, #tpu.memory_space<vmem>>) semaphore(%arg11 : memref<!tpu.dma_semaphore, #tpu.memory_space<semaphore_mem>>)
      %dma_wait3A = arith.constant 0 : i32
      %dma_wait3A_25 = tpu.memref_slice %arg7[%scan3A_19, %dma_wait3A] : memref<80x128xi32, #tpu.memory_space<vmem>> -> memref<1x128xi32, #tpu.memory_space<vmem>>
      %dma_wait3A_26 = tpu.memref_squeeze %dma_wait3A_25 : memref<1x128xi32, #tpu.memory_space<vmem>> -> memref<128xi32, #tpu.memory_space<vmem>>
      %dma_wait3A_27 = arith.constant 0 : i32
      %dma_wait3A_28 = arith.constant 0 : i32
      %dma_wait3A_29 = tpu.memref_slice %arg2[%dma_wait3A_27, %dma_wait3A_28] : memref<10112x128xf32, #tpu.memory_space<hbm>> -> memref<10112x128xf32, #tpu.memory_space<hbm>>
      tpu.wait_indirect_dma semaphore(%arg11 : memref<!tpu.dma_semaphore, #tpu.memory_space<semaphore_mem>>) src(%dma_wait3A_29 : memref<10112x128xf32, #tpu.memory_space<hbm>>) dst(%arg9 : memref<128x128xf32, #tpu.memory_space<vmem>>)
      "tpu.region"() ({
        %run_scoped3A = tpu.sem_alloc : memref<!tpu.dma_semaphore, #tpu.memory_space<semaphore_mem>>
        %dma_start3A_30 = arith.constant 0 : i32
        %dma_start3A_31 = tpu.memref_slice %arg8[%scan3A_19, %dma_start3A_30] : memref<80x128xi32, #tpu.memory_space<vmem>> -> memref<1x128xi32, #tpu.memory_space<vmem>>
        %dma_start3A_32 = tpu.memref_squeeze %dma_start3A_31 : memref<1x128xi32, #tpu.memory_space<vmem>> -> memref<128xi32, #tpu.memory_space<vmem>>
        %dma_start3A_33 = arith.constant 0 : i32
        %dma_start3A_34 = arith.constant 0 : i32
        %dma_start3A_35 = tpu.memref_slice %arg10[%dma_start3A_33, %dma_start3A_34] : memref<10112x128xf32, #tpu.memory_space<vmem_shared>> -> memref<10112x128xf32, #tpu.memory_space<vmem_shared>>
        tpu.enqueue_indirect_dma source(%arg9 : memref<128x128xf32, #tpu.memory_space<vmem>>) target(%dma_start3A_35 : memref<10112x128xf32, #tpu.memory_space<vmem_shared>>) offsets(%dma_start3A_32 : memref<128xi32, #tpu.memory_space<vmem>>) semaphore(%run_scoped3A : memref<!tpu.dma_semaphore, #tpu.memory_space<semaphore_mem>>) {add = true}
        %dma_wait3A_36 = arith.constant 0 : i32
        %dma_wait3A_37 = tpu.memref_slice %arg8[%scan3A_19, %dma_wait3A_36] : memref<80x128xi32, #tpu.memory_space<vmem>> -> memref<1x128xi32, #tpu.memory_space<vmem>>
        %dma_wait3A_38 = tpu.memref_squeeze %dma_wait3A_37 : memref<1x128xi32, #tpu.memory_space<vmem>> -> memref<128xi32, #tpu.memory_space<vmem>>
        %dma_wait3A_39 = arith.constant 0 : i32
        %dma_wait3A_40 = arith.constant 0 : i32
        %dma_wait3A_41 = tpu.memref_slice %arg10[%dma_wait3A_39, %dma_wait3A_40] : memref<10112x128xf32, #tpu.memory_space<vmem_shared>> -> memref<10112x128xf32, #tpu.memory_space<vmem_shared>>
        tpu.wait_indirect_dma semaphore(%run_scoped3A : memref<!tpu.dma_semaphore, #tpu.memory_space<semaphore_mem>>) src(%arg9 : memref<128x128xf32, #tpu.memory_space<vmem>>) dst(%dma_wait3A_41 : memref<10112x128xf32, #tpu.memory_space<vmem_shared>>)
        tpu.yield
      }) : () -> ()
    }
    %scan3A_11 = arith.constant 80 : i32
    %barrier3A_12 = arith.constant 0 : index
    tpu.barrier barrier_id(%barrier3A_12)
    %scan3A_13 = arith.constant 0 : i32
    %scan3A_14 = arith.constant 0 : i32
    %scan3A_15 = arith.constant 5 : i32
    %scan3A_16 = arith.addi %scan3A_14, %scan3A_15 : i32
    %scan3A_17 = arith.constant 1 : i32
    scf.for %scan3A_19 = %scan3A_14 to %scan3A_16 step %scan3A_17  : i32 {
      %mul3A_20 = arith.constant 16 : i32
      %mul3A_21 = arith.muli %scan3A_19, %mul3A_20 : i32
      %add3A_22 = arith.addi %mul3A_21, %arg1 : i32
      %lt3A = arith.constant 79 : i32
      %lt3A_23 = arith.cmpi slt, %add3A_22, %lt3A : i32
      %convert_element_type3A = arith.extui %lt3A_23 : i1 to i32
      %cond3A = arith.constant 0 : i32
      %cond3A_24 = arith.cmpi ne, %convert_element_type3A, %cond3A : i32
      scf.if %cond3A_24 {
        %mul3A_25 = arith.constant 128 : i32
        %mul3A_26 = arith.muli %add3A_22, %mul3A_25 : i32
        %mul3A_27 = arith.constant 128 : i32
        %mul3A_28 = arith.muli %add3A_22, %mul3A_27 : i32
        "tpu.region"() ({
          %run_scoped3A = tpu.sem_alloc : memref<!tpu.dma_semaphore, #tpu.memory_space<semaphore_mem>>
          %dma_start3A = arith.constant 0 : i32
          %dma_start3A_29 = tpu.memref_slice %arg6[%arg0, %mul3A_28, %dma_start3A] : memref<2x10112x128xf32, #tpu.memory_space<hbm>> -> memref<1x128x128xf32, #tpu.memory_space<hbm>>
          %dma_start3A_30 = tpu.memref_squeeze %dma_start3A_29 : memref<1x128x128xf32, #tpu.memory_space<hbm>> -> memref<128x128xf32, #tpu.memory_space<hbm>>
          %dma_start3A_31 = arith.constant 0 : i32
          %dma_start3A_32 = tpu.memref_slice %arg10[%mul3A_26, %dma_start3A_31] : memref<10112x128xf32, #tpu.memory_space<vmem_shared>> -> memref<128x128xf32, #tpu.memory_space<vmem_shared>>
          tpu.enqueue_dma source(%dma_start3A_32 : memref<128x128xf32, #tpu.memory_space<vmem_shared>>) target(%dma_start3A_30 : memref<128x128xf32, #tpu.memory_space<hbm>>) target_semaphore(%run_scoped3A : memref<!tpu.dma_semaphore, #tpu.memory_space<semaphore_mem>>)
          %dma_wait3A = arith.constant 0 : i32
          %dma_wait3A_33 = tpu.memref_slice %arg6[%arg0, %mul3A_28, %dma_wait3A] : memref<2x10112x128xf32, #tpu.memory_space<hbm>> -> memref<1x128x128xf32, #tpu.memory_space<hbm>>
          %dma_wait3A_34 = tpu.memref_squeeze %dma_wait3A_33 : memref<1x128x128xf32, #tpu.memory_space<hbm>> -> memref<128x128xf32, #tpu.memory_space<hbm>>
          %dma_wait3A_35 = arith.constant 0 : i32
          %dma_wait3A_36 = tpu.memref_slice %arg10[%mul3A_26, %dma_wait3A_35] : memref<10112x128xf32, #tpu.memory_space<vmem_shared>> -> memref<128x128xf32, #tpu.memory_space<vmem_shared>>
          tpu.wait_dma2 semaphore(%run_scoped3A : memref<!tpu.dma_semaphore, #tpu.memory_space<semaphore_mem>>) src(%dma_wait3A_36 : memref<128x128xf32, #tpu.memory_space<vmem_shared>>) dst(%dma_wait3A_34 : memref<128x128xf32, #tpu.memory_space<hbm>>)
          tpu.yield
        }) : () -> ()
      } else {
      }
    }
    %scan3A_18 = arith.constant 5 : i32
    return
  }
}

#map = affine_map<(d0, d1) -> (0, 0)>
#map1 = affine_map<(d0, d1) -> (0, 0, 0)>
module attributes {stable_mosaic.version = 14 : i64} {
  func.func @scatter_k(%arg0: i32, %arg1: i32, %arg2: memref<10112x128xf32, #tpu.memory_space<hbm>>, %arg3: memref<32x80x128xi32, #tpu.memory_space<hbm>>, %arg4: memref<32x80x128xi32, #tpu.memory_space<hbm>>, %arg5: memref<128x128xf32, #tpu.memory_space<hbm>>, %arg6: memref<2x10112x128xf32, #tpu.memory_space<hbm>>, %arg7: memref<80x128xi32, #tpu.memory_space<vmem>>, %arg8: memref<80x128xi32, #tpu.memory_space<vmem>>, %arg9: memref<128x128xf32, #tpu.memory_space<vmem>>, %arg10: memref<10112x128xf32, #tpu.memory_space<vmem_shared>>, %arg11: memref<!tpu.dma_semaphore, #tpu.memory_space<semaphore_mem>>) attributes {dimension_semantics = [#tpu.dimension_semantics<core_parallel>, #tpu.dimension_semantics<subcore_parallel>], iteration_bounds = array<i64: 2, 16>, scalar_prefetch = 0 : i64, scratch_operands = 5 : i64, tpu.core_type = #tpu.core_type<sc_vector_subcore>, window_params = [{transform_indices = #map}, {transform_indices = #map1}, {transform_indices = #map1}, {transform_indices = #map}, {transform_indices = #map1}]} {
    %mul3A = arith.constant 16 : i32
    %mul3A_0 = arith.muli %arg0, %mul3A : i32
    %add3A = arith.addi %mul3A_0, %arg1 : i32
    "tpu.region"() ({
      %run_scoped3A = tpu.sem_alloc : memref<!tpu.dma_semaphore, #tpu.memory_space<semaphore_mem>>
      %dma_start3A = arith.constant 0 : i32
      %dma_start3A_19 = arith.constant 0 : i32
      %dma_start3A_20 = tpu.memref_slice %arg3[%add3A, %dma_start3A, %dma_start3A_19] : memref<32x80x128xi32, #tpu.memory_space<hbm>> -> memref<1x80x128xi32, #tpu.memory_space<hbm>>
      %dma_start3A_21 = tpu.memref_squeeze %dma_start3A_20 : memref<1x80x128xi32, #tpu.memory_space<hbm>> -> memref<80x128xi32, #tpu.memory_space<hbm>>
      %dma_start3A_22 = arith.constant 0 : i32
      %dma_start3A_23 = arith.constant 0 : i32
      %dma_start3A_24 = tpu.memref_slice %arg3[%add3A, %dma_start3A_22, %dma_start3A_23] : memref<32x80x128xi32, #tpu.memory_space<hbm>> -> memref<1x80x128xi32, #tpu.memory_space<hbm>>
      %dma_start3A_25 = tpu.memref_squeeze %dma_start3A_24 : memref<1x80x128xi32, #tpu.memory_space<hbm>> -> memref<80x128xi32, #tpu.memory_space<hbm>>
      tpu.enqueue_dma source(%dma_start3A_25 : memref<80x128xi32, #tpu.memory_space<hbm>>) target(%arg7 : memref<80x128xi32, #tpu.memory_space<vmem>>) target_semaphore(%run_scoped3A : memref<!tpu.dma_semaphore, #tpu.memory_space<semaphore_mem>>)
      %dma_wait3A = arith.constant 0 : i32
      %dma_wait3A_26 = arith.constant 0 : i32
      %dma_wait3A_27 = tpu.memref_slice %arg3[%add3A, %dma_wait3A, %dma_wait3A_26] : memref<32x80x128xi32, #tpu.memory_space<hbm>> -> memref<1x80x128xi32, #tpu.memory_space<hbm>>
      %dma_wait3A_28 = tpu.memref_squeeze %dma_wait3A_27 : memref<1x80x128xi32, #tpu.memory_space<hbm>> -> memref<80x128xi32, #tpu.memory_space<hbm>>
      %dma_wait3A_29 = arith.constant 0 : i32
      %dma_wait3A_30 = arith.constant 0 : i32
      %dma_wait3A_31 = tpu.memref_slice %arg3[%add3A, %dma_wait3A_29, %dma_wait3A_30] : memref<32x80x128xi32, #tpu.memory_space<hbm>> -> memref<1x80x128xi32, #tpu.memory_space<hbm>>
      %dma_wait3A_32 = tpu.memref_squeeze %dma_wait3A_31 : memref<1x80x128xi32, #tpu.memory_space<hbm>> -> memref<80x128xi32, #tpu.memory_space<hbm>>
      tpu.wait_dma2 semaphore(%run_scoped3A : memref<!tpu.dma_semaphore, #tpu.memory_space<semaphore_mem>>) src(%dma_wait3A_32 : memref<80x128xi32, #tpu.memory_space<hbm>>) dst(%arg7 : memref<80x128xi32, #tpu.memory_space<vmem>>)
      tpu.yield
    }) : () -> ()
    "tpu.region"() ({
      %run_scoped3A = tpu.sem_alloc : memref<!tpu.dma_semaphore, #tpu.memory_space<semaphore_mem>>
      %dma_start3A = arith.constant 0 : i32
      %dma_start3A_19 = arith.constant 0 : i32
      %dma_start3A_20 = tpu.memref_slice %arg4[%add3A, %dma_start3A, %dma_start3A_19] : memref<32x80x128xi32, #tpu.memory_space<hbm>> -> memref<1x80x128xi32, #tpu.memory_space<hbm>>
      %dma_start3A_21 = tpu.memref_squeeze %dma_start3A_20 : memref<1x80x128xi32, #tpu.memory_space<hbm>> -> memref<80x128xi32, #tpu.memory_space<hbm>>
      %dma_start3A_22 = arith.constant 0 : i32
      %dma_start3A_23 = arith.constant 0 : i32
      %dma_start3A_24 = tpu.memref_slice %arg4[%add3A, %dma_start3A_22, %dma_start3A_23] : memref<32x80x128xi32, #tpu.memory_space<hbm>> -> memref<1x80x128xi32, #tpu.memory_space<hbm>>
      %dma_start3A_25 = tpu.memref_squeeze %dma_start3A_24 : memref<1x80x128xi32, #tpu.memory_space<hbm>> -> memref<80x128xi32, #tpu.memory_space<hbm>>
      tpu.enqueue_dma source(%dma_start3A_25 : memref<80x128xi32, #tpu.memory_space<hbm>>) target(%arg8 : memref<80x128xi32, #tpu.memory_space<vmem>>) target_semaphore(%run_scoped3A : memref<!tpu.dma_semaphore, #tpu.memory_space<semaphore_mem>>)
      %dma_wait3A = arith.constant 0 : i32
      %dma_wait3A_26 = arith.constant 0 : i32
      %dma_wait3A_27 = tpu.memref_slice %arg4[%add3A, %dma_wait3A, %dma_wait3A_26] : memref<32x80x128xi32, #tpu.memory_space<hbm>> -> memref<1x80x128xi32, #tpu.memory_space<hbm>>
      %dma_wait3A_28 = tpu.memref_squeeze %dma_wait3A_27 : memref<1x80x128xi32, #tpu.memory_space<hbm>> -> memref<80x128xi32, #tpu.memory_space<hbm>>
      %dma_wait3A_29 = arith.constant 0 : i32
      %dma_wait3A_30 = arith.constant 0 : i32
      %dma_wait3A_31 = tpu.memref_slice %arg4[%add3A, %dma_wait3A_29, %dma_wait3A_30] : memref<32x80x128xi32, #tpu.memory_space<hbm>> -> memref<1x80x128xi32, #tpu.memory_space<hbm>>
      %dma_wait3A_32 = tpu.memref_squeeze %dma_wait3A_31 : memref<1x80x128xi32, #tpu.memory_space<hbm>> -> memref<80x128xi32, #tpu.memory_space<hbm>>
      tpu.wait_dma2 semaphore(%run_scoped3A : memref<!tpu.dma_semaphore, #tpu.memory_space<semaphore_mem>>) src(%dma_wait3A_32 : memref<80x128xi32, #tpu.memory_space<hbm>>) dst(%arg8 : memref<80x128xi32, #tpu.memory_space<vmem>>)
      tpu.yield
    }) : () -> ()
    "tpu.region"() ({
      %run_scoped3A = tpu.sem_alloc : memref<!tpu.dma_semaphore, #tpu.memory_space<semaphore_mem>>
      tpu.enqueue_dma source(%arg5 : memref<128x128xf32, #tpu.memory_space<hbm>>) target(%arg9 : memref<128x128xf32, #tpu.memory_space<vmem>>) target_semaphore(%run_scoped3A : memref<!tpu.dma_semaphore, #tpu.memory_space<semaphore_mem>>)
      tpu.wait_dma2 semaphore(%run_scoped3A : memref<!tpu.dma_semaphore, #tpu.memory_space<semaphore_mem>>) src(%arg5 : memref<128x128xf32, #tpu.memory_space<hbm>>) dst(%arg9 : memref<128x128xf32, #tpu.memory_space<vmem>>)
      tpu.yield
    }) : () -> ()
    %scan3A = arith.constant 0 : i32
    %scan3A_1 = arith.constant 0 : i32
    %scan3A_2 = arith.constant 5 : i32
    %scan3A_3 = arith.addi %scan3A_1, %scan3A_2 : i32
    %scan3A_4 = arith.constant 1 : i32
    scf.for %scan3A_19 = %scan3A_1 to %scan3A_3 step %scan3A_4  : i32 {
      %mul3A_20 = arith.constant 16 : i32
      %mul3A_21 = arith.muli %scan3A_19, %mul3A_20 : i32
      %add3A_22 = arith.addi %mul3A_21, %arg1 : i32
      %lt3A = arith.constant 79 : i32
      %lt3A_23 = arith.cmpi slt, %add3A_22, %lt3A : i32
      %convert_element_type3A = arith.extui %lt3A_23 : i1 to i32
      %cond3A = arith.constant 0 : i32
      %cond3A_24 = arith.cmpi ne, %convert_element_type3A, %cond3A : i32
      scf.if %cond3A_24 {
        %mul3A_25 = arith.constant 128 : i32
        %mul3A_26 = arith.muli %add3A_22, %mul3A_25 : i32
        "tpu.region"() ({
          %run_scoped3A = tpu.sem_alloc : memref<!tpu.dma_semaphore, #tpu.memory_space<semaphore_mem>>
          %dma_start3A = arith.constant 0 : i32
          %dma_start3A_27 = tpu.memref_slice %arg10[%mul3A_26, %dma_start3A] : memref<10112x128xf32, #tpu.memory_space<vmem_shared>> -> memref<128x128xf32, #tpu.memory_space<vmem_shared>>
          %dma_start3A_28 = arith.constant 0 : i32
          %dma_start3A_29 = tpu.memref_slice %arg10[%mul3A_26, %dma_start3A_28] : memref<10112x128xf32, #tpu.memory_space<vmem_shared>> -> memref<128x128xf32, #tpu.memory_space<vmem_shared>>
          tpu.enqueue_dma source(%arg9 : memref<128x128xf32, #tpu.memory_space<vmem>>) target(%dma_start3A_29 : memref<128x128xf32, #tpu.memory_space<vmem_shared>>) target_semaphore(%run_scoped3A : memref<!tpu.dma_semaphore, #tpu.memory_space<semaphore_mem>>)
          %dma_wait3A = arith.constant 0 : i32
          %dma_wait3A_30 = tpu.memref_slice %arg10[%mul3A_26, %dma_wait3A] : memref<10112x128xf32, #tpu.memory_space<vmem_shared>> -> memref<128x128xf32, #tpu.memory_space<vmem_shared>>
          %dma_wait3A_31 = arith.constant 0 : i32
          %dma_wait3A_32 = tpu.memref_slice %arg10[%mul3A_26, %dma_wait3A_31] : memref<10112x128xf32, #tpu.memory_space<vmem_shared>> -> memref<128x128xf32, #tpu.memory_space<vmem_shared>>
          tpu.wait_dma2 semaphore(%run_scoped3A : memref<!tpu.dma_semaphore, #tpu.memory_space<semaphore_mem>>) src(%arg9 : memref<128x128xf32, #tpu.memory_space<vmem>>) dst(%dma_wait3A_32 : memref<128x128xf32, #tpu.memory_space<vmem_shared>>)
          tpu.yield
        }) : () -> ()
      } else {
      }
    }
    %scan3A_5 = arith.constant 5 : i32
    %barrier3A = arith.constant 0 : index
    tpu.barrier barrier_id(%barrier3A)
    %scan3A_6 = arith.constant 0 : i32
    %scan3A_7 = arith.constant 0 : i32
    %scan3A_8 = arith.constant 80 : i32
    %scan3A_9 = arith.addi %scan3A_7, %scan3A_8 : i32
    %scan3A_10 = arith.constant 1 : i32
    scf.for %scan3A_19 = %scan3A_7 to %scan3A_9 step %scan3A_10  : i32 {
      %dma_start3A = arith.constant 0 : i32
      %dma_start3A_20 = tpu.memref_slice %arg7[%scan3A_19, %dma_start3A] : memref<80x128xi32, #tpu.memory_space<vmem>> -> memref<1x128xi32, #tpu.memory_space<vmem>>
      %dma_start3A_21 = tpu.memref_squeeze %dma_start3A_20 : memref<1x128xi32, #tpu.memory_space<vmem>> -> memref<128xi32, #tpu.memory_space<vmem>>
      %dma_start3A_22 = arith.constant 0 : i32
      %dma_start3A_23 = arith.constant 0 : i32
      %dma_start3A_24 = tpu.memref_slice %arg2[%dma_start3A_22, %dma_start3A_23] : memref<10112x128xf32, #tpu.memory_space<hbm>> -> memref<10112x128xf32, #tpu.memory_space<hbm>>
      tpu.enqueue_indirect_dma source(%dma_start3A_24 : memref<10112x128xf32, #tpu.memory_space<hbm>>) target(%arg9 : memref<128x128xf32, #tpu.memory_space<vmem>>) offsets(%dma_start3A_21 : memref<128xi32, #tpu.memory_space<vmem>>) semaphore(%arg11 : memref<!tpu.dma_semaphore, #tpu.memory_space<semaphore_mem>>)
      %dma_wait3A = arith.constant 0 : i32
      %dma_wait3A_25 = tpu.memref_slice %arg7[%scan3A_19, %dma_wait3A] : memref<80x128xi32, #tpu.memory_space<vmem>> -> memref<1x128xi32, #tpu.memory_space<vmem>>
      %dma_wait3A_26 = tpu.memref_squeeze %dma_wait3A_25 : memref<1x128xi32, #tpu.memory_space<vmem>> -> memref<128xi32, #tpu.memory_space<vmem>>
      %dma_wait3A_27 = arith.constant 0 : i32
      %dma_wait3A_28 = arith.constant 0 : i32
      %dma_wait3A_29 = tpu.memref_slice %arg2[%dma_wait3A_27, %dma_wait3A_28] : memref<10112x128xf32, #tpu.memory_space<hbm>> -> memref<10112x128xf32, #tpu.memory_space<hbm>>
      tpu.wait_indirect_dma semaphore(%arg11 : memref<!tpu.dma_semaphore, #tpu.memory_space<semaphore_mem>>) src(%dma_wait3A_29 : memref<10112x128xf32, #tpu.memory_space<hbm>>) dst(%arg9 : memref<128x128xf32, #tpu.memory_space<vmem>>)
      "tpu.region"() ({
        %run_scoped3A = tpu.sem_alloc : memref<!tpu.dma_semaphore, #tpu.memory_space<semaphore_mem>>
        %dma_start3A_30 = arith.constant 0 : i32
        %dma_start3A_31 = tpu.memref_slice %arg8[%scan3A_19, %dma_start3A_30] : memref<80x128xi32, #tpu.memory_space<vmem>> -> memref<1x128xi32, #tpu.memory_space<vmem>>
        %dma_start3A_32 = tpu.memref_squeeze %dma_start3A_31 : memref<1x128xi32, #tpu.memory_space<vmem>> -> memref<128xi32, #tpu.memory_space<vmem>>
        %dma_start3A_33 = arith.constant 0 : i32
        %dma_start3A_34 = arith.constant 0 : i32
        %dma_start3A_35 = tpu.memref_slice %arg10[%dma_start3A_33, %dma_start3A_34] : memref<10112x128xf32, #tpu.memory_space<vmem_shared>> -> memref<10112x128xf32, #tpu.memory_space<vmem_shared>>
        tpu.enqueue_indirect_dma source(%arg9 : memref<128x128xf32, #tpu.memory_space<vmem>>) target(%dma_start3A_35 : memref<10112x128xf32, #tpu.memory_space<vmem_shared>>) offsets(%dma_start3A_32 : memref<128xi32, #tpu.memory_space<vmem>>) semaphore(%run_scoped3A : memref<!tpu.dma_semaphore, #tpu.memory_space<semaphore_mem>>) {add = true}
        %dma_wait3A_36 = arith.constant 0 : i32
        %dma_wait3A_37 = tpu.memref_slice %arg8[%scan3A_19, %dma_wait3A_36] : memref<80x128xi32, #tpu.memory_space<vmem>> -> memref<1x128xi32, #tpu.memory_space<vmem>>
        %dma_wait3A_38 = tpu.memref_squeeze %dma_wait3A_37 : memref<1x128xi32, #tpu.memory_space<vmem>> -> memref<128xi32, #tpu.memory_space<vmem>>
        %dma_wait3A_39 = arith.constant 0 : i32
        %dma_wait3A_40 = arith.constant 0 : i32
        %dma_wait3A_41 = tpu.memref_slice %arg10[%dma_wait3A_39, %dma_wait3A_40] : memref<10112x128xf32, #tpu.memory_space<vmem_shared>> -> memref<10112x128xf32, #tpu.memory_space<vmem_shared>>
        tpu.wait_indirect_dma semaphore(%run_scoped3A : memref<!tpu.dma_semaphore, #tpu.memory_space<semaphore_mem>>) src(%arg9 : memref<128x128xf32, #tpu.memory_space<vmem>>) dst(%dma_wait3A_41 : memref<10112x128xf32, #tpu.memory_space<vmem_shared>>)
        tpu.yield
      }) : () -> ()
    }
    %scan3A_11 = arith.constant 80 : i32
    %barrier3A_12 = arith.constant 0 : index
    tpu.barrier barrier_id(%barrier3A_12)
    %scan3A_13 = arith.constant 0 : i32
    %scan3A_14 = arith.constant 0 : i32
    %scan3A_15 = arith.constant 5 : i32
    %scan3A_16 = arith.addi %scan3A_14, %scan3A_15 : i32
    %scan3A_17 = arith.constant 1 : i32
    scf.for %scan3A_19 = %scan3A_14 to %scan3A_16 step %scan3A_17  : i32 {
      %mul3A_20 = arith.constant 16 : i32
      %mul3A_21 = arith.muli %scan3A_19, %mul3A_20 : i32
      %add3A_22 = arith.addi %mul3A_21, %arg1 : i32
      %lt3A = arith.constant 79 : i32
      %lt3A_23 = arith.cmpi slt, %add3A_22, %lt3A : i32
      %convert_element_type3A = arith.extui %lt3A_23 : i1 to i32
      %cond3A = arith.constant 0 : i32
      %cond3A_24 = arith.cmpi ne, %convert_element_type3A, %cond3A : i32
      scf.if %cond3A_24 {
        %mul3A_25 = arith.constant 128 : i32
        %mul3A_26 = arith.muli %add3A_22, %mul3A_25 : i32
        %mul3A_27 = arith.constant 128 : i32
        %mul3A_28 = arith.muli %add3A_22, %mul3A_27 : i32
        "tpu.region"() ({
          %run_scoped3A = tpu.sem_alloc : memref<!tpu.dma_semaphore, #tpu.memory_space<semaphore_mem>>
          %dma_start3A = arith.constant 0 : i32
          %dma_start3A_29 = tpu.memref_slice %arg6[%arg0, %mul3A_28, %dma_start3A] : memref<2x10112x128xf32, #tpu.memory_space<hbm>> -> memref<1x128x128xf32, #tpu.memory_space<hbm>>
          %dma_start3A_30 = tpu.memref_squeeze %dma_start3A_29 : memref<1x128x128xf32, #tpu.memory_space<hbm>> -> memref<128x128xf32, #tpu.memory_space<hbm>>
          %dma_start3A_31 = arith.constant 0 : i32
          %dma_start3A_32 = tpu.memref_slice %arg10[%mul3A_26, %dma_start3A_31] : memref<10112x128xf32, #tpu.memory_space<vmem_shared>> -> memref<128x128xf32, #tpu.memory_space<vmem_shared>>
          tpu.enqueue_dma source(%dma_start3A_32 : memref<128x128xf32, #tpu.memory_space<vmem_shared>>) target(%dma_start3A_30 : memref<128x128xf32, #tpu.memory_space<hbm>>) target_semaphore(%run_scoped3A : memref<!tpu.dma_semaphore, #tpu.memory_space<semaphore_mem>>)
          %dma_wait3A = arith.constant 0 : i32
          %dma_wait3A_33 = tpu.memref_slice %arg6[%arg0, %mul3A_28, %dma_wait3A] : memref<2x10112x128xf32, #tpu.memory_space<hbm>> -> memref<1x128x128xf32, #tpu.memory_space<hbm>>
          %dma_wait3A_34 = tpu.memref_squeeze %dma_wait3A_33 : memref<1x128x128xf32, #tpu.memory_space<hbm>> -> memref<128x128xf32, #tpu.memory_space<hbm>>
          %dma_wait3A_35 = arith.constant 0 : i32
          %dma_wait3A_36 = tpu.memref_slice %arg10[%mul3A_26, %dma_wait3A_35] : memref<10112x128xf32, #tpu.memory_space<vmem_shared>> -> memref<128x128xf32, #tpu.memory_space<vmem_shared>>
          tpu.wait_dma2 semaphore(%run_scoped3A : memref<!tpu.dma_semaphore, #tpu.memory_space<semaphore_mem>>) src(%dma_wait3A_36 : memref<128x128xf32, #tpu.memory_space<vmem_shared>>) dst(%dma_wait3A_34 : memref<128x128xf32, #tpu.memory_space<hbm>>)
          tpu.yield
        }) : () -> ()
      } else {
      }
    }
    %scan3A_18 = arith.constant 5 : i32
    return
  }
}

#map = affine_map<(d0, d1) -> (0, 0)>
#map1 = affine_map<(d0, d1) -> (0, 0, 0)>
module attributes {stable_mosaic.version = 14 : i64} {
  func.func @scatter_k(%arg0: i32, %arg1: i32, %arg2: memref<10112x128xf32, #tpu.memory_space<hbm>>, %arg3: memref<32x80x128xi32, #tpu.memory_space<hbm>>, %arg4: memref<32x80x128xi32, #tpu.memory_space<hbm>>, %arg5: memref<128x128xf32, #tpu.memory_space<hbm>>, %arg6: memref<2x10112x128xf32, #tpu.memory_space<hbm>>, %arg7: memref<80x128xi32, #tpu.memory_space<vmem>>, %arg8: memref<80x128xi32, #tpu.memory_space<vmem>>, %arg9: memref<128x128xf32, #tpu.memory_space<vmem>>, %arg10: memref<10112x128xf32, #tpu.memory_space<vmem_shared>>, %arg11: memref<!tpu.dma_semaphore, #tpu.memory_space<semaphore_mem>>) attributes {dimension_semantics = [#tpu.dimension_semantics<core_parallel>, #tpu.dimension_semantics<subcore_parallel>], iteration_bounds = array<i64: 2, 16>, scalar_prefetch = 0 : i64, scratch_operands = 5 : i64, tpu.core_type = #tpu.core_type<sc_vector_subcore>, window_params = [{transform_indices = #map}, {transform_indices = #map1}, {transform_indices = #map1}, {transform_indices = #map}, {transform_indices = #map1}]} {
    %mul3A = arith.constant 16 : i32
    %mul3A_0 = arith.muli %arg0, %mul3A : i32
    %add3A = arith.addi %mul3A_0, %arg1 : i32
    "tpu.region"() ({
      %run_scoped3A = tpu.sem_alloc : memref<!tpu.dma_semaphore, #tpu.memory_space<semaphore_mem>>
      %dma_start3A = arith.constant 0 : i32
      %dma_start3A_19 = arith.constant 0 : i32
      %dma_start3A_20 = tpu.memref_slice %arg3[%add3A, %dma_start3A, %dma_start3A_19] : memref<32x80x128xi32, #tpu.memory_space<hbm>> -> memref<1x80x128xi32, #tpu.memory_space<hbm>>
      %dma_start3A_21 = tpu.memref_squeeze %dma_start3A_20 : memref<1x80x128xi32, #tpu.memory_space<hbm>> -> memref<80x128xi32, #tpu.memory_space<hbm>>
      %dma_start3A_22 = arith.constant 0 : i32
      %dma_start3A_23 = arith.constant 0 : i32
      %dma_start3A_24 = tpu.memref_slice %arg3[%add3A, %dma_start3A_22, %dma_start3A_23] : memref<32x80x128xi32, #tpu.memory_space<hbm>> -> memref<1x80x128xi32, #tpu.memory_space<hbm>>
      %dma_start3A_25 = tpu.memref_squeeze %dma_start3A_24 : memref<1x80x128xi32, #tpu.memory_space<hbm>> -> memref<80x128xi32, #tpu.memory_space<hbm>>
      tpu.enqueue_dma source(%dma_start3A_25 : memref<80x128xi32, #tpu.memory_space<hbm>>) target(%arg7 : memref<80x128xi32, #tpu.memory_space<vmem>>) target_semaphore(%run_scoped3A : memref<!tpu.dma_semaphore, #tpu.memory_space<semaphore_mem>>)
      %dma_wait3A = arith.constant 0 : i32
      %dma_wait3A_26 = arith.constant 0 : i32
      %dma_wait3A_27 = tpu.memref_slice %arg3[%add3A, %dma_wait3A, %dma_wait3A_26] : memref<32x80x128xi32, #tpu.memory_space<hbm>> -> memref<1x80x128xi32, #tpu.memory_space<hbm>>
      %dma_wait3A_28 = tpu.memref_squeeze %dma_wait3A_27 : memref<1x80x128xi32, #tpu.memory_space<hbm>> -> memref<80x128xi32, #tpu.memory_space<hbm>>
      %dma_wait3A_29 = arith.constant 0 : i32
      %dma_wait3A_30 = arith.constant 0 : i32
      %dma_wait3A_31 = tpu.memref_slice %arg3[%add3A, %dma_wait3A_29, %dma_wait3A_30] : memref<32x80x128xi32, #tpu.memory_space<hbm>> -> memref<1x80x128xi32, #tpu.memory_space<hbm>>
      %dma_wait3A_32 = tpu.memref_squeeze %dma_wait3A_31 : memref<1x80x128xi32, #tpu.memory_space<hbm>> -> memref<80x128xi32, #tpu.memory_space<hbm>>
      tpu.wait_dma2 semaphore(%run_scoped3A : memref<!tpu.dma_semaphore, #tpu.memory_space<semaphore_mem>>) src(%dma_wait3A_32 : memref<80x128xi32, #tpu.memory_space<hbm>>) dst(%arg7 : memref<80x128xi32, #tpu.memory_space<vmem>>)
      tpu.yield
    }) : () -> ()
    "tpu.region"() ({
      %run_scoped3A = tpu.sem_alloc : memref<!tpu.dma_semaphore, #tpu.memory_space<semaphore_mem>>
      %dma_start3A = arith.constant 0 : i32
      %dma_start3A_19 = arith.constant 0 : i32
      %dma_start3A_20 = tpu.memref_slice %arg4[%add3A, %dma_start3A, %dma_start3A_19] : memref<32x80x128xi32, #tpu.memory_space<hbm>> -> memref<1x80x128xi32, #tpu.memory_space<hbm>>
      %dma_start3A_21 = tpu.memref_squeeze %dma_start3A_20 : memref<1x80x128xi32, #tpu.memory_space<hbm>> -> memref<80x128xi32, #tpu.memory_space<hbm>>
      %dma_start3A_22 = arith.constant 0 : i32
      %dma_start3A_23 = arith.constant 0 : i32
      %dma_start3A_24 = tpu.memref_slice %arg4[%add3A, %dma_start3A_22, %dma_start3A_23] : memref<32x80x128xi32, #tpu.memory_space<hbm>> -> memref<1x80x128xi32, #tpu.memory_space<hbm>>
      %dma_start3A_25 = tpu.memref_squeeze %dma_start3A_24 : memref<1x80x128xi32, #tpu.memory_space<hbm>> -> memref<80x128xi32, #tpu.memory_space<hbm>>
      tpu.enqueue_dma source(%dma_start3A_25 : memref<80x128xi32, #tpu.memory_space<hbm>>) target(%arg8 : memref<80x128xi32, #tpu.memory_space<vmem>>) target_semaphore(%run_scoped3A : memref<!tpu.dma_semaphore, #tpu.memory_space<semaphore_mem>>)
      %dma_wait3A = arith.constant 0 : i32
      %dma_wait3A_26 = arith.constant 0 : i32
      %dma_wait3A_27 = tpu.memref_slice %arg4[%add3A, %dma_wait3A, %dma_wait3A_26] : memref<32x80x128xi32, #tpu.memory_space<hbm>> -> memref<1x80x128xi32, #tpu.memory_space<hbm>>
      %dma_wait3A_28 = tpu.memref_squeeze %dma_wait3A_27 : memref<1x80x128xi32, #tpu.memory_space<hbm>> -> memref<80x128xi32, #tpu.memory_space<hbm>>
      %dma_wait3A_29 = arith.constant 0 : i32
      %dma_wait3A_30 = arith.constant 0 : i32
      %dma_wait3A_31 = tpu.memref_slice %arg4[%add3A, %dma_wait3A_29, %dma_wait3A_30] : memref<32x80x128xi32, #tpu.memory_space<hbm>> -> memref<1x80x128xi32, #tpu.memory_space<hbm>>
      %dma_wait3A_32 = tpu.memref_squeeze %dma_wait3A_31 : memref<1x80x128xi32, #tpu.memory_space<hbm>> -> memref<80x128xi32, #tpu.memory_space<hbm>>
      tpu.wait_dma2 semaphore(%run_scoped3A : memref<!tpu.dma_semaphore, #tpu.memory_space<semaphore_mem>>) src(%dma_wait3A_32 : memref<80x128xi32, #tpu.memory_space<hbm>>) dst(%arg8 : memref<80x128xi32, #tpu.memory_space<vmem>>)
      tpu.yield
    }) : () -> ()
    "tpu.region"() ({
      %run_scoped3A = tpu.sem_alloc : memref<!tpu.dma_semaphore, #tpu.memory_space<semaphore_mem>>
      tpu.enqueue_dma source(%arg5 : memref<128x128xf32, #tpu.memory_space<hbm>>) target(%arg9 : memref<128x128xf32, #tpu.memory_space<vmem>>) target_semaphore(%run_scoped3A : memref<!tpu.dma_semaphore, #tpu.memory_space<semaphore_mem>>)
      tpu.wait_dma2 semaphore(%run_scoped3A : memref<!tpu.dma_semaphore, #tpu.memory_space<semaphore_mem>>) src(%arg5 : memref<128x128xf32, #tpu.memory_space<hbm>>) dst(%arg9 : memref<128x128xf32, #tpu.memory_space<vmem>>)
      tpu.yield
    }) : () -> ()
    %scan3A = arith.constant 0 : i32
    %scan3A_1 = arith.constant 0 : i32
    %scan3A_2 = arith.constant 5 : i32
    %scan3A_3 = arith.addi %scan3A_1, %scan3A_2 : i32
    %scan3A_4 = arith.constant 1 : i32
    scf.for %scan3A_19 = %scan3A_1 to %scan3A_3 step %scan3A_4  : i32 {
      %mul3A_20 = arith.constant 16 : i32
      %mul3A_21 = arith.muli %scan3A_19, %mul3A_20 : i32
      %add3A_22 = arith.addi %mul3A_21, %arg1 : i32
      %lt3A = arith.constant 79 : i32
      %lt3A_23 = arith.cmpi slt, %add3A_22, %lt3A : i32
      %convert_element_type3A = arith.extui %lt3A_23 : i1 to i32
      %cond3A = arith.constant 0 : i32
      %cond3A_24 = arith.cmpi ne, %convert_element_type3A, %cond3A : i32
      scf.if %cond3A_24 {
        %mul3A_25 = arith.constant 128 : i32
        %mul3A_26 = arith.muli %add3A_22, %mul3A_25 : i32
        "tpu.region"() ({
          %run_scoped3A = tpu.sem_alloc : memref<!tpu.dma_semaphore, #tpu.memory_space<semaphore_mem>>
          %dma_start3A = arith.constant 0 : i32
          %dma_start3A_27 = tpu.memref_slice %arg10[%mul3A_26, %dma_start3A] : memref<10112x128xf32, #tpu.memory_space<vmem_shared>> -> memref<128x128xf32, #tpu.memory_space<vmem_shared>>
          %dma_start3A_28 = arith.constant 0 : i32
          %dma_start3A_29 = tpu.memref_slice %arg10[%mul3A_26, %dma_start3A_28] : memref<10112x128xf32, #tpu.memory_space<vmem_shared>> -> memref<128x128xf32, #tpu.memory_space<vmem_shared>>
          tpu.enqueue_dma source(%arg9 : memref<128x128xf32, #tpu.memory_space<vmem>>) target(%dma_start3A_29 : memref<128x128xf32, #tpu.memory_space<vmem_shared>>) target_semaphore(%run_scoped3A : memref<!tpu.dma_semaphore, #tpu.memory_space<semaphore_mem>>)
          %dma_wait3A = arith.constant 0 : i32
          %dma_wait3A_30 = tpu.memref_slice %arg10[%mul3A_26, %dma_wait3A] : memref<10112x128xf32, #tpu.memory_space<vmem_shared>> -> memref<128x128xf32, #tpu.memory_space<vmem_shared>>
          %dma_wait3A_31 = arith.constant 0 : i32
          %dma_wait3A_32 = tpu.memref_slice %arg10[%mul3A_26, %dma_wait3A_31] : memref<10112x128xf32, #tpu.memory_space<vmem_shared>> -> memref<128x128xf32, #tpu.memory_space<vmem_shared>>
          tpu.wait_dma2 semaphore(%run_scoped3A : memref<!tpu.dma_semaphore, #tpu.memory_space<semaphore_mem>>) src(%arg9 : memref<128x128xf32, #tpu.memory_space<vmem>>) dst(%dma_wait3A_32 : memref<128x128xf32, #tpu.memory_space<vmem_shared>>)
          tpu.yield
        }) : () -> ()
      } else {
      }
    }
    %scan3A_5 = arith.constant 5 : i32
    %barrier3A = arith.constant 0 : index
    tpu.barrier barrier_id(%barrier3A)
    %scan3A_6 = arith.constant 0 : i32
    %scan3A_7 = arith.constant 0 : i32
    %scan3A_8 = arith.constant 80 : i32
    %scan3A_9 = arith.addi %scan3A_7, %scan3A_8 : i32
    %scan3A_10 = arith.constant 1 : i32
    scf.for %scan3A_19 = %scan3A_7 to %scan3A_9 step %scan3A_10  : i32 {
      %dma_start3A = arith.constant 0 : i32
      %dma_start3A_20 = tpu.memref_slice %arg7[%scan3A_19, %dma_start3A] : memref<80x128xi32, #tpu.memory_space<vmem>> -> memref<1x128xi32, #tpu.memory_space<vmem>>
      %dma_start3A_21 = tpu.memref_squeeze %dma_start3A_20 : memref<1x128xi32, #tpu.memory_space<vmem>> -> memref<128xi32, #tpu.memory_space<vmem>>
      %dma_start3A_22 = arith.constant 0 : i32
      %dma_start3A_23 = arith.constant 0 : i32
      %dma_start3A_24 = tpu.memref_slice %arg2[%dma_start3A_22, %dma_start3A_23] : memref<10112x128xf32, #tpu.memory_space<hbm>> -> memref<10112x128xf32, #tpu.memory_space<hbm>>
      tpu.enqueue_indirect_dma source(%dma_start3A_24 : memref<10112x128xf32, #tpu.memory_space<hbm>>) target(%arg9 : memref<128x128xf32, #tpu.memory_space<vmem>>) offsets(%dma_start3A_21 : memref<128xi32, #tpu.memory_space<vmem>>) semaphore(%arg11 : memref<!tpu.dma_semaphore, #tpu.memory_space<semaphore_mem>>)
      %dma_wait3A = arith.constant 0 : i32
      %dma_wait3A_25 = tpu.memref_slice %arg7[%scan3A_19, %dma_wait3A] : memref<80x128xi32, #tpu.memory_space<vmem>> -> memref<1x128xi32, #tpu.memory_space<vmem>>
      %dma_wait3A_26 = tpu.memref_squeeze %dma_wait3A_25 : memref<1x128xi32, #tpu.memory_space<vmem>> -> memref<128xi32, #tpu.memory_space<vmem>>
      %dma_wait3A_27 = arith.constant 0 : i32
      %dma_wait3A_28 = arith.constant 0 : i32
      %dma_wait3A_29 = tpu.memref_slice %arg2[%dma_wait3A_27, %dma_wait3A_28] : memref<10112x128xf32, #tpu.memory_space<hbm>> -> memref<10112x128xf32, #tpu.memory_space<hbm>>
      tpu.wait_indirect_dma semaphore(%arg11 : memref<!tpu.dma_semaphore, #tpu.memory_space<semaphore_mem>>) src(%dma_wait3A_29 : memref<10112x128xf32, #tpu.memory_space<hbm>>) dst(%arg9 : memref<128x128xf32, #tpu.memory_space<vmem>>)
      "tpu.region"() ({
        %run_scoped3A = tpu.sem_alloc : memref<!tpu.dma_semaphore, #tpu.memory_space<semaphore_mem>>
        %dma_start3A_30 = arith.constant 0 : i32
        %dma_start3A_31 = tpu.memref_slice %arg8[%scan3A_19, %dma_start3A_30] : memref<80x128xi32, #tpu.memory_space<vmem>> -> memref<1x128xi32, #tpu.memory_space<vmem>>
        %dma_start3A_32 = tpu.memref_squeeze %dma_start3A_31 : memref<1x128xi32, #tpu.memory_space<vmem>> -> memref<128xi32, #tpu.memory_space<vmem>>
        %dma_start3A_33 = arith.constant 0 : i32
        %dma_start3A_34 = arith.constant 0 : i32
        %dma_start3A_35 = tpu.memref_slice %arg10[%dma_start3A_33, %dma_start3A_34] : memref<10112x128xf32, #tpu.memory_space<vmem_shared>> -> memref<10112x128xf32, #tpu.memory_space<vmem_shared>>
        tpu.enqueue_indirect_dma source(%arg9 : memref<128x128xf32, #tpu.memory_space<vmem>>) target(%dma_start3A_35 : memref<10112x128xf32, #tpu.memory_space<vmem_shared>>) offsets(%dma_start3A_32 : memref<128xi32, #tpu.memory_space<vmem>>) semaphore(%run_scoped3A : memref<!tpu.dma_semaphore, #tpu.memory_space<semaphore_mem>>) {add = true}
        %dma_wait3A_36 = arith.constant 0 : i32
        %dma_wait3A_37 = tpu.memref_slice %arg8[%scan3A_19, %dma_wait3A_36] : memref<80x128xi32, #tpu.memory_space<vmem>> -> memref<1x128xi32, #tpu.memory_space<vmem>>
        %dma_wait3A_38 = tpu.memref_squeeze %dma_wait3A_37 : memref<1x128xi32, #tpu.memory_space<vmem>> -> memref<128xi32, #tpu.memory_space<vmem>>
        %dma_wait3A_39 = arith.constant 0 : i32
        %dma_wait3A_40 = arith.constant 0 : i32
        %dma_wait3A_41 = tpu.memref_slice %arg10[%dma_wait3A_39, %dma_wait3A_40] : memref<10112x128xf32, #tpu.memory_space<vmem_shared>> -> memref<10112x128xf32, #tpu.memory_space<vmem_shared>>
        tpu.wait_indirect_dma semaphore(%run_scoped3A : memref<!tpu.dma_semaphore, #tpu.memory_space<semaphore_mem>>) src(%arg9 : memref<128x128xf32, #tpu.memory_space<vmem>>) dst(%dma_wait3A_41 : memref<10112x128xf32, #tpu.memory_space<vmem_shared>>)
        tpu.yield
      }) : () -> ()
    }
    %scan3A_11 = arith.constant 80 : i32
    %barrier3A_12 = arith.constant 0 : index
    tpu.barrier barrier_id(%barrier3A_12)
    %scan3A_13 = arith.constant 0 : i32
    %scan3A_14 = arith.constant 0 : i32
    %scan3A_15 = arith.constant 5 : i32
    %scan3A_16 = arith.addi %scan3A_14, %scan3A_15 : i32
    %scan3A_17 = arith.constant 1 : i32
    scf.for %scan3A_19 = %scan3A_14 to %scan3A_16 step %scan3A_17  : i32 {
      %mul3A_20 = arith.constant 16 : i32
      %mul3A_21 = arith.muli %scan3A_19, %mul3A_20 : i32
      %add3A_22 = arith.addi %mul3A_21, %arg1 : i32
      %lt3A = arith.constant 79 : i32
      %lt3A_23 = arith.cmpi slt, %add3A_22, %lt3A : i32
      %convert_element_type3A = arith.extui %lt3A_23 : i1 to i32
      %cond3A = arith.constant 0 : i32
      %cond3A_24 = arith.cmpi ne, %convert_element_type3A, %cond3A : i32
      scf.if %cond3A_24 {
        %mul3A_25 = arith.constant 128 : i32
        %mul3A_26 = arith.muli %add3A_22, %mul3A_25 : i32
        %mul3A_27 = arith.constant 128 : i32
        %mul3A_28 = arith.muli %add3A_22, %mul3A_27 : i32
        "tpu.region"() ({
          %run_scoped3A = tpu.sem_alloc : memref<!tpu.dma_semaphore, #tpu.memory_space<semaphore_mem>>
          %dma_start3A = arith.constant 0 : i32
          %dma_start3A_29 = tpu.memref_slice %arg6[%arg0, %mul3A_28, %dma_start3A] : memref<2x10112x128xf32, #tpu.memory_space<hbm>> -> memref<1x128x128xf32, #tpu.memory_space<hbm>>
          %dma_start3A_30 = tpu.memref_squeeze %dma_start3A_29 : memref<1x128x128xf32, #tpu.memory_space<hbm>> -> memref<128x128xf32, #tpu.memory_space<hbm>>
          %dma_start3A_31 = arith.constant 0 : i32
          %dma_start3A_32 = tpu.memref_slice %arg10[%mul3A_26, %dma_start3A_31] : memref<10112x128xf32, #tpu.memory_space<vmem_shared>> -> memref<128x128xf32, #tpu.memory_space<vmem_shared>>
          tpu.enqueue_dma source(%dma_start3A_32 : memref<128x128xf32, #tpu.memory_space<vmem_shared>>) target(%dma_start3A_30 : memref<128x128xf32, #tpu.memory_space<hbm>>) target_semaphore(%run_scoped3A : memref<!tpu.dma_semaphore, #tpu.memory_space<semaphore_mem>>)
          %dma_wait3A = arith.constant 0 : i32
          %dma_wait3A_33 = tpu.memref_slice %arg6[%arg0, %mul3A_28, %dma_wait3A] : memref<2x10112x128xf32, #tpu.memory_space<hbm>> -> memref<1x128x128xf32, #tpu.memory_space<hbm>>
          %dma_wait3A_34 = tpu.memref_squeeze %dma_wait3A_33 : memref<1x128x128xf32, #tpu.memory_space<hbm>> -> memref<128x128xf32, #tpu.memory_space<hbm>>
          %dma_wait3A_35 = arith.constant 0 : i32
          %dma_wait3A_36 = tpu.memref_slice %arg10[%mul3A_26, %dma_wait3A_35] : memref<10112x128xf32, #tpu.memory_space<vmem_shared>> -> memref<128x128xf32, #tpu.memory_space<vmem_shared>>
          tpu.wait_dma2 semaphore(%run_scoped3A : memref<!tpu.dma_semaphore, #tpu.memory_space<semaphore_mem>>) src(%dma_wait3A_36 : memref<128x128xf32, #tpu.memory_space<vmem_shared>>) dst(%dma_wait3A_34 : memref<128x128xf32, #tpu.memory_space<hbm>>)
          tpu.yield
        }) : () -> ()
      } else {
      }
    }
    %scan3A_18 = arith.constant 5 : i32
    return
  }
}

#map = affine_map<(d0, d1) -> (0, 0)>
#map1 = affine_map<(d0, d1) -> (0, 0, 0)>
module attributes {stable_mosaic.version = 14 : i64} {
  func.func @scatter_k(%arg0: i32, %arg1: i32, %arg2: memref<10112x128xf32, #tpu.memory_space<hbm>>, %arg3: memref<32x80x128xi32, #tpu.memory_space<hbm>>, %arg4: memref<32x80x128xi32, #tpu.memory_space<hbm>>, %arg5: memref<128x128xf32, #tpu.memory_space<hbm>>, %arg6: memref<2x10112x128xf32, #tpu.memory_space<hbm>>, %arg7: memref<80x128xi32, #tpu.memory_space<vmem>>, %arg8: memref<80x128xi32, #tpu.memory_space<vmem>>, %arg9: memref<128x128xf32, #tpu.memory_space<vmem>>, %arg10: memref<10112x128xf32, #tpu.memory_space<vmem_shared>>, %arg11: memref<!tpu.dma_semaphore, #tpu.memory_space<semaphore_mem>>) attributes {dimension_semantics = [#tpu.dimension_semantics<core_parallel>, #tpu.dimension_semantics<subcore_parallel>], iteration_bounds = array<i64: 2, 16>, scalar_prefetch = 0 : i64, scratch_operands = 5 : i64, tpu.core_type = #tpu.core_type<sc_vector_subcore>, window_params = [{transform_indices = #map}, {transform_indices = #map1}, {transform_indices = #map1}, {transform_indices = #map}, {transform_indices = #map1}]} {
    %mul3A = arith.constant 16 : i32
    %mul3A_0 = arith.muli %arg0, %mul3A : i32
    %add3A = arith.addi %mul3A_0, %arg1 : i32
    "tpu.region"() ({
      %run_scoped3A = tpu.sem_alloc : memref<!tpu.dma_semaphore, #tpu.memory_space<semaphore_mem>>
      %dma_start3A = arith.constant 0 : i32
      %dma_start3A_19 = arith.constant 0 : i32
      %dma_start3A_20 = tpu.memref_slice %arg3[%add3A, %dma_start3A, %dma_start3A_19] : memref<32x80x128xi32, #tpu.memory_space<hbm>> -> memref<1x80x128xi32, #tpu.memory_space<hbm>>
      %dma_start3A_21 = tpu.memref_squeeze %dma_start3A_20 : memref<1x80x128xi32, #tpu.memory_space<hbm>> -> memref<80x128xi32, #tpu.memory_space<hbm>>
      %dma_start3A_22 = arith.constant 0 : i32
      %dma_start3A_23 = arith.constant 0 : i32
      %dma_start3A_24 = tpu.memref_slice %arg3[%add3A, %dma_start3A_22, %dma_start3A_23] : memref<32x80x128xi32, #tpu.memory_space<hbm>> -> memref<1x80x128xi32, #tpu.memory_space<hbm>>
      %dma_start3A_25 = tpu.memref_squeeze %dma_start3A_24 : memref<1x80x128xi32, #tpu.memory_space<hbm>> -> memref<80x128xi32, #tpu.memory_space<hbm>>
      tpu.enqueue_dma source(%dma_start3A_25 : memref<80x128xi32, #tpu.memory_space<hbm>>) target(%arg7 : memref<80x128xi32, #tpu.memory_space<vmem>>) target_semaphore(%run_scoped3A : memref<!tpu.dma_semaphore, #tpu.memory_space<semaphore_mem>>)
      %dma_wait3A = arith.constant 0 : i32
      %dma_wait3A_26 = arith.constant 0 : i32
      %dma_wait3A_27 = tpu.memref_slice %arg3[%add3A, %dma_wait3A, %dma_wait3A_26] : memref<32x80x128xi32, #tpu.memory_space<hbm>> -> memref<1x80x128xi32, #tpu.memory_space<hbm>>
      %dma_wait3A_28 = tpu.memref_squeeze %dma_wait3A_27 : memref<1x80x128xi32, #tpu.memory_space<hbm>> -> memref<80x128xi32, #tpu.memory_space<hbm>>
      %dma_wait3A_29 = arith.constant 0 : i32
      %dma_wait3A_30 = arith.constant 0 : i32
      %dma_wait3A_31 = tpu.memref_slice %arg3[%add3A, %dma_wait3A_29, %dma_wait3A_30] : memref<32x80x128xi32, #tpu.memory_space<hbm>> -> memref<1x80x128xi32, #tpu.memory_space<hbm>>
      %dma_wait3A_32 = tpu.memref_squeeze %dma_wait3A_31 : memref<1x80x128xi32, #tpu.memory_space<hbm>> -> memref<80x128xi32, #tpu.memory_space<hbm>>
      tpu.wait_dma2 semaphore(%run_scoped3A : memref<!tpu.dma_semaphore, #tpu.memory_space<semaphore_mem>>) src(%dma_wait3A_32 : memref<80x128xi32, #tpu.memory_space<hbm>>) dst(%arg7 : memref<80x128xi32, #tpu.memory_space<vmem>>)
      tpu.yield
    }) : () -> ()
    "tpu.region"() ({
      %run_scoped3A = tpu.sem_alloc : memref<!tpu.dma_semaphore, #tpu.memory_space<semaphore_mem>>
      %dma_start3A = arith.constant 0 : i32
      %dma_start3A_19 = arith.constant 0 : i32
      %dma_start3A_20 = tpu.memref_slice %arg4[%add3A, %dma_start3A, %dma_start3A_19] : memref<32x80x128xi32, #tpu.memory_space<hbm>> -> memref<1x80x128xi32, #tpu.memory_space<hbm>>
      %dma_start3A_21 = tpu.memref_squeeze %dma_start3A_20 : memref<1x80x128xi32, #tpu.memory_space<hbm>> -> memref<80x128xi32, #tpu.memory_space<hbm>>
      %dma_start3A_22 = arith.constant 0 : i32
      %dma_start3A_23 = arith.constant 0 : i32
      %dma_start3A_24 = tpu.memref_slice %arg4[%add3A, %dma_start3A_22, %dma_start3A_23] : memref<32x80x128xi32, #tpu.memory_space<hbm>> -> memref<1x80x128xi32, #tpu.memory_space<hbm>>
      %dma_start3A_25 = tpu.memref_squeeze %dma_start3A_24 : memref<1x80x128xi32, #tpu.memory_space<hbm>> -> memref<80x128xi32, #tpu.memory_space<hbm>>
      tpu.enqueue_dma source(%dma_start3A_25 : memref<80x128xi32, #tpu.memory_space<hbm>>) target(%arg8 : memref<80x128xi32, #tpu.memory_space<vmem>>) target_semaphore(%run_scoped3A : memref<!tpu.dma_semaphore, #tpu.memory_space<semaphore_mem>>)
      %dma_wait3A = arith.constant 0 : i32
      %dma_wait3A_26 = arith.constant 0 : i32
      %dma_wait3A_27 = tpu.memref_slice %arg4[%add3A, %dma_wait3A, %dma_wait3A_26] : memref<32x80x128xi32, #tpu.memory_space<hbm>> -> memref<1x80x128xi32, #tpu.memory_space<hbm>>
      %dma_wait3A_28 = tpu.memref_squeeze %dma_wait3A_27 : memref<1x80x128xi32, #tpu.memory_space<hbm>> -> memref<80x128xi32, #tpu.memory_space<hbm>>
      %dma_wait3A_29 = arith.constant 0 : i32
      %dma_wait3A_30 = arith.constant 0 : i32
      %dma_wait3A_31 = tpu.memref_slice %arg4[%add3A, %dma_wait3A_29, %dma_wait3A_30] : memref<32x80x128xi32, #tpu.memory_space<hbm>> -> memref<1x80x128xi32, #tpu.memory_space<hbm>>
      %dma_wait3A_32 = tpu.memref_squeeze %dma_wait3A_31 : memref<1x80x128xi32, #tpu.memory_space<hbm>> -> memref<80x128xi32, #tpu.memory_space<hbm>>
      tpu.wait_dma2 semaphore(%run_scoped3A : memref<!tpu.dma_semaphore, #tpu.memory_space<semaphore_mem>>) src(%dma_wait3A_32 : memref<80x128xi32, #tpu.memory_space<hbm>>) dst(%arg8 : memref<80x128xi32, #tpu.memory_space<vmem>>)
      tpu.yield
    }) : () -> ()
    "tpu.region"() ({
      %run_scoped3A = tpu.sem_alloc : memref<!tpu.dma_semaphore, #tpu.memory_space<semaphore_mem>>
      tpu.enqueue_dma source(%arg5 : memref<128x128xf32, #tpu.memory_space<hbm>>) target(%arg9 : memref<128x128xf32, #tpu.memory_space<vmem>>) target_semaphore(%run_scoped3A : memref<!tpu.dma_semaphore, #tpu.memory_space<semaphore_mem>>)
      tpu.wait_dma2 semaphore(%run_scoped3A : memref<!tpu.dma_semaphore, #tpu.memory_space<semaphore_mem>>) src(%arg5 : memref<128x128xf32, #tpu.memory_space<hbm>>) dst(%arg9 : memref<128x128xf32, #tpu.memory_space<vmem>>)
      tpu.yield
    }) : () -> ()
    %scan3A = arith.constant 0 : i32
    %scan3A_1 = arith.constant 0 : i32
    %scan3A_2 = arith.constant 5 : i32
    %scan3A_3 = arith.addi %scan3A_1, %scan3A_2 : i32
    %scan3A_4 = arith.constant 1 : i32
    scf.for %scan3A_19 = %scan3A_1 to %scan3A_3 step %scan3A_4  : i32 {
      %mul3A_20 = arith.constant 16 : i32
      %mul3A_21 = arith.muli %scan3A_19, %mul3A_20 : i32
      %add3A_22 = arith.addi %mul3A_21, %arg1 : i32
      %lt3A = arith.constant 79 : i32
      %lt3A_23 = arith.cmpi slt, %add3A_22, %lt3A : i32
      %convert_element_type3A = arith.extui %lt3A_23 : i1 to i32
      %cond3A = arith.constant 0 : i32
      %cond3A_24 = arith.cmpi ne, %convert_element_type3A, %cond3A : i32
      scf.if %cond3A_24 {
        %mul3A_25 = arith.constant 128 : i32
        %mul3A_26 = arith.muli %add3A_22, %mul3A_25 : i32
        "tpu.region"() ({
          %run_scoped3A = tpu.sem_alloc : memref<!tpu.dma_semaphore, #tpu.memory_space<semaphore_mem>>
          %dma_start3A = arith.constant 0 : i32
          %dma_start3A_27 = tpu.memref_slice %arg10[%mul3A_26, %dma_start3A] : memref<10112x128xf32, #tpu.memory_space<vmem_shared>> -> memref<128x128xf32, #tpu.memory_space<vmem_shared>>
          %dma_start3A_28 = arith.constant 0 : i32
          %dma_start3A_29 = tpu.memref_slice %arg10[%mul3A_26, %dma_start3A_28] : memref<10112x128xf32, #tpu.memory_space<vmem_shared>> -> memref<128x128xf32, #tpu.memory_space<vmem_shared>>
          tpu.enqueue_dma source(%arg9 : memref<128x128xf32, #tpu.memory_space<vmem>>) target(%dma_start3A_29 : memref<128x128xf32, #tpu.memory_space<vmem_shared>>) target_semaphore(%run_scoped3A : memref<!tpu.dma_semaphore, #tpu.memory_space<semaphore_mem>>)
          %dma_wait3A = arith.constant 0 : i32
          %dma_wait3A_30 = tpu.memref_slice %arg10[%mul3A_26, %dma_wait3A] : memref<10112x128xf32, #tpu.memory_space<vmem_shared>> -> memref<128x128xf32, #tpu.memory_space<vmem_shared>>
          %dma_wait3A_31 = arith.constant 0 : i32
          %dma_wait3A_32 = tpu.memref_slice %arg10[%mul3A_26, %dma_wait3A_31] : memref<10112x128xf32, #tpu.memory_space<vmem_shared>> -> memref<128x128xf32, #tpu.memory_space<vmem_shared>>
          tpu.wait_dma2 semaphore(%run_scoped3A : memref<!tpu.dma_semaphore, #tpu.memory_space<semaphore_mem>>) src(%arg9 : memref<128x128xf32, #tpu.memory_space<vmem>>) dst(%dma_wait3A_32 : memref<128x128xf32, #tpu.memory_space<vmem_shared>>)
          tpu.yield
        }) : () -> ()
      } else {
      }
    }
    %scan3A_5 = arith.constant 5 : i32
    %barrier3A = arith.constant 0 : index
    tpu.barrier barrier_id(%barrier3A)
    %scan3A_6 = arith.constant 0 : i32
    %scan3A_7 = arith.constant 0 : i32
    %scan3A_8 = arith.constant 80 : i32
    %scan3A_9 = arith.addi %scan3A_7, %scan3A_8 : i32
    %scan3A_10 = arith.constant 1 : i32
    scf.for %scan3A_19 = %scan3A_7 to %scan3A_9 step %scan3A_10  : i32 {
      %dma_start3A = arith.constant 0 : i32
      %dma_start3A_20 = tpu.memref_slice %arg7[%scan3A_19, %dma_start3A] : memref<80x128xi32, #tpu.memory_space<vmem>> -> memref<1x128xi32, #tpu.memory_space<vmem>>
      %dma_start3A_21 = tpu.memref_squeeze %dma_start3A_20 : memref<1x128xi32, #tpu.memory_space<vmem>> -> memref<128xi32, #tpu.memory_space<vmem>>
      %dma_start3A_22 = arith.constant 0 : i32
      %dma_start3A_23 = arith.constant 0 : i32
      %dma_start3A_24 = tpu.memref_slice %arg2[%dma_start3A_22, %dma_start3A_23] : memref<10112x128xf32, #tpu.memory_space<hbm>> -> memref<10112x128xf32, #tpu.memory_space<hbm>>
      tpu.enqueue_indirect_dma source(%dma_start3A_24 : memref<10112x128xf32, #tpu.memory_space<hbm>>) target(%arg9 : memref<128x128xf32, #tpu.memory_space<vmem>>) offsets(%dma_start3A_21 : memref<128xi32, #tpu.memory_space<vmem>>) semaphore(%arg11 : memref<!tpu.dma_semaphore, #tpu.memory_space<semaphore_mem>>)
      %dma_wait3A = arith.constant 0 : i32
      %dma_wait3A_25 = tpu.memref_slice %arg7[%scan3A_19, %dma_wait3A] : memref<80x128xi32, #tpu.memory_space<vmem>> -> memref<1x128xi32, #tpu.memory_space<vmem>>
      %dma_wait3A_26 = tpu.memref_squeeze %dma_wait3A_25 : memref<1x128xi32, #tpu.memory_space<vmem>> -> memref<128xi32, #tpu.memory_space<vmem>>
      %dma_wait3A_27 = arith.constant 0 : i32
      %dma_wait3A_28 = arith.constant 0 : i32
      %dma_wait3A_29 = tpu.memref_slice %arg2[%dma_wait3A_27, %dma_wait3A_28] : memref<10112x128xf32, #tpu.memory_space<hbm>> -> memref<10112x128xf32, #tpu.memory_space<hbm>>
      tpu.wait_indirect_dma semaphore(%arg11 : memref<!tpu.dma_semaphore, #tpu.memory_space<semaphore_mem>>) src(%dma_wait3A_29 : memref<10112x128xf32, #tpu.memory_space<hbm>>) dst(%arg9 : memref<128x128xf32, #tpu.memory_space<vmem>>)
      "tpu.region"() ({
        %run_scoped3A = tpu.sem_alloc : memref<!tpu.dma_semaphore, #tpu.memory_space<semaphore_mem>>
        %dma_start3A_30 = arith.constant 0 : i32
        %dma_start3A_31 = tpu.memref_slice %arg8[%scan3A_19, %dma_start3A_30] : memref<80x128xi32, #tpu.memory_space<vmem>> -> memref<1x128xi32, #tpu.memory_space<vmem>>
        %dma_start3A_32 = tpu.memref_squeeze %dma_start3A_31 : memref<1x128xi32, #tpu.memory_space<vmem>> -> memref<128xi32, #tpu.memory_space<vmem>>
        %dma_start3A_33 = arith.constant 0 : i32
        %dma_start3A_34 = arith.constant 0 : i32
        %dma_start3A_35 = tpu.memref_slice %arg10[%dma_start3A_33, %dma_start3A_34] : memref<10112x128xf32, #tpu.memory_space<vmem_shared>> -> memref<10112x128xf32, #tpu.memory_space<vmem_shared>>
        tpu.enqueue_indirect_dma source(%arg9 : memref<128x128xf32, #tpu.memory_space<vmem>>) target(%dma_start3A_35 : memref<10112x128xf32, #tpu.memory_space<vmem_shared>>) offsets(%dma_start3A_32 : memref<128xi32, #tpu.memory_space<vmem>>) semaphore(%run_scoped3A : memref<!tpu.dma_semaphore, #tpu.memory_space<semaphore_mem>>) {add = true}
        %dma_wait3A_36 = arith.constant 0 : i32
        %dma_wait3A_37 = tpu.memref_slice %arg8[%scan3A_19, %dma_wait3A_36] : memref<80x128xi32, #tpu.memory_space<vmem>> -> memref<1x128xi32, #tpu.memory_space<vmem>>
        %dma_wait3A_38 = tpu.memref_squeeze %dma_wait3A_37 : memref<1x128xi32, #tpu.memory_space<vmem>> -> memref<128xi32, #tpu.memory_space<vmem>>
        %dma_wait3A_39 = arith.constant 0 : i32
        %dma_wait3A_40 = arith.constant 0 : i32
        %dma_wait3A_41 = tpu.memref_slice %arg10[%dma_wait3A_39, %dma_wait3A_40] : memref<10112x128xf32, #tpu.memory_space<vmem_shared>> -> memref<10112x128xf32, #tpu.memory_space<vmem_shared>>
        tpu.wait_indirect_dma semaphore(%run_scoped3A : memref<!tpu.dma_semaphore, #tpu.memory_space<semaphore_mem>>) src(%arg9 : memref<128x128xf32, #tpu.memory_space<vmem>>) dst(%dma_wait3A_41 : memref<10112x128xf32, #tpu.memory_space<vmem_shared>>)
        tpu.yield
      }) : () -> ()
    }
    %scan3A_11 = arith.constant 80 : i32
    %barrier3A_12 = arith.constant 0 : index
    tpu.barrier barrier_id(%barrier3A_12)
    %scan3A_13 = arith.constant 0 : i32
    %scan3A_14 = arith.constant 0 : i32
    %scan3A_15 = arith.constant 5 : i32
    %scan3A_16 = arith.addi %scan3A_14, %scan3A_15 : i32
    %scan3A_17 = arith.constant 1 : i32
    scf.for %scan3A_19 = %scan3A_14 to %scan3A_16 step %scan3A_17  : i32 {
      %mul3A_20 = arith.constant 16 : i32
      %mul3A_21 = arith.muli %scan3A_19, %mul3A_20 : i32
      %add3A_22 = arith.addi %mul3A_21, %arg1 : i32
      %lt3A = arith.constant 79 : i32
      %lt3A_23 = arith.cmpi slt, %add3A_22, %lt3A : i32
      %convert_element_type3A = arith.extui %lt3A_23 : i1 to i32
      %cond3A = arith.constant 0 : i32
      %cond3A_24 = arith.cmpi ne, %convert_element_type3A, %cond3A : i32
      scf.if %cond3A_24 {
        %mul3A_25 = arith.constant 128 : i32
        %mul3A_26 = arith.muli %add3A_22, %mul3A_25 : i32
        %mul3A_27 = arith.constant 128 : i32
        %mul3A_28 = arith.muli %add3A_22, %mul3A_27 : i32
        "tpu.region"() ({
          %run_scoped3A = tpu.sem_alloc : memref<!tpu.dma_semaphore, #tpu.memory_space<semaphore_mem>>
          %dma_start3A = arith.constant 0 : i32
          %dma_start3A_29 = tpu.memref_slice %arg6[%arg0, %mul3A_28, %dma_start3A] : memref<2x10112x128xf32, #tpu.memory_space<hbm>> -> memref<1x128x128xf32, #tpu.memory_space<hbm>>
          %dma_start3A_30 = tpu.memref_squeeze %dma_start3A_29 : memref<1x128x128xf32, #tpu.memory_space<hbm>> -> memref<128x128xf32, #tpu.memory_space<hbm>>
          %dma_start3A_31 = arith.constant 0 : i32
          %dma_start3A_32 = tpu.memref_slice %arg10[%mul3A_26, %dma_start3A_31] : memref<10112x128xf32, #tpu.memory_space<vmem_shared>> -> memref<128x128xf32, #tpu.memory_space<vmem_shared>>
          tpu.enqueue_dma source(%dma_start3A_32 : memref<128x128xf32, #tpu.memory_space<vmem_shared>>) target(%dma_start3A_30 : memref<128x128xf32, #tpu.memory_space<hbm>>) target_semaphore(%run_scoped3A : memref<!tpu.dma_semaphore, #tpu.memory_space<semaphore_mem>>)
          %dma_wait3A = arith.constant 0 : i32
          %dma_wait3A_33 = tpu.memref_slice %arg6[%arg0, %mul3A_28, %dma_wait3A] : memref<2x10112x128xf32, #tpu.memory_space<hbm>> -> memref<1x128x128xf32, #tpu.memory_space<hbm>>
          %dma_wait3A_34 = tpu.memref_squeeze %dma_wait3A_33 : memref<1x128x128xf32, #tpu.memory_space<hbm>> -> memref<128x128xf32, #tpu.memory_space<hbm>>
          %dma_wait3A_35 = arith.constant 0 : i32
          %dma_wait3A_36 = tpu.memref_slice %arg10[%mul3A_26, %dma_wait3A_35] : memref<10112x128xf32, #tpu.memory_space<vmem_shared>> -> memref<128x128xf32, #tpu.memory_space<vmem_shared>>
          tpu.wait_dma2 semaphore(%run_scoped3A : memref<!tpu.dma_semaphore, #tpu.memory_space<semaphore_mem>>) src(%dma_wait3A_36 : memref<128x128xf32, #tpu.memory_space<vmem_shared>>) dst(%dma_wait3A_34 : memref<128x128xf32, #tpu.memory_space<hbm>>)
          tpu.yield
        }) : () -> ()
      } else {
      }
    }
    %scan3A_18 = arith.constant 5 : i32
    return
  }
}

#map = affine_map<(d0, d1) -> (0, 0)>
#map1 = affine_map<(d0, d1) -> (0, 0, 0)>
module attributes {stable_mosaic.version = 14 : i64} {
  func.func @scatter_k(%arg0: i32, %arg1: i32, %arg2: memref<10112x128xf32, #tpu.memory_space<hbm>>, %arg3: memref<32x80x128xi32, #tpu.memory_space<hbm>>, %arg4: memref<32x80x128xi32, #tpu.memory_space<hbm>>, %arg5: memref<128x128xf32, #tpu.memory_space<hbm>>, %arg6: memref<2x10112x128xf32, #tpu.memory_space<hbm>>, %arg7: memref<80x128xi32, #tpu.memory_space<vmem>>, %arg8: memref<80x128xi32, #tpu.memory_space<vmem>>, %arg9: memref<128x128xf32, #tpu.memory_space<vmem>>, %arg10: memref<10112x128xf32, #tpu.memory_space<vmem_shared>>, %arg11: memref<!tpu.dma_semaphore, #tpu.memory_space<semaphore_mem>>) attributes {dimension_semantics = [#tpu.dimension_semantics<core_parallel>, #tpu.dimension_semantics<subcore_parallel>], iteration_bounds = array<i64: 2, 16>, scalar_prefetch = 0 : i64, scratch_operands = 5 : i64, tpu.core_type = #tpu.core_type<sc_vector_subcore>, window_params = [{transform_indices = #map}, {transform_indices = #map1}, {transform_indices = #map1}, {transform_indices = #map}, {transform_indices = #map1}]} {
    %mul3A = arith.constant 16 : i32
    %mul3A_0 = arith.muli %arg0, %mul3A : i32
    %add3A = arith.addi %mul3A_0, %arg1 : i32
    "tpu.region"() ({
      %run_scoped3A = tpu.sem_alloc : memref<!tpu.dma_semaphore, #tpu.memory_space<semaphore_mem>>
      %dma_start3A = arith.constant 0 : i32
      %dma_start3A_19 = arith.constant 0 : i32
      %dma_start3A_20 = tpu.memref_slice %arg3[%add3A, %dma_start3A, %dma_start3A_19] : memref<32x80x128xi32, #tpu.memory_space<hbm>> -> memref<1x80x128xi32, #tpu.memory_space<hbm>>
      %dma_start3A_21 = tpu.memref_squeeze %dma_start3A_20 : memref<1x80x128xi32, #tpu.memory_space<hbm>> -> memref<80x128xi32, #tpu.memory_space<hbm>>
      %dma_start3A_22 = arith.constant 0 : i32
      %dma_start3A_23 = arith.constant 0 : i32
      %dma_start3A_24 = tpu.memref_slice %arg3[%add3A, %dma_start3A_22, %dma_start3A_23] : memref<32x80x128xi32, #tpu.memory_space<hbm>> -> memref<1x80x128xi32, #tpu.memory_space<hbm>>
      %dma_start3A_25 = tpu.memref_squeeze %dma_start3A_24 : memref<1x80x128xi32, #tpu.memory_space<hbm>> -> memref<80x128xi32, #tpu.memory_space<hbm>>
      tpu.enqueue_dma source(%dma_start3A_25 : memref<80x128xi32, #tpu.memory_space<hbm>>) target(%arg7 : memref<80x128xi32, #tpu.memory_space<vmem>>) target_semaphore(%run_scoped3A : memref<!tpu.dma_semaphore, #tpu.memory_space<semaphore_mem>>)
      %dma_wait3A = arith.constant 0 : i32
      %dma_wait3A_26 = arith.constant 0 : i32
      %dma_wait3A_27 = tpu.memref_slice %arg3[%add3A, %dma_wait3A, %dma_wait3A_26] : memref<32x80x128xi32, #tpu.memory_space<hbm>> -> memref<1x80x128xi32, #tpu.memory_space<hbm>>
      %dma_wait3A_28 = tpu.memref_squeeze %dma_wait3A_27 : memref<1x80x128xi32, #tpu.memory_space<hbm>> -> memref<80x128xi32, #tpu.memory_space<hbm>>
      %dma_wait3A_29 = arith.constant 0 : i32
      %dma_wait3A_30 = arith.constant 0 : i32
      %dma_wait3A_31 = tpu.memref_slice %arg3[%add3A, %dma_wait3A_29, %dma_wait3A_30] : memref<32x80x128xi32, #tpu.memory_space<hbm>> -> memref<1x80x128xi32, #tpu.memory_space<hbm>>
      %dma_wait3A_32 = tpu.memref_squeeze %dma_wait3A_31 : memref<1x80x128xi32, #tpu.memory_space<hbm>> -> memref<80x128xi32, #tpu.memory_space<hbm>>
      tpu.wait_dma2 semaphore(%run_scoped3A : memref<!tpu.dma_semaphore, #tpu.memory_space<semaphore_mem>>) src(%dma_wait3A_32 : memref<80x128xi32, #tpu.memory_space<hbm>>) dst(%arg7 : memref<80x128xi32, #tpu.memory_space<vmem>>)
      tpu.yield
    }) : () -> ()
    "tpu.region"() ({
      %run_scoped3A = tpu.sem_alloc : memref<!tpu.dma_semaphore, #tpu.memory_space<semaphore_mem>>
      %dma_start3A = arith.constant 0 : i32
      %dma_start3A_19 = arith.constant 0 : i32
      %dma_start3A_20 = tpu.memref_slice %arg4[%add3A, %dma_start3A, %dma_start3A_19] : memref<32x80x128xi32, #tpu.memory_space<hbm>> -> memref<1x80x128xi32, #tpu.memory_space<hbm>>
      %dma_start3A_21 = tpu.memref_squeeze %dma_start3A_20 : memref<1x80x128xi32, #tpu.memory_space<hbm>> -> memref<80x128xi32, #tpu.memory_space<hbm>>
      %dma_start3A_22 = arith.constant 0 : i32
      %dma_start3A_23 = arith.constant 0 : i32
      %dma_start3A_24 = tpu.memref_slice %arg4[%add3A, %dma_start3A_22, %dma_start3A_23] : memref<32x80x128xi32, #tpu.memory_space<hbm>> -> memref<1x80x128xi32, #tpu.memory_space<hbm>>
      %dma_start3A_25 = tpu.memref_squeeze %dma_start3A_24 : memref<1x80x128xi32, #tpu.memory_space<hbm>> -> memref<80x128xi32, #tpu.memory_space<hbm>>
      tpu.enqueue_dma source(%dma_start3A_25 : memref<80x128xi32, #tpu.memory_space<hbm>>) target(%arg8 : memref<80x128xi32, #tpu.memory_space<vmem>>) target_semaphore(%run_scoped3A : memref<!tpu.dma_semaphore, #tpu.memory_space<semaphore_mem>>)
      %dma_wait3A = arith.constant 0 : i32
      %dma_wait3A_26 = arith.constant 0 : i32
      %dma_wait3A_27 = tpu.memref_slice %arg4[%add3A, %dma_wait3A, %dma_wait3A_26] : memref<32x80x128xi32, #tpu.memory_space<hbm>> -> memref<1x80x128xi32, #tpu.memory_space<hbm>>
      %dma_wait3A_28 = tpu.memref_squeeze %dma_wait3A_27 : memref<1x80x128xi32, #tpu.memory_space<hbm>> -> memref<80x128xi32, #tpu.memory_space<hbm>>
      %dma_wait3A_29 = arith.constant 0 : i32
      %dma_wait3A_30 = arith.constant 0 : i32
      %dma_wait3A_31 = tpu.memref_slice %arg4[%add3A, %dma_wait3A_29, %dma_wait3A_30] : memref<32x80x128xi32, #tpu.memory_space<hbm>> -> memref<1x80x128xi32, #tpu.memory_space<hbm>>
      %dma_wait3A_32 = tpu.memref_squeeze %dma_wait3A_31 : memref<1x80x128xi32, #tpu.memory_space<hbm>> -> memref<80x128xi32, #tpu.memory_space<hbm>>
      tpu.wait_dma2 semaphore(%run_scoped3A : memref<!tpu.dma_semaphore, #tpu.memory_space<semaphore_mem>>) src(%dma_wait3A_32 : memref<80x128xi32, #tpu.memory_space<hbm>>) dst(%arg8 : memref<80x128xi32, #tpu.memory_space<vmem>>)
      tpu.yield
    }) : () -> ()
    "tpu.region"() ({
      %run_scoped3A = tpu.sem_alloc : memref<!tpu.dma_semaphore, #tpu.memory_space<semaphore_mem>>
      tpu.enqueue_dma source(%arg5 : memref<128x128xf32, #tpu.memory_space<hbm>>) target(%arg9 : memref<128x128xf32, #tpu.memory_space<vmem>>) target_semaphore(%run_scoped3A : memref<!tpu.dma_semaphore, #tpu.memory_space<semaphore_mem>>)
      tpu.wait_dma2 semaphore(%run_scoped3A : memref<!tpu.dma_semaphore, #tpu.memory_space<semaphore_mem>>) src(%arg5 : memref<128x128xf32, #tpu.memory_space<hbm>>) dst(%arg9 : memref<128x128xf32, #tpu.memory_space<vmem>>)
      tpu.yield
    }) : () -> ()
    %scan3A = arith.constant 0 : i32
    %scan3A_1 = arith.constant 0 : i32
    %scan3A_2 = arith.constant 5 : i32
    %scan3A_3 = arith.addi %scan3A_1, %scan3A_2 : i32
    %scan3A_4 = arith.constant 1 : i32
    scf.for %scan3A_19 = %scan3A_1 to %scan3A_3 step %scan3A_4  : i32 {
      %mul3A_20 = arith.constant 16 : i32
      %mul3A_21 = arith.muli %scan3A_19, %mul3A_20 : i32
      %add3A_22 = arith.addi %mul3A_21, %arg1 : i32
      %lt3A = arith.constant 79 : i32
      %lt3A_23 = arith.cmpi slt, %add3A_22, %lt3A : i32
      %convert_element_type3A = arith.extui %lt3A_23 : i1 to i32
      %cond3A = arith.constant 0 : i32
      %cond3A_24 = arith.cmpi ne, %convert_element_type3A, %cond3A : i32
      scf.if %cond3A_24 {
        %mul3A_25 = arith.constant 128 : i32
        %mul3A_26 = arith.muli %add3A_22, %mul3A_25 : i32
        "tpu.region"() ({
          %run_scoped3A = tpu.sem_alloc : memref<!tpu.dma_semaphore, #tpu.memory_space<semaphore_mem>>
          %dma_start3A = arith.constant 0 : i32
          %dma_start3A_27 = tpu.memref_slice %arg10[%mul3A_26, %dma_start3A] : memref<10112x128xf32, #tpu.memory_space<vmem_shared>> -> memref<128x128xf32, #tpu.memory_space<vmem_shared>>
          %dma_start3A_28 = arith.constant 0 : i32
          %dma_start3A_29 = tpu.memref_slice %arg10[%mul3A_26, %dma_start3A_28] : memref<10112x128xf32, #tpu.memory_space<vmem_shared>> -> memref<128x128xf32, #tpu.memory_space<vmem_shared>>
          tpu.enqueue_dma source(%arg9 : memref<128x128xf32, #tpu.memory_space<vmem>>) target(%dma_start3A_29 : memref<128x128xf32, #tpu.memory_space<vmem_shared>>) target_semaphore(%run_scoped3A : memref<!tpu.dma_semaphore, #tpu.memory_space<semaphore_mem>>)
          %dma_wait3A = arith.constant 0 : i32
          %dma_wait3A_30 = tpu.memref_slice %arg10[%mul3A_26, %dma_wait3A] : memref<10112x128xf32, #tpu.memory_space<vmem_shared>> -> memref<128x128xf32, #tpu.memory_space<vmem_shared>>
          %dma_wait3A_31 = arith.constant 0 : i32
          %dma_wait3A_32 = tpu.memref_slice %arg10[%mul3A_26, %dma_wait3A_31] : memref<10112x128xf32, #tpu.memory_space<vmem_shared>> -> memref<128x128xf32, #tpu.memory_space<vmem_shared>>
          tpu.wait_dma2 semaphore(%run_scoped3A : memref<!tpu.dma_semaphore, #tpu.memory_space<semaphore_mem>>) src(%arg9 : memref<128x128xf32, #tpu.memory_space<vmem>>) dst(%dma_wait3A_32 : memref<128x128xf32, #tpu.memory_space<vmem_shared>>)
          tpu.yield
        }) : () -> ()
      } else {
      }
    }
    %scan3A_5 = arith.constant 5 : i32
    %barrier3A = arith.constant 0 : index
    tpu.barrier barrier_id(%barrier3A)
    %scan3A_6 = arith.constant 0 : i32
    %scan3A_7 = arith.constant 0 : i32
    %scan3A_8 = arith.constant 80 : i32
    %scan3A_9 = arith.addi %scan3A_7, %scan3A_8 : i32
    %scan3A_10 = arith.constant 1 : i32
    scf.for %scan3A_19 = %scan3A_7 to %scan3A_9 step %scan3A_10  : i32 {
      %dma_start3A = arith.constant 0 : i32
      %dma_start3A_20 = tpu.memref_slice %arg7[%scan3A_19, %dma_start3A] : memref<80x128xi32, #tpu.memory_space<vmem>> -> memref<1x128xi32, #tpu.memory_space<vmem>>
      %dma_start3A_21 = tpu.memref_squeeze %dma_start3A_20 : memref<1x128xi32, #tpu.memory_space<vmem>> -> memref<128xi32, #tpu.memory_space<vmem>>
      %dma_start3A_22 = arith.constant 0 : i32
      %dma_start3A_23 = arith.constant 0 : i32
      %dma_start3A_24 = tpu.memref_slice %arg2[%dma_start3A_22, %dma_start3A_23] : memref<10112x128xf32, #tpu.memory_space<hbm>> -> memref<10112x128xf32, #tpu.memory_space<hbm>>
      tpu.enqueue_indirect_dma source(%dma_start3A_24 : memref<10112x128xf32, #tpu.memory_space<hbm>>) target(%arg9 : memref<128x128xf32, #tpu.memory_space<vmem>>) offsets(%dma_start3A_21 : memref<128xi32, #tpu.memory_space<vmem>>) semaphore(%arg11 : memref<!tpu.dma_semaphore, #tpu.memory_space<semaphore_mem>>)
      %dma_wait3A = arith.constant 0 : i32
      %dma_wait3A_25 = tpu.memref_slice %arg7[%scan3A_19, %dma_wait3A] : memref<80x128xi32, #tpu.memory_space<vmem>> -> memref<1x128xi32, #tpu.memory_space<vmem>>
      %dma_wait3A_26 = tpu.memref_squeeze %dma_wait3A_25 : memref<1x128xi32, #tpu.memory_space<vmem>> -> memref<128xi32, #tpu.memory_space<vmem>>
      %dma_wait3A_27 = arith.constant 0 : i32
      %dma_wait3A_28 = arith.constant 0 : i32
      %dma_wait3A_29 = tpu.memref_slice %arg2[%dma_wait3A_27, %dma_wait3A_28] : memref<10112x128xf32, #tpu.memory_space<hbm>> -> memref<10112x128xf32, #tpu.memory_space<hbm>>
      tpu.wait_indirect_dma semaphore(%arg11 : memref<!tpu.dma_semaphore, #tpu.memory_space<semaphore_mem>>) src(%dma_wait3A_29 : memref<10112x128xf32, #tpu.memory_space<hbm>>) dst(%arg9 : memref<128x128xf32, #tpu.memory_space<vmem>>)
      "tpu.region"() ({
        %run_scoped3A = tpu.sem_alloc : memref<!tpu.dma_semaphore, #tpu.memory_space<semaphore_mem>>
        %dma_start3A_30 = arith.constant 0 : i32
        %dma_start3A_31 = tpu.memref_slice %arg8[%scan3A_19, %dma_start3A_30] : memref<80x128xi32, #tpu.memory_space<vmem>> -> memref<1x128xi32, #tpu.memory_space<vmem>>
        %dma_start3A_32 = tpu.memref_squeeze %dma_start3A_31 : memref<1x128xi32, #tpu.memory_space<vmem>> -> memref<128xi32, #tpu.memory_space<vmem>>
        %dma_start3A_33 = arith.constant 0 : i32
        %dma_start3A_34 = arith.constant 0 : i32
        %dma_start3A_35 = tpu.memref_slice %arg10[%dma_start3A_33, %dma_start3A_34] : memref<10112x128xf32, #tpu.memory_space<vmem_shared>> -> memref<10112x128xf32, #tpu.memory_space<vmem_shared>>
        tpu.enqueue_indirect_dma source(%arg9 : memref<128x128xf32, #tpu.memory_space<vmem>>) target(%dma_start3A_35 : memref<10112x128xf32, #tpu.memory_space<vmem_shared>>) offsets(%dma_start3A_32 : memref<128xi32, #tpu.memory_space<vmem>>) semaphore(%run_scoped3A : memref<!tpu.dma_semaphore, #tpu.memory_space<semaphore_mem>>) {add = true}
        %dma_wait3A_36 = arith.constant 0 : i32
        %dma_wait3A_37 = tpu.memref_slice %arg8[%scan3A_19, %dma_wait3A_36] : memref<80x128xi32, #tpu.memory_space<vmem>> -> memref<1x128xi32, #tpu.memory_space<vmem>>
        %dma_wait3A_38 = tpu.memref_squeeze %dma_wait3A_37 : memref<1x128xi32, #tpu.memory_space<vmem>> -> memref<128xi32, #tpu.memory_space<vmem>>
        %dma_wait3A_39 = arith.constant 0 : i32
        %dma_wait3A_40 = arith.constant 0 : i32
        %dma_wait3A_41 = tpu.memref_slice %arg10[%dma_wait3A_39, %dma_wait3A_40] : memref<10112x128xf32, #tpu.memory_space<vmem_shared>> -> memref<10112x128xf32, #tpu.memory_space<vmem_shared>>
        tpu.wait_indirect_dma semaphore(%run_scoped3A : memref<!tpu.dma_semaphore, #tpu.memory_space<semaphore_mem>>) src(%arg9 : memref<128x128xf32, #tpu.memory_space<vmem>>) dst(%dma_wait3A_41 : memref<10112x128xf32, #tpu.memory_space<vmem_shared>>)
        tpu.yield
      }) : () -> ()
    }
    %scan3A_11 = arith.constant 80 : i32
    %barrier3A_12 = arith.constant 0 : index
    tpu.barrier barrier_id(%barrier3A_12)
    %scan3A_13 = arith.constant 0 : i32
    %scan3A_14 = arith.constant 0 : i32
    %scan3A_15 = arith.constant 5 : i32
    %scan3A_16 = arith.addi %scan3A_14, %scan3A_15 : i32
    %scan3A_17 = arith.constant 1 : i32
    scf.for %scan3A_19 = %scan3A_14 to %scan3A_16 step %scan3A_17  : i32 {
      %mul3A_20 = arith.constant 16 : i32
      %mul3A_21 = arith.muli %scan3A_19, %mul3A_20 : i32
      %add3A_22 = arith.addi %mul3A_21, %arg1 : i32
      %lt3A = arith.constant 79 : i32
      %lt3A_23 = arith.cmpi slt, %add3A_22, %lt3A : i32
      %convert_element_type3A = arith.extui %lt3A_23 : i1 to i32
      %cond3A = arith.constant 0 : i32
      %cond3A_24 = arith.cmpi ne, %convert_element_type3A, %cond3A : i32
      scf.if %cond3A_24 {
        %mul3A_25 = arith.constant 128 : i32
        %mul3A_26 = arith.muli %add3A_22, %mul3A_25 : i32
        %mul3A_27 = arith.constant 128 : i32
        %mul3A_28 = arith.muli %add3A_22, %mul3A_27 : i32
        "tpu.region"() ({
          %run_scoped3A = tpu.sem_alloc : memref<!tpu.dma_semaphore, #tpu.memory_space<semaphore_mem>>
          %dma_start3A = arith.constant 0 : i32
          %dma_start3A_29 = tpu.memref_slice %arg6[%arg0, %mul3A_28, %dma_start3A] : memref<2x10112x128xf32, #tpu.memory_space<hbm>> -> memref<1x128x128xf32, #tpu.memory_space<hbm>>
          %dma_start3A_30 = tpu.memref_squeeze %dma_start3A_29 : memref<1x128x128xf32, #tpu.memory_space<hbm>> -> memref<128x128xf32, #tpu.memory_space<hbm>>
          %dma_start3A_31 = arith.constant 0 : i32
          %dma_start3A_32 = tpu.memref_slice %arg10[%mul3A_26, %dma_start3A_31] : memref<10112x128xf32, #tpu.memory_space<vmem_shared>> -> memref<128x128xf32, #tpu.memory_space<vmem_shared>>
          tpu.enqueue_dma source(%dma_start3A_32 : memref<128x128xf32, #tpu.memory_space<vmem_shared>>) target(%dma_start3A_30 : memref<128x128xf32, #tpu.memory_space<hbm>>) target_semaphore(%run_scoped3A : memref<!tpu.dma_semaphore, #tpu.memory_space<semaphore_mem>>)
          %dma_wait3A = arith.constant 0 : i32
          %dma_wait3A_33 = tpu.memref_slice %arg6[%arg0, %mul3A_28, %dma_wait3A] : memref<2x10112x128xf32, #tpu.memory_space<hbm>> -> memref<1x128x128xf32, #tpu.memory_space<hbm>>
          %dma_wait3A_34 = tpu.memref_squeeze %dma_wait3A_33 : memref<1x128x128xf32, #tpu.memory_space<hbm>> -> memref<128x128xf32, #tpu.memory_space<hbm>>
          %dma_wait3A_35 = arith.constant 0 : i32
          %dma_wait3A_36 = tpu.memref_slice %arg10[%mul3A_26, %dma_wait3A_35] : memref<10112x128xf32, #tpu.memory_space<vmem_shared>> -> memref<128x128xf32, #tpu.memory_space<vmem_shared>>
          tpu.wait_dma2 semaphore(%run_scoped3A : memref<!tpu.dma_semaphore, #tpu.memory_space<semaphore_mem>>) src(%dma_wait3A_36 : memref<128x128xf32, #tpu.memory_space<vmem_shared>>) dst(%dma_wait3A_34 : memref<128x128xf32, #tpu.memory_space<hbm>>)
          tpu.yield
        }) : () -> ()
      } else {
      }
    }
    %scan3A_18 = arith.constant 5 : i32
    return
  }
}

#map = affine_map<(d0, d1) -> (0, 0)>
#map1 = affine_map<(d0, d1) -> (0, 0, 0)>
module attributes {stable_mosaic.version = 14 : i64} {
  func.func @pool_k(%arg0: i32, %arg1: i32, %arg2: memref<10112x128xf32, #tpu.memory_space<hbm>>, %arg3: memref<79x1x128xi32, #tpu.memory_space<hbm>>, %arg4: memref<264x128xf32, #tpu.memory_space<hbm>>, %arg5: memref<264x128xf32, #tpu.memory_space<hbm>>, %arg6: memref<128x128xf32, #tpu.memory_space<hbm>>, %arg7: memref<2x264x128xf32, #tpu.memory_space<hbm>>, %arg8: memref<2x264x128xf32, #tpu.memory_space<hbm>>, %arg9: memref<32x264x128xf32, #tpu.memory_space<hbm>>, %arg10: memref<128x128xf32, #tpu.memory_space<vmem>>, %arg11: memref<3x128xi32, #tpu.memory_space<vmem>>, %arg12: memref<264x128xf32, #tpu.memory_space<vmem>>, %arg13: memref<128x128xf32, #tpu.memory_space<vmem>>, %arg14: memref<264x128xf32, #tpu.memory_space<vmem_shared>>, %arg15: memref<264x128xf32, #tpu.memory_space<vmem_shared>>) attributes {dimension_semantics = [#tpu.dimension_semantics<core_parallel>, #tpu.dimension_semantics<subcore_parallel>], iteration_bounds = array<i64: 2, 16>, scalar_prefetch = 0 : i64, scratch_operands = 6 : i64, tpu.core_type = #tpu.core_type<sc_vector_subcore>, window_params = [{transform_indices = #map}, {transform_indices = #map1}, {transform_indices = #map}, {transform_indices = #map}, {transform_indices = #map}, {transform_indices = #map1}, {transform_indices = #map1}, {transform_indices = #map1}]} {
    %mul3A = arith.constant 16 : i32
    %mul3A_0 = arith.muli %arg0, %mul3A : i32
    %add3A = arith.addi %mul3A_0, %arg1 : i32
    %mul3A_1 = arith.constant 16 : i32
    %mul3A_2 = arith.muli %arg1, %mul3A_1 : i32
    %mul3A_3 = arith.constant 16 : i32
    %mul3A_4 = arith.muli %arg1, %mul3A_3 : i32
    "tpu.region"() ({
      %run_scoped3A = tpu.sem_alloc : memref<!tpu.dma_semaphore, #tpu.memory_space<semaphore_mem>>
      %dma_start3A = arith.constant 0 : i32
      %dma_start3A_45 = tpu.memref_slice %arg14[%mul3A_4, %dma_start3A] : memref<264x128xf32, #tpu.memory_space<vmem_shared>> -> memref<16x128xf32, #tpu.memory_space<vmem_shared>>
      %dma_start3A_46 = arith.constant 0 : i32
      %dma_start3A_47 = tpu.memref_slice %arg4[%mul3A_2, %dma_start3A_46] : memref<264x128xf32, #tpu.memory_space<hbm>> -> memref<16x128xf32, #tpu.memory_space<hbm>>
      tpu.enqueue_dma source(%dma_start3A_47 : memref<16x128xf32, #tpu.memory_space<hbm>>) target(%dma_start3A_45 : memref<16x128xf32, #tpu.memory_space<vmem_shared>>) target_semaphore(%run_scoped3A : memref<!tpu.dma_semaphore, #tpu.memory_space<semaphore_mem>>)
      %dma_wait3A = arith.constant 0 : i32
      %dma_wait3A_48 = tpu.memref_slice %arg14[%mul3A_4, %dma_wait3A] : memref<264x128xf32, #tpu.memory_space<vmem_shared>> -> memref<16x128xf32, #tpu.memory_space<vmem_shared>>
      %dma_wait3A_49 = arith.constant 0 : i32
      %dma_wait3A_50 = tpu.memref_slice %arg4[%mul3A_2, %dma_wait3A_49] : memref<264x128xf32, #tpu.memory_space<hbm>> -> memref<16x128xf32, #tpu.memory_space<hbm>>
      tpu.wait_dma2 semaphore(%run_scoped3A : memref<!tpu.dma_semaphore, #tpu.memory_space<semaphore_mem>>) src(%dma_wait3A_50 : memref<16x128xf32, #tpu.memory_space<hbm>>) dst(%dma_wait3A_48 : memref<16x128xf32, #tpu.memory_space<vmem_shared>>)
      tpu.yield
    }) : () -> ()
    %mul3A_5 = arith.constant 16 : i32
    %mul3A_6 = arith.muli %arg1, %mul3A_5 : i32
    %mul3A_7 = arith.constant 16 : i32
    %mul3A_8 = arith.muli %arg1, %mul3A_7 : i32
    "tpu.region"() ({
      %run_scoped3A = tpu.sem_alloc : memref<!tpu.dma_semaphore, #tpu.memory_space<semaphore_mem>>
      %dma_start3A = arith.constant 0 : i32
      %dma_start3A_45 = tpu.memref_slice %arg15[%mul3A_8, %dma_start3A] : memref<264x128xf32, #tpu.memory_space<vmem_shared>> -> memref<16x128xf32, #tpu.memory_space<vmem_shared>>
      %dma_start3A_46 = arith.constant 0 : i32
      %dma_start3A_47 = tpu.memref_slice %arg4[%mul3A_6, %dma_start3A_46] : memref<264x128xf32, #tpu.memory_space<hbm>> -> memref<16x128xf32, #tpu.memory_space<hbm>>
      tpu.enqueue_dma source(%dma_start3A_47 : memref<16x128xf32, #tpu.memory_space<hbm>>) target(%dma_start3A_45 : memref<16x128xf32, #tpu.memory_space<vmem_shared>>) target_semaphore(%run_scoped3A : memref<!tpu.dma_semaphore, #tpu.memory_space<semaphore_mem>>)
      %dma_wait3A = arith.constant 0 : i32
      %dma_wait3A_48 = tpu.memref_slice %arg15[%mul3A_8, %dma_wait3A] : memref<264x128xf32, #tpu.memory_space<vmem_shared>> -> memref<16x128xf32, #tpu.memory_space<vmem_shared>>
      %dma_wait3A_49 = arith.constant 0 : i32
      %dma_wait3A_50 = tpu.memref_slice %arg4[%mul3A_6, %dma_wait3A_49] : memref<264x128xf32, #tpu.memory_space<hbm>> -> memref<16x128xf32, #tpu.memory_space<hbm>>
      tpu.wait_dma2 semaphore(%run_scoped3A : memref<!tpu.dma_semaphore, #tpu.memory_space<semaphore_mem>>) src(%dma_wait3A_50 : memref<16x128xf32, #tpu.memory_space<hbm>>) dst(%dma_wait3A_48 : memref<16x128xf32, #tpu.memory_space<vmem_shared>>)
      tpu.yield
    }) : () -> ()
    %eq3A = arith.constant 0 : i32
    %eq3A_9 = arith.cmpi eq, %arg1, %eq3A : i32
    %convert_element_type3A = arith.extui %eq3A_9 : i1 to i32
    %cond3A = arith.constant 0 : i32
    %cond3A_10 = arith.cmpi ne, %convert_element_type3A, %cond3A : i32
    scf.if %cond3A_10 {
      "tpu.region"() ({
        %run_scoped3A = tpu.sem_alloc : memref<!tpu.dma_semaphore, #tpu.memory_space<semaphore_mem>>
        %dma_start3A = arith.constant 256 : i32
        %dma_start3A_45 = arith.constant 0 : i32
        %dma_start3A_46 = tpu.memref_slice %arg14[%dma_start3A, %dma_start3A_45] : memref<264x128xf32, #tpu.memory_space<vmem_shared>> -> memref<8x128xf32, #tpu.memory_space<vmem_shared>>
        %dma_start3A_47 = arith.constant 256 : i32
        %dma_start3A_48 = arith.constant 0 : i32
        %dma_start3A_49 = tpu.memref_slice %arg4[%dma_start3A_47, %dma_start3A_48] : memref<264x128xf32, #tpu.memory_space<hbm>> -> memref<8x128xf32, #tpu.memory_space<hbm>>
        tpu.enqueue_dma source(%dma_start3A_49 : memref<8x128xf32, #tpu.memory_space<hbm>>) target(%dma_start3A_46 : memref<8x128xf32, #tpu.memory_space<vmem_shared>>) target_semaphore(%run_scoped3A : memref<!tpu.dma_semaphore, #tpu.memory_space<semaphore_mem>>)
        %dma_wait3A = arith.constant 256 : i32
        %dma_wait3A_50 = arith.constant 0 : i32
        %dma_wait3A_51 = tpu.memref_slice %arg14[%dma_wait3A, %dma_wait3A_50] : memref<264x128xf32, #tpu.memory_space<vmem_shared>> -> memref<8x128xf32, #tpu.memory_space<vmem_shared>>
        %dma_wait3A_52 = arith.constant 256 : i32
        %dma_wait3A_53 = arith.constant 0 : i32
        %dma_wait3A_54 = tpu.memref_slice %arg4[%dma_wait3A_52, %dma_wait3A_53] : memref<264x128xf32, #tpu.memory_space<hbm>> -> memref<8x128xf32, #tpu.memory_space<hbm>>
        tpu.wait_dma2 semaphore(%run_scoped3A : memref<!tpu.dma_semaphore, #tpu.memory_space<semaphore_mem>>) src(%dma_wait3A_54 : memref<8x128xf32, #tpu.memory_space<hbm>>) dst(%dma_wait3A_51 : memref<8x128xf32, #tpu.memory_space<vmem_shared>>)
        tpu.yield
      }) : () -> ()
      "tpu.region"() ({
        %run_scoped3A = tpu.sem_alloc : memref<!tpu.dma_semaphore, #tpu.memory_space<semaphore_mem>>
        %dma_start3A = arith.constant 256 : i32
        %dma_start3A_45 = arith.constant 0 : i32
        %dma_start3A_46 = tpu.memref_slice %arg15[%dma_start3A, %dma_start3A_45] : memref<264x128xf32, #tpu.memory_space<vmem_shared>> -> memref<8x128xf32, #tpu.memory_space<vmem_shared>>
        %dma_start3A_47 = arith.constant 256 : i32
        %dma_start3A_48 = arith.constant 0 : i32
        %dma_start3A_49 = tpu.memref_slice %arg4[%dma_start3A_47, %dma_start3A_48] : memref<264x128xf32, #tpu.memory_space<hbm>> -> memref<8x128xf32, #tpu.memory_space<hbm>>
        tpu.enqueue_dma source(%dma_start3A_49 : memref<8x128xf32, #tpu.memory_space<hbm>>) target(%dma_start3A_46 : memref<8x128xf32, #tpu.memory_space<vmem_shared>>) target_semaphore(%run_scoped3A : memref<!tpu.dma_semaphore, #tpu.memory_space<semaphore_mem>>)
        %dma_wait3A = arith.constant 256 : i32
        %dma_wait3A_50 = arith.constant 0 : i32
        %dma_wait3A_51 = tpu.memref_slice %arg15[%dma_wait3A, %dma_wait3A_50] : memref<264x128xf32, #tpu.memory_space<vmem_shared>> -> memref<8x128xf32, #tpu.memory_space<vmem_shared>>
        %dma_wait3A_52 = arith.constant 256 : i32
        %dma_wait3A_53 = arith.constant 0 : i32
        %dma_wait3A_54 = tpu.memref_slice %arg4[%dma_wait3A_52, %dma_wait3A_53] : memref<264x128xf32, #tpu.memory_space<hbm>> -> memref<8x128xf32, #tpu.memory_space<hbm>>
        tpu.wait_dma2 semaphore(%run_scoped3A : memref<!tpu.dma_semaphore, #tpu.memory_space<semaphore_mem>>) src(%dma_wait3A_54 : memref<8x128xf32, #tpu.memory_space<hbm>>) dst(%dma_wait3A_51 : memref<8x128xf32, #tpu.memory_space<vmem_shared>>)
        tpu.yield
      }) : () -> ()
    } else {
    }
    "tpu.region"() ({
      %run_scoped3A = tpu.sem_alloc : memref<!tpu.dma_semaphore, #tpu.memory_space<semaphore_mem>>
      tpu.enqueue_dma source(%arg6 : memref<128x128xf32, #tpu.memory_space<hbm>>) target(%arg13 : memref<128x128xf32, #tpu.memory_space<vmem>>) target_semaphore(%run_scoped3A : memref<!tpu.dma_semaphore, #tpu.memory_space<semaphore_mem>>)
      tpu.wait_dma2 semaphore(%run_scoped3A : memref<!tpu.dma_semaphore, #tpu.memory_space<semaphore_mem>>) src(%arg6 : memref<128x128xf32, #tpu.memory_space<hbm>>) dst(%arg13 : memref<128x128xf32, #tpu.memory_space<vmem>>)
      tpu.yield
    }) : () -> ()
    "tpu.region"() ({
      %run_scoped3A = tpu.sem_alloc : memref<!tpu.dma_semaphore, #tpu.memory_space<semaphore_mem>>
      tpu.enqueue_dma source(%arg5 : memref<264x128xf32, #tpu.memory_space<hbm>>) target(%arg12 : memref<264x128xf32, #tpu.memory_space<vmem>>) target_semaphore(%run_scoped3A : memref<!tpu.dma_semaphore, #tpu.memory_space<semaphore_mem>>)
      tpu.wait_dma2 semaphore(%run_scoped3A : memref<!tpu.dma_semaphore, #tpu.memory_space<semaphore_mem>>) src(%arg5 : memref<264x128xf32, #tpu.memory_space<hbm>>) dst(%arg12 : memref<264x128xf32, #tpu.memory_space<vmem>>)
      tpu.yield
    }) : () -> ()
    %barrier3A = arith.constant 0 : index
    tpu.barrier barrier_id(%barrier3A)
    %iota3A = tpu.iota {dimensions = array<i32: 0>} : vector<16xi32>
    %add3A_11 = arith.constant 0 : i32
    %add3A_12 = arith.addi %add3A, %add3A_11 : i32
    %lt3A = arith.constant 79 : i32
    %lt3A_13 = arith.cmpi slt, %add3A_12, %lt3A : i32
    %convert_element_type3A_14 = arith.extui %lt3A_13 : i1 to i32
    %cond3A_15 = arith.constant 0 : i32
    %cond3A_16 = arith.cmpi ne, %convert_element_type3A_14, %cond3A_15 : i32
    scf.if %cond3A_16 {
      "tpu.region"() ({
        %run_scoped3A_54 = tpu.sem_alloc : memref<!tpu.dma_semaphore, #tpu.memory_space<semaphore_mem>>
        %dma_start3A = arith.constant 0 : i32
        %dma_start3A_55 = arith.constant 0 : i32
        %dma_start3A_56 = tpu.memref_slice %arg11[%dma_start3A, %dma_start3A_55] : memref<3x128xi32, #tpu.memory_space<vmem>> -> memref<1x128xi32, #tpu.memory_space<vmem>>
        %dma_start3A_57 = arith.constant 0 : i32
        %dma_start3A_58 = arith.constant 0 : i32
        %dma_start3A_59 = tpu.memref_slice %arg3[%add3A_12, %dma_start3A_57, %dma_start3A_58] : memref<79x1x128xi32, #tpu.memory_space<hbm>> -> memref<1x1x128xi32, #tpu.memory_space<hbm>>
        %dma_start3A_60 = tpu.memref_squeeze %dma_start3A_59 : memref<1x1x128xi32, #tpu.memory_space<hbm>> -> memref<1x128xi32, #tpu.memory_space<hbm>>
        %dma_start3A_61 = arith.constant 0 : i32
        %dma_start3A_62 = arith.constant 0 : i32
        %dma_start3A_63 = tpu.memref_slice %arg11[%dma_start3A_61, %dma_start3A_62] : memref<3x128xi32, #tpu.memory_space<vmem>> -> memref<1x128xi32, #tpu.memory_space<vmem>>
        %dma_start3A_64 = arith.constant 0 : i32
        %dma_start3A_65 = arith.constant 0 : i32
        %dma_start3A_66 = tpu.memref_slice %arg3[%add3A_12, %dma_start3A_64, %dma_start3A_65] : memref<79x1x128xi32, #tpu.memory_space<hbm>> -> memref<1x1x128xi32, #tpu.memory_space<hbm>>
        %dma_start3A_67 = tpu.memref_squeeze %dma_start3A_66 : memref<1x1x128xi32, #tpu.memory_space<hbm>> -> memref<1x128xi32, #tpu.memory_space<hbm>>
        tpu.enqueue_dma source(%dma_start3A_67 : memref<1x128xi32, #tpu.memory_space<hbm>>) target(%dma_start3A_63 : memref<1x128xi32, #tpu.memory_space<vmem>>) target_semaphore(%run_scoped3A_54 : memref<!tpu.dma_semaphore, #tpu.memory_space<semaphore_mem>>)
        %dma_wait3A = arith.constant 0 : i32
        %dma_wait3A_68 = arith.constant 0 : i32
        %dma_wait3A_69 = tpu.memref_slice %arg11[%dma_wait3A, %dma_wait3A_68] : memref<3x128xi32, #tpu.memory_space<vmem>> -> memref<1x128xi32, #tpu.memory_space<vmem>>
        %dma_wait3A_70 = arith.constant 0 : i32
        %dma_wait3A_71 = arith.constant 0 : i32
        %dma_wait3A_72 = tpu.memref_slice %arg3[%add3A_12, %dma_wait3A_70, %dma_wait3A_71] : memref<79x1x128xi32, #tpu.memory_space<hbm>> -> memref<1x1x128xi32, #tpu.memory_space<hbm>>
        %dma_wait3A_73 = tpu.memref_squeeze %dma_wait3A_72 : memref<1x1x128xi32, #tpu.memory_space<hbm>> -> memref<1x128xi32, #tpu.memory_space<hbm>>
        %dma_wait3A_74 = arith.constant 0 : i32
        %dma_wait3A_75 = arith.constant 0 : i32
        %dma_wait3A_76 = tpu.memref_slice %arg11[%dma_wait3A_74, %dma_wait3A_75] : memref<3x128xi32, #tpu.memory_space<vmem>> -> memref<1x128xi32, #tpu.memory_space<vmem>>
        %dma_wait3A_77 = arith.constant 0 : i32
        %dma_wait3A_78 = arith.constant 0 : i32
        %dma_wait3A_79 = tpu.memref_slice %arg3[%add3A_12, %dma_wait3A_77, %dma_wait3A_78] : memref<79x1x128xi32, #tpu.memory_space<hbm>> -> memref<1x1x128xi32, #tpu.memory_space<hbm>>
        %dma_wait3A_80 = tpu.memref_squeeze %dma_wait3A_79 : memref<1x1x128xi32, #tpu.memory_space<hbm>> -> memref<1x128xi32, #tpu.memory_space<hbm>>
        tpu.wait_dma2 semaphore(%run_scoped3A_54 : memref<!tpu.dma_semaphore, #tpu.memory_space<semaphore_mem>>) src(%dma_wait3A_80 : memref<1x128xi32, #tpu.memory_space<hbm>>) dst(%dma_wait3A_76 : memref<1x128xi32, #tpu.memory_space<vmem>>)
        tpu.yield
      }) : () -> ()
      %mul3A_45 = arith.constant 128 : i32
      %mul3A_46 = arith.muli %add3A_12, %mul3A_45 : i32
      "tpu.region"() ({
        %run_scoped3A_54 = tpu.sem_alloc : memref<!tpu.dma_semaphore, #tpu.memory_space<semaphore_mem>>
        %dma_start3A = arith.constant 0 : i32
        %dma_start3A_55 = tpu.memref_slice %arg2[%mul3A_46, %dma_start3A] : memref<10112x128xf32, #tpu.memory_space<hbm>> -> memref<128x128xf32, #tpu.memory_space<hbm>>
        %dma_start3A_56 = arith.constant 0 : i32
        %dma_start3A_57 = tpu.memref_slice %arg2[%mul3A_46, %dma_start3A_56] : memref<10112x128xf32, #tpu.memory_space<hbm>> -> memref<128x128xf32, #tpu.memory_space<hbm>>
        tpu.enqueue_dma source(%dma_start3A_57 : memref<128x128xf32, #tpu.memory_space<hbm>>) target(%arg10 : memref<128x128xf32, #tpu.memory_space<vmem>>) target_semaphore(%run_scoped3A_54 : memref<!tpu.dma_semaphore, #tpu.memory_space<semaphore_mem>>)
        %dma_wait3A = arith.constant 0 : i32
        %dma_wait3A_58 = tpu.memref_slice %arg2[%mul3A_46, %dma_wait3A] : memref<10112x128xf32, #tpu.memory_space<hbm>> -> memref<128x128xf32, #tpu.memory_space<hbm>>
        %dma_wait3A_59 = arith.constant 0 : i32
        %dma_wait3A_60 = tpu.memref_slice %arg2[%mul3A_46, %dma_wait3A_59] : memref<10112x128xf32, #tpu.memory_space<hbm>> -> memref<128x128xf32, #tpu.memory_space<hbm>>
        tpu.wait_dma2 semaphore(%run_scoped3A_54 : memref<!tpu.dma_semaphore, #tpu.memory_space<semaphore_mem>>) src(%dma_wait3A_60 : memref<128x128xf32, #tpu.memory_space<hbm>>) dst(%arg10 : memref<128x128xf32, #tpu.memory_space<vmem>>)
        tpu.yield
      }) : () -> ()
      %run_scoped3A = arith.constant 0 : i32
      "tpu.region"() ({
        %run_scoped3A_54 = tpu.sem_alloc : memref<!tpu.dma_semaphore, #tpu.memory_space<semaphore_mem>>
        %dma_start3A = arith.constant 0 : i32
        %dma_start3A_55 = tpu.memref_slice %arg11[%run_scoped3A, %dma_start3A] : memref<3x128xi32, #tpu.memory_space<vmem>> -> memref<1x128xi32, #tpu.memory_space<vmem>>
        %dma_start3A_56 = tpu.memref_squeeze %dma_start3A_55 : memref<1x128xi32, #tpu.memory_space<vmem>> -> memref<128xi32, #tpu.memory_space<vmem>>
        %dma_start3A_57 = arith.constant 0 : i32
        %dma_start3A_58 = arith.constant 0 : i32
        %dma_start3A_59 = tpu.memref_slice %arg14[%dma_start3A_57, %dma_start3A_58] : memref<264x128xf32, #tpu.memory_space<vmem_shared>> -> memref<264x128xf32, #tpu.memory_space<vmem_shared>>
        tpu.enqueue_indirect_dma source(%arg10 : memref<128x128xf32, #tpu.memory_space<vmem>>) target(%dma_start3A_59 : memref<264x128xf32, #tpu.memory_space<vmem_shared>>) offsets(%dma_start3A_56 : memref<128xi32, #tpu.memory_space<vmem>>) semaphore(%run_scoped3A_54 : memref<!tpu.dma_semaphore, #tpu.memory_space<semaphore_mem>>) {add = true}
        %dma_wait3A = arith.constant 0 : i32
        %dma_wait3A_60 = tpu.memref_slice %arg11[%run_scoped3A, %dma_wait3A] : memref<3x128xi32, #tpu.memory_space<vmem>> -> memref<1x128xi32, #tpu.memory_space<vmem>>
        %dma_wait3A_61 = tpu.memref_squeeze %dma_wait3A_60 : memref<1x128xi32, #tpu.memory_space<vmem>> -> memref<128xi32, #tpu.memory_space<vmem>>
        %dma_wait3A_62 = arith.constant 0 : i32
        %dma_wait3A_63 = arith.constant 0 : i32
        %dma_wait3A_64 = tpu.memref_slice %arg14[%dma_wait3A_62, %dma_wait3A_63] : memref<264x128xf32, #tpu.memory_space<vmem_shared>> -> memref<264x128xf32, #tpu.memory_space<vmem_shared>>
        tpu.wait_indirect_dma semaphore(%run_scoped3A_54 : memref<!tpu.dma_semaphore, #tpu.memory_space<semaphore_mem>>) src(%arg10 : memref<128x128xf32, #tpu.memory_space<vmem>>) dst(%dma_wait3A_64 : memref<264x128xf32, #tpu.memory_space<vmem_shared>>)
        tpu.yield
      }) : () -> ()
      %run_scoped3A_47 = arith.constant 0 : i32
      "tpu.region"() ({
        %run_scoped3A_54 = tpu.sem_alloc : memref<!tpu.dma_semaphore, #tpu.memory_space<semaphore_mem>>
        %dma_start3A = arith.constant 0 : i32
        %dma_start3A_55 = tpu.memref_slice %arg11[%run_scoped3A_47, %dma_start3A] : memref<3x128xi32, #tpu.memory_space<vmem>> -> memref<1x128xi32, #tpu.memory_space<vmem>>
        %dma_start3A_56 = tpu.memref_squeeze %dma_start3A_55 : memref<1x128xi32, #tpu.memory_space<vmem>> -> memref<128xi32, #tpu.memory_space<vmem>>
        %dma_start3A_57 = arith.constant 0 : i32
        %dma_start3A_58 = arith.constant 0 : i32
        %dma_start3A_59 = tpu.memref_slice %arg15[%dma_start3A_57, %dma_start3A_58] : memref<264x128xf32, #tpu.memory_space<vmem_shared>> -> memref<264x128xf32, #tpu.memory_space<vmem_shared>>
        tpu.enqueue_indirect_dma source(%arg13 : memref<128x128xf32, #tpu.memory_space<vmem>>) target(%dma_start3A_59 : memref<264x128xf32, #tpu.memory_space<vmem_shared>>) offsets(%dma_start3A_56 : memref<128xi32, #tpu.memory_space<vmem>>) semaphore(%run_scoped3A_54 : memref<!tpu.dma_semaphore, #tpu.memory_space<semaphore_mem>>) {add = true}
        %dma_wait3A = arith.constant 0 : i32
        %dma_wait3A_60 = tpu.memref_slice %arg11[%run_scoped3A_47, %dma_wait3A] : memref<3x128xi32, #tpu.memory_space<vmem>> -> memref<1x128xi32, #tpu.memory_space<vmem>>
        %dma_wait3A_61 = tpu.memref_squeeze %dma_wait3A_60 : memref<1x128xi32, #tpu.memory_space<vmem>> -> memref<128xi32, #tpu.memory_space<vmem>>
        %dma_wait3A_62 = arith.constant 0 : i32
        %dma_wait3A_63 = arith.constant 0 : i32
        %dma_wait3A_64 = tpu.memref_slice %arg15[%dma_wait3A_62, %dma_wait3A_63] : memref<264x128xf32, #tpu.memory_space<vmem_shared>> -> memref<264x128xf32, #tpu.memory_space<vmem_shared>>
        tpu.wait_indirect_dma semaphore(%run_scoped3A_54 : memref<!tpu.dma_semaphore, #tpu.memory_space<semaphore_mem>>) src(%arg13 : memref<128x128xf32, #tpu.memory_space<vmem>>) dst(%dma_wait3A_64 : memref<264x128xf32, #tpu.memory_space<vmem_shared>>)
        tpu.yield
      }) : () -> ()
      %broadcast_in_dim3A = arith.constant 0 : i32
      %broadcast_in_dim3A_48 = vector.broadcast %broadcast_in_dim3A : i32 to vector<16xi32>
      %scan3A = arith.constant 0 : i32
      %scan3A_49 = arith.constant 0 : i32
      %scan3A_50 = arith.constant 128 : i32
      %scan3A_51 = arith.addi %scan3A_49, %scan3A_50 : i32
      %scan3A_52 = arith.constant 1 : i32
      scf.for %scan3A_54 = %scan3A_49 to %scan3A_51 step %scan3A_52  : i32 {
        %broadcast_in_dim3A_55 = vector.broadcast %scan3A_54 : i32 to vector<16xi32>
        %gather3A = tpu.vector_load_idx %arg11[%broadcast_in_dim3A_48, %broadcast_in_dim3A_55] : memref<3x128xi32, #tpu.memory_space<vmem>>[vector<16xi32>, vector<16xi32>], vector<16xi32>,
        %add3A_56 = arith.constant 0 : i32
        %add3A_57 = vector.broadcast %add3A_56 : i32 to vector<16xi32>
        %add3A_58 = arith.addi %add3A_57, %iota3A : vector<16xi32>
        %gather3A_59 = tpu.vector_load_idx %arg10[%broadcast_in_dim3A_55, %add3A_58] : memref<128x128xf32, #tpu.memory_space<vmem>>[vector<16xi32>, vector<16xi32>], vector<16xf32>,
        %gather3A_60 = tpu.vector_load_idx %arg12[%gather3A, %add3A_58] : memref<264x128xf32, #tpu.memory_space<vmem>>[vector<16xi32>, vector<16xi32>], vector<16xf32>,
        %max3A = arith.maximumf %gather3A_60, %gather3A_59 : vector<16xf32>
        tpu.vector_store_idx %arg12[%gather3A, %add3A_58], %max3A : memref<264x128xf32, #tpu.memory_space<vmem>>[vector<16xi32>, vector<16xi32>], vector<16xf32>,
        %add3A_61 = arith.constant 16 : i32
        %add3A_62 = vector.broadcast %add3A_61 : i32 to vector<16xi32>
        %add3A_63 = arith.addi %add3A_62, %iota3A : vector<16xi32>
        %gather3A_64 = tpu.vector_load_idx %arg10[%broadcast_in_dim3A_55, %add3A_63] : memref<128x128xf32, #tpu.memory_space<vmem>>[vector<16xi32>, vector<16xi32>], vector<16xf32>,
        %gather3A_65 = tpu.vector_load_idx %arg12[%gather3A, %add3A_63] : memref<264x128xf32, #tpu.memory_space<vmem>>[vector<16xi32>, vector<16xi32>], vector<16xf32>,
        %max3A_66 = arith.maximumf %gather3A_65, %gather3A_64 : vector<16xf32>
        tpu.vector_store_idx %arg12[%gather3A, %add3A_63], %max3A_66 : memref<264x128xf32, #tpu.memory_space<vmem>>[vector<16xi32>, vector<16xi32>], vector<16xf32>,
        %add3A_67 = arith.constant 32 : i32
        %add3A_68 = vector.broadcast %add3A_67 : i32 to vector<16xi32>
        %add3A_69 = arith.addi %add3A_68, %iota3A : vector<16xi32>
        %gather3A_70 = tpu.vector_load_idx %arg10[%broadcast_in_dim3A_55, %add3A_69] : memref<128x128xf32, #tpu.memory_space<vmem>>[vector<16xi32>, vector<16xi32>], vector<16xf32>,
        %gather3A_71 = tpu.vector_load_idx %arg12[%gather3A, %add3A_69] : memref<264x128xf32, #tpu.memory_space<vmem>>[vector<16xi32>, vector<16xi32>], vector<16xf32>,
        %max3A_72 = arith.maximumf %gather3A_71, %gather3A_70 : vector<16xf32>
        tpu.vector_store_idx %arg12[%gather3A, %add3A_69], %max3A_72 : memref<264x128xf32, #tpu.memory_space<vmem>>[vector<16xi32>, vector<16xi32>], vector<16xf32>,
        %add3A_73 = arith.constant 48 : i32
        %add3A_74 = vector.broadcast %add3A_73 : i32 to vector<16xi32>
        %add3A_75 = arith.addi %add3A_74, %iota3A : vector<16xi32>
        %gather3A_76 = tpu.vector_load_idx %arg10[%broadcast_in_dim3A_55, %add3A_75] : memref<128x128xf32, #tpu.memory_space<vmem>>[vector<16xi32>, vector<16xi32>], vector<16xf32>,
        %gather3A_77 = tpu.vector_load_idx %arg12[%gather3A, %add3A_75] : memref<264x128xf32, #tpu.memory_space<vmem>>[vector<16xi32>, vector<16xi32>], vector<16xf32>,
        %max3A_78 = arith.maximumf %gather3A_77, %gather3A_76 : vector<16xf32>
        tpu.vector_store_idx %arg12[%gather3A, %add3A_75], %max3A_78 : memref<264x128xf32, #tpu.memory_space<vmem>>[vector<16xi32>, vector<16xi32>], vector<16xf32>,
        %add3A_79 = arith.constant 64 : i32
        %add3A_80 = vector.broadcast %add3A_79 : i32 to vector<16xi32>
        %add3A_81 = arith.addi %add3A_80, %iota3A : vector<16xi32>
        %gather3A_82 = tpu.vector_load_idx %arg10[%broadcast_in_dim3A_55, %add3A_81] : memref<128x128xf32, #tpu.memory_space<vmem>>[vector<16xi32>, vector<16xi32>], vector<16xf32>,
        %gather3A_83 = tpu.vector_load_idx %arg12[%gather3A, %add3A_81] : memref<264x128xf32, #tpu.memory_space<vmem>>[vector<16xi32>, vector<16xi32>], vector<16xf32>,
        %max3A_84 = arith.maximumf %gather3A_83, %gather3A_82 : vector<16xf32>
        tpu.vector_store_idx %arg12[%gather3A, %add3A_81], %max3A_84 : memref<264x128xf32, #tpu.memory_space<vmem>>[vector<16xi32>, vector<16xi32>], vector<16xf32>,
        %add3A_85 = arith.constant 80 : i32
        %add3A_86 = vector.broadcast %add3A_85 : i32 to vector<16xi32>
        %add3A_87 = arith.addi %add3A_86, %iota3A : vector<16xi32>
        %gather3A_88 = tpu.vector_load_idx %arg10[%broadcast_in_dim3A_55, %add3A_87] : memref<128x128xf32, #tpu.memory_space<vmem>>[vector<16xi32>, vector<16xi32>], vector<16xf32>,
        %gather3A_89 = tpu.vector_load_idx %arg12[%gather3A, %add3A_87] : memref<264x128xf32, #tpu.memory_space<vmem>>[vector<16xi32>, vector<16xi32>], vector<16xf32>,
        %max3A_90 = arith.maximumf %gather3A_89, %gather3A_88 : vector<16xf32>
        tpu.vector_store_idx %arg12[%gather3A, %add3A_87], %max3A_90 : memref<264x128xf32, #tpu.memory_space<vmem>>[vector<16xi32>, vector<16xi32>], vector<16xf32>,
        %add3A_91 = arith.constant 96 : i32
        %add3A_92 = vector.broadcast %add3A_91 : i32 to vector<16xi32>
        %add3A_93 = arith.addi %add3A_92, %iota3A : vector<16xi32>
        %gather3A_94 = tpu.vector_load_idx %arg10[%broadcast_in_dim3A_55, %add3A_93] : memref<128x128xf32, #tpu.memory_space<vmem>>[vector<16xi32>, vector<16xi32>], vector<16xf32>,
        %gather3A_95 = tpu.vector_load_idx %arg12[%gather3A, %add3A_93] : memref<264x128xf32, #tpu.memory_space<vmem>>[vector<16xi32>, vector<16xi32>], vector<16xf32>,
        %max3A_96 = arith.maximumf %gather3A_95, %gather3A_94 : vector<16xf32>
        tpu.vector_store_idx %arg12[%gather3A, %add3A_93], %max3A_96 : memref<264x128xf32, #tpu.memory_space<vmem>>[vector<16xi32>, vector<16xi32>], vector<16xf32>,
        %add3A_97 = arith.constant 112 : i32
        %add3A_98 = vector.broadcast %add3A_97 : i32 to vector<16xi32>
        %add3A_99 = arith.addi %add3A_98, %iota3A : vector<16xi32>
        %gather3A_100 = tpu.vector_load_idx %arg10[%broadcast_in_dim3A_55, %add3A_99] : memref<128x128xf32, #tpu.memory_space<vmem>>[vector<16xi32>, vector<16xi32>], vector<16xf32>,
        %gather3A_101 = tpu.vector_load_idx %arg12[%gather3A, %add3A_99] : memref<264x128xf32, #tpu.memory_space<vmem>>[vector<16xi32>, vector<16xi32>], vector<16xf32>,
        %max3A_102 = arith.maximumf %gather3A_101, %gather3A_100 : vector<16xf32>
        tpu.vector_store_idx %arg12[%gather3A, %add3A_99], %max3A_102 : memref<264x128xf32, #tpu.memory_space<vmem>>[vector<16xi32>, vector<16xi32>], vector<16xf32>,
      }
      %scan3A_53 = arith.constant 128 : i32
    } else {
    }
    %add3A_17 = arith.constant 32 : i32
    %add3A_18 = arith.addi %add3A, %add3A_17 : i32
    %lt3A_19 = arith.constant 79 : i32
    %lt3A_20 = arith.cmpi slt, %add3A_18, %lt3A_19 : i32
    %convert_element_type3A_21 = arith.extui %lt3A_20 : i1 to i32
    %cond3A_22 = arith.constant 0 : i32
    %cond3A_23 = arith.cmpi ne, %convert_element_type3A_21, %cond3A_22 : i32
    scf.if %cond3A_23 {
      "tpu.region"() ({
        %run_scoped3A_54 = tpu.sem_alloc : memref<!tpu.dma_semaphore, #tpu.memory_space<semaphore_mem>>
        %dma_start3A = arith.constant 1 : i32
        %dma_start3A_55 = arith.constant 0 : i32
        %dma_start3A_56 = tpu.memref_slice %arg11[%dma_start3A, %dma_start3A_55] : memref<3x128xi32, #tpu.memory_space<vmem>> -> memref<1x128xi32, #tpu.memory_space<vmem>>
        %dma_start3A_57 = arith.constant 0 : i32
        %dma_start3A_58 = arith.constant 0 : i32
        %dma_start3A_59 = tpu.memref_slice %arg3[%add3A_18, %dma_start3A_57, %dma_start3A_58] : memref<79x1x128xi32, #tpu.memory_space<hbm>> -> memref<1x1x128xi32, #tpu.memory_space<hbm>>
        %dma_start3A_60 = tpu.memref_squeeze %dma_start3A_59 : memref<1x1x128xi32, #tpu.memory_space<hbm>> -> memref<1x128xi32, #tpu.memory_space<hbm>>
        %dma_start3A_61 = arith.constant 1 : i32
        %dma_start3A_62 = arith.constant 0 : i32
        %dma_start3A_63 = tpu.memref_slice %arg11[%dma_start3A_61, %dma_start3A_62] : memref<3x128xi32, #tpu.memory_space<vmem>> -> memref<1x128xi32, #tpu.memory_space<vmem>>
        %dma_start3A_64 = arith.constant 0 : i32
        %dma_start3A_65 = arith.constant 0 : i32
        %dma_start3A_66 = tpu.memref_slice %arg3[%add3A_18, %dma_start3A_64, %dma_start3A_65] : memref<79x1x128xi32, #tpu.memory_space<hbm>> -> memref<1x1x128xi32, #tpu.memory_space<hbm>>
        %dma_start3A_67 = tpu.memref_squeeze %dma_start3A_66 : memref<1x1x128xi32, #tpu.memory_space<hbm>> -> memref<1x128xi32, #tpu.memory_space<hbm>>
        tpu.enqueue_dma source(%dma_start3A_67 : memref<1x128xi32, #tpu.memory_space<hbm>>) target(%dma_start3A_63 : memref<1x128xi32, #tpu.memory_space<vmem>>) target_semaphore(%run_scoped3A_54 : memref<!tpu.dma_semaphore, #tpu.memory_space<semaphore_mem>>)
        %dma_wait3A = arith.constant 1 : i32
        %dma_wait3A_68 = arith.constant 0 : i32
        %dma_wait3A_69 = tpu.memref_slice %arg11[%dma_wait3A, %dma_wait3A_68] : memref<3x128xi32, #tpu.memory_space<vmem>> -> memref<1x128xi32, #tpu.memory_space<vmem>>
        %dma_wait3A_70 = arith.constant 0 : i32
        %dma_wait3A_71 = arith.constant 0 : i32
        %dma_wait3A_72 = tpu.memref_slice %arg3[%add3A_18, %dma_wait3A_70, %dma_wait3A_71] : memref<79x1x128xi32, #tpu.memory_space<hbm>> -> memref<1x1x128xi32, #tpu.memory_space<hbm>>
        %dma_wait3A_73 = tpu.memref_squeeze %dma_wait3A_72 : memref<1x1x128xi32, #tpu.memory_space<hbm>> -> memref<1x128xi32, #tpu.memory_space<hbm>>
        %dma_wait3A_74 = arith.constant 1 : i32
        %dma_wait3A_75 = arith.constant 0 : i32
        %dma_wait3A_76 = tpu.memref_slice %arg11[%dma_wait3A_74, %dma_wait3A_75] : memref<3x128xi32, #tpu.memory_space<vmem>> -> memref<1x128xi32, #tpu.memory_space<vmem>>
        %dma_wait3A_77 = arith.constant 0 : i32
        %dma_wait3A_78 = arith.constant 0 : i32
        %dma_wait3A_79 = tpu.memref_slice %arg3[%add3A_18, %dma_wait3A_77, %dma_wait3A_78] : memref<79x1x128xi32, #tpu.memory_space<hbm>> -> memref<1x1x128xi32, #tpu.memory_space<hbm>>
        %dma_wait3A_80 = tpu.memref_squeeze %dma_wait3A_79 : memref<1x1x128xi32, #tpu.memory_space<hbm>> -> memref<1x128xi32, #tpu.memory_space<hbm>>
        tpu.wait_dma2 semaphore(%run_scoped3A_54 : memref<!tpu.dma_semaphore, #tpu.memory_space<semaphore_mem>>) src(%dma_wait3A_80 : memref<1x128xi32, #tpu.memory_space<hbm>>) dst(%dma_wait3A_76 : memref<1x128xi32, #tpu.memory_space<vmem>>)
        tpu.yield
      }) : () -> ()
      %mul3A_45 = arith.constant 128 : i32
      %mul3A_46 = arith.muli %add3A_18, %mul3A_45 : i32
      "tpu.region"() ({
        %run_scoped3A_54 = tpu.sem_alloc : memref<!tpu.dma_semaphore, #tpu.memory_space<semaphore_mem>>
        %dma_start3A = arith.constant 0 : i32
        %dma_start3A_55 = tpu.memref_slice %arg2[%mul3A_46, %dma_start3A] : memref<10112x128xf32, #tpu.memory_space<hbm>> -> memref<128x128xf32, #tpu.memory_space<hbm>>
        %dma_start3A_56 = arith.constant 0 : i32
        %dma_start3A_57 = tpu.memref_slice %arg2[%mul3A_46, %dma_start3A_56] : memref<10112x128xf32, #tpu.memory_space<hbm>> -> memref<128x128xf32, #tpu.memory_space<hbm>>
        tpu.enqueue_dma source(%dma_start3A_57 : memref<128x128xf32, #tpu.memory_space<hbm>>) target(%arg10 : memref<128x128xf32, #tpu.memory_space<vmem>>) target_semaphore(%run_scoped3A_54 : memref<!tpu.dma_semaphore, #tpu.memory_space<semaphore_mem>>)
        %dma_wait3A = arith.constant 0 : i32
        %dma_wait3A_58 = tpu.memref_slice %arg2[%mul3A_46, %dma_wait3A] : memref<10112x128xf32, #tpu.memory_space<hbm>> -> memref<128x128xf32, #tpu.memory_space<hbm>>
        %dma_wait3A_59 = arith.constant 0 : i32
        %dma_wait3A_60 = tpu.memref_slice %arg2[%mul3A_46, %dma_wait3A_59] : memref<10112x128xf32, #tpu.memory_space<hbm>> -> memref<128x128xf32, #tpu.memory_space<hbm>>
        tpu.wait_dma2 semaphore(%run_scoped3A_54 : memref<!tpu.dma_semaphore, #tpu.memory_space<semaphore_mem>>) src(%dma_wait3A_60 : memref<128x128xf32, #tpu.memory_space<hbm>>) dst(%arg10 : memref<128x128xf32, #tpu.memory_space<vmem>>)
        tpu.yield
      }) : () -> ()
      %run_scoped3A = arith.constant 1 : i32
      "tpu.region"() ({
        %run_scoped3A_54 = tpu.sem_alloc : memref<!tpu.dma_semaphore, #tpu.memory_space<semaphore_mem>>
        %dma_start3A = arith.constant 0 : i32
        %dma_start3A_55 = tpu.memref_slice %arg11[%run_scoped3A, %dma_start3A] : memref<3x128xi32, #tpu.memory_space<vmem>> -> memref<1x128xi32, #tpu.memory_space<vmem>>
        %dma_start3A_56 = tpu.memref_squeeze %dma_start3A_55 : memref<1x128xi32, #tpu.memory_space<vmem>> -> memref<128xi32, #tpu.memory_space<vmem>>
        %dma_start3A_57 = arith.constant 0 : i32
        %dma_start3A_58 = arith.constant 0 : i32
        %dma_start3A_59 = tpu.memref_slice %arg14[%dma_start3A_57, %dma_start3A_58] : memref<264x128xf32, #tpu.memory_space<vmem_shared>> -> memref<264x128xf32, #tpu.memory_space<vmem_shared>>
        tpu.enqueue_indirect_dma source(%arg10 : memref<128x128xf32, #tpu.memory_space<vmem>>) target(%dma_start3A_59 : memref<264x128xf32, #tpu.memory_space<vmem_shared>>) offsets(%dma_start3A_56 : memref<128xi32, #tpu.memory_space<vmem>>) semaphore(%run_scoped3A_54 : memref<!tpu.dma_semaphore, #tpu.memory_space<semaphore_mem>>) {add = true}
        %dma_wait3A = arith.constant 0 : i32
        %dma_wait3A_60 = tpu.memref_slice %arg11[%run_scoped3A, %dma_wait3A] : memref<3x128xi32, #tpu.memory_space<vmem>> -> memref<1x128xi32, #tpu.memory_space<vmem>>
        %dma_wait3A_61 = tpu.memref_squeeze %dma_wait3A_60 : memref<1x128xi32, #tpu.memory_space<vmem>> -> memref<128xi32, #tpu.memory_space<vmem>>
        %dma_wait3A_62 = arith.constant 0 : i32
        %dma_wait3A_63 = arith.constant 0 : i32
        %dma_wait3A_64 = tpu.memref_slice %arg14[%dma_wait3A_62, %dma_wait3A_63] : memref<264x128xf32, #tpu.memory_space<vmem_shared>> -> memref<264x128xf32, #tpu.memory_space<vmem_shared>>
        tpu.wait_indirect_dma semaphore(%run_scoped3A_54 : memref<!tpu.dma_semaphore, #tpu.memory_space<semaphore_mem>>) src(%arg10 : memref<128x128xf32, #tpu.memory_space<vmem>>) dst(%dma_wait3A_64 : memref<264x128xf32, #tpu.memory_space<vmem_shared>>)
        tpu.yield
      }) : () -> ()
      %run_scoped3A_47 = arith.constant 1 : i32
      "tpu.region"() ({
        %run_scoped3A_54 = tpu.sem_alloc : memref<!tpu.dma_semaphore, #tpu.memory_space<semaphore_mem>>
        %dma_start3A = arith.constant 0 : i32
        %dma_start3A_55 = tpu.memref_slice %arg11[%run_scoped3A_47, %dma_start3A] : memref<3x128xi32, #tpu.memory_space<vmem>> -> memref<1x128xi32, #tpu.memory_space<vmem>>
        %dma_start3A_56 = tpu.memref_squeeze %dma_start3A_55 : memref<1x128xi32, #tpu.memory_space<vmem>> -> memref<128xi32, #tpu.memory_space<vmem>>
        %dma_start3A_57 = arith.constant 0 : i32
        %dma_start3A_58 = arith.constant 0 : i32
        %dma_start3A_59 = tpu.memref_slice %arg15[%dma_start3A_57, %dma_start3A_58] : memref<264x128xf32, #tpu.memory_space<vmem_shared>> -> memref<264x128xf32, #tpu.memory_space<vmem_shared>>
        tpu.enqueue_indirect_dma source(%arg13 : memref<128x128xf32, #tpu.memory_space<vmem>>) target(%dma_start3A_59 : memref<264x128xf32, #tpu.memory_space<vmem_shared>>) offsets(%dma_start3A_56 : memref<128xi32, #tpu.memory_space<vmem>>) semaphore(%run_scoped3A_54 : memref<!tpu.dma_semaphore, #tpu.memory_space<semaphore_mem>>) {add = true}
        %dma_wait3A = arith.constant 0 : i32
        %dma_wait3A_60 = tpu.memref_slice %arg11[%run_scoped3A_47, %dma_wait3A] : memref<3x128xi32, #tpu.memory_space<vmem>> -> memref<1x128xi32, #tpu.memory_space<vmem>>
        %dma_wait3A_61 = tpu.memref_squeeze %dma_wait3A_60 : memref<1x128xi32, #tpu.memory_space<vmem>> -> memref<128xi32, #tpu.memory_space<vmem>>
        %dma_wait3A_62 = arith.constant 0 : i32
        %dma_wait3A_63 = arith.constant 0 : i32
        %dma_wait3A_64 = tpu.memref_slice %arg15[%dma_wait3A_62, %dma_wait3A_63] : memref<264x128xf32, #tpu.memory_space<vmem_shared>> -> memref<264x128xf32, #tpu.memory_space<vmem_shared>>
        tpu.wait_indirect_dma semaphore(%run_scoped3A_54 : memref<!tpu.dma_semaphore, #tpu.memory_space<semaphore_mem>>) src(%arg13 : memref<128x128xf32, #tpu.memory_space<vmem>>) dst(%dma_wait3A_64 : memref<264x128xf32, #tpu.memory_space<vmem_shared>>)
        tpu.yield
      }) : () -> ()
      %broadcast_in_dim3A = arith.constant 1 : i32
      %broadcast_in_dim3A_48 = vector.broadcast %broadcast_in_dim3A : i32 to vector<16xi32>
      %scan3A = arith.constant 0 : i32
      %scan3A_49 = arith.constant 0 : i32
      %scan3A_50 = arith.constant 128 : i32
      %scan3A_51 = arith.addi %scan3A_49, %scan3A_50 : i32
      %scan3A_52 = arith.constant 1 : i32
      scf.for %scan3A_54 = %scan3A_49 to %scan3A_51 step %scan3A_52  : i32 {
        %broadcast_in_dim3A_55 = vector.broadcast %scan3A_54 : i32 to vector<16xi32>
        %gather3A = tpu.vector_load_idx %arg11[%broadcast_in_dim3A_48, %broadcast_in_dim3A_55] : memref<3x128xi32, #tpu.memory_space<vmem>>[vector<16xi32>, vector<16xi32>], vector<16xi32>,
        %add3A_56 = arith.constant 0 : i32
        %add3A_57 = vector.broadcast %add3A_56 : i32 to vector<16xi32>
        %add3A_58 = arith.addi %add3A_57, %iota3A : vector<16xi32>
        %gather3A_59 = tpu.vector_load_idx %arg10[%broadcast_in_dim3A_55, %add3A_58] : memref<128x128xf32, #tpu.memory_space<vmem>>[vector<16xi32>, vector<16xi32>], vector<16xf32>,
        %gather3A_60 = tpu.vector_load_idx %arg12[%gather3A, %add3A_58] : memref<264x128xf32, #tpu.memory_space<vmem>>[vector<16xi32>, vector<16xi32>], vector<16xf32>,
        %max3A = arith.maximumf %gather3A_60, %gather3A_59 : vector<16xf32>
        tpu.vector_store_idx %arg12[%gather3A, %add3A_58], %max3A : memref<264x128xf32, #tpu.memory_space<vmem>>[vector<16xi32>, vector<16xi32>], vector<16xf32>,
        %add3A_61 = arith.constant 16 : i32
        %add3A_62 = vector.broadcast %add3A_61 : i32 to vector<16xi32>
        %add3A_63 = arith.addi %add3A_62, %iota3A : vector<16xi32>
        %gather3A_64 = tpu.vector_load_idx %arg10[%broadcast_in_dim3A_55, %add3A_63] : memref<128x128xf32, #tpu.memory_space<vmem>>[vector<16xi32>, vector<16xi32>], vector<16xf32>,
        %gather3A_65 = tpu.vector_load_idx %arg12[%gather3A, %add3A_63] : memref<264x128xf32, #tpu.memory_space<vmem>>[vector<16xi32>, vector<16xi32>], vector<16xf32>,
        %max3A_66 = arith.maximumf %gather3A_65, %gather3A_64 : vector<16xf32>
        tpu.vector_store_idx %arg12[%gather3A, %add3A_63], %max3A_66 : memref<264x128xf32, #tpu.memory_space<vmem>>[vector<16xi32>, vector<16xi32>], vector<16xf32>,
        %add3A_67 = arith.constant 32 : i32
        %add3A_68 = vector.broadcast %add3A_67 : i32 to vector<16xi32>
        %add3A_69 = arith.addi %add3A_68, %iota3A : vector<16xi32>
        %gather3A_70 = tpu.vector_load_idx %arg10[%broadcast_in_dim3A_55, %add3A_69] : memref<128x128xf32, #tpu.memory_space<vmem>>[vector<16xi32>, vector<16xi32>], vector<16xf32>,
        %gather3A_71 = tpu.vector_load_idx %arg12[%gather3A, %add3A_69] : memref<264x128xf32, #tpu.memory_space<vmem>>[vector<16xi32>, vector<16xi32>], vector<16xf32>,
        %max3A_72 = arith.maximumf %gather3A_71, %gather3A_70 : vector<16xf32>
        tpu.vector_store_idx %arg12[%gather3A, %add3A_69], %max3A_72 : memref<264x128xf32, #tpu.memory_space<vmem>>[vector<16xi32>, vector<16xi32>], vector<16xf32>,
        %add3A_73 = arith.constant 48 : i32
        %add3A_74 = vector.broadcast %add3A_73 : i32 to vector<16xi32>
        %add3A_75 = arith.addi %add3A_74, %iota3A : vector<16xi32>
        %gather3A_76 = tpu.vector_load_idx %arg10[%broadcast_in_dim3A_55, %add3A_75] : memref<128x128xf32, #tpu.memory_space<vmem>>[vector<16xi32>, vector<16xi32>], vector<16xf32>,
        %gather3A_77 = tpu.vector_load_idx %arg12[%gather3A, %add3A_75] : memref<264x128xf32, #tpu.memory_space<vmem>>[vector<16xi32>, vector<16xi32>], vector<16xf32>,
        %max3A_78 = arith.maximumf %gather3A_77, %gather3A_76 : vector<16xf32>
        tpu.vector_store_idx %arg12[%gather3A, %add3A_75], %max3A_78 : memref<264x128xf32, #tpu.memory_space<vmem>>[vector<16xi32>, vector<16xi32>], vector<16xf32>,
        %add3A_79 = arith.constant 64 : i32
        %add3A_80 = vector.broadcast %add3A_79 : i32 to vector<16xi32>
        %add3A_81 = arith.addi %add3A_80, %iota3A : vector<16xi32>
        %gather3A_82 = tpu.vector_load_idx %arg10[%broadcast_in_dim3A_55, %add3A_81] : memref<128x128xf32, #tpu.memory_space<vmem>>[vector<16xi32>, vector<16xi32>], vector<16xf32>,
        %gather3A_83 = tpu.vector_load_idx %arg12[%gather3A, %add3A_81] : memref<264x128xf32, #tpu.memory_space<vmem>>[vector<16xi32>, vector<16xi32>], vector<16xf32>,
        %max3A_84 = arith.maximumf %gather3A_83, %gather3A_82 : vector<16xf32>
        tpu.vector_store_idx %arg12[%gather3A, %add3A_81], %max3A_84 : memref<264x128xf32, #tpu.memory_space<vmem>>[vector<16xi32>, vector<16xi32>], vector<16xf32>,
        %add3A_85 = arith.constant 80 : i32
        %add3A_86 = vector.broadcast %add3A_85 : i32 to vector<16xi32>
        %add3A_87 = arith.addi %add3A_86, %iota3A : vector<16xi32>
        %gather3A_88 = tpu.vector_load_idx %arg10[%broadcast_in_dim3A_55, %add3A_87] : memref<128x128xf32, #tpu.memory_space<vmem>>[vector<16xi32>, vector<16xi32>], vector<16xf32>,
        %gather3A_89 = tpu.vector_load_idx %arg12[%gather3A, %add3A_87] : memref<264x128xf32, #tpu.memory_space<vmem>>[vector<16xi32>, vector<16xi32>], vector<16xf32>,
        %max3A_90 = arith.maximumf %gather3A_89, %gather3A_88 : vector<16xf32>
        tpu.vector_store_idx %arg12[%gather3A, %add3A_87], %max3A_90 : memref<264x128xf32, #tpu.memory_space<vmem>>[vector<16xi32>, vector<16xi32>], vector<16xf32>,
        %add3A_91 = arith.constant 96 : i32
        %add3A_92 = vector.broadcast %add3A_91 : i32 to vector<16xi32>
        %add3A_93 = arith.addi %add3A_92, %iota3A : vector<16xi32>
        %gather3A_94 = tpu.vector_load_idx %arg10[%broadcast_in_dim3A_55, %add3A_93] : memref<128x128xf32, #tpu.memory_space<vmem>>[vector<16xi32>, vector<16xi32>], vector<16xf32>,
        %gather3A_95 = tpu.vector_load_idx %arg12[%gather3A, %add3A_93] : memref<264x128xf32, #tpu.memory_space<vmem>>[vector<16xi32>, vector<16xi32>], vector<16xf32>,
        %max3A_96 = arith.maximumf %gather3A_95, %gather3A_94 : vector<16xf32>
        tpu.vector_store_idx %arg12[%gather3A, %add3A_93], %max3A_96 : memref<264x128xf32, #tpu.memory_space<vmem>>[vector<16xi32>, vector<16xi32>], vector<16xf32>,
        %add3A_97 = arith.constant 112 : i32
        %add3A_98 = vector.broadcast %add3A_97 : i32 to vector<16xi32>
        %add3A_99 = arith.addi %add3A_98, %iota3A : vector<16xi32>
        %gather3A_100 = tpu.vector_load_idx %arg10[%broadcast_in_dim3A_55, %add3A_99] : memref<128x128xf32, #tpu.memory_space<vmem>>[vector<16xi32>, vector<16xi32>], vector<16xf32>,
        %gather3A_101 = tpu.vector_load_idx %arg12[%gather3A, %add3A_99] : memref<264x128xf32, #tpu.memory_space<vmem>>[vector<16xi32>, vector<16xi32>], vector<16xf32>,
        %max3A_102 = arith.maximumf %gather3A_101, %gather3A_100 : vector<16xf32>
        tpu.vector_store_idx %arg12[%gather3A, %add3A_99], %max3A_102 : memref<264x128xf32, #tpu.memory_space<vmem>>[vector<16xi32>, vector<16xi32>], vector<16xf32>,
      }
      %scan3A_53 = arith.constant 128 : i32
    } else {
    }
    %add3A_24 = arith.constant 64 : i32
    %add3A_25 = arith.addi %add3A, %add3A_24 : i32
    %lt3A_26 = arith.constant 79 : i32
    %lt3A_27 = arith.cmpi slt, %add3A_25, %lt3A_26 : i32
    %convert_element_type3A_28 = arith.extui %lt3A_27 : i1 to i32
    %cond3A_29 = arith.constant 0 : i32
    %cond3A_30 = arith.cmpi ne, %convert_element_type3A_28, %cond3A_29 : i32
    scf.if %cond3A_30 {
      "tpu.region"() ({
        %run_scoped3A_54 = tpu.sem_alloc : memref<!tpu.dma_semaphore, #tpu.memory_space<semaphore_mem>>
        %dma_start3A = arith.constant 2 : i32
        %dma_start3A_55 = arith.constant 0 : i32
        %dma_start3A_56 = tpu.memref_slice %arg11[%dma_start3A, %dma_start3A_55] : memref<3x128xi32, #tpu.memory_space<vmem>> -> memref<1x128xi32, #tpu.memory_space<vmem>>
        %dma_start3A_57 = arith.constant 0 : i32
        %dma_start3A_58 = arith.constant 0 : i32
        %dma_start3A_59 = tpu.memref_slice %arg3[%add3A_25, %dma_start3A_57, %dma_start3A_58] : memref<79x1x128xi32, #tpu.memory_space<hbm>> -> memref<1x1x128xi32, #tpu.memory_space<hbm>>
        %dma_start3A_60 = tpu.memref_squeeze %dma_start3A_59 : memref<1x1x128xi32, #tpu.memory_space<hbm>> -> memref<1x128xi32, #tpu.memory_space<hbm>>
        %dma_start3A_61 = arith.constant 2 : i32
        %dma_start3A_62 = arith.constant 0 : i32
        %dma_start3A_63 = tpu.memref_slice %arg11[%dma_start3A_61, %dma_start3A_62] : memref<3x128xi32, #tpu.memory_space<vmem>> -> memref<1x128xi32, #tpu.memory_space<vmem>>
        %dma_start3A_64 = arith.constant 0 : i32
        %dma_start3A_65 = arith.constant 0 : i32
        %dma_start3A_66 = tpu.memref_slice %arg3[%add3A_25, %dma_start3A_64, %dma_start3A_65] : memref<79x1x128xi32, #tpu.memory_space<hbm>> -> memref<1x1x128xi32, #tpu.memory_space<hbm>>
        %dma_start3A_67 = tpu.memref_squeeze %dma_start3A_66 : memref<1x1x128xi32, #tpu.memory_space<hbm>> -> memref<1x128xi32, #tpu.memory_space<hbm>>
        tpu.enqueue_dma source(%dma_start3A_67 : memref<1x128xi32, #tpu.memory_space<hbm>>) target(%dma_start3A_63 : memref<1x128xi32, #tpu.memory_space<vmem>>) target_semaphore(%run_scoped3A_54 : memref<!tpu.dma_semaphore, #tpu.memory_space<semaphore_mem>>)
        %dma_wait3A = arith.constant 2 : i32
        %dma_wait3A_68 = arith.constant 0 : i32
        %dma_wait3A_69 = tpu.memref_slice %arg11[%dma_wait3A, %dma_wait3A_68] : memref<3x128xi32, #tpu.memory_space<vmem>> -> memref<1x128xi32, #tpu.memory_space<vmem>>
        %dma_wait3A_70 = arith.constant 0 : i32
        %dma_wait3A_71 = arith.constant 0 : i32
        %dma_wait3A_72 = tpu.memref_slice %arg3[%add3A_25, %dma_wait3A_70, %dma_wait3A_71] : memref<79x1x128xi32, #tpu.memory_space<hbm>> -> memref<1x1x128xi32, #tpu.memory_space<hbm>>
        %dma_wait3A_73 = tpu.memref_squeeze %dma_wait3A_72 : memref<1x1x128xi32, #tpu.memory_space<hbm>> -> memref<1x128xi32, #tpu.memory_space<hbm>>
        %dma_wait3A_74 = arith.constant 2 : i32
        %dma_wait3A_75 = arith.constant 0 : i32
        %dma_wait3A_76 = tpu.memref_slice %arg11[%dma_wait3A_74, %dma_wait3A_75] : memref<3x128xi32, #tpu.memory_space<vmem>> -> memref<1x128xi32, #tpu.memory_space<vmem>>
        %dma_wait3A_77 = arith.constant 0 : i32
        %dma_wait3A_78 = arith.constant 0 : i32
        %dma_wait3A_79 = tpu.memref_slice %arg3[%add3A_25, %dma_wait3A_77, %dma_wait3A_78] : memref<79x1x128xi32, #tpu.memory_space<hbm>> -> memref<1x1x128xi32, #tpu.memory_space<hbm>>
        %dma_wait3A_80 = tpu.memref_squeeze %dma_wait3A_79 : memref<1x1x128xi32, #tpu.memory_space<hbm>> -> memref<1x128xi32, #tpu.memory_space<hbm>>
        tpu.wait_dma2 semaphore(%run_scoped3A_54 : memref<!tpu.dma_semaphore, #tpu.memory_space<semaphore_mem>>) src(%dma_wait3A_80 : memref<1x128xi32, #tpu.memory_space<hbm>>) dst(%dma_wait3A_76 : memref<1x128xi32, #tpu.memory_space<vmem>>)
        tpu.yield
      }) : () -> ()
      %mul3A_45 = arith.constant 128 : i32
      %mul3A_46 = arith.muli %add3A_25, %mul3A_45 : i32
      "tpu.region"() ({
        %run_scoped3A_54 = tpu.sem_alloc : memref<!tpu.dma_semaphore, #tpu.memory_space<semaphore_mem>>
        %dma_start3A = arith.constant 0 : i32
        %dma_start3A_55 = tpu.memref_slice %arg2[%mul3A_46, %dma_start3A] : memref<10112x128xf32, #tpu.memory_space<hbm>> -> memref<128x128xf32, #tpu.memory_space<hbm>>
        %dma_start3A_56 = arith.constant 0 : i32
        %dma_start3A_57 = tpu.memref_slice %arg2[%mul3A_46, %dma_start3A_56] : memref<10112x128xf32, #tpu.memory_space<hbm>> -> memref<128x128xf32, #tpu.memory_space<hbm>>
        tpu.enqueue_dma source(%dma_start3A_57 : memref<128x128xf32, #tpu.memory_space<hbm>>) target(%arg10 : memref<128x128xf32, #tpu.memory_space<vmem>>) target_semaphore(%run_scoped3A_54 : memref<!tpu.dma_semaphore, #tpu.memory_space<semaphore_mem>>)
        %dma_wait3A = arith.constant 0 : i32
        %dma_wait3A_58 = tpu.memref_slice %arg2[%mul3A_46, %dma_wait3A] : memref<10112x128xf32, #tpu.memory_space<hbm>> -> memref<128x128xf32, #tpu.memory_space<hbm>>
        %dma_wait3A_59 = arith.constant 0 : i32
        %dma_wait3A_60 = tpu.memref_slice %arg2[%mul3A_46, %dma_wait3A_59] : memref<10112x128xf32, #tpu.memory_space<hbm>> -> memref<128x128xf32, #tpu.memory_space<hbm>>
        tpu.wait_dma2 semaphore(%run_scoped3A_54 : memref<!tpu.dma_semaphore, #tpu.memory_space<semaphore_mem>>) src(%dma_wait3A_60 : memref<128x128xf32, #tpu.memory_space<hbm>>) dst(%arg10 : memref<128x128xf32, #tpu.memory_space<vmem>>)
        tpu.yield
      }) : () -> ()
      %run_scoped3A = arith.constant 2 : i32
      "tpu.region"() ({
        %run_scoped3A_54 = tpu.sem_alloc : memref<!tpu.dma_semaphore, #tpu.memory_space<semaphore_mem>>
        %dma_start3A = arith.constant 0 : i32
        %dma_start3A_55 = tpu.memref_slice %arg11[%run_scoped3A, %dma_start3A] : memref<3x128xi32, #tpu.memory_space<vmem>> -> memref<1x128xi32, #tpu.memory_space<vmem>>
        %dma_start3A_56 = tpu.memref_squeeze %dma_start3A_55 : memref<1x128xi32, #tpu.memory_space<vmem>> -> memref<128xi32, #tpu.memory_space<vmem>>
        %dma_start3A_57 = arith.constant 0 : i32
        %dma_start3A_58 = arith.constant 0 : i32
        %dma_start3A_59 = tpu.memref_slice %arg14[%dma_start3A_57, %dma_start3A_58] : memref<264x128xf32, #tpu.memory_space<vmem_shared>> -> memref<264x128xf32, #tpu.memory_space<vmem_shared>>
        tpu.enqueue_indirect_dma source(%arg10 : memref<128x128xf32, #tpu.memory_space<vmem>>) target(%dma_start3A_59 : memref<264x128xf32, #tpu.memory_space<vmem_shared>>) offsets(%dma_start3A_56 : memref<128xi32, #tpu.memory_space<vmem>>) semaphore(%run_scoped3A_54 : memref<!tpu.dma_semaphore, #tpu.memory_space<semaphore_mem>>) {add = true}
        %dma_wait3A = arith.constant 0 : i32
        %dma_wait3A_60 = tpu.memref_slice %arg11[%run_scoped3A, %dma_wait3A] : memref<3x128xi32, #tpu.memory_space<vmem>> -> memref<1x128xi32, #tpu.memory_space<vmem>>
        %dma_wait3A_61 = tpu.memref_squeeze %dma_wait3A_60 : memref<1x128xi32, #tpu.memory_space<vmem>> -> memref<128xi32, #tpu.memory_space<vmem>>
        %dma_wait3A_62 = arith.constant 0 : i32
        %dma_wait3A_63 = arith.constant 0 : i32
        %dma_wait3A_64 = tpu.memref_slice %arg14[%dma_wait3A_62, %dma_wait3A_63] : memref<264x128xf32, #tpu.memory_space<vmem_shared>> -> memref<264x128xf32, #tpu.memory_space<vmem_shared>>
        tpu.wait_indirect_dma semaphore(%run_scoped3A_54 : memref<!tpu.dma_semaphore, #tpu.memory_space<semaphore_mem>>) src(%arg10 : memref<128x128xf32, #tpu.memory_space<vmem>>) dst(%dma_wait3A_64 : memref<264x128xf32, #tpu.memory_space<vmem_shared>>)
        tpu.yield
      }) : () -> ()
      %run_scoped3A_47 = arith.constant 2 : i32
      "tpu.region"() ({
        %run_scoped3A_54 = tpu.sem_alloc : memref<!tpu.dma_semaphore, #tpu.memory_space<semaphore_mem>>
        %dma_start3A = arith.constant 0 : i32
        %dma_start3A_55 = tpu.memref_slice %arg11[%run_scoped3A_47, %dma_start3A] : memref<3x128xi32, #tpu.memory_space<vmem>> -> memref<1x128xi32, #tpu.memory_space<vmem>>
        %dma_start3A_56 = tpu.memref_squeeze %dma_start3A_55 : memref<1x128xi32, #tpu.memory_space<vmem>> -> memref<128xi32, #tpu.memory_space<vmem>>
        %dma_start3A_57 = arith.constant 0 : i32
        %dma_start3A_58 = arith.constant 0 : i32
        %dma_start3A_59 = tpu.memref_slice %arg15[%dma_start3A_57, %dma_start3A_58] : memref<264x128xf32, #tpu.memory_space<vmem_shared>> -> memref<264x128xf32, #tpu.memory_space<vmem_shared>>
        tpu.enqueue_indirect_dma source(%arg13 : memref<128x128xf32, #tpu.memory_space<vmem>>) target(%dma_start3A_59 : memref<264x128xf32, #tpu.memory_space<vmem_shared>>) offsets(%dma_start3A_56 : memref<128xi32, #tpu.memory_space<vmem>>) semaphore(%run_scoped3A_54 : memref<!tpu.dma_semaphore, #tpu.memory_space<semaphore_mem>>) {add = true}
        %dma_wait3A = arith.constant 0 : i32
        %dma_wait3A_60 = tpu.memref_slice %arg11[%run_scoped3A_47, %dma_wait3A] : memref<3x128xi32, #tpu.memory_space<vmem>> -> memref<1x128xi32, #tpu.memory_space<vmem>>
        %dma_wait3A_61 = tpu.memref_squeeze %dma_wait3A_60 : memref<1x128xi32, #tpu.memory_space<vmem>> -> memref<128xi32, #tpu.memory_space<vmem>>
        %dma_wait3A_62 = arith.constant 0 : i32
        %dma_wait3A_63 = arith.constant 0 : i32
        %dma_wait3A_64 = tpu.memref_slice %arg15[%dma_wait3A_62, %dma_wait3A_63] : memref<264x128xf32, #tpu.memory_space<vmem_shared>> -> memref<264x128xf32, #tpu.memory_space<vmem_shared>>
        tpu.wait_indirect_dma semaphore(%run_scoped3A_54 : memref<!tpu.dma_semaphore, #tpu.memory_space<semaphore_mem>>) src(%arg13 : memref<128x128xf32, #tpu.memory_space<vmem>>) dst(%dma_wait3A_64 : memref<264x128xf32, #tpu.memory_space<vmem_shared>>)
        tpu.yield
      }) : () -> ()
      %broadcast_in_dim3A = arith.constant 2 : i32
      %broadcast_in_dim3A_48 = vector.broadcast %broadcast_in_dim3A : i32 to vector<16xi32>
      %scan3A = arith.constant 0 : i32
      %scan3A_49 = arith.constant 0 : i32
      %scan3A_50 = arith.constant 128 : i32
      %scan3A_51 = arith.addi %scan3A_49, %scan3A_50 : i32
      %scan3A_52 = arith.constant 1 : i32
      scf.for %scan3A_54 = %scan3A_49 to %scan3A_51 step %scan3A_52  : i32 {
        %broadcast_in_dim3A_55 = vector.broadcast %scan3A_54 : i32 to vector<16xi32>
        %gather3A = tpu.vector_load_idx %arg11[%broadcast_in_dim3A_48, %broadcast_in_dim3A_55] : memref<3x128xi32, #tpu.memory_space<vmem>>[vector<16xi32>, vector<16xi32>], vector<16xi32>,
        %add3A_56 = arith.constant 0 : i32
        %add3A_57 = vector.broadcast %add3A_56 : i32 to vector<16xi32>
        %add3A_58 = arith.addi %add3A_57, %iota3A : vector<16xi32>
        %gather3A_59 = tpu.vector_load_idx %arg10[%broadcast_in_dim3A_55, %add3A_58] : memref<128x128xf32, #tpu.memory_space<vmem>>[vector<16xi32>, vector<16xi32>], vector<16xf32>,
        %gather3A_60 = tpu.vector_load_idx %arg12[%gather3A, %add3A_58] : memref<264x128xf32, #tpu.memory_space<vmem>>[vector<16xi32>, vector<16xi32>], vector<16xf32>,
        %max3A = arith.maximumf %gather3A_60, %gather3A_59 : vector<16xf32>
        tpu.vector_store_idx %arg12[%gather3A, %add3A_58], %max3A : memref<264x128xf32, #tpu.memory_space<vmem>>[vector<16xi32>, vector<16xi32>], vector<16xf32>,
        %add3A_61 = arith.constant 16 : i32
        %add3A_62 = vector.broadcast %add3A_61 : i32 to vector<16xi32>
        %add3A_63 = arith.addi %add3A_62, %iota3A : vector<16xi32>
        %gather3A_64 = tpu.vector_load_idx %arg10[%broadcast_in_dim3A_55, %add3A_63] : memref<128x128xf32, #tpu.memory_space<vmem>>[vector<16xi32>, vector<16xi32>], vector<16xf32>,
        %gather3A_65 = tpu.vector_load_idx %arg12[%gather3A, %add3A_63] : memref<264x128xf32, #tpu.memory_space<vmem>>[vector<16xi32>, vector<16xi32>], vector<16xf32>,
        %max3A_66 = arith.maximumf %gather3A_65, %gather3A_64 : vector<16xf32>
        tpu.vector_store_idx %arg12[%gather3A, %add3A_63], %max3A_66 : memref<264x128xf32, #tpu.memory_space<vmem>>[vector<16xi32>, vector<16xi32>], vector<16xf32>,
        %add3A_67 = arith.constant 32 : i32
        %add3A_68 = vector.broadcast %add3A_67 : i32 to vector<16xi32>
        %add3A_69 = arith.addi %add3A_68, %iota3A : vector<16xi32>
        %gather3A_70 = tpu.vector_load_idx %arg10[%broadcast_in_dim3A_55, %add3A_69] : memref<128x128xf32, #tpu.memory_space<vmem>>[vector<16xi32>, vector<16xi32>], vector<16xf32>,
        %gather3A_71 = tpu.vector_load_idx %arg12[%gather3A, %add3A_69] : memref<264x128xf32, #tpu.memory_space<vmem>>[vector<16xi32>, vector<16xi32>], vector<16xf32>,
        %max3A_72 = arith.maximumf %gather3A_71, %gather3A_70 : vector<16xf32>
        tpu.vector_store_idx %arg12[%gather3A, %add3A_69], %max3A_72 : memref<264x128xf32, #tpu.memory_space<vmem>>[vector<16xi32>, vector<16xi32>], vector<16xf32>,
        %add3A_73 = arith.constant 48 : i32
        %add3A_74 = vector.broadcast %add3A_73 : i32 to vector<16xi32>
        %add3A_75 = arith.addi %add3A_74, %iota3A : vector<16xi32>
        %gather3A_76 = tpu.vector_load_idx %arg10[%broadcast_in_dim3A_55, %add3A_75] : memref<128x128xf32, #tpu.memory_space<vmem>>[vector<16xi32>, vector<16xi32>], vector<16xf32>,
        %gather3A_77 = tpu.vector_load_idx %arg12[%gather3A, %add3A_75] : memref<264x128xf32, #tpu.memory_space<vmem>>[vector<16xi32>, vector<16xi32>], vector<16xf32>,
        %max3A_78 = arith.maximumf %gather3A_77, %gather3A_76 : vector<16xf32>
        tpu.vector_store_idx %arg12[%gather3A, %add3A_75], %max3A_78 : memref<264x128xf32, #tpu.memory_space<vmem>>[vector<16xi32>, vector<16xi32>], vector<16xf32>,
        %add3A_79 = arith.constant 64 : i32
        %add3A_80 = vector.broadcast %add3A_79 : i32 to vector<16xi32>
        %add3A_81 = arith.addi %add3A_80, %iota3A : vector<16xi32>
        %gather3A_82 = tpu.vector_load_idx %arg10[%broadcast_in_dim3A_55, %add3A_81] : memref<128x128xf32, #tpu.memory_space<vmem>>[vector<16xi32>, vector<16xi32>], vector<16xf32>,
        %gather3A_83 = tpu.vector_load_idx %arg12[%gather3A, %add3A_81] : memref<264x128xf32, #tpu.memory_space<vmem>>[vector<16xi32>, vector<16xi32>], vector<16xf32>,
        %max3A_84 = arith.maximumf %gather3A_83, %gather3A_82 : vector<16xf32>
        tpu.vector_store_idx %arg12[%gather3A, %add3A_81], %max3A_84 : memref<264x128xf32, #tpu.memory_space<vmem>>[vector<16xi32>, vector<16xi32>], vector<16xf32>,
        %add3A_85 = arith.constant 80 : i32
        %add3A_86 = vector.broadcast %add3A_85 : i32 to vector<16xi32>
        %add3A_87 = arith.addi %add3A_86, %iota3A : vector<16xi32>
        %gather3A_88 = tpu.vector_load_idx %arg10[%broadcast_in_dim3A_55, %add3A_87] : memref<128x128xf32, #tpu.memory_space<vmem>>[vector<16xi32>, vector<16xi32>], vector<16xf32>,
        %gather3A_89 = tpu.vector_load_idx %arg12[%gather3A, %add3A_87] : memref<264x128xf32, #tpu.memory_space<vmem>>[vector<16xi32>, vector<16xi32>], vector<16xf32>,
        %max3A_90 = arith.maximumf %gather3A_89, %gather3A_88 : vector<16xf32>
        tpu.vector_store_idx %arg12[%gather3A, %add3A_87], %max3A_90 : memref<264x128xf32, #tpu.memory_space<vmem>>[vector<16xi32>, vector<16xi32>], vector<16xf32>,
        %add3A_91 = arith.constant 96 : i32
        %add3A_92 = vector.broadcast %add3A_91 : i32 to vector<16xi32>
        %add3A_93 = arith.addi %add3A_92, %iota3A : vector<16xi32>
        %gather3A_94 = tpu.vector_load_idx %arg10[%broadcast_in_dim3A_55, %add3A_93] : memref<128x128xf32, #tpu.memory_space<vmem>>[vector<16xi32>, vector<16xi32>], vector<16xf32>,
        %gather3A_95 = tpu.vector_load_idx %arg12[%gather3A, %add3A_93] : memref<264x128xf32, #tpu.memory_space<vmem>>[vector<16xi32>, vector<16xi32>], vector<16xf32>,
        %max3A_96 = arith.maximumf %gather3A_95, %gather3A_94 : vector<16xf32>
        tpu.vector_store_idx %arg12[%gather3A, %add3A_93], %max3A_96 : memref<264x128xf32, #tpu.memory_space<vmem>>[vector<16xi32>, vector<16xi32>], vector<16xf32>,
        %add3A_97 = arith.constant 112 : i32
        %add3A_98 = vector.broadcast %add3A_97 : i32 to vector<16xi32>
        %add3A_99 = arith.addi %add3A_98, %iota3A : vector<16xi32>
        %gather3A_100 = tpu.vector_load_idx %arg10[%broadcast_in_dim3A_55, %add3A_99] : memref<128x128xf32, #tpu.memory_space<vmem>>[vector<16xi32>, vector<16xi32>], vector<16xf32>,
        %gather3A_101 = tpu.vector_load_idx %arg12[%gather3A, %add3A_99] : memref<264x128xf32, #tpu.memory_space<vmem>>[vector<16xi32>, vector<16xi32>], vector<16xf32>,
        %max3A_102 = arith.maximumf %gather3A_101, %gather3A_100 : vector<16xf32>
        tpu.vector_store_idx %arg12[%gather3A, %add3A_99], %max3A_102 : memref<264x128xf32, #tpu.memory_space<vmem>>[vector<16xi32>, vector<16xi32>], vector<16xf32>,
      }
      %scan3A_53 = arith.constant 128 : i32
    } else {
    }
    %barrier3A_31 = arith.constant 0 : index
    tpu.barrier barrier_id(%barrier3A_31)
    "tpu.region"() ({
      %run_scoped3A = tpu.sem_alloc : memref<!tpu.dma_semaphore, #tpu.memory_space<semaphore_mem>>
      %dma_start3A = arith.constant 0 : i32
      %dma_start3A_45 = arith.constant 0 : i32
      %dma_start3A_46 = tpu.memref_slice %arg9[%add3A, %dma_start3A, %dma_start3A_45] : memref<32x264x128xf32, #tpu.memory_space<hbm>> -> memref<1x264x128xf32, #tpu.memory_space<hbm>>
      %dma_start3A_47 = tpu.memref_squeeze %dma_start3A_46 : memref<1x264x128xf32, #tpu.memory_space<hbm>> -> memref<264x128xf32, #tpu.memory_space<hbm>>
      %dma_start3A_48 = arith.constant 0 : i32
      %dma_start3A_49 = arith.constant 0 : i32
      %dma_start3A_50 = tpu.memref_slice %arg9[%add3A, %dma_start3A_48, %dma_start3A_49] : memref<32x264x128xf32, #tpu.memory_space<hbm>> -> memref<1x264x128xf32, #tpu.memory_space<hbm>>
      %dma_start3A_51 = tpu.memref_squeeze %dma_start3A_50 : memref<1x264x128xf32, #tpu.memory_space<hbm>> -> memref<264x128xf32, #tpu.memory_space<hbm>>
      tpu.enqueue_dma source(%arg12 : memref<264x128xf32, #tpu.memory_space<vmem>>) target(%dma_start3A_51 : memref<264x128xf32, #tpu.memory_space<hbm>>) target_semaphore(%run_scoped3A : memref<!tpu.dma_semaphore, #tpu.memory_space<semaphore_mem>>)
      %dma_wait3A = arith.constant 0 : i32
      %dma_wait3A_52 = arith.constant 0 : i32
      %dma_wait3A_53 = tpu.memref_slice %arg9[%add3A, %dma_wait3A, %dma_wait3A_52] : memref<32x264x128xf32, #tpu.memory_space<hbm>> -> memref<1x264x128xf32, #tpu.memory_space<hbm>>
      %dma_wait3A_54 = tpu.memref_squeeze %dma_wait3A_53 : memref<1x264x128xf32, #tpu.memory_space<hbm>> -> memref<264x128xf32, #tpu.memory_space<hbm>>
      %dma_wait3A_55 = arith.constant 0 : i32
      %dma_wait3A_56 = arith.constant 0 : i32
      %dma_wait3A_57 = tpu.memref_slice %arg9[%add3A, %dma_wait3A_55, %dma_wait3A_56] : memref<32x264x128xf32, #tpu.memory_space<hbm>> -> memref<1x264x128xf32, #tpu.memory_space<hbm>>
      %dma_wait3A_58 = tpu.memref_squeeze %dma_wait3A_57 : memref<1x264x128xf32, #tpu.memory_space<hbm>> -> memref<264x128xf32, #tpu.memory_space<hbm>>
      tpu.wait_dma2 semaphore(%run_scoped3A : memref<!tpu.dma_semaphore, #tpu.memory_space<semaphore_mem>>) src(%arg12 : memref<264x128xf32, #tpu.memory_space<vmem>>) dst(%dma_wait3A_58 : memref<264x128xf32, #tpu.memory_space<hbm>>)
      tpu.yield
    }) : () -> ()
    %mul3A_32 = arith.constant 16 : i32
    %mul3A_33 = arith.muli %arg1, %mul3A_32 : i32
    %mul3A_34 = arith.constant 16 : i32
    %mul3A_35 = arith.muli %arg1, %mul3A_34 : i32
    "tpu.region"() ({
      %run_scoped3A = tpu.sem_alloc : memref<!tpu.dma_semaphore, #tpu.memory_space<semaphore_mem>>
      %dma_start3A = arith.constant 0 : i32
      %dma_start3A_45 = tpu.memref_slice %arg7[%arg0, %mul3A_35, %dma_start3A] : memref<2x264x128xf32, #tpu.memory_space<hbm>> -> memref<1x16x128xf32, #tpu.memory_space<hbm>>
      %dma_start3A_46 = tpu.memref_squeeze %dma_start3A_45 : memref<1x16x128xf32, #tpu.memory_space<hbm>> -> memref<16x128xf32, #tpu.memory_space<hbm>>
      %dma_start3A_47 = arith.constant 0 : i32
      %dma_start3A_48 = tpu.memref_slice %arg14[%mul3A_33, %dma_start3A_47] : memref<264x128xf32, #tpu.memory_space<vmem_shared>> -> memref<16x128xf32, #tpu.memory_space<vmem_shared>>
      tpu.enqueue_dma source(%dma_start3A_48 : memref<16x128xf32, #tpu.memory_space<vmem_shared>>) target(%dma_start3A_46 : memref<16x128xf32, #tpu.memory_space<hbm>>) target_semaphore(%run_scoped3A : memref<!tpu.dma_semaphore, #tpu.memory_space<semaphore_mem>>)
      %dma_wait3A = arith.constant 0 : i32
      %dma_wait3A_49 = tpu.memref_slice %arg7[%arg0, %mul3A_35, %dma_wait3A] : memref<2x264x128xf32, #tpu.memory_space<hbm>> -> memref<1x16x128xf32, #tpu.memory_space<hbm>>
      %dma_wait3A_50 = tpu.memref_squeeze %dma_wait3A_49 : memref<1x16x128xf32, #tpu.memory_space<hbm>> -> memref<16x128xf32, #tpu.memory_space<hbm>>
      %dma_wait3A_51 = arith.constant 0 : i32
      %dma_wait3A_52 = tpu.memref_slice %arg14[%mul3A_33, %dma_wait3A_51] : memref<264x128xf32, #tpu.memory_space<vmem_shared>> -> memref<16x128xf32, #tpu.memory_space<vmem_shared>>
      tpu.wait_dma2 semaphore(%run_scoped3A : memref<!tpu.dma_semaphore, #tpu.memory_space<semaphore_mem>>) src(%dma_wait3A_52 : memref<16x128xf32, #tpu.memory_space<vmem_shared>>) dst(%dma_wait3A_50 : memref<16x128xf32, #tpu.memory_space<hbm>>)
      tpu.yield
    }) : () -> ()
    %mul3A_36 = arith.constant 16 : i32
    %mul3A_37 = arith.muli %arg1, %mul3A_36 : i32
    %mul3A_38 = arith.constant 16 : i32
    %mul3A_39 = arith.muli %arg1, %mul3A_38 : i32
    "tpu.region"() ({
      %run_scoped3A = tpu.sem_alloc : memref<!tpu.dma_semaphore, #tpu.memory_space<semaphore_mem>>
      %dma_start3A = arith.constant 0 : i32
      %dma_start3A_45 = tpu.memref_slice %arg8[%arg0, %mul3A_39, %dma_start3A] : memref<2x264x128xf32, #tpu.memory_space<hbm>> -> memref<1x16x128xf32, #tpu.memory_space<hbm>>
      %dma_start3A_46 = tpu.memref_squeeze %dma_start3A_45 : memref<1x16x128xf32, #tpu.memory_space<hbm>> -> memref<16x128xf32, #tpu.memory_space<hbm>>
      %dma_start3A_47 = arith.constant 0 : i32
      %dma_start3A_48 = tpu.memref_slice %arg15[%mul3A_37, %dma_start3A_47] : memref<264x128xf32, #tpu.memory_space<vmem_shared>> -> memref<16x128xf32, #tpu.memory_space<vmem_shared>>
      tpu.enqueue_dma source(%dma_start3A_48 : memref<16x128xf32, #tpu.memory_space<vmem_shared>>) target(%dma_start3A_46 : memref<16x128xf32, #tpu.memory_space<hbm>>) target_semaphore(%run_scoped3A : memref<!tpu.dma_semaphore, #tpu.memory_space<semaphore_mem>>)
      %dma_wait3A = arith.constant 0 : i32
      %dma_wait3A_49 = tpu.memref_slice %arg8[%arg0, %mul3A_39, %dma_wait3A] : memref<2x264x128xf32, #tpu.memory_space<hbm>> -> memref<1x16x128xf32, #tpu.memory_space<hbm>>
      %dma_wait3A_50 = tpu.memref_squeeze %dma_wait3A_49 : memref<1x16x128xf32, #tpu.memory_space<hbm>> -> memref<16x128xf32, #tpu.memory_space<hbm>>
      %dma_wait3A_51 = arith.constant 0 : i32
      %dma_wait3A_52 = tpu.memref_slice %arg15[%mul3A_37, %dma_wait3A_51] : memref<264x128xf32, #tpu.memory_space<vmem_shared>> -> memref<16x128xf32, #tpu.memory_space<vmem_shared>>
      tpu.wait_dma2 semaphore(%run_scoped3A : memref<!tpu.dma_semaphore, #tpu.memory_space<semaphore_mem>>) src(%dma_wait3A_52 : memref<16x128xf32, #tpu.memory_space<vmem_shared>>) dst(%dma_wait3A_50 : memref<16x128xf32, #tpu.memory_space<hbm>>)
      tpu.yield
    }) : () -> ()
    %eq3A_40 = arith.constant 0 : i32
    %eq3A_41 = arith.cmpi eq, %arg1, %eq3A_40 : i32
    %convert_element_type3A_42 = arith.extui %eq3A_41 : i1 to i32
    %cond3A_43 = arith.constant 0 : i32
    %cond3A_44 = arith.cmpi ne, %convert_element_type3A_42, %cond3A_43 : i32
    scf.if %cond3A_44 {
      "tpu.region"() ({
        %run_scoped3A = tpu.sem_alloc : memref<!tpu.dma_semaphore, #tpu.memory_space<semaphore_mem>>
        %dma_start3A = arith.constant 256 : i32
        %dma_start3A_45 = arith.constant 0 : i32
        %dma_start3A_46 = tpu.memref_slice %arg7[%arg0, %dma_start3A, %dma_start3A_45] : memref<2x264x128xf32, #tpu.memory_space<hbm>> -> memref<1x8x128xf32, #tpu.memory_space<hbm>>
        %dma_start3A_47 = tpu.memref_squeeze %dma_start3A_46 : memref<1x8x128xf32, #tpu.memory_space<hbm>> -> memref<8x128xf32, #tpu.memory_space<hbm>>
        %dma_start3A_48 = arith.constant 256 : i32
        %dma_start3A_49 = arith.constant 0 : i32
        %dma_start3A_50 = tpu.memref_slice %arg14[%dma_start3A_48, %dma_start3A_49] : memref<264x128xf32, #tpu.memory_space<vmem_shared>> -> memref<8x128xf32, #tpu.memory_space<vmem_shared>>
        tpu.enqueue_dma source(%dma_start3A_50 : memref<8x128xf32, #tpu.memory_space<vmem_shared>>) target(%dma_start3A_47 : memref<8x128xf32, #tpu.memory_space<hbm>>) target_semaphore(%run_scoped3A : memref<!tpu.dma_semaphore, #tpu.memory_space<semaphore_mem>>)
        %dma_wait3A = arith.constant 256 : i32
        %dma_wait3A_51 = arith.constant 0 : i32
        %dma_wait3A_52 = tpu.memref_slice %arg7[%arg0, %dma_wait3A, %dma_wait3A_51] : memref<2x264x128xf32, #tpu.memory_space<hbm>> -> memref<1x8x128xf32, #tpu.memory_space<hbm>>
        %dma_wait3A_53 = tpu.memref_squeeze %dma_wait3A_52 : memref<1x8x128xf32, #tpu.memory_space<hbm>> -> memref<8x128xf32, #tpu.memory_space<hbm>>
        %dma_wait3A_54 = arith.constant 256 : i32
        %dma_wait3A_55 = arith.constant 0 : i32
        %dma_wait3A_56 = tpu.memref_slice %arg14[%dma_wait3A_54, %dma_wait3A_55] : memref<264x128xf32, #tpu.memory_space<vmem_shared>> -> memref<8x128xf32, #tpu.memory_space<vmem_shared>>
        tpu.wait_dma2 semaphore(%run_scoped3A : memref<!tpu.dma_semaphore, #tpu.memory_space<semaphore_mem>>) src(%dma_wait3A_56 : memref<8x128xf32, #tpu.memory_space<vmem_shared>>) dst(%dma_wait3A_53 : memref<8x128xf32, #tpu.memory_space<hbm>>)
        tpu.yield
      }) : () -> ()
      "tpu.region"() ({
        %run_scoped3A = tpu.sem_alloc : memref<!tpu.dma_semaphore, #tpu.memory_space<semaphore_mem>>
        %dma_start3A = arith.constant 256 : i32
        %dma_start3A_45 = arith.constant 0 : i32
        %dma_start3A_46 = tpu.memref_slice %arg8[%arg0, %dma_start3A, %dma_start3A_45] : memref<2x264x128xf32, #tpu.memory_space<hbm>> -> memref<1x8x128xf32, #tpu.memory_space<hbm>>
        %dma_start3A_47 = tpu.memref_squeeze %dma_start3A_46 : memref<1x8x128xf32, #tpu.memory_space<hbm>> -> memref<8x128xf32, #tpu.memory_space<hbm>>
        %dma_start3A_48 = arith.constant 256 : i32
        %dma_start3A_49 = arith.constant 0 : i32
        %dma_start3A_50 = tpu.memref_slice %arg15[%dma_start3A_48, %dma_start3A_49] : memref<264x128xf32, #tpu.memory_space<vmem_shared>> -> memref<8x128xf32, #tpu.memory_space<vmem_shared>>
        tpu.enqueue_dma source(%dma_start3A_50 : memref<8x128xf32, #tpu.memory_space<vmem_shared>>) target(%dma_start3A_47 : memref<8x128xf32, #tpu.memory_space<hbm>>) target_semaphore(%run_scoped3A : memref<!tpu.dma_semaphore, #tpu.memory_space<semaphore_mem>>)
        %dma_wait3A = arith.constant 256 : i32
        %dma_wait3A_51 = arith.constant 0 : i32
        %dma_wait3A_52 = tpu.memref_slice %arg8[%arg0, %dma_wait3A, %dma_wait3A_51] : memref<2x264x128xf32, #tpu.memory_space<hbm>> -> memref<1x8x128xf32, #tpu.memory_space<hbm>>
        %dma_wait3A_53 = tpu.memref_squeeze %dma_wait3A_52 : memref<1x8x128xf32, #tpu.memory_space<hbm>> -> memref<8x128xf32, #tpu.memory_space<hbm>>
        %dma_wait3A_54 = arith.constant 256 : i32
        %dma_wait3A_55 = arith.constant 0 : i32
        %dma_wait3A_56 = tpu.memref_slice %arg15[%dma_wait3A_54, %dma_wait3A_55] : memref<264x128xf32, #tpu.memory_space<vmem_shared>> -> memref<8x128xf32, #tpu.memory_space<vmem_shared>>
        tpu.wait_dma2 semaphore(%run_scoped3A : memref<!tpu.dma_semaphore, #tpu.memory_space<semaphore_mem>>) src(%dma_wait3A_56 : memref<8x128xf32, #tpu.memory_space<vmem_shared>>) dst(%dma_wait3A_53 : memref<8x128xf32, #tpu.memory_space<hbm>>)
        tpu.yield
      }) : () -> ()
    } else {
    }
    return
  }
}

module attributes {stable_mosaic.version = 14 : i64} {
  func.func @pass1(%arg0: i32, %arg1: memref<2x1264x128xf32, #tpu.memory_space<vmem>>, %arg2: memref<1264x128xf32, #tpu.memory_space<vmem>>, %arg3: memref<128x128xf32, #tpu.memory_space<vmem>>, %arg4: memref<128x128xf32, #tpu.memory_space<vmem>>, %arg5: memref<1x128xf32, #tpu.memory_space<vmem>>, %arg6: memref<1264x128xf32, #tpu.memory_space<vmem>>, %arg7: memref<8x128xf32, #tpu.memory_space<vmem>>) attributes {dimension_semantics = [#tpu.dimension_semantics<arbitrary>], iteration_bounds = array<i64: 8>, scalar_prefetch = 0 : i64, scratch_operands = 0 : i64, tpu.core_type = #tpu.core_type<tc>, window_params = [{transform_indices = @transform_0, window_bounds = array<i64: 2, 1264, 128>}, {transform_indices = @transform_1, window_bounds = array<i64: 1264, 128>}, {pipeline_mode = #tpu.pipeline_mode<synchronous>, transform_indices = @transform_2, window_bounds = array<i64: 128, 128>}, {pipeline_mode = #tpu.pipeline_mode<synchronous>, transform_indices = @transform_3, window_bounds = array<i64: 128, 128>}, {pipeline_mode = #tpu.pipeline_mode<synchronous>, transform_indices = @transform_4, window_bounds = array<i64: 1, 128>}, {transform_indices = @transform_5, window_bounds = array<i64: 1264, 128>}, {pipeline_mode = #tpu.pipeline_mode<synchronous>, transform_indices = @transform_6, window_bounds = array<i64: 8, 128>}]} {
    %get3A = arith.constant 0 : index
    %get3A_0 = arith.constant 0 : index
    %get3A_1 = arith.constant 0 : index
    %get3A_2 = vector.load %arg1[%get3A, %get3A_0, %get3A_1] : memref<2x1264x128xf32, #tpu.memory_space<vmem>>, vector<1x1264x128xf32>
    %get3A_3 = vector.shape_cast %get3A_2 : vector<1x1264x128xf32> to vector<1264x128xf32>
    %get3A_4 = arith.constant 1 : index
    %get3A_5 = arith.constant 0 : index
    %get3A_6 = arith.constant 0 : index
    %get3A_7 = vector.load %arg1[%get3A_4, %get3A_5, %get3A_6] : memref<2x1264x128xf32, #tpu.memory_space<vmem>>, vector<1x1264x128xf32>
    %get3A_8 = vector.shape_cast %get3A_7 : vector<1x1264x128xf32> to vector<1264x128xf32>
    %add3A = arith.addf %get3A_3, %get3A_8 : vector<1264x128xf32>
    %convert_element_type3A = arith.truncf %add3A : vector<1264x128xf32> to vector<1264x128xbf16>
    %get3A_9 = arith.constant 0 : index
    %get3A_10 = arith.constant 0 : index
    %get3A_11 = vector.load %arg3[%get3A_9, %get3A_10] : memref<128x128xf32, #tpu.memory_space<vmem>>, vector<128x128xf32>
    %convert_element_type3A_12 = arith.truncf %get3A_11 : vector<128x128xf32> to vector<128x128xbf16>
    %dot_general3A = arith.constant dense<0.000000e+00> : vector<1264x128xf32>
    %dot_general3A_13 = tpu.matmul %convert_element_type3A, %convert_element_type3A_12, %dot_general3A {dimension_numbers = #tpu.dot_dimension_numbers<[1], [0], [0], [1], [0, 0, 1, 1], [], []>, transpose_lhs_hint = false} : vector<1264x128xbf16>, vector<128x128xbf16>, vector<1264x128xf32> -> vector<1264x128xf32>
    %get3A_14 = arith.constant 0 : index
    %get3A_15 = arith.constant 0 : index
    %get3A_16 = vector.load %arg5[%get3A_14, %get3A_15] : memref<1x128xf32, #tpu.memory_space<vmem>>, vector<1x128xf32>
    %add3A_17 = vector.broadcast %get3A_16 : vector<1x128xf32> to vector<1264x128xf32>
    %add3A_18 = arith.addf %dot_general3A_13, %add3A_17 : vector<1264x128xf32>
    %get3A_19 = arith.constant 0 : index
    %get3A_20 = arith.constant 0 : index
    %get3A_21 = vector.load %arg2[%get3A_19, %get3A_20] : memref<1264x128xf32, #tpu.memory_space<vmem>>, vector<1264x128xf32>
    %convert_element_type3A_22 = arith.truncf %get3A_21 : vector<1264x128xf32> to vector<1264x128xbf16>
    %get3A_23 = arith.constant 0 : index
    %get3A_24 = arith.constant 0 : index
    %get3A_25 = vector.load %arg4[%get3A_23, %get3A_24] : memref<128x128xf32, #tpu.memory_space<vmem>>, vector<128x128xf32>
    %convert_element_type3A_26 = arith.truncf %get3A_25 : vector<128x128xf32> to vector<128x128xbf16>
    %dot_general3A_27 = arith.constant dense<0.000000e+00> : vector<1264x128xf32>
    %dot_general3A_28 = tpu.matmul %convert_element_type3A_22, %convert_element_type3A_26, %dot_general3A_27 {dimension_numbers = #tpu.dot_dimension_numbers<[1], [0], [0], [1], [0, 0, 1, 1], [], []>, transpose_lhs_hint = false} : vector<1264x128xbf16>, vector<128x128xbf16>, vector<1264x128xf32> -> vector<1264x128xf32>
    %add3A_29 = arith.addf %add3A_18, %dot_general3A_28 : vector<1264x128xf32>
    %swap3A = arith.constant 0 : index
    %swap3A_30 = arith.constant 0 : index
    %swap3A_31 = vector.load %arg6[%swap3A, %swap3A_30] : memref<1264x128xf32, #tpu.memory_space<vmem>>, vector<1264x128xf32>
    tpu.vector_store %arg6[%swap3A, %swap3A_30], %add3A_29 {strides = array<i32>} : memref<1264x128xf32, #tpu.memory_space<vmem>>, vector<1264x128xf32>,
    %mul3A = arith.constant 1264 : i32
    %mul3A_32 = arith.muli %arg0, %mul3A : i32
    %iota3A = tpu.iota {dimensions = array<i32: 0>} : vector<1264x1xi32>
    %add3A_33 = vector.broadcast %mul3A_32 : i32 to vector<1264x1xi32>
    %add3A_34 = arith.addi %add3A_33, %iota3A : vector<1264x1xi32>
    %lt3A = arith.constant 10000 : i32
    %lt3A_35 = vector.broadcast %lt3A : i32 to vector<1264x1xi32>
    %lt3A_36 = arith.cmpi slt, %add3A_34, %lt3A_35 : vector<1264x1xi32>
    %jit3A = arith.constant 0.000000e+00 : f32
    %broadcast_in_dim3A = vector.shape_cast %lt3A_36 : vector<1264x1xi1> to vector<1264x1xi1>
    %broadcast_in_dim3A_37 = vector.broadcast %broadcast_in_dim3A : vector<1264x1xi1> to vector<1264x128xi1>
    %broadcast_in_dim3A_38 = vector.broadcast %jit3A : f32 to vector<1264x128xf32>
    %select_n3A = arith.select %broadcast_in_dim3A_37, %add3A_29, %broadcast_in_dim3A_38 : vector<1264x128xi1>, vector<1264x128xf32>
    %reduce_sum3A = arith.constant dense<0.000000e+00> : vector<128xf32>
    %reduce_sum3A_39 = vector.multi_reduction <add>, %select_n3A, %reduce_sum3A [0] : vector<1264x128xf32> to vector<128xf32>
    %broadcast_in_dim3A_40 = vector.shape_cast %reduce_sum3A_39 : vector<128xf32> to vector<1x128xf32>
    %mul3A_41 = arith.mulf %select_n3A, %select_n3A : vector<1264x128xf32>
    %reduce_sum3A_42 = arith.constant dense<0.000000e+00> : vector<128xf32>
    %reduce_sum3A_43 = vector.multi_reduction <add>, %mul3A_41, %reduce_sum3A_42 [0] : vector<1264x128xf32> to vector<128xf32>
    %broadcast_in_dim3A_44 = vector.shape_cast %reduce_sum3A_43 : vector<128xf32> to vector<1x128xf32>
    %eq3A = arith.constant 0 : i32
    %eq3A_45 = arith.cmpi eq, %arg0, %eq3A : i32
    %convert_element_type3A_46 = arith.extui %eq3A_45 : i1 to i32
    %cond3A = arith.constant 0 : i32
    %cond3A_47 = arith.cmpi ne, %convert_element_type3A_46, %cond3A : i32
    scf.if %cond3A_47 {
      %swap3A_52 = arith.constant 0 : index
      %swap3A_53 = arith.constant 0 : index
      %swap3A_54 = vector.load %arg7[%swap3A_52, %swap3A_53] : memref<8x128xf32, #tpu.memory_space<vmem>>, vector<1x128xf32>
      tpu.vector_store %arg7[%swap3A_52, %swap3A_53], %broadcast_in_dim3A_40 {strides = array<i32>} : memref<8x128xf32, #tpu.memory_space<vmem>>, vector<1x128xf32>,
      %swap3A_55 = arith.constant 1 : index
      %swap3A_56 = arith.constant 0 : index
      %swap3A_57 = vector.load %arg7[%swap3A_55, %swap3A_56] : memref<8x128xf32, #tpu.memory_space<vmem>>, vector<1x128xf32>
      tpu.vector_store %arg7[%swap3A_55, %swap3A_56], %broadcast_in_dim3A_44 {strides = array<i32>} : memref<8x128xf32, #tpu.memory_space<vmem>>, vector<1x128xf32>,
      %broadcast_in_dim3A_58 = arith.constant 0.000000e+00 : f32
      %broadcast_in_dim3A_59 = vector.broadcast %broadcast_in_dim3A_58 : f32 to vector<6x128xf32>
      %swap3A_60 = arith.constant 2 : index
      %swap3A_61 = arith.constant 0 : index
      %swap3A_62 = vector.load %arg7[%swap3A_60, %swap3A_61] : memref<8x128xf32, #tpu.memory_space<vmem>>, vector<6x128xf32>
      tpu.vector_store %arg7[%swap3A_60, %swap3A_61], %broadcast_in_dim3A_59 {strides = array<i32>} : memref<8x128xf32, #tpu.memory_space<vmem>>, vector<6x128xf32>,
    } else {
    }
    %gt3A = arith.constant 0 : i32
    %gt3A_48 = arith.cmpi sgt, %arg0, %gt3A : i32
    %convert_element_type3A_49 = arith.extui %gt3A_48 : i1 to i32
    %cond3A_50 = arith.constant 0 : i32
    %cond3A_51 = arith.cmpi ne, %convert_element_type3A_49, %cond3A_50 : i32
    scf.if %cond3A_51 {
      %get3A_52 = arith.constant 0 : index
      %get3A_53 = arith.constant 0 : index
      %get3A_54 = vector.load %arg7[%get3A_52, %get3A_53] : memref<8x128xf32, #tpu.memory_space<vmem>>, vector<1x128xf32>
      %add3A_55 = arith.addf %get3A_54, %broadcast_in_dim3A_40 : vector<1x128xf32>
      %swap3A_56 = arith.constant 0 : index
      %swap3A_57 = arith.constant 0 : index
      %swap3A_58 = vector.load %arg7[%swap3A_56, %swap3A_57] : memref<8x128xf32, #tpu.memory_space<vmem>>, vector<1x128xf32>
      tpu.vector_store %arg7[%swap3A_56, %swap3A_57], %add3A_55 {strides = array<i32>} : memref<8x128xf32, #tpu.memory_space<vmem>>, vector<1x128xf32>,
      %get3A_59 = arith.constant 1 : index
      %get3A_60 = arith.constant 0 : index
      %get3A_61 = vector.load %arg7[%get3A_59, %get3A_60] : memref<8x128xf32, #tpu.memory_space<vmem>>, vector<1x128xf32>
      %add3A_62 = arith.addf %get3A_61, %broadcast_in_dim3A_44 : vector<1x128xf32>
      %swap3A_63 = arith.constant 1 : index
      %swap3A_64 = arith.constant 0 : index
      %swap3A_65 = vector.load %arg7[%swap3A_63, %swap3A_64] : memref<8x128xf32, #tpu.memory_space<vmem>>, vector<1x128xf32>
      tpu.vector_store %arg7[%swap3A_63, %swap3A_64], %add3A_62 {strides = array<i32>} : memref<8x128xf32, #tpu.memory_space<vmem>>, vector<1x128xf32>,
    } else {
    }
    return
  }
  func.func @transform_0(%arg0: i32) -> (i32, i32, i32) {
    %c0_i32 = arith.constant 0 : i32
    %c0_i32_0 = arith.constant 0 : i32
    %c0_i32_1 = arith.constant 0 : i32
    return %c0_i32, %arg0, %c0_i32_0 : i32, i32, i32
  }
  func.func @transform_1(%arg0: i32) -> (i32, i32) {
    %c0_i32 = arith.constant 0 : i32
    %c0_i32_0 = arith.constant 0 : i32
    return %arg0, %c0_i32 : i32, i32
  }
  func.func @transform_2(%arg0: i32) -> (i32, i32) {
    %c0_i32 = arith.constant 0 : i32
    %c0_i32_0 = arith.constant 0 : i32
    %c0_i32_1 = arith.constant 0 : i32
    return %c0_i32, %c0_i32_0 : i32, i32
  }
  func.func @transform_3(%arg0: i32) -> (i32, i32) {
    %c0_i32 = arith.constant 0 : i32
    %c0_i32_0 = arith.constant 0 : i32
    %c0_i32_1 = arith.constant 0 : i32
    return %c0_i32, %c0_i32_0 : i32, i32
  }
  func.func @transform_4(%arg0: i32) -> (i32, i32) {
    %c0_i32 = arith.constant 0 : i32
    %c0_i32_0 = arith.constant 0 : i32
    %c0_i32_1 = arith.constant 0 : i32
    return %c0_i32, %c0_i32_0 : i32, i32
  }
  func.func @transform_5(%arg0: i32) -> (i32, i32) {
    %c0_i32 = arith.constant 0 : i32
    %c0_i32_0 = arith.constant 0 : i32
    return %arg0, %c0_i32 : i32, i32
  }
  func.func @transform_6(%arg0: i32) -> (i32, i32) {
    %c0_i32 = arith.constant 0 : i32
    %c0_i32_0 = arith.constant 0 : i32
    %c0_i32_1 = arith.constant 0 : i32
    return %c0_i32, %c0_i32_0 : i32, i32
  }
}

module attributes {stable_mosaic.version = 14 : i64} {
  func.func @pass2(%arg0: i32, %arg1: memref<1264x128xf32, #tpu.memory_space<vmem>>, %arg2: memref<8x128xf32, #tpu.memory_space<vmem>>, %arg3: memref<1264x128xf32, #tpu.memory_space<vmem>>, %arg4: memref<1x128xf32, #tpu.memory_space<vmem>>, %arg5: memref<1x128xf32, #tpu.memory_space<vmem>>, %arg6: memref<1264x128xf32, #tpu.memory_space<vmem>>) attributes {dimension_semantics = [#tpu.dimension_semantics<arbitrary>], iteration_bounds = array<i64: 8>, scalar_prefetch = 0 : i64, scratch_operands = 0 : i64, tpu.core_type = #tpu.core_type<tc>, window_params = [{transform_indices = @transform_0, window_bounds = array<i64: 1264, 128>}, {pipeline_mode = #tpu.pipeline_mode<synchronous>, transform_indices = @transform_1, window_bounds = array<i64: 8, 128>}, {transform_indices = @transform_2, window_bounds = array<i64: 1264, 128>}, {pipeline_mode = #tpu.pipeline_mode<synchronous>, transform_indices = @transform_3, window_bounds = array<i64: 1, 128>}, {pipeline_mode = #tpu.pipeline_mode<synchronous>, transform_indices = @transform_4, window_bounds = array<i64: 1, 128>}, {transform_indices = @transform_5, window_bounds = array<i64: 1264, 128>}]} {
    %get3A = arith.constant 0 : index
    %get3A_0 = arith.constant 0 : index
    %get3A_1 = vector.load %arg2[%get3A, %get3A_0] : memref<8x128xf32, #tpu.memory_space<vmem>>, vector<1x128xf32>
    %mul3A = arith.constant 9.99999974E-5 : f32
    %mul3A_2 = vector.broadcast %mul3A : f32 to vector<1x128xf32>
    %mul3A_3 = arith.mulf %get3A_1, %mul3A_2 : vector<1x128xf32>
    %get3A_4 = arith.constant 1 : index
    %get3A_5 = arith.constant 0 : index
    %get3A_6 = vector.load %arg2[%get3A_4, %get3A_5] : memref<8x128xf32, #tpu.memory_space<vmem>>, vector<1x128xf32>
    %mul3A_7 = arith.constant 9.99999974E-5 : f32
    %mul3A_8 = vector.broadcast %mul3A_7 : f32 to vector<1x128xf32>
    %mul3A_9 = arith.mulf %get3A_6, %mul3A_8 : vector<1x128xf32>
    %mul3A_10 = arith.mulf %mul3A_3, %mul3A_3 : vector<1x128xf32>
    %sub3A = arith.subf %mul3A_9, %mul3A_10 : vector<1x128xf32>
    %get3A_11 = arith.constant 0 : index
    %get3A_12 = arith.constant 0 : index
    %get3A_13 = vector.load %arg4[%get3A_11, %get3A_12] : memref<1x128xf32, #tpu.memory_space<vmem>>, vector<1x128xf32>
    %get3A_14 = arith.constant 0 : index
    %get3A_15 = arith.constant 0 : index
    %get3A_16 = vector.load %arg1[%get3A_14, %get3A_15] : memref<1264x128xf32, #tpu.memory_space<vmem>>, vector<1264x128xf32>
    %sub3A_17 = vector.broadcast %mul3A_3 : vector<1x128xf32> to vector<1264x128xf32>
    %sub3A_18 = arith.subf %get3A_16, %sub3A_17 : vector<1264x128xf32>
    %mul3A_19 = vector.broadcast %get3A_13 : vector<1x128xf32> to vector<1264x128xf32>
    %mul3A_20 = arith.mulf %mul3A_19, %sub3A_18 : vector<1264x128xf32>
    %add3A = arith.constant 9.99999974E-6 : f32
    %add3A_21 = vector.broadcast %add3A : f32 to vector<1x128xf32>
    %add3A_22 = arith.addf %sub3A, %add3A_21 : vector<1x128xf32>
    %sqrt3A = math.sqrt %add3A_22 : vector<1x128xf32>
    %div3A = vector.broadcast %sqrt3A : vector<1x128xf32> to vector<1264x128xf32>
    %div3A_23 = arith.divf %mul3A_20, %div3A : vector<1264x128xf32>
    %get3A_24 = arith.constant 0 : index
    %get3A_25 = arith.constant 0 : index
    %get3A_26 = vector.load %arg5[%get3A_24, %get3A_25] : memref<1x128xf32, #tpu.memory_space<vmem>>, vector<1x128xf32>
    %add3A_27 = vector.broadcast %get3A_26 : vector<1x128xf32> to vector<1264x128xf32>
    %add3A_28 = arith.addf %div3A_23, %add3A_27 : vector<1264x128xf32>
    %max3A = arith.constant 0.000000e+00 : f32
    %max3A_29 = vector.broadcast %max3A : f32 to vector<1264x128xf32>
    %max3A_30 = arith.maximumf %add3A_28, %max3A_29 : vector<1264x128xf32>
    %swap3A = arith.constant 0 : index
    %swap3A_31 = arith.constant 0 : index
    %swap3A_32 = vector.load %arg6[%swap3A, %swap3A_31] : memref<1264x128xf32, #tpu.memory_space<vmem>>, vector<1264x128xf32>
    tpu.vector_store %arg6[%swap3A, %swap3A_31], %max3A_30 {strides = array<i32>} : memref<1264x128xf32, #tpu.memory_space<vmem>>, vector<1264x128xf32>,
    return
  }
  func.func @transform_0(%arg0: i32) -> (i32, i32) {
    %c0_i32 = arith.constant 0 : i32
    %c0_i32_0 = arith.constant 0 : i32
    return %arg0, %c0_i32 : i32, i32
  }
  func.func @transform_1(%arg0: i32) -> (i32, i32) {
    %c0_i32 = arith.constant 0 : i32
    %c0_i32_0 = arith.constant 0 : i32
    %c0_i32_1 = arith.constant 0 : i32
    return %c0_i32, %c0_i32_0 : i32, i32
  }
  func.func @transform_2(%arg0: i32) -> (i32, i32) {
    %c0_i32 = arith.constant 0 : i32
    %c0_i32_0 = arith.constant 0 : i32
    return %arg0, %c0_i32 : i32, i32
  }
  func.func @transform_3(%arg0: i32) -> (i32, i32) {
    %c0_i32 = arith.constant 0 : i32
    %c0_i32_0 = arith.constant 0 : i32
    %c0_i32_1 = arith.constant 0 : i32
    return %c0_i32, %c0_i32_0 : i32, i32
  }
  func.func @transform_4(%arg0: i32) -> (i32, i32) {
    %c0_i32 = arith.constant 0 : i32
    %c0_i32_0 = arith.constant 0 : i32
    %c0_i32_1 = arith.constant 0 : i32
    return %c0_i32, %c0_i32_0 : i32, i32
  }
  func.func @transform_5(%arg0: i32) -> (i32, i32) {
    %c0_i32 = arith.constant 0 : i32
    %c0_i32_0 = arith.constant 0 : i32
    return %arg0, %c0_i32 : i32, i32
  }
}

module attributes {stable_mosaic.version = 14 : i64} {
  func.func @pass2(%arg0: i32, %arg1: memref<1264x128xf32, #tpu.memory_space<vmem>>, %arg2: memref<8x128xf32, #tpu.memory_space<vmem>>, %arg3: memref<1264x128xf32, #tpu.memory_space<vmem>>, %arg4: memref<1x128xf32, #tpu.memory_space<vmem>>, %arg5: memref<1x128xf32, #tpu.memory_space<vmem>>, %arg6: memref<1264x128xf32, #tpu.memory_space<vmem>>) attributes {dimension_semantics = [#tpu.dimension_semantics<arbitrary>], iteration_bounds = array<i64: 8>, scalar_prefetch = 0 : i64, scratch_operands = 0 : i64, tpu.core_type = #tpu.core_type<tc>, window_params = [{transform_indices = @transform_0, window_bounds = array<i64: 1264, 128>}, {pipeline_mode = #tpu.pipeline_mode<synchronous>, transform_indices = @transform_1, window_bounds = array<i64: 8, 128>}, {transform_indices = @transform_2, window_bounds = array<i64: 1264, 128>}, {pipeline_mode = #tpu.pipeline_mode<synchronous>, transform_indices = @transform_3, window_bounds = array<i64: 1, 128>}, {pipeline_mode = #tpu.pipeline_mode<synchronous>, transform_indices = @transform_4, window_bounds = array<i64: 1, 128>}, {transform_indices = @transform_5, window_bounds = array<i64: 1264, 128>}]} {
    %get3A = arith.constant 0 : index
    %get3A_0 = arith.constant 0 : index
    %get3A_1 = vector.load %arg2[%get3A, %get3A_0] : memref<8x128xf32, #tpu.memory_space<vmem>>, vector<1x128xf32>
    %mul3A = arith.constant 9.99999974E-5 : f32
    %mul3A_2 = vector.broadcast %mul3A : f32 to vector<1x128xf32>
    %mul3A_3 = arith.mulf %get3A_1, %mul3A_2 : vector<1x128xf32>
    %get3A_4 = arith.constant 1 : index
    %get3A_5 = arith.constant 0 : index
    %get3A_6 = vector.load %arg2[%get3A_4, %get3A_5] : memref<8x128xf32, #tpu.memory_space<vmem>>, vector<1x128xf32>
    %mul3A_7 = arith.constant 9.99999974E-5 : f32
    %mul3A_8 = vector.broadcast %mul3A_7 : f32 to vector<1x128xf32>
    %mul3A_9 = arith.mulf %get3A_6, %mul3A_8 : vector<1x128xf32>
    %mul3A_10 = arith.mulf %mul3A_3, %mul3A_3 : vector<1x128xf32>
    %sub3A = arith.subf %mul3A_9, %mul3A_10 : vector<1x128xf32>
    %get3A_11 = arith.constant 0 : index
    %get3A_12 = arith.constant 0 : index
    %get3A_13 = vector.load %arg4[%get3A_11, %get3A_12] : memref<1x128xf32, #tpu.memory_space<vmem>>, vector<1x128xf32>
    %get3A_14 = arith.constant 0 : index
    %get3A_15 = arith.constant 0 : index
    %get3A_16 = vector.load %arg1[%get3A_14, %get3A_15] : memref<1264x128xf32, #tpu.memory_space<vmem>>, vector<1264x128xf32>
    %sub3A_17 = vector.broadcast %mul3A_3 : vector<1x128xf32> to vector<1264x128xf32>
    %sub3A_18 = arith.subf %get3A_16, %sub3A_17 : vector<1264x128xf32>
    %mul3A_19 = vector.broadcast %get3A_13 : vector<1x128xf32> to vector<1264x128xf32>
    %mul3A_20 = arith.mulf %mul3A_19, %sub3A_18 : vector<1264x128xf32>
    %add3A = arith.constant 9.99999974E-6 : f32
    %add3A_21 = vector.broadcast %add3A : f32 to vector<1x128xf32>
    %add3A_22 = arith.addf %sub3A, %add3A_21 : vector<1x128xf32>
    %sqrt3A = math.sqrt %add3A_22 : vector<1x128xf32>
    %div3A = vector.broadcast %sqrt3A : vector<1x128xf32> to vector<1264x128xf32>
    %div3A_23 = arith.divf %mul3A_20, %div3A : vector<1264x128xf32>
    %get3A_24 = arith.constant 0 : index
    %get3A_25 = arith.constant 0 : index
    %get3A_26 = vector.load %arg5[%get3A_24, %get3A_25] : memref<1x128xf32, #tpu.memory_space<vmem>>, vector<1x128xf32>
    %add3A_27 = vector.broadcast %get3A_26 : vector<1x128xf32> to vector<1264x128xf32>
    %add3A_28 = arith.addf %div3A_23, %add3A_27 : vector<1264x128xf32>
    %max3A = arith.constant 0.000000e+00 : f32
    %max3A_29 = vector.broadcast %max3A : f32 to vector<1264x128xf32>
    %max3A_30 = arith.maximumf %add3A_28, %max3A_29 : vector<1264x128xf32>
    %get3A_31 = arith.constant 0 : index
    %get3A_32 = arith.constant 0 : index
    %get3A_33 = vector.load %arg3[%get3A_31, %get3A_32] : memref<1264x128xf32, #tpu.memory_space<vmem>>, vector<1264x128xf32>
    %add3A_34 = arith.addf %max3A_30, %get3A_33 : vector<1264x128xf32>
    %swap3A = arith.constant 0 : index
    %swap3A_35 = arith.constant 0 : index
    %swap3A_36 = vector.load %arg6[%swap3A, %swap3A_35] : memref<1264x128xf32, #tpu.memory_space<vmem>>, vector<1264x128xf32>
    tpu.vector_store %arg6[%swap3A, %swap3A_35], %add3A_34 {strides = array<i32>} : memref<1264x128xf32, #tpu.memory_space<vmem>>, vector<1264x128xf32>,
    return
  }
  func.func @transform_0(%arg0: i32) -> (i32, i32) {
    %c0_i32 = arith.constant 0 : i32
    %c0_i32_0 = arith.constant 0 : i32
    return %arg0, %c0_i32 : i32, i32
  }
  func.func @transform_1(%arg0: i32) -> (i32, i32) {
    %c0_i32 = arith.constant 0 : i32
    %c0_i32_0 = arith.constant 0 : i32
    %c0_i32_1 = arith.constant 0 : i32
    return %c0_i32, %c0_i32_0 : i32, i32
  }
  func.func @transform_2(%arg0: i32) -> (i32, i32) {
    %c0_i32 = arith.constant 0 : i32
    %c0_i32_0 = arith.constant 0 : i32
    return %arg0, %c0_i32 : i32, i32
  }
  func.func @transform_3(%arg0: i32) -> (i32, i32) {
    %c0_i32 = arith.constant 0 : i32
    %c0_i32_0 = arith.constant 0 : i32
    %c0_i32_1 = arith.constant 0 : i32
    return %c0_i32, %c0_i32_0 : i32, i32
  }
  func.func @transform_4(%arg0: i32) -> (i32, i32) {
    %c0_i32 = arith.constant 0 : i32
    %c0_i32_0 = arith.constant 0 : i32
    %c0_i32_1 = arith.constant 0 : i32
    return %c0_i32, %c0_i32_0 : i32, i32
  }
  func.func @transform_5(%arg0: i32) -> (i32, i32) {
    %c0_i32 = arith.constant 0 : i32
    %c0_i32_0 = arith.constant 0 : i32
    return %arg0, %c0_i32 : i32, i32
  }
}

module attributes {stable_mosaic.version = 14 : i64} {
  func.func @body(%arg0: memref<2x264x128xf32, #tpu.memory_space<vmem>>, %arg1: memref<2x264x128xf32, #tpu.memory_space<vmem>>, %arg2: memref<32x264x128xf32, #tpu.memory_space<vmem>>, %arg3: memref<256x16xf32, #tpu.memory_space<vmem>>, %arg4: memref<128x256xf32, #tpu.memory_space<vmem>>, %arg5: memref<128x256xf32, #tpu.memory_space<vmem>>, %arg6: memref<16x256xf32, #tpu.memory_space<vmem>>, %arg7: memref<1x256xf32, #tpu.memory_space<vmem>>, %arg8: memref<1x256xf32, #tpu.memory_space<vmem>>, %arg9: memref<1x256xf32, #tpu.memory_space<vmem>>, %arg10: memref<256x128xf32, #tpu.memory_space<vmem>>, %arg11: memref<1x128xf32, #tpu.memory_space<vmem>>, %arg12: memref<1x128xf32, #tpu.memory_space<vmem>>, %arg13: memref<1x128xf32, #tpu.memory_space<vmem>>, %arg14: memref<128x64xf32, #tpu.memory_space<vmem>>, %arg15: memref<1x64xf32, #tpu.memory_space<vmem>>, %arg16: memref<1x64xf32, #tpu.memory_space<vmem>>, %arg17: memref<1x64xf32, #tpu.memory_space<vmem>>, %arg18: memref<64x1xf32, #tpu.memory_space<vmem>>, %arg19: memref<1x1xf32, #tpu.memory_space<vmem>>, %arg20: memref<256x1xf32, #tpu.memory_space<vmem>>) attributes {dimension_semantics = [], scalar_prefetch = 0 : i64, scratch_operands = 0 : i64, tpu.core_type = #tpu.core_type<tc>} {
    %get3A = arith.constant 0 : index
    %get3A_0 = arith.constant 0 : index
    %get3A_1 = arith.constant 0 : index
    %get3A_2 = vector.load %arg0[%get3A, %get3A_0, %get3A_1] : memref<2x264x128xf32, #tpu.memory_space<vmem>>, vector<2x264x128xf32>
    %reduce_sum3A = arith.constant dense<0.000000e+00> : vector<264x128xf32>
    %reduce_sum3A_3 = vector.multi_reduction <add>, %get3A_2, %reduce_sum3A [0] : vector<2x264x128xf32> to vector<264x128xf32>
    %slice3A = vector.extract_strided_slice %reduce_sum3A_3 {offsets = [0, 0], sizes = [256, 128], strides = [1, 1]} : vector<264x128xf32> to vector<256x128xf32>
    %get3A_4 = arith.constant 0 : index
    %get3A_5 = arith.constant 0 : index
    %get3A_6 = arith.constant 0 : index
    %get3A_7 = vector.load %arg2[%get3A_4, %get3A_5, %get3A_6] : memref<32x264x128xf32, #tpu.memory_space<vmem>>, vector<32x264x128xf32>
    %reduce_max3A = arith.constant dense<0xFF800000> : vector<264x128xf32>
    %reduce_max3A_8 = vector.multi_reduction <maximumf>, %get3A_7, %reduce_max3A [0] : vector<32x264x128xf32> to vector<264x128xf32>
    %slice3A_9 = vector.extract_strided_slice %reduce_max3A_8 {offsets = [0, 0], sizes = [256, 128], strides = [1, 1]} : vector<264x128xf32> to vector<256x128xf32>
    %get3A_10 = arith.constant 0 : index
    %get3A_11 = arith.constant 0 : index
    %get3A_12 = arith.constant 0 : index
    %get3A_13 = vector.load %arg1[%get3A_10, %get3A_11, %get3A_12] : memref<2x264x128xf32, #tpu.memory_space<vmem>>, vector<2x264x128xf32>
    %reduce_sum3A_14 = arith.constant dense<0.000000e+00> : vector<264x128xf32>
    %reduce_sum3A_15 = vector.multi_reduction <add>, %get3A_13, %reduce_sum3A_14 [0] : vector<2x264x128xf32> to vector<264x128xf32>
    %slice3A_16 = vector.extract_strided_slice %reduce_sum3A_15 {offsets = [0, 0], sizes = [256, 1], strides = [1, 1]} : vector<264x128xf32> to vector<256x1xf32>
    %max3A = arith.constant 1.000000e+00 : f32
    %max3A_17 = vector.broadcast %max3A : f32 to vector<256x1xf32>
    %max3A_18 = arith.maximumf %slice3A_16, %max3A_17 : vector<256x1xf32>
    %div3A = vector.broadcast %max3A_18 : vector<256x1xf32> to vector<256x128xf32>
    %div3A_19 = arith.divf %slice3A, %div3A : vector<256x128xf32>
    %gt3A = arith.constant 0.000000e+00 : f32
    %gt3A_20 = vector.broadcast %gt3A : f32 to vector<256x1xf32>
    %gt3A_21 = arith.cmpf ogt, %slice3A_16, %gt3A_20 : vector<256x1xf32>
    %jit3A = arith.constant 0.000000e+00 : f32
    %broadcast_in_dim3A = vector.shape_cast %gt3A_21 : vector<256x1xi1> to vector<256x1xi1>
    %broadcast_in_dim3A_22 = vector.broadcast %broadcast_in_dim3A : vector<256x1xi1> to vector<256x128xi1>
    %broadcast_in_dim3A_23 = vector.broadcast %jit3A : f32 to vector<256x128xf32>
    %select_n3A = arith.select %broadcast_in_dim3A_22, %slice3A_9, %broadcast_in_dim3A_23 : vector<256x128xi1>, vector<256x128xf32>
    %get3A_24 = arith.constant 0 : index
    %get3A_25 = arith.constant 0 : index
    %get3A_26 = vector.load %arg4[%get3A_24, %get3A_25] : memref<128x256xf32, #tpu.memory_space<vmem>>, vector<128x256xf32>
    %convert_element_type3A = arith.truncf %div3A_19 : vector<256x128xf32> to vector<256x128xbf16>
    %convert_element_type3A_27 = arith.truncf %get3A_26 : vector<128x256xf32> to vector<128x256xbf16>
    %dot_general3A = arith.constant dense<0.000000e+00> : vector<256x256xf32>
    %dot_general3A_28 = tpu.matmul %convert_element_type3A, %convert_element_type3A_27, %dot_general3A {dimension_numbers = #tpu.dot_dimension_numbers<[1], [0], [0], [1], [0, 0, 1, 1], [], []>, transpose_lhs_hint = false} : vector<256x128xbf16>, vector<128x256xbf16>, vector<256x256xf32> -> vector<256x256xf32>
    %get3A_29 = arith.constant 0 : index
    %get3A_30 = arith.constant 0 : index
    %get3A_31 = vector.load %arg5[%get3A_29, %get3A_30] : memref<128x256xf32, #tpu.memory_space<vmem>>, vector<128x256xf32>
    %convert_element_type3A_32 = arith.truncf %select_n3A : vector<256x128xf32> to vector<256x128xbf16>
    %convert_element_type3A_33 = arith.truncf %get3A_31 : vector<128x256xf32> to vector<128x256xbf16>
    %dot_general3A_34 = arith.constant dense<0.000000e+00> : vector<256x256xf32>
    %dot_general3A_35 = tpu.matmul %convert_element_type3A_32, %convert_element_type3A_33, %dot_general3A_34 {dimension_numbers = #tpu.dot_dimension_numbers<[1], [0], [0], [1], [0, 0, 1, 1], [], []>, transpose_lhs_hint = false} : vector<256x128xbf16>, vector<128x256xbf16>, vector<256x256xf32> -> vector<256x256xf32>
    %add3A = arith.addf %dot_general3A_28, %dot_general3A_35 : vector<256x256xf32>
    %get3A_36 = arith.constant 0 : index
    %get3A_37 = arith.constant 0 : index
    %get3A_38 = vector.load %arg3[%get3A_36, %get3A_37] : memref<256x16xf32, #tpu.memory_space<vmem>>, vector<256x16xf32>
    %get3A_39 = arith.constant 0 : index
    %get3A_40 = arith.constant 0 : index
    %get3A_41 = vector.load %arg6[%get3A_39, %get3A_40] : memref<16x256xf32, #tpu.memory_space<vmem>>, vector<16x256xf32>
    %convert_element_type3A_42 = arith.truncf %get3A_38 : vector<256x16xf32> to vector<256x16xbf16>
    %convert_element_type3A_43 = arith.truncf %get3A_41 : vector<16x256xf32> to vector<16x256xbf16>
    %dot_general3A_44 = arith.constant dense<0.000000e+00> : vector<256x256xf32>
    %dot_general3A_45 = tpu.matmul %convert_element_type3A_42, %convert_element_type3A_43, %dot_general3A_44 {dimension_numbers = #tpu.dot_dimension_numbers<[1], [0], [0], [1], [0, 0, 1, 1], [], []>, transpose_lhs_hint = false} : vector<256x16xbf16>, vector<16x256xbf16>, vector<256x256xf32> -> vector<256x256xf32>
    %add3A_46 = arith.addf %add3A, %dot_general3A_45 : vector<256x256xf32>
    %get3A_47 = arith.constant 0 : index
    %get3A_48 = arith.constant 0 : index
    %get3A_49 = vector.load %arg7[%get3A_47, %get3A_48] : memref<1x256xf32, #tpu.memory_space<vmem>>, vector<1x256xf32>
    %add3A_50 = vector.broadcast %get3A_49 : vector<1x256xf32> to vector<256x256xf32>
    %add3A_51 = arith.addf %add3A_46, %add3A_50 : vector<256x256xf32>
    %get3A_52 = arith.constant 0 : index
    %get3A_53 = arith.constant 0 : index
    %get3A_54 = vector.load %arg8[%get3A_52, %get3A_53] : memref<1x256xf32, #tpu.memory_space<vmem>>, vector<1x256xf32>
    %get3A_55 = arith.constant 0 : index
    %get3A_56 = arith.constant 0 : index
    %get3A_57 = vector.load %arg9[%get3A_55, %get3A_56] : memref<1x256xf32, #tpu.memory_space<vmem>>, vector<1x256xf32>
    %reduce_sum3A_58 = arith.constant dense<0.000000e+00> : vector<256xf32>
    %reduce_sum3A_59 = vector.multi_reduction <add>, %add3A_51, %reduce_sum3A_58 [0] : vector<256x256xf32> to vector<256xf32>
    %broadcast_in_dim3A_60 = vector.shape_cast %reduce_sum3A_59 : vector<256xf32> to vector<1x256xf32>
    %div3A_61 = arith.constant 2.560000e+02 : f32
    %div3A_62 = vector.broadcast %div3A_61 : f32 to vector<1x256xf32>
    %div3A_63 = arith.divf %broadcast_in_dim3A_60, %div3A_62 : vector<1x256xf32>
    %sub3A = vector.broadcast %div3A_63 : vector<1x256xf32> to vector<256x256xf32>
    %sub3A_64 = arith.subf %add3A_51, %sub3A : vector<256x256xf32>
    %sub3A_65 = vector.broadcast %div3A_63 : vector<1x256xf32> to vector<256x256xf32>
    %sub3A_66 = arith.subf %add3A_51, %sub3A_65 : vector<256x256xf32>
    %mul3A = arith.mulf %sub3A_64, %sub3A_66 : vector<256x256xf32>
    %reduce_sum3A_67 = arith.constant dense<0.000000e+00> : vector<256xf32>
    %reduce_sum3A_68 = vector.multi_reduction <add>, %mul3A, %reduce_sum3A_67 [0] : vector<256x256xf32> to vector<256xf32>
    %broadcast_in_dim3A_69 = vector.shape_cast %reduce_sum3A_68 : vector<256xf32> to vector<1x256xf32>
    %div3A_70 = arith.constant 2.560000e+02 : f32
    %div3A_71 = vector.broadcast %div3A_70 : f32 to vector<1x256xf32>
    %div3A_72 = arith.divf %broadcast_in_dim3A_69, %div3A_71 : vector<1x256xf32>
    %sub3A_73 = vector.broadcast %div3A_63 : vector<1x256xf32> to vector<256x256xf32>
    %sub3A_74 = arith.subf %add3A_51, %sub3A_73 : vector<256x256xf32>
    %add3A_75 = arith.constant 9.99999974E-6 : f32
    %add3A_76 = vector.broadcast %add3A_75 : f32 to vector<1x256xf32>
    %add3A_77 = arith.addf %div3A_72, %add3A_76 : vector<1x256xf32>
    %rsqrt3A = math.rsqrt %add3A_77 : vector<1x256xf32>
    %mul3A_78 = vector.broadcast %rsqrt3A : vector<1x256xf32> to vector<256x256xf32>
    %mul3A_79 = arith.mulf %sub3A_74, %mul3A_78 : vector<256x256xf32>
    %mul3A_80 = vector.broadcast %get3A_54 : vector<1x256xf32> to vector<256x256xf32>
    %mul3A_81 = arith.mulf %mul3A_79, %mul3A_80 : vector<256x256xf32>
    %add3A_82 = vector.broadcast %get3A_57 : vector<1x256xf32> to vector<256x256xf32>
    %add3A_83 = arith.addf %mul3A_81, %add3A_82 : vector<256x256xf32>
    %max3A_84 = arith.constant 0.000000e+00 : f32
    %max3A_85 = vector.broadcast %max3A_84 : f32 to vector<256x256xf32>
    %max3A_86 = arith.maximumf %add3A_83, %max3A_85 : vector<256x256xf32>
    %get3A_87 = arith.constant 0 : index
    %get3A_88 = arith.constant 0 : index
    %get3A_89 = vector.load %arg10[%get3A_87, %get3A_88] : memref<256x128xf32, #tpu.memory_space<vmem>>, vector<256x128xf32>
    %convert_element_type3A_90 = arith.truncf %max3A_86 : vector<256x256xf32> to vector<256x256xbf16>
    %convert_element_type3A_91 = arith.truncf %get3A_89 : vector<256x128xf32> to vector<256x128xbf16>
    %dot_general3A_92 = arith.constant dense<0.000000e+00> : vector<256x128xf32>
    %dot_general3A_93 = tpu.matmul %convert_element_type3A_90, %convert_element_type3A_91, %dot_general3A_92 {dimension_numbers = #tpu.dot_dimension_numbers<[1], [0], [0], [1], [0, 0, 1, 1], [], []>, transpose_lhs_hint = false} : vector<256x256xbf16>, vector<256x128xbf16>, vector<256x128xf32> -> vector<256x128xf32>
    %get3A_94 = arith.constant 0 : index
    %get3A_95 = arith.constant 0 : index
    %get3A_96 = vector.load %arg11[%get3A_94, %get3A_95] : memref<1x128xf32, #tpu.memory_space<vmem>>, vector<1x128xf32>
    %add3A_97 = vector.broadcast %get3A_96 : vector<1x128xf32> to vector<256x128xf32>
    %add3A_98 = arith.addf %dot_general3A_93, %add3A_97 : vector<256x128xf32>
    %get3A_99 = arith.constant 0 : index
    %get3A_100 = arith.constant 0 : index
    %get3A_101 = vector.load %arg12[%get3A_99, %get3A_100] : memref<1x128xf32, #tpu.memory_space<vmem>>, vector<1x128xf32>
    %get3A_102 = arith.constant 0 : index
    %get3A_103 = arith.constant 0 : index
    %get3A_104 = vector.load %arg13[%get3A_102, %get3A_103] : memref<1x128xf32, #tpu.memory_space<vmem>>, vector<1x128xf32>
    %reduce_sum3A_105 = arith.constant dense<0.000000e+00> : vector<128xf32>
    %reduce_sum3A_106 = vector.multi_reduction <add>, %add3A_98, %reduce_sum3A_105 [0] : vector<256x128xf32> to vector<128xf32>
    %broadcast_in_dim3A_107 = vector.shape_cast %reduce_sum3A_106 : vector<128xf32> to vector<1x128xf32>
    %div3A_108 = arith.constant 2.560000e+02 : f32
    %div3A_109 = vector.broadcast %div3A_108 : f32 to vector<1x128xf32>
    %div3A_110 = arith.divf %broadcast_in_dim3A_107, %div3A_109 : vector<1x128xf32>
    %sub3A_111 = vector.broadcast %div3A_110 : vector<1x128xf32> to vector<256x128xf32>
    %sub3A_112 = arith.subf %add3A_98, %sub3A_111 : vector<256x128xf32>
    %sub3A_113 = vector.broadcast %div3A_110 : vector<1x128xf32> to vector<256x128xf32>
    %sub3A_114 = arith.subf %add3A_98, %sub3A_113 : vector<256x128xf32>
    %mul3A_115 = arith.mulf %sub3A_112, %sub3A_114 : vector<256x128xf32>
    %reduce_sum3A_116 = arith.constant dense<0.000000e+00> : vector<128xf32>
    %reduce_sum3A_117 = vector.multi_reduction <add>, %mul3A_115, %reduce_sum3A_116 [0] : vector<256x128xf32> to vector<128xf32>
    %broadcast_in_dim3A_118 = vector.shape_cast %reduce_sum3A_117 : vector<128xf32> to vector<1x128xf32>
    %div3A_119 = arith.constant 2.560000e+02 : f32
    %div3A_120 = vector.broadcast %div3A_119 : f32 to vector<1x128xf32>
    %div3A_121 = arith.divf %broadcast_in_dim3A_118, %div3A_120 : vector<1x128xf32>
    %sub3A_122 = vector.broadcast %div3A_110 : vector<1x128xf32> to vector<256x128xf32>
    %sub3A_123 = arith.subf %add3A_98, %sub3A_122 : vector<256x128xf32>
    %add3A_124 = arith.constant 9.99999974E-6 : f32
    %add3A_125 = vector.broadcast %add3A_124 : f32 to vector<1x128xf32>
    %add3A_126 = arith.addf %div3A_121, %add3A_125 : vector<1x128xf32>
    %rsqrt3A_127 = math.rsqrt %add3A_126 : vector<1x128xf32>
    %mul3A_128 = vector.broadcast %rsqrt3A_127 : vector<1x128xf32> to vector<256x128xf32>
    %mul3A_129 = arith.mulf %sub3A_123, %mul3A_128 : vector<256x128xf32>
    %mul3A_130 = vector.broadcast %get3A_101 : vector<1x128xf32> to vector<256x128xf32>
    %mul3A_131 = arith.mulf %mul3A_129, %mul3A_130 : vector<256x128xf32>
    %add3A_132 = vector.broadcast %get3A_104 : vector<1x128xf32> to vector<256x128xf32>
    %add3A_133 = arith.addf %mul3A_131, %add3A_132 : vector<256x128xf32>
    %max3A_134 = arith.constant 0.000000e+00 : f32
    %max3A_135 = vector.broadcast %max3A_134 : f32 to vector<256x128xf32>
    %max3A_136 = arith.maximumf %add3A_133, %max3A_135 : vector<256x128xf32>
    %get3A_137 = arith.constant 0 : index
    %get3A_138 = arith.constant 0 : index
    %get3A_139 = vector.load %arg14[%get3A_137, %get3A_138] : memref<128x64xf32, #tpu.memory_space<vmem>>, vector<128x64xf32>
    %convert_element_type3A_140 = arith.truncf %max3A_136 : vector<256x128xf32> to vector<256x128xbf16>
    %convert_element_type3A_141 = arith.truncf %get3A_139 : vector<128x64xf32> to vector<128x64xbf16>
    %dot_general3A_142 = arith.constant dense<0.000000e+00> : vector<256x64xf32>
    %dot_general3A_143 = tpu.matmul %convert_element_type3A_140, %convert_element_type3A_141, %dot_general3A_142 {dimension_numbers = #tpu.dot_dimension_numbers<[1], [0], [0], [1], [0, 0, 1, 1], [], []>, transpose_lhs_hint = false} : vector<256x128xbf16>, vector<128x64xbf16>, vector<256x64xf32> -> vector<256x64xf32>
    %get3A_144 = arith.constant 0 : index
    %get3A_145 = arith.constant 0 : index
    %get3A_146 = vector.load %arg15[%get3A_144, %get3A_145] : memref<1x64xf32, #tpu.memory_space<vmem>>, vector<1x64xf32>
    %add3A_147 = vector.broadcast %get3A_146 : vector<1x64xf32> to vector<256x64xf32>
    %add3A_148 = arith.addf %dot_general3A_143, %add3A_147 : vector<256x64xf32>
    %get3A_149 = arith.constant 0 : index
    %get3A_150 = arith.constant 0 : index
    %get3A_151 = vector.load %arg16[%get3A_149, %get3A_150] : memref<1x64xf32, #tpu.memory_space<vmem>>, vector<1x64xf32>
    %get3A_152 = arith.constant 0 : index
    %get3A_153 = arith.constant 0 : index
    %get3A_154 = vector.load %arg17[%get3A_152, %get3A_153] : memref<1x64xf32, #tpu.memory_space<vmem>>, vector<1x64xf32>
    %reduce_sum3A_155 = arith.constant dense<0.000000e+00> : vector<64xf32>
    %reduce_sum3A_156 = vector.multi_reduction <add>, %add3A_148, %reduce_sum3A_155 [0] : vector<256x64xf32> to vector<64xf32>
    %broadcast_in_dim3A_157 = vector.shape_cast %reduce_sum3A_156 : vector<64xf32> to vector<1x64xf32>
    %div3A_158 = arith.constant 2.560000e+02 : f32
    %div3A_159 = vector.broadcast %div3A_158 : f32 to vector<1x64xf32>
    %div3A_160 = arith.divf %broadcast_in_dim3A_157, %div3A_159 : vector<1x64xf32>
    %sub3A_161 = vector.broadcast %div3A_160 : vector<1x64xf32> to vector<256x64xf32>
    %sub3A_162 = arith.subf %add3A_148, %sub3A_161 : vector<256x64xf32>
    %sub3A_163 = vector.broadcast %div3A_160 : vector<1x64xf32> to vector<256x64xf32>
    %sub3A_164 = arith.subf %add3A_148, %sub3A_163 : vector<256x64xf32>
    %mul3A_165 = arith.mulf %sub3A_162, %sub3A_164 : vector<256x64xf32>
    %reduce_sum3A_166 = arith.constant dense<0.000000e+00> : vector<64xf32>
    %reduce_sum3A_167 = vector.multi_reduction <add>, %mul3A_165, %reduce_sum3A_166 [0] : vector<256x64xf32> to vector<64xf32>
    %broadcast_in_dim3A_168 = vector.shape_cast %reduce_sum3A_167 : vector<64xf32> to vector<1x64xf32>
    %div3A_169 = arith.constant 2.560000e+02 : f32
    %div3A_170 = vector.broadcast %div3A_169 : f32 to vector<1x64xf32>
    %div3A_171 = arith.divf %broadcast_in_dim3A_168, %div3A_170 : vector<1x64xf32>
    %sub3A_172 = vector.broadcast %div3A_160 : vector<1x64xf32> to vector<256x64xf32>
    %sub3A_173 = arith.subf %add3A_148, %sub3A_172 : vector<256x64xf32>
    %add3A_174 = arith.constant 9.99999974E-6 : f32
    %add3A_175 = vector.broadcast %add3A_174 : f32 to vector<1x64xf32>
    %add3A_176 = arith.addf %div3A_171, %add3A_175 : vector<1x64xf32>
    %rsqrt3A_177 = math.rsqrt %add3A_176 : vector<1x64xf32>
    %mul3A_178 = vector.broadcast %rsqrt3A_177 : vector<1x64xf32> to vector<256x64xf32>
    %mul3A_179 = arith.mulf %sub3A_173, %mul3A_178 : vector<256x64xf32>
    %mul3A_180 = vector.broadcast %get3A_151 : vector<1x64xf32> to vector<256x64xf32>
    %mul3A_181 = arith.mulf %mul3A_179, %mul3A_180 : vector<256x64xf32>
    %add3A_182 = vector.broadcast %get3A_154 : vector<1x64xf32> to vector<256x64xf32>
    %add3A_183 = arith.addf %mul3A_181, %add3A_182 : vector<256x64xf32>
    %max3A_184 = arith.constant 0.000000e+00 : f32
    %max3A_185 = vector.broadcast %max3A_184 : f32 to vector<256x64xf32>
    %max3A_186 = arith.maximumf %add3A_183, %max3A_185 : vector<256x64xf32>
    %get3A_187 = arith.constant 0 : index
    %get3A_188 = arith.constant 0 : index
    %get3A_189 = vector.load %arg18[%get3A_187, %get3A_188] : memref<64x1xf32, #tpu.memory_space<vmem>>, vector<64x1xf32>
    %convert_element_type3A_190 = arith.truncf %max3A_186 : vector<256x64xf32> to vector<256x64xbf16>
    %convert_element_type3A_191 = arith.truncf %get3A_189 : vector<64x1xf32> to vector<64x1xbf16>
    %dot_general3A_192 = arith.constant dense<0.000000e+00> : vector<256x1xf32>
    %dot_general3A_193 = tpu.matmul %convert_element_type3A_190, %convert_element_type3A_191, %dot_general3A_192 {dimension_numbers = #tpu.dot_dimension_numbers<[1], [0], [0], [1], [0, 0, 1, 1], [], []>, transpose_lhs_hint = false} : vector<256x64xbf16>, vector<64x1xbf16>, vector<256x1xf32> -> vector<256x1xf32>
    %get3A_194 = arith.constant 0 : index
    %get3A_195 = arith.constant 0 : index
    %get3A_196 = vector.load %arg19[%get3A_194, %get3A_195] : memref<1x1xf32, #tpu.memory_space<vmem>>, vector<1x1xf32>
    %add3A_197 = vector.broadcast %get3A_196 : vector<1x1xf32> to vector<256x1xf32>
    %add3A_198 = arith.addf %dot_general3A_193, %add3A_197 : vector<256x1xf32>
    %swap3A = arith.constant 0 : index
    %swap3A_199 = arith.constant 0 : index
    %swap3A_200 = vector.load %arg20[%swap3A, %swap3A_199] : memref<256x1xf32, #tpu.memory_space<vmem>>, vector<256x1xf32>
    tpu.vector_store %arg20[%swap3A, %swap3A_199], %add3A_198 {strides = array<i32>} : memref<256x1xf32, #tpu.memory_space<vmem>>, vector<256x1xf32>,
    return
  }
}

</mosaic_0001>

<sc_bundles>
// kernel: kernel.19.cloned.1.call-start
scs
__scs_entry_jumppad:
0x0: {  	(pc) =	sbr.rel $0x88, $3  }
0x1: {  	(tag) =	ssettag $0x0;
	lr =	simm.s32 $0x1  }
0x2: {  	[smem:$0x3F76] =	sst lr;
	_ =	strace $0xD0000000  }
0x3: {  	_ = 	snop  }
0x4: {  	_ = 	snop  }
0x5: {  	_ = 	snop  }
0x6: {  	_ = 	snop  }
0x7: {  	_ = 	snop  }
__scs_overlays_trampoline_lowered:
0x8: {  	[smem:$0x3F85] =	sst s0  }
0x9: {  	[smem:$0x3F86] =	sst s1  }
0xa: {  	[smem:$0x3F87] =	sst s2  }
0xb: {  	[smem:$0x3F88] =	sst s3  }
0xc: {  	[smem:$0x3F89] =	sst s4  }
0xd: {  	[smem:$0x3F8A] =	sst s5  }
0xe: {  	[smem:$0x3F8B] =	sst s6  }
0xf: {  	[smem:$0x3F8C] =	sst s7  }
0x10: {  	[smem:$0x3F8D] =	sst s8  }
0x11: {  	[smem:$0x3F8E] =	sst s9;
	s0 =	simm.s32 @!p0 $0x0  }
0x12: {  	s1 =	sld [smem:$0x3F74];
	s0 =	simm.s32 @p0 $0x1  }
0x13: {  	[smem:$0x3F8F] =	sst s0;
	s0 =	simm.s32 @!p1 $0x0  }
0x14: {  	s2 =	sld [smem:$0x3F73];
	s0 =	simm.s32 @p1 $0x1  }
0x15: {  	[smem:$0x3F90] =	sst s0;
	s0 =	simm.s32 @!p2 $0x0  }
0x16: {  	s3 =	sld [smem:$0x3FDB];
	s0 =	simm.s32 @p2 $0x1  }
0x17: {  	s4 =	simm.s32 $0x1BF5;
	[smem:$0x3F92] =	sst s0  }
0x18: {  	s0 =	sld [smem:$0x3F75];
	_ =	swait.ge [sflag:s4], $0x0  }
0x19: {  	s7 =	sld [smem:$0x3F76]  }
0x1a: {  	s8 =	sadd.s32 $0xFFFFE003, lr  }
0x1b: {  	s9 =	sadd.s32 $0xFFFFFEF7, lr;
	s5 =	simm.s32 $0xFFFFFFFF;
	p2 =	slt.u32 s8, $0xFFFFF086  }
0x1c: {  	p1 =	slt.u32 s9, $0xF7A;
	s5 =	simm.s32 @!p2 $0x0  }
0x1d: {  	s5 =	simm.s32 @p1 $0x1;
	p0 =	seq.s32 s7, s2  }
0x1e: {  	s7 =	smul.u32 @!p0 $0xF7A, s2;
	p2 =	seq.s32 @!p0 s5, $0x0  }
0x1f: {  	s9 =	smul.u32 $0xF7A, s1;
	s8 =	simm.s32 @!p0 $0x1BF5;
	p2 =	por !p2, p0  }
0x20: {  	[sflag:s8] =	ssyncset.s32 @!p0 $0xFFFFF086;
	s6 =	sadd.s32 @!p0 s3, s7;
	s7 =	simm.s32 @!p0 $0x108  }
0x21: {  	s3 =	sadd.s32 s3, s9;
	s6 =	sadd.s32 @!p0 $0x88, s6;
	s7 =	simm.s32 @p2 $0x1082  }
0x22: {  	[simem:s7], [sflag:s8] =	dma.local @!p0 [hbm:s6], $0xF7A  }
0x23: {  	s9 =	sor.u32 $0xD0000000, s2;
	s6 =	simm.s32 $0x108;
	_ =	swait.ge @!p0 [sflag:s8], $0x0  }
0x24: {  	s3 =	sadd.s32 $0x88, s3;
	s6 =	simm.s32 @!p1 $0x1082;
	[sflag:s4] =	ssyncset.s32 $0xFFFFF086  }
0x25: {  	[simem:s6], [sflag:s4] =	dma.local [hbm:s3], $0xF7A  }
0x26: {  	[smem:$0x3F76] =	sst s1;
	(tag) =	ssettag s2;
	_ =	strace s9  }
0x27: {  	s1 =	sld [smem:$0x3F86]  }
0x28: {  	s2 =	sld [smem:$0x3F87]  }
0x29: {  	s4 =	sld [smem:$0x3F89]  }
0x2a: {  	p0 =	seq.s32 s5, $0x0;
	s5 =	sld [smem:$0x3F8A]  }
0x2b: {  	s6 =	sld [smem:$0x3F8B]  }
0x2c: {  	s7 =	sld [smem:$0x3F8C]  }
0x2d: {  	s3 =	simm.s32 $0x108;
	s8 =	sld [smem:$0x3F8D]  }
0x2e: {  	s3 =	simm.s32 @!p0 $0x1082;
	s9 =	sld [smem:$0x3F8E]  }
0x2f: {  	lr =	sadd.s32 s0, s3;
	s0 =	sld [smem:$0x3F85]  }
0x30: {  	s3 =	sld [smem:$0x3F88]  }
0x31: {  	[smem:$0x3F91] =	sst s10  }
0x32: {  	s10 =	sld [smem:$0x3F8F];
	_ =	sdelay $0x3  }
0x33: {  	p0 =	seq.s32 s10, $0x1;
	s10 =	sld [smem:$0x3F91];
	_ =	sdelay $0x3  }
0x34: {  	[smem:$0x3F91] =	sst s10  }
0x35: {  	s10 =	sld [smem:$0x3F90];
	_ =	sdelay $0x3  }
0x36: {  	p1 =	seq.s32 s10, $0x1;
	s10 =	sld [smem:$0x3F91];
	_ =	sdelay $0x3  }
0x37: {  	[smem:$0x3F91] =	sst s10  }
0x38: {  	s10 =	sld [smem:$0x3F92]  }
0x39: {  	_ = 	snop;
	(pc) =	sbr.ind lr, $3  }
0x3a: {  	_ = 	snop  }
0x3b: {  	_ = 	snop  }
0x3c: {  	p2 =	seq.s32 s10, $0x1;
	s10 =	sld [smem:$0x3F91]  }
0x3d: {  	_ =	shalt  }
0x3e: {  	_ =	shalt  }
0x3f: {  	_ =	shalt  }
0x40: {  	_ =	shalt  }
0x41: {  	_ =	shalt  }
0x42: {  	_ =	shalt  }
0x43: {  	_ =	shalt  }
0x44: {  	_ =	shalt  }
0x45: {  	_ =	shalt  }
0x46: {  	_ =	shalt  }
0x47: {  	_ =	shalt  }
0x48: {  	_ =	shalt  }
0x49: {  	_ =	shalt  }
0x4a: {  	_ =	shalt  }
0x4b: {  	_ =	shalt  }
0x4c: {  	_ =	shalt  }
0x4d: {  	_ =	shalt  }
0x4e: {  	_ =	shalt  }
0x4f: {  	_ =	shalt  }
0x50: {  	_ =	shalt  }
0x51: {  	_ =	shalt  }
0x52: {  	_ =	shalt  }
0x53: {  	_ =	shalt  }
0x54: {  	_ =	shalt  }
0x55: {  	_ =	shalt  }
0x56: {  	_ =	shalt  }
0x57: {  	_ =	shalt  }
0x58: {  	_ =	shalt  }
0x59: {  	_ =	shalt  }
0x5a: {  	_ =	shalt  }
0x5b: {  	_ =	shalt  }
0x5c: {  	_ =	shalt  }
0x5d: {  	_ =	shalt  }
0x5e: {  	_ =	shalt  }
0x5f: {  	_ =	shalt  }
0x60: {  	_ =	shalt  }
0x61: {  	_ =	shalt  }
0x62: {  	_ =	shalt  }
0x63: {  	_ =	shalt  }
0x64: {  	_ =	shalt  }
0x65: {  	_ =	shalt  }
0x66: {  	_ =	shalt  }
0x67: {  	_ =	shalt  }
0x68: {  	_ =	shalt  }
0x69: {  	_ =	shalt  }
0x6a: {  	_ =	shalt  }
0x6b: {  	_ =	shalt  }
0x6c: {  	_ =	shalt  }
0x6d: {  	_ =	shalt  }
0x6e: {  	_ =	shalt  }
0x6f: {  	_ =	shalt  }
0x70: {  	_ =	shalt  }
0x71: {  	_ =	shalt  }
0x72: {  	_ =	shalt  }
0x73: {  	_ =	shalt  }
0x74: {  	_ =	shalt  }
0x75: {  	_ =	shalt  }
0x76: {  	_ =	shalt  }
0x77: {  	_ =	shalt  }
0x78: {  	_ =	shalt  }
0x79: {  	_ =	shalt  }
0x7a: {  	_ =	shalt  }
0x7b: {  	_ =	shalt  }
0x7c: {  	_ =	shalt  }
0x7d: {  	_ =	shalt  }
0x7e: {  	_ =	shalt  }
0x7f: {  	_ =	shalt  }
0x80: {  	_ =	shalt  }
0x81: {  	_ =	shalt  }
0x82: {  	_ =	shalt  }
0x83: {  	_ =	shalt  }
0x84: {  	_ =	shalt  }
0x85: {  	_ =	shalt  }
0x86: {  	_ =	shalt  }
0x87: {  	_ =	shalt  }
.Lfunc_end0:
.L_simem_size_0:
called_computation_lowered:
.L_overlay_start_0:
0x88: {  	s2 =	sld [smem:$0x3FD9]  }
0x89: {  	s3 =	sld [smem:$0x3FFE];
	_ =	sdelay $0x1  }
0x8a: {  	s1 =	srdreg.scid  }
0x8b: {  	s0 =	sand.u32 $0x1, s1  }
0x8c: {  	s16 =	sshll.u32 s0, $0xA;
	s2 =	sadd.s32 s3, s2  }
0x8d: {  	s2 =	sadd.s32 s2, s16  }
0x8e: {  	[smem:$0x3F9D] =	sst s2  }
0x8f: {  	_ = 	snop  }
0x90: {  	(tm) =	ssettm $0x1  }
0x91: {  	s17 =	sld [smem:$0x3FFB];
	_ =	sdelay $0x3  }
0x92: {  	_ =	strace s17  }
0x93: {  	s2 =	sld [smem:$0x3FFC];
	_ =	sdelay $0x3  }
0x94: {  	_ =	strace s2  }
0x95: {  	s2 =	sld [smem:$0x3FFD];
	_ =	sdelay $0x3  }
0x96: {  	_ =	strace s2  }
0x97: {  	_ =	strace $0x8FFFFFFF  }
0x98: {  	s18 =	sld [smem:$0x3FDB];
	_ =	sdelay $0x1  }
0x99: {  	s19 =	simm.s32 $_scs_section_size  }
0x9a: {  	s4 =	simm.s32 $_size__tile_overlayer_lowered;
	s5 =	simm.s32 $_tile_overlayer_lowered  }
0x9b: {  	s22 =	simm.s32 $0x1BFF;
	s21 =	sshll.u32 s5, $0x1;
	s2 =	sadd.s32 s19, s18  }
0x9c: {  	s6 =	simm.s32 $0x0;
	s20 =	sshll.u32 s4, $0x1;
	s4 =	sadd.s32 s21, s2  }
0x9d: {  	[timem:s6], [sflag:s22] =	dma.local [hbm:s4], s20  }
0x9e: {  	_ =	swait.ge [sflag:s22], s20  }
0x9f: {  	s3 =	ssub.s32 $0x0, s20;
	[sflag:s22] =	ssyncset.done $0x0  }
0xa0: {  	[sflag:s22] =	ssyncadd.s32 s3;
	_ =	sdelay $0x1  }
0xa1: {  	s23 =	simm.s32 $0x1B8B  }
0xa2: {  	_ =	swait.ge [sflag:s23], $0x1  }
0xa3: {  	[sflag:s23] =	ssyncset.done $0x0  }
0xa4: {  	s25 =	simm.s32 $0x1B8E;
	s24 =	sld [smem:$0x3FFE];
	[sflag:s23] =	ssyncadd.s32 $0xFFFFFFFF  }
0xa5: {  	s26 =	simm.s32 $execute0_lowered;
	[smem:$0x3FD2] =	sst s25  }
0xa6: {  	s4 =	sshll.u32 s26, $0x1;
	_ =	strace $0x80000046;
	[dreg:$0x1] =	wrdreg $0xFFFFFFFF  }
0xa7: {  	s28 =	simm.s32 $_size_execute0_lowered;
	s2 =	sadd.s32 s2, s4;
	[dreg:$0x0] =	wrdreg $0x0  }
0xa8: {  	s4 =	sshll.u32 s28, $0x1;
	[dreg:$0x2] =	wrdreg s2  }
0xa9: {  	[dreg:$0x3] =	wrdreg s4  }
0xaa: {  	[dreg:$0x4] =	wrdreg $0xC0  }
0xab: {  	_ =	task [dreg:s6], $0x5FFFF  }
0xac: {  	[dreg:$0x1] =	wrdreg $0xFFFFFFFF  }
0xad: {  	[dreg:$0x0] =	wrdreg $0x60  }
0xae: {  	[dreg:$0x2] =	wrdreg s24  }
0xaf: {  	[dreg:$0x3] =	wrdreg $0x90000  }
0xb0: {  	[dreg:$0x4] =	wrdreg $0x9  }
0xb1: {  	_ =	task.clear_ibuf [dreg:s6], $0x5FFFF;
	_ =	strace $0x90000046  }
0xb2: {  	s29 =	simm.s32 $0x9;
	_ =	strace $0x80000048  }
0xb3: {  	_ =	swait.ge [sflag:s29], $0x1  }
0xb4: {  	[sflag:s29] =	ssyncadd.s32 $0xFFFFFFFF  }
0xb5: {  	_ =	strace $0x90000048  }
0xb6: {  	_ =	sfence  }
0xb7: {  	s30 =	sld [smem:$0x0];
	_ =	sdelay $0x2  }
0xb8: {  	s31 =	sshll.u32 s1, $0xD;
	s1 =	sshrl.u32 s1, $0x2  }
0xb9: {  	s3 =	sand.u32 $0x4000, s31;
	s1 =	sadd.s32 s1, s30  }
0xba: {  	s0 =	sor.u32 s3, s0;
	s1 =	sshll.u32 s1, $0x11  }
0xbb: {  	s0 =	sor.u32 s1, s0  }
0xbc: {  	s0 =	sadd.s32 $0x8F2B, s0  }
0xbd: {  	[sflag:s0] =	ssyncadd.remote.s32 $0x1  }
0xbe: {  	_ =	sfence.sel $0xFFFF  }
0xbf: {  	[dreg:$0x0] =	wrdreg $0xFFFFFFFF;
	(pc) =	sbr.abs _section_cstart, $3  }
0xc0: {  	[dreg:$0x1] =	wrdreg $0xFFFFFFFF  }
0xc1: {  	_ =	task.clear_ibuf [dreg:s6], $0x2FFFF;
	_ =	strace $0x9FFFFFFF  }
0xc2: {  	(tm) =	ssettm $0x7FFFFFFF  }
0xc3: {  	_ =	shalt  }
tec
execute0_lowered:
.L_overlay_start_1:
0x0: {  	(tag) =	ssettag $0x1  }
0x1: {  	s0 =	srdreg.scid;
	s6 =	rddreg [dreg:$0x0]  }
0x2: {  	s2 =	rddreg [dreg:$0x1];
	s1 =	stileid.u32  }
0x3: {  	s3 =	simm.s32 $0x0;
	s22 =	simm.s32 $0x80;
	s23 =	simm.s32 $0x1  }
0x4: {  	s24 =	simm.s32 $0x0;
	s8 =	sand.u32 $0x1, s0;
	s0 =	rddreg [dreg:$0x2]  }
0x5: {  	[smem:$0x7FF] =	sst s3;
	s18 =	sadd.s32 $0x44600, s6;
	s13 =	sshll.u32 s1, $0xE  }
0x6: {  	p0 =	seq.s32 s1, $0xF;
	s4 =	sshll.u32 s8, $0x4;
	_ =	strace $0x80000047  }
0x7: {  	s7 =	ssub.s32 $0x2, s8;
	s16 =	smul.u32 $0x13C000, s8;
	s14 =	sor.u32 $0x40000, s13  }
0x8: {  	s17 =	sor.u32 $0x80000, s13;
	s19 =	sor.u32 $0xC0000, s13;
	s20 =	sor.u32 $0x100000, s13  }
0x9: {  	s4 =	sor.u32 s1, s4;
	s10 =	sshrl.u32 s7, $0x1;
	s11 =	sadd.s32 s17, s2  }
0xa: {  	s12 =	sadd.s32 s19, s2;
	s5 =	smul.u32 $0x500, s4;
	s4 =	sadd.s32 $0x1C600, s6  }
0xb: {  	s10 =	ssub.s32 s7, s10;
	s15 =	sadd.s32 s16, s13;
	s17 =	sadd.s32 s16, s17  }
0xc: {  	s19 =	sadd.s32 s16, s19;
	s8 =	smax.u32 s10, $0x1;
	s10 =	sadd.s32 s14, s2  }
0xd: {  	s14 =	sadd.s32 s16, s14;
	s15 =	sshrl.u32 s15, $0x3;
	s17 =	sshrl.u32 s17, $0x3  }
0xe: {  	s30 =	sshrl.u32 s19, $0x3;
	s19 =	simm.s32 $0x2;
	s9 =	sadd.s32 s5, s6  }
0xf: {  	s5 =	sadd.s32 $0x43E00, s6;
	s21 =	sshrl.u32 s14, $0x3;
	s14 =	sadd.s32 s18, s15  }
0x10: {  	s6 =	sadd.s32 $0x8600, s9;
	s7 =	sadd.s32 $0x12600, s9;
	s9 =	sadd.s32 s13, s2  }
0x11: {  	s13 =	sadd.s32 s20, s2;
	s15 =	sadd.s32 s18, s21;
	s20 =	sadd.s32 s16, s20  }
0x12: {  	s16 =	sadd.s32 s18, s17;
	s17 =	sadd.s32 s18, s30;
	s31 =	sshrl.u32 s20, $0x3  }
0x13: {  	s21 =	simm.s32 $0x5000;
	s20 =	simm.s32 $0x2800;
	s18 =	sadd.s32 s18, s31  }
.LBB2_1:
0x14: {  	[tilespmem:s3], [sflag:$0x2] =	stream.linear.gather [hbm4b:s6+s3], $0x2800, $0x38;
	[tilespmem:$0x1CC00] =	vst v63  }
0x15: {  	_ =	swait.ge [sflag:s19], $0x2800  }
0x16: {  	[sflag:s19] =	ssyncset.done $0x0  }
0x17: {  	[sflag:s19] =	ssyncadd.s32 $0xFFFFD800  }
0x18: {  	[tilespmem:s20], [sflag:$0x2] =	stream.linear.gather [hbm4b:s7+s3], $0x2800, $0x38;
	[tilespmem:$0x1CC00] =	vst v63  }
0x19: {  	_ =	swait.ge [sflag:s19], $0x2800  }
0x1a: {  	[sflag:s19] =	ssyncset.done $0x0  }
0x1b: {  	[sflag:s19] =	ssyncadd.s32 $0xFFFFD800  }
0x1c: {  	[tilespmem:s21], [sflag:$0x2] =	stream.linear.gather [hbm4b:s5+s3], $0x4000, $0x38;
	[tilespmem:$0x1CC00] =	vst v63  }
0x1d: {  	_ =	swait.ge [sflag:s19], $0x4000  }
0x1e: {  	[sflag:s19] =	ssyncset.done $0x0  }
0x1f: {  	[sflag:s19] =	ssyncadd.s32 $0xFFFFC000  }
0x20: {  	[spmem:s9] =	stream.linear.scatter [tilespmem:s21], [sflag:$0x2], $0x4000, $0x38;
	[tilespmem:$0x1CC00] =	vst v63  }
0x21: {  	_ =	swait.ge [sflag:s19], $0x4000  }
0x22: {  	[sflag:s19] =	ssyncset.done $0x0  }
0x23: {  	[sflag:s19] =	ssyncadd.s32 $0xFFFFC000  }
0x24: {  	[spmem:s10] =	stream.linear.scatter [tilespmem:s21], [sflag:$0x2], $0x4000, $0x38;
	[tilespmem:$0x1CC00] =	vst v63  }
0x25: {  	_ =	swait.ge [sflag:s19], $0x4000  }
0x26: {  	[sflag:s19] =	ssyncset.done $0x0  }
0x27: {  	[sflag:s19] =	ssyncadd.s32 $0xFFFFC000  }
0x28: {  	[spmem:s11] =	stream.linear.scatter [tilespmem:s21], [sflag:$0x2], $0x4000, $0x38;
	[tilespmem:$0x1CC00] =	vst v63  }
0x29: {  	_ =	swait.ge [sflag:s19], $0x4000  }
0x2a: {  	[sflag:s19] =	ssyncset.done $0x0  }
0x2b: {  	[sflag:s19] =	ssyncadd.s32 $0xFFFFC000  }
0x2c: {  	[spmem:s12] =	stream.linear.scatter [tilespmem:s21], [sflag:$0x2], $0x4000, $0x38;
	[tilespmem:$0x1CC00] =	vst v63  }
0x2d: {  	_ =	swait.ge [sflag:s19], $0x4000  }
0x2e: {  	[sflag:s19] =	ssyncset.done $0x0  }
0x2f: {  	s25 =	simm.s32 @!p0 $0x5000;
	[sflag:s19] =	ssyncadd.s32 $0xFFFFC000  }
0x30: {  	[spmem:s13] =	stream.linear.scatter @!p0 [tilespmem:s25], [sflag:$0x2], $0x4000, $0x38;
	[tilespmem:$0x1CC00] =	vst v63  }
0x31: {  	s25 =	simm.s32 @!p0 $0x2  }
0x32: {  	_ =	swait.ge @!p0 [sflag:s25], $0x4000  }
0x33: {  	[sflag:s25] =	ssyncset.done @!p0 $0x0  }
0x34: {  	[sflag:s25] =	ssyncadd.s32 @!p0 $0xFFFFC000  }
0x35: {  	s30 =	simm.s32 $0x0;
	[bflag:$0x0] =	sbarrier.arrive $0xFFFF  }
0x36: {  	[tilespmem:s21], [sflag:$0x1] =	stream.indirect.gather [hbm4b:s4+s22], $0x80, s30, s22, $0xb8;
	[tilespmem:$0x1CC00] =	vst v63  }
0x37: {  	_ =	swait.ge [sflag:s23], $0x4000  }
0x38: {  	[sflag:s23] =	ssyncset.done $0x0  }
0x39: {  	s31 =	simm.s32 $0x2800;
	[sflag:s23] =	ssyncadd.s32 $0xFFFFC000  }
0x3a: {  	[spmem:s2] =	stream.indirect.scatter.add.f32 [tilespmem:s21], [sflag:$0x2], $0x80, s31, s22, $0xb8;
	[tilespmem:$0x1CC00] =	vst v63  }
0x3b: {  	_ =	swait.ge [sflag:s19], $0x4000  }
0x3c: {  	s26 =	simm.s32 $0x400;
	s25 =	simm.s32 $0x200;
	[sflag:s19] =	ssyncset.done $0x0  }
.LBB2_2:
0x3d: {  	s28 =	sshra.s32 s25, $0x2  }
0x3e: {  	[sflag:s19] =	ssyncadd.s32 $0xFFFFC000;
	s25 =	smov.u32 s26;
	s29 =	sadd.s32 $0x200, s26  }
0x3f: {  	[tilespmem:s21], [sflag:$0x1] =	stream.indirect.gather [hbm4b:s4+s22], $0x80, s28, s22, $0xb8;
	[tilespmem:$0x1CC00] =	vst v63  }
0x40: {  	p1 =	sne.s32 s26, $0x9E00;
	_ =	swait.ge [sflag:s23], $0x4000  }
.Ltmp0:
0x41: {  	[sflag:s23] =	ssyncset.done $0x0;
	(pc) =	sbr.rel @p1 .LBB2_2-.Ltmp0, $4  }
0x42: {  	s26 =	sadd.s32 $0x2800, s28;
	[sflag:s23] =	ssyncadd.s32 $0xFFFFC000  }
0x43: {  	[spmem:s2] =	stream.indirect.scatter.add.f32 [tilespmem:s21], [sflag:$0x2], $0x80, s26, s22, $0xb8;
	[tilespmem:$0x1CC00] =	vst v63  }
0x44: {  	_ =	swait.ge [sflag:s19], $0x4000  }
0x45: {  	s26 =	smov.u32 s29;
	[sflag:s19] =	ssyncset.done $0x0  }
0x46: {  	s25 =	sshra.s32 s25, $0x2;
	[sflag:s19] =	ssyncadd.s32 $0xFFFFC000  }
0x47: {  	[tilespmem:s21], [sflag:$0x1] =	stream.indirect.gather [hbm4b:s4+s22], $0x80, s25, s22, $0xb8;
	[tilespmem:$0x1CC00] =	vst v63  }
0x48: {  	_ =	swait.ge [sflag:s23], $0x4000  }
0x49: {  	[sflag:s23] =	ssyncset.done $0x0  }
0x4a: {  	s25 =	sadd.s32 $0x2800, s25;
	[sflag:s23] =	ssyncadd.s32 $0xFFFFC000  }
0x4b: {  	[spmem:s2] =	stream.indirect.scatter.add.f32 [tilespmem:s21], [sflag:$0x2], $0x80, s25, s22, $0xb8;
	[tilespmem:$0x1CC00] =	vst v63  }
0x4c: {  	_ =	swait.ge [sflag:s19], $0x4000  }
0x4d: {  	[sflag:s19] =	ssyncset.done $0x0  }
0x4e: {  	s28 =	sshll.u32 s1, $0x6;
	[sflag:s19] =	ssyncadd.s32 $0xFFFFC000  }
0x4f: {  	s26 =	sshrl.u32 s9, $0x3;
	s25 =	sor.u32 $0x1C02, s28;
	[bflag:$0x0] =	sbarrier.arrive $0xFFFF  }
0x50: {  	[hbm:s14], [sflag:s25] =	dma.local [spmem:s26], $0x800  }
0x51: {  	_ =	swait.ge [sflag:s19], $0x800  }
0x52: {  	[sflag:s19] =	ssyncset.done $0x0  }
0x53: {  	s29 =	sshrl.u32 s10, $0x3;
	[sflag:s19] =	ssyncadd.s32 $0xFFFFF800  }
0x54: {  	[hbm:s15], [sflag:s25] =	dma.local [spmem:s29], $0x800  }
0x55: {  	_ =	swait.ge [sflag:s19], $0x800  }
0x56: {  	[sflag:s19] =	ssyncset.done $0x0  }
0x57: {  	s30 =	sshrl.u32 s11, $0x3;
	[sflag:s19] =	ssyncadd.s32 $0xFFFFF800  }
0x58: {  	[hbm:s16], [sflag:s25] =	dma.local [spmem:s30], $0x800  }
0x59: {  	_ =	swait.ge [sflag:s19], $0x800  }
0x5a: {  	[sflag:s19] =	ssyncset.done $0x0  }
0x5b: {  	s31 =	sshrl.u32 s12, $0x3;
	[sflag:s19] =	ssyncadd.s32 $0xFFFFF800  }
0x5c: {  	[hbm:s17], [sflag:s25] =	dma.local [spmem:s31], $0x800  }
0x5d: {  	_ =	swait.ge [sflag:s19], $0x800  }
0x5e: {  	s24 =	sadd.s32 $0x1, s24;
	[sflag:s19] =	ssyncset.done $0x0  }
0x5f: {  	p1 =	sne.s32 s24, s8;
	s26 =	sshrl.u32 @!p0 s13, $0x3;
	[sflag:s19] =	ssyncadd.s32 $0xFFFFF800  }
0x60: {  	[hbm:s18], [sflag:s25] =	dma.local @!p0 [spmem:s26], $0x800  }
.Ltmp1:
0x61: {  	_ = 	snop;
	(pc) =	sbr.rel @p1 .LBB2_1-.Ltmp1, $4  }
0x62: {  	s25 =	simm.s32 @!p0 $0x2  }
0x63: {  	_ =	swait.ge @!p0 [sflag:s25], $0x800  }
0x64: {  	[sflag:s25] =	ssyncset.done @!p0 $0x0  }
0x65: {  	[sflag:s25] =	ssyncadd.s32 @!p0 $0xFFFFF800  }
0x66: {  	_ =	sfence.sel $0x180000  }
0x67: {  	[bflag:$0x0] =	sbarrier.arrive $0xFFFF  }
0x68: {  	p0 =	sne.s32 s1, $0x0;
	_ =	strace $0x90000047  }
0x69: {  	s0 =	sadd.s32 @!p0 $0x100000, s0;
	[bflag:$0x2] =	sbarrier.arrive $0xFFFF  }
0x6a: {  	[sflag:s0] =	ssyncadd.tile.s32 @!p0 $0x1;
	_ =	shalt  }
.Lfunc_end2:
_tile_overlayer_lowered:
.L_overlay_start_2:
0x6b: {  	(tag) =	ssettag $0x2  }
0x6c: {  	s0 =	rddreg [dreg:$0x0];
	s2 =	stileid.u32  }
0x6d: {  	s1 =	rddreg [dreg:$0x1];
	p0 =	sne.s32 s2, $0x0  }
0x6e: {  	s3 =	rddreg [dreg:$0x2];
	[bflag:$0x3] =	sbarrier.arrive $0xFFFF;
	s2 =	simm.s32 @!p0 $0x1C02  }
0x6f: {  	[timem:s3], [sflag:s2] =	dma.local @!p0 [hbm:s0], s1  }
0x70: {  	s0 =	simm.s32 @!p0 $0x2  }
0x71: {  	_ =	swait.ge @!p0 [sflag:s0], s1  }
0x72: {  	s1 =	ssub.s32 @!p0 $0x0, s1;
	[sflag:s0] =	ssyncset.done @!p0 $0x0  }
0x73: {  	[sflag:s0] =	ssyncadd.s32 @!p0 s1  }
0x74: {  	[bflag:$0x3] =	sbarrier.arrive $0xFFFF  }
0x75: {  	_ =	shalt  }

// kernel: kernel.22.cloned.1.call-start
scs
__scs_entry_jumppad:
0x0: {  	(pc) =	sbr.rel $0x88, $3  }
0x1: {  	(tag) =	ssettag $0x0;
	lr =	simm.s32 $0x1  }
0x2: {  	[smem:$0x3F76] =	sst lr;
	_ =	strace $0xD0000000  }
0x3: {  	_ = 	snop  }
0x4: {  	_ = 	snop  }
0x5: {  	_ = 	snop  }
0x6: {  	_ = 	snop  }
0x7: {  	_ = 	snop  }
__scs_overlays_trampoline_lowered:
0x8: {  	[smem:$0x3F85] =	sst s0  }
0x9: {  	[smem:$0x3F86] =	sst s1  }
0xa: {  	[smem:$0x3F87] =	sst s2  }
0xb: {  	[smem:$0x3F88] =	sst s3  }
0xc: {  	[smem:$0x3F89] =	sst s4  }
0xd: {  	[smem:$0x3F8A] =	sst s5  }
0xe: {  	[smem:$0x3F8B] =	sst s6  }
0xf: {  	[smem:$0x3F8C] =	sst s7  }
0x10: {  	[smem:$0x3F8D] =	sst s8  }
0x11: {  	[smem:$0x3F8E] =	sst s9;
	s0 =	simm.s32 @!p0 $0x0  }
0x12: {  	s1 =	sld [smem:$0x3F74];
	s0 =	simm.s32 @p0 $0x1  }
0x13: {  	[smem:$0x3F8F] =	sst s0;
	s0 =	simm.s32 @!p1 $0x0  }
0x14: {  	s2 =	sld [smem:$0x3F73];
	s0 =	simm.s32 @p1 $0x1  }
0x15: {  	[smem:$0x3F90] =	sst s0;
	s0 =	simm.s32 @!p2 $0x0  }
0x16: {  	s3 =	sld [smem:$0x3FDB];
	s0 =	simm.s32 @p2 $0x1  }
0x17: {  	s4 =	simm.s32 $0x1BF5;
	[smem:$0x3F92] =	sst s0  }
0x18: {  	s0 =	sld [smem:$0x3F75];
	_ =	swait.ge [sflag:s4], $0x0  }
0x19: {  	s7 =	sld [smem:$0x3F76]  }
0x1a: {  	s8 =	sadd.s32 $0xFFFFE003, lr  }
0x1b: {  	s9 =	sadd.s32 $0xFFFFFEF7, lr;
	s5 =	simm.s32 $0xFFFFFFFF;
	p2 =	slt.u32 s8, $0xFFFFF086  }
0x1c: {  	p1 =	slt.u32 s9, $0xF7A;
	s5 =	simm.s32 @!p2 $0x0  }
0x1d: {  	s5 =	simm.s32 @p1 $0x1;
	p0 =	seq.s32 s7, s2  }
0x1e: {  	s7 =	smul.u32 @!p0 $0xF7A, s2;
	p2 =	seq.s32 @!p0 s5, $0x0  }
0x1f: {  	s9 =	smul.u32 $0xF7A, s1;
	s8 =	simm.s32 @!p0 $0x1BF5;
	p2 =	por !p2, p0  }
0x20: {  	[sflag:s8] =	ssyncset.s32 @!p0 $0xFFFFF086;
	s6 =	sadd.s32 @!p0 s3, s7;
	s7 =	simm.s32 @!p0 $0x108  }
0x21: {  	s3 =	sadd.s32 s3, s9;
	s6 =	sadd.s32 @!p0 $0x88, s6;
	s7 =	simm.s32 @p2 $0x1082  }
0x22: {  	[simem:s7], [sflag:s8] =	dma.local @!p0 [hbm:s6], $0xF7A  }
0x23: {  	s9 =	sor.u32 $0xD0000000, s2;
	s6 =	simm.s32 $0x108;
	_ =	swait.ge @!p0 [sflag:s8], $0x0  }
0x24: {  	s3 =	sadd.s32 $0x88, s3;
	s6 =	simm.s32 @!p1 $0x1082;
	[sflag:s4] =	ssyncset.s32 $0xFFFFF086  }
0x25: {  	[simem:s6], [sflag:s4] =	dma.local [hbm:s3], $0xF7A  }
0x26: {  	[smem:$0x3F76] =	sst s1;
	(tag) =	ssettag s2;
	_ =	strace s9  }
0x27: {  	s1 =	sld [smem:$0x3F86]  }
0x28: {  	s2 =	sld [smem:$0x3F87]  }
0x29: {  	s4 =	sld [smem:$0x3F89]  }
0x2a: {  	p0 =	seq.s32 s5, $0x0;
	s5 =	sld [smem:$0x3F8A]  }
0x2b: {  	s6 =	sld [smem:$0x3F8B]  }
0x2c: {  	s7 =	sld [smem:$0x3F8C]  }
0x2d: {  	s3 =	simm.s32 $0x108;
	s8 =	sld [smem:$0x3F8D]  }
0x2e: {  	s3 =	simm.s32 @!p0 $0x1082;
	s9 =	sld [smem:$0x3F8E]  }
0x2f: {  	lr =	sadd.s32 s0, s3;
	s0 =	sld [smem:$0x3F85]  }
0x30: {  	s3 =	sld [smem:$0x3F88]  }
0x31: {  	[smem:$0x3F91] =	sst s10  }
0x32: {  	s10 =	sld [smem:$0x3F8F];
	_ =	sdelay $0x3  }
0x33: {  	p0 =	seq.s32 s10, $0x1;
	s10 =	sld [smem:$0x3F91];
	_ =	sdelay $0x3  }
0x34: {  	[smem:$0x3F91] =	sst s10  }
0x35: {  	s10 =	sld [smem:$0x3F90];
	_ =	sdelay $0x3  }
0x36: {  	p1 =	seq.s32 s10, $0x1;
	s10 =	sld [smem:$0x3F91];
	_ =	sdelay $0x3  }
0x37: {  	[smem:$0x3F91] =	sst s10  }
0x38: {  	s10 =	sld [smem:$0x3F92]  }
0x39: {  	_ = 	snop;
	(pc) =	sbr.ind lr, $3  }
0x3a: {  	_ = 	snop  }
0x3b: {  	_ = 	snop  }
0x3c: {  	p2 =	seq.s32 s10, $0x1;
	s10 =	sld [smem:$0x3F91]  }
0x3d: {  	_ =	shalt  }
0x3e: {  	_ =	shalt  }
0x3f: {  	_ =	shalt  }
0x40: {  	_ =	shalt  }
0x41: {  	_ =	shalt  }
0x42: {  	_ =	shalt  }
0x43: {  	_ =	shalt  }
0x44: {  	_ =	shalt  }
0x45: {  	_ =	shalt  }
0x46: {  	_ =	shalt  }
0x47: {  	_ =	shalt  }
0x48: {  	_ =	shalt  }
0x49: {  	_ =	shalt  }
0x4a: {  	_ =	shalt  }
0x4b: {  	_ =	shalt  }
0x4c: {  	_ =	shalt  }
0x4d: {  	_ =	shalt  }
0x4e: {  	_ =	shalt  }
0x4f: {  	_ =	shalt  }
0x50: {  	_ =	shalt  }
0x51: {  	_ =	shalt  }
0x52: {  	_ =	shalt  }
0x53: {  	_ =	shalt  }
0x54: {  	_ =	shalt  }
0x55: {  	_ =	shalt  }
0x56: {  	_ =	shalt  }
0x57: {  	_ =	shalt  }
0x58: {  	_ =	shalt  }
0x59: {  	_ =	shalt  }
0x5a: {  	_ =	shalt  }
0x5b: {  	_ =	shalt  }
0x5c: {  	_ =	shalt  }
0x5d: {  	_ =	shalt  }
0x5e: {  	_ =	shalt  }
0x5f: {  	_ =	shalt  }
0x60: {  	_ =	shalt  }
0x61: {  	_ =	shalt  }
0x62: {  	_ =	shalt  }
0x63: {  	_ =	shalt  }
0x64: {  	_ =	shalt  }
0x65: {  	_ =	shalt  }
0x66: {  	_ =	shalt  }
0x67: {  	_ =	shalt  }
0x68: {  	_ =	shalt  }
0x69: {  	_ =	shalt  }
0x6a: {  	_ =	shalt  }
0x6b: {  	_ =	shalt  }
0x6c: {  	_ =	shalt  }
0x6d: {  	_ =	shalt  }
0x6e: {  	_ =	shalt  }
0x6f: {  	_ =	shalt  }
0x70: {  	_ =	shalt  }
0x71: {  	_ =	shalt  }
0x72: {  	_ =	shalt  }
0x73: {  	_ =	shalt  }
0x74: {  	_ =	shalt  }
0x75: {  	_ =	shalt  }
0x76: {  	_ =	shalt  }
0x77: {  	_ =	shalt  }
0x78: {  	_ =	shalt  }
0x79: {  	_ =	shalt  }
0x7a: {  	_ =	shalt  }
0x7b: {  	_ =	shalt  }
0x7c: {  	_ =	shalt  }
0x7d: {  	_ =	shalt  }
0x7e: {  	_ =	shalt  }
0x7f: {  	_ =	shalt  }
0x80: {  	_ =	shalt  }
0x81: {  	_ =	shalt  }
0x82: {  	_ =	shalt  }
0x83: {  	_ =	shalt  }
0x84: {  	_ =	shalt  }
0x85: {  	_ =	shalt  }
0x86: {  	_ =	shalt  }
0x87: {  	_ =	shalt  }
.Lfunc_end0:
.L_simem_size_0:
called_computation.1_lowered:
.L_overlay_start_0:
0x88: {  	s2 =	sld [smem:$0x3FD9]  }
0x89: {  	s3 =	sld [smem:$0x3FFE];
	_ =	sdelay $0x1  }
0x8a: {  	s1 =	srdreg.scid  }
0x8b: {  	s0 =	sand.u32 $0x1, s1  }
0x8c: {  	s16 =	sshll.u32 s0, $0xA;
	s2 =	sadd.s32 s3, s2  }
0x8d: {  	s2 =	sadd.s32 s2, s16  }
0x8e: {  	[smem:$0x3F9D] =	sst s2  }
0x8f: {  	_ = 	snop  }
0x90: {  	(tm) =	ssettm $0x1  }
0x91: {  	s17 =	sld [smem:$0x3FFB];
	_ =	sdelay $0x3  }
0x92: {  	_ =	strace s17  }
0x93: {  	s2 =	sld [smem:$0x3FFC];
	_ =	sdelay $0x3  }
0x94: {  	_ =	strace s2  }
0x95: {  	s2 =	sld [smem:$0x3FFD];
	_ =	sdelay $0x3  }
0x96: {  	_ =	strace s2  }
0x97: {  	_ =	strace $0x8FFFFFFF  }
0x98: {  	s18 =	sld [smem:$0x3FDB];
	_ =	sdelay $0x1  }
0x99: {  	s19 =	simm.s32 $_scs_section_size  }
0x9a: {  	s4 =	simm.s32 $_size__tile_overlayer_lowered;
	s5 =	simm.s32 $_tile_overlayer_lowered  }
0x9b: {  	s22 =	simm.s32 $0x1BFF;
	s21 =	sshll.u32 s5, $0x1;
	s2 =	sadd.s32 s19, s18  }
0x9c: {  	s6 =	simm.s32 $0x0;
	s20 =	sshll.u32 s4, $0x1;
	s4 =	sadd.s32 s21, s2  }
0x9d: {  	[timem:s6], [sflag:s22] =	dma.local [hbm:s4], s20  }
0x9e: {  	_ =	swait.ge [sflag:s22], s20  }
0x9f: {  	s3 =	ssub.s32 $0x0, s20;
	[sflag:s22] =	ssyncset.done $0x0  }
0xa0: {  	[sflag:s22] =	ssyncadd.s32 s3;
	_ =	sdelay $0x1  }
0xa1: {  	s23 =	simm.s32 $0x1B8B  }
0xa2: {  	_ =	swait.ge [sflag:s23], $0x1  }
0xa3: {  	[sflag:s23] =	ssyncset.done $0x0  }
0xa4: {  	s25 =	simm.s32 $0x1B8E;
	s24 =	sld [smem:$0x3FFE];
	[sflag:s23] =	ssyncadd.s32 $0xFFFFFFFF  }
0xa5: {  	s26 =	simm.s32 $execute0_lowered;
	[smem:$0x3FD2] =	sst s25  }
0xa6: {  	s4 =	sshll.u32 s26, $0x1;
	_ =	strace $0x80000049;
	[dreg:$0x1] =	wrdreg $0xFFFFFFFF  }
0xa7: {  	s28 =	simm.s32 $_size_execute0_lowered;
	s2 =	sadd.s32 s2, s4;
	[dreg:$0x0] =	wrdreg $0x0  }
0xa8: {  	s4 =	sshll.u32 s28, $0x1;
	[dreg:$0x2] =	wrdreg s2  }
0xa9: {  	[dreg:$0x3] =	wrdreg s4  }
0xaa: {  	[dreg:$0x4] =	wrdreg $0xC0  }
0xab: {  	_ =	task [dreg:s6], $0x5FFFF  }
0xac: {  	[dreg:$0x1] =	wrdreg $0xFFFFFFFF  }
0xad: {  	[dreg:$0x0] =	wrdreg $0x60  }
0xae: {  	[dreg:$0x2] =	wrdreg s24  }
0xaf: {  	[dreg:$0x3] =	wrdreg $0x90000  }
0xb0: {  	[dreg:$0x4] =	wrdreg $0x9  }
0xb1: {  	_ =	task.clear_ibuf [dreg:s6], $0x5FFFF;
	_ =	strace $0x90000049  }
0xb2: {  	s29 =	simm.s32 $0x9;
	_ =	strace $0x8000004B  }
0xb3: {  	_ =	swait.ge [sflag:s29], $0x1  }
0xb4: {  	[sflag:s29] =	ssyncadd.s32 $0xFFFFFFFF  }
0xb5: {  	_ =	strace $0x9000004B  }
0xb6: {  	_ =	sfence  }
0xb7: {  	s30 =	sld [smem:$0x0];
	_ =	sdelay $0x2  }
0xb8: {  	s31 =	sshll.u32 s1, $0xD;
	s1 =	sshrl.u32 s1, $0x2  }
0xb9: {  	s3 =	sand.u32 $0x4000, s31;
	s1 =	sadd.s32 s1, s30  }
0xba: {  	s0 =	sor.u32 s3, s0;
	s1 =	sshll.u32 s1, $0x11  }
0xbb: {  	s0 =	sor.u32 s1, s0  }
0xbc: {  	s0 =	sadd.s32 $0x8F2B, s0  }
0xbd: {  	[sflag:s0] =	ssyncadd.remote.s32 $0x1  }
0xbe: {  	_ =	sfence.sel $0xFFFF  }
0xbf: {  	[dreg:$0x0] =	wrdreg $0xFFFFFFFF;
	(pc) =	sbr.abs _section_cstart, $3  }
0xc0: {  	[dreg:$0x1] =	wrdreg $0xFFFFFFFF  }
0xc1: {  	_ =	task.clear_ibuf [dreg:s6], $0x2FFFF;
	_ =	strace $0x9FFFFFFF  }
0xc2: {  	(tm) =	ssettm $0x7FFFFFFF  }
0xc3: {  	_ =	shalt  }
tec
execute0_lowered:
.L_overlay_start_1:
0x0: {  	(tag) =	ssettag $0x1  }
0x1: {  	s0 =	srdreg.scid;
	s6 =	rddreg [dreg:$0x0]  }
0x2: {  	s2 =	rddreg [dreg:$0x1];
	s1 =	stileid.u32  }
0x3: {  	s3 =	simm.s32 $0x0;
	s22 =	simm.s32 $0x80;
	s23 =	simm.s32 $0x1  }
0x4: {  	s24 =	simm.s32 $0x0;
	s8 =	sand.u32 $0x1, s0;
	s0 =	rddreg [dreg:$0x2]  }
0x5: {  	[smem:$0x7FF] =	sst s3;
	s18 =	sadd.s32 $0x44600, s6;
	s13 =	sshll.u32 s1, $0xE  }
0x6: {  	p0 =	seq.s32 s1, $0xF;
	s4 =	sshll.u32 s8, $0x4;
	_ =	strace $0x8000004A  }
0x7: {  	s7 =	ssub.s32 $0x2, s8;
	s16 =	smul.u32 $0x13C000, s8;
	s14 =	sor.u32 $0x40000, s13  }
0x8: {  	s17 =	sor.u32 $0x80000, s13;
	s19 =	sor.u32 $0xC0000, s13;
	s20 =	sor.u32 $0x100000, s13  }
0x9: {  	s4 =	sor.u32 s1, s4;
	s10 =	sshrl.u32 s7, $0x1;
	s11 =	sadd.s32 s17, s2  }
0xa: {  	s12 =	sadd.s32 s19, s2;
	s5 =	smul.u32 $0x500, s4;
	s4 =	sadd.s32 $0x1C600, s6  }
0xb: {  	s10 =	ssub.s32 s7, s10;
	s15 =	sadd.s32 s16, s13;
	s17 =	sadd.s32 s16, s17  }
0xc: {  	s19 =	sadd.s32 s16, s19;
	s8 =	smax.u32 s10, $0x1;
	s10 =	sadd.s32 s14, s2  }
0xd: {  	s14 =	sadd.s32 s16, s14;
	s15 =	sshrl.u32 s15, $0x3;
	s17 =	sshrl.u32 s17, $0x3  }
0xe: {  	s30 =	sshrl.u32 s19, $0x3;
	s19 =	simm.s32 $0x2;
	s9 =	sadd.s32 s5, s6  }
0xf: {  	s5 =	sadd.s32 $0x43E00, s6;
	s21 =	sshrl.u32 s14, $0x3;
	s14 =	sadd.s32 s18, s15  }
0x10: {  	s6 =	sadd.s32 $0x8600, s9;
	s7 =	sadd.s32 $0x12600, s9;
	s9 =	sadd.s32 s13, s2  }
0x11: {  	s13 =	sadd.s32 s20, s2;
	s15 =	sadd.s32 s18, s21;
	s20 =	sadd.s32 s16, s20  }
0x12: {  	s16 =	sadd.s32 s18, s17;
	s17 =	sadd.s32 s18, s30;
	s31 =	sshrl.u32 s20, $0x3  }
0x13: {  	s21 =	simm.s32 $0x5000;
	s20 =	simm.s32 $0x2800;
	s18 =	sadd.s32 s18, s31  }
.LBB2_1:
0x14: {  	[tilespmem:s3], [sflag:$0x2] =	stream.linear.gather [hbm4b:s6+s3], $0x2800, $0x38;
	[tilespmem:$0x1CC00] =	vst v63  }
0x15: {  	_ =	swait.ge [sflag:s19], $0x2800  }
0x16: {  	[sflag:s19] =	ssyncset.done $0x0  }
0x17: {  	[sflag:s19] =	ssyncadd.s32 $0xFFFFD800  }
0x18: {  	[tilespmem:s20], [sflag:$0x2] =	stream.linear.gather [hbm4b:s7+s3], $0x2800, $0x38;
	[tilespmem:$0x1CC00] =	vst v63  }
0x19: {  	_ =	swait.ge [sflag:s19], $0x2800  }
0x1a: {  	[sflag:s19] =	ssyncset.done $0x0  }
0x1b: {  	[sflag:s19] =	ssyncadd.s32 $0xFFFFD800  }
0x1c: {  	[tilespmem:s21], [sflag:$0x2] =	stream.linear.gather [hbm4b:s5+s3], $0x4000, $0x38;
	[tilespmem:$0x1CC00] =	vst v63  }
0x1d: {  	_ =	swait.ge [sflag:s19], $0x4000  }
0x1e: {  	[sflag:s19] =	ssyncset.done $0x0  }
0x1f: {  	[sflag:s19] =	ssyncadd.s32 $0xFFFFC000  }
0x20: {  	[spmem:s9] =	stream.linear.scatter [tilespmem:s21], [sflag:$0x2], $0x4000, $0x38;
	[tilespmem:$0x1CC00] =	vst v63  }
0x21: {  	_ =	swait.ge [sflag:s19], $0x4000  }
0x22: {  	[sflag:s19] =	ssyncset.done $0x0  }
0x23: {  	[sflag:s19] =	ssyncadd.s32 $0xFFFFC000  }
0x24: {  	[spmem:s10] =	stream.linear.scatter [tilespmem:s21], [sflag:$0x2], $0x4000, $0x38;
	[tilespmem:$0x1CC00] =	vst v63  }
0x25: {  	_ =	swait.ge [sflag:s19], $0x4000  }
0x26: {  	[sflag:s19] =	ssyncset.done $0x0  }
0x27: {  	[sflag:s19] =	ssyncadd.s32 $0xFFFFC000  }
0x28: {  	[spmem:s11] =	stream.linear.scatter [tilespmem:s21], [sflag:$0x2], $0x4000, $0x38;
	[tilespmem:$0x1CC00] =	vst v63  }
0x29: {  	_ =	swait.ge [sflag:s19], $0x4000  }
0x2a: {  	[sflag:s19] =	ssyncset.done $0x0  }
0x2b: {  	[sflag:s19] =	ssyncadd.s32 $0xFFFFC000  }
0x2c: {  	[spmem:s12] =	stream.linear.scatter [tilespmem:s21], [sflag:$0x2], $0x4000, $0x38;
	[tilespmem:$0x1CC00] =	vst v63  }
0x2d: {  	_ =	swait.ge [sflag:s19], $0x4000  }
0x2e: {  	[sflag:s19] =	ssyncset.done $0x0  }
0x2f: {  	s25 =	simm.s32 @!p0 $0x5000;
	[sflag:s19] =	ssyncadd.s32 $0xFFFFC000  }
0x30: {  	[spmem:s13] =	stream.linear.scatter @!p0 [tilespmem:s25], [sflag:$0x2], $0x4000, $0x38;
	[tilespmem:$0x1CC00] =	vst v63  }
0x31: {  	s25 =	simm.s32 @!p0 $0x2  }
0x32: {  	_ =	swait.ge @!p0 [sflag:s25], $0x4000  }
0x33: {  	[sflag:s25] =	ssyncset.done @!p0 $0x0  }
0x34: {  	[sflag:s25] =	ssyncadd.s32 @!p0 $0xFFFFC000  }
0x35: {  	s30 =	simm.s32 $0x0;
	[bflag:$0x0] =	sbarrier.arrive $0xFFFF  }
0x36: {  	[tilespmem:s21], [sflag:$0x1] =	stream.indirect.gather [hbm4b:s4+s22], $0x80, s30, s22, $0xb8;
	[tilespmem:$0x1CC00] =	vst v63  }
0x37: {  	_ =	swait.ge [sflag:s23], $0x4000  }
0x38: {  	[sflag:s23] =	ssyncset.done $0x0  }
0x39: {  	s31 =	simm.s32 $0x2800;
	[sflag:s23] =	ssyncadd.s32 $0xFFFFC000  }
0x3a: {  	[spmem:s2] =	stream.indirect.scatter.add.f32 [tilespmem:s21], [sflag:$0x2], $0x80, s31, s22, $0xb8;
	[tilespmem:$0x1CC00] =	vst v63  }
0x3b: {  	_ =	swait.ge [sflag:s19], $0x4000  }
0x3c: {  	s26 =	simm.s32 $0x400;
	s25 =	simm.s32 $0x200;
	[sflag:s19] =	ssyncset.done $0x0  }
.LBB2_2:
0x3d: {  	s28 =	sshra.s32 s25, $0x2  }
0x3e: {  	[sflag:s19] =	ssyncadd.s32 $0xFFFFC000;
	s25 =	smov.u32 s26;
	s29 =	sadd.s32 $0x200, s26  }
0x3f: {  	[tilespmem:s21], [sflag:$0x1] =	stream.indirect.gather [hbm4b:s4+s22], $0x80, s28, s22, $0xb8;
	[tilespmem:$0x1CC00] =	vst v63  }
0x40: {  	p1 =	sne.s32 s26, $0x9E00;
	_ =	swait.ge [sflag:s23], $0x4000  }
.Ltmp0:
0x41: {  	[sflag:s23] =	ssyncset.done $0x0;
	(pc) =	sbr.rel @p1 .LBB2_2-.Ltmp0, $4  }
0x42: {  	s26 =	sadd.s32 $0x2800, s28;
	[sflag:s23] =	ssyncadd.s32 $0xFFFFC000  }
0x43: {  	[spmem:s2] =	stream.indirect.scatter.add.f32 [tilespmem:s21], [sflag:$0x2], $0x80, s26, s22, $0xb8;
	[tilespmem:$0x1CC00] =	vst v63  }
0x44: {  	_ =	swait.ge [sflag:s19], $0x4000  }
0x45: {  	s26 =	smov.u32 s29;
	[sflag:s19] =	ssyncset.done $0x0  }
0x46: {  	s25 =	sshra.s32 s25, $0x2;
	[sflag:s19] =	ssyncadd.s32 $0xFFFFC000  }
0x47: {  	[tilespmem:s21], [sflag:$0x1] =	stream.indirect.gather [hbm4b:s4+s22], $0x80, s25, s22, $0xb8;
	[tilespmem:$0x1CC00] =	vst v63  }
0x48: {  	_ =	swait.ge [sflag:s23], $0x4000  }
0x49: {  	[sflag:s23] =	ssyncset.done $0x0  }
0x4a: {  	s25 =	sadd.s32 $0x2800, s25;
	[sflag:s23] =	ssyncadd.s32 $0xFFFFC000  }
0x4b: {  	[spmem:s2] =	stream.indirect.scatter.add.f32 [tilespmem:s21], [sflag:$0x2], $0x80, s25, s22, $0xb8;
	[tilespmem:$0x1CC00] =	vst v63  }
0x4c: {  	_ =	swait.ge [sflag:s19], $0x4000  }
0x4d: {  	[sflag:s19] =	ssyncset.done $0x0  }
0x4e: {  	s28 =	sshll.u32 s1, $0x6;
	[sflag:s19] =	ssyncadd.s32 $0xFFFFC000  }
0x4f: {  	s26 =	sshrl.u32 s9, $0x3;
	s25 =	sor.u32 $0x1C02, s28;
	[bflag:$0x0] =	sbarrier.arrive $0xFFFF  }
0x50: {  	[hbm:s14], [sflag:s25] =	dma.local [spmem:s26], $0x800  }
0x51: {  	_ =	swait.ge [sflag:s19], $0x800  }
0x52: {  	[sflag:s19] =	ssyncset.done $0x0  }
0x53: {  	s29 =	sshrl.u32 s10, $0x3;
	[sflag:s19] =	ssyncadd.s32 $0xFFFFF800  }
0x54: {  	[hbm:s15], [sflag:s25] =	dma.local [spmem:s29], $0x800  }
0x55: {  	_ =	swait.ge [sflag:s19], $0x800  }
0x56: {  	[sflag:s19] =	ssyncset.done $0x0  }
0x57: {  	s30 =	sshrl.u32 s11, $0x3;
	[sflag:s19] =	ssyncadd.s32 $0xFFFFF800  }
0x58: {  	[hbm:s16], [sflag:s25] =	dma.local [spmem:s30], $0x800  }
0x59: {  	_ =	swait.ge [sflag:s19], $0x800  }
0x5a: {  	[sflag:s19] =	ssyncset.done $0x0  }
0x5b: {  	s31 =	sshrl.u32 s12, $0x3;
	[sflag:s19] =	ssyncadd.s32 $0xFFFFF800  }
0x5c: {  	[hbm:s17], [sflag:s25] =	dma.local [spmem:s31], $0x800  }
0x5d: {  	_ =	swait.ge [sflag:s19], $0x800  }
0x5e: {  	s24 =	sadd.s32 $0x1, s24;
	[sflag:s19] =	ssyncset.done $0x0  }
0x5f: {  	p1 =	sne.s32 s24, s8;
	s26 =	sshrl.u32 @!p0 s13, $0x3;
	[sflag:s19] =	ssyncadd.s32 $0xFFFFF800  }
0x60: {  	[hbm:s18], [sflag:s25] =	dma.local @!p0 [spmem:s26], $0x800  }
.Ltmp1:
0x61: {  	_ = 	snop;
	(pc) =	sbr.rel @p1 .LBB2_1-.Ltmp1, $4  }
0x62: {  	s25 =	simm.s32 @!p0 $0x2  }
0x63: {  	_ =	swait.ge @!p0 [sflag:s25], $0x800  }
0x64: {  	[sflag:s25] =	ssyncset.done @!p0 $0x0  }
0x65: {  	[sflag:s25] =	ssyncadd.s32 @!p0 $0xFFFFF800  }
0x66: {  	_ =	sfence.sel $0x180000  }
0x67: {  	[bflag:$0x0] =	sbarrier.arrive $0xFFFF  }
0x68: {  	p0 =	sne.s32 s1, $0x0;
	_ =	strace $0x9000004A  }
0x69: {  	s0 =	sadd.s32 @!p0 $0x100000, s0;
	[bflag:$0x2] =	sbarrier.arrive $0xFFFF  }
0x6a: {  	[sflag:s0] =	ssyncadd.tile.s32 @!p0 $0x1;
	_ =	shalt  }
.Lfunc_end2:
_tile_overlayer_lowered:
.L_overlay_start_2:
0x6b: {  	(tag) =	ssettag $0x2  }
0x6c: {  	s0 =	rddreg [dreg:$0x0];
	s2 =	stileid.u32  }
0x6d: {  	s1 =	rddreg [dreg:$0x1];
	p0 =	sne.s32 s2, $0x0  }
0x6e: {  	s3 =	rddreg [dreg:$0x2];
	[bflag:$0x3] =	sbarrier.arrive $0xFFFF;
	s2 =	simm.s32 @!p0 $0x1C02  }
0x6f: {  	[timem:s3], [sflag:s2] =	dma.local @!p0 [hbm:s0], s1  }
0x70: {  	s0 =	simm.s32 @!p0 $0x2  }
0x71: {  	_ =	swait.ge @!p0 [sflag:s0], s1  }
0x72: {  	s1 =	ssub.s32 @!p0 $0x0, s1;
	[sflag:s0] =	ssyncset.done @!p0 $0x0  }
0x73: {  	[sflag:s0] =	ssyncadd.s32 @!p0 s1  }
0x74: {  	[bflag:$0x3] =	sbarrier.arrive $0xFFFF  }
0x75: {  	_ =	shalt  }

// kernel: kernel.25.cloned.1.call-start
scs
__scs_entry_jumppad:
0x0: {  	(pc) =	sbr.rel $0x88, $3  }
0x1: {  	(tag) =	ssettag $0x0;
	lr =	simm.s32 $0x1  }
0x2: {  	[smem:$0x3F76] =	sst lr;
	_ =	strace $0xD0000000  }
0x3: {  	_ = 	snop  }
0x4: {  	_ = 	snop  }
0x5: {  	_ = 	snop  }
0x6: {  	_ = 	snop  }
0x7: {  	_ = 	snop  }
__scs_overlays_trampoline_lowered:
0x8: {  	[smem:$0x3F85] =	sst s0  }
0x9: {  	[smem:$0x3F86] =	sst s1  }
0xa: {  	[smem:$0x3F87] =	sst s2  }
0xb: {  	[smem:$0x3F88] =	sst s3  }
0xc: {  	[smem:$0x3F89] =	sst s4  }
0xd: {  	[smem:$0x3F8A] =	sst s5  }
0xe: {  	[smem:$0x3F8B] =	sst s6  }
0xf: {  	[smem:$0x3F8C] =	sst s7  }
0x10: {  	[smem:$0x3F8D] =	sst s8  }
0x11: {  	[smem:$0x3F8E] =	sst s9;
	s0 =	simm.s32 @!p0 $0x0  }
0x12: {  	s1 =	sld [smem:$0x3F74];
	s0 =	simm.s32 @p0 $0x1  }
0x13: {  	[smem:$0x3F8F] =	sst s0;
	s0 =	simm.s32 @!p1 $0x0  }
0x14: {  	s2 =	sld [smem:$0x3F73];
	s0 =	simm.s32 @p1 $0x1  }
0x15: {  	[smem:$0x3F90] =	sst s0;
	s0 =	simm.s32 @!p2 $0x0  }
0x16: {  	s3 =	sld [smem:$0x3FDB];
	s0 =	simm.s32 @p2 $0x1  }
0x17: {  	s4 =	simm.s32 $0x1BF5;
	[smem:$0x3F92] =	sst s0  }
0x18: {  	s0 =	sld [smem:$0x3F75];
	_ =	swait.ge [sflag:s4], $0x0  }
0x19: {  	s7 =	sld [smem:$0x3F76]  }
0x1a: {  	s8 =	sadd.s32 $0xFFFFE003, lr  }
0x1b: {  	s9 =	sadd.s32 $0xFFFFFEF7, lr;
	s5 =	simm.s32 $0xFFFFFFFF;
	p2 =	slt.u32 s8, $0xFFFFF086  }
0x1c: {  	p1 =	slt.u32 s9, $0xF7A;
	s5 =	simm.s32 @!p2 $0x0  }
0x1d: {  	s5 =	simm.s32 @p1 $0x1;
	p0 =	seq.s32 s7, s2  }
0x1e: {  	s7 =	smul.u32 @!p0 $0xF7A, s2;
	p2 =	seq.s32 @!p0 s5, $0x0  }
0x1f: {  	s9 =	smul.u32 $0xF7A, s1;
	s8 =	simm.s32 @!p0 $0x1BF5;
	p2 =	por !p2, p0  }
0x20: {  	[sflag:s8] =	ssyncset.s32 @!p0 $0xFFFFF086;
	s6 =	sadd.s32 @!p0 s3, s7;
	s7 =	simm.s32 @!p0 $0x108  }
0x21: {  	s3 =	sadd.s32 s3, s9;
	s6 =	sadd.s32 @!p0 $0x88, s6;
	s7 =	simm.s32 @p2 $0x1082  }
0x22: {  	[simem:s7], [sflag:s8] =	dma.local @!p0 [hbm:s6], $0xF7A  }
0x23: {  	s9 =	sor.u32 $0xD0000000, s2;
	s6 =	simm.s32 $0x108;
	_ =	swait.ge @!p0 [sflag:s8], $0x0  }
0x24: {  	s3 =	sadd.s32 $0x88, s3;
	s6 =	simm.s32 @!p1 $0x1082;
	[sflag:s4] =	ssyncset.s32 $0xFFFFF086  }
0x25: {  	[simem:s6], [sflag:s4] =	dma.local [hbm:s3], $0xF7A  }
0x26: {  	[smem:$0x3F76] =	sst s1;
	(tag) =	ssettag s2;
	_ =	strace s9  }
0x27: {  	s1 =	sld [smem:$0x3F86]  }
0x28: {  	s2 =	sld [smem:$0x3F87]  }
0x29: {  	s4 =	sld [smem:$0x3F89]  }
0x2a: {  	p0 =	seq.s32 s5, $0x0;
	s5 =	sld [smem:$0x3F8A]  }
0x2b: {  	s6 =	sld [smem:$0x3F8B]  }
0x2c: {  	s7 =	sld [smem:$0x3F8C]  }
0x2d: {  	s3 =	simm.s32 $0x108;
	s8 =	sld [smem:$0x3F8D]  }
0x2e: {  	s3 =	simm.s32 @!p0 $0x1082;
	s9 =	sld [smem:$0x3F8E]  }
0x2f: {  	lr =	sadd.s32 s0, s3;
	s0 =	sld [smem:$0x3F85]  }
0x30: {  	s3 =	sld [smem:$0x3F88]  }
0x31: {  	[smem:$0x3F91] =	sst s10  }
0x32: {  	s10 =	sld [smem:$0x3F8F];
	_ =	sdelay $0x3  }
0x33: {  	p0 =	seq.s32 s10, $0x1;
	s10 =	sld [smem:$0x3F91];
	_ =	sdelay $0x3  }
0x34: {  	[smem:$0x3F91] =	sst s10  }
0x35: {  	s10 =	sld [smem:$0x3F90];
	_ =	sdelay $0x3  }
0x36: {  	p1 =	seq.s32 s10, $0x1;
	s10 =	sld [smem:$0x3F91];
	_ =	sdelay $0x3  }
0x37: {  	[smem:$0x3F91] =	sst s10  }
0x38: {  	s10 =	sld [smem:$0x3F92]  }
0x39: {  	_ = 	snop;
	(pc) =	sbr.ind lr, $3  }
0x3a: {  	_ = 	snop  }
0x3b: {  	_ = 	snop  }
0x3c: {  	p2 =	seq.s32 s10, $0x1;
	s10 =	sld [smem:$0x3F91]  }
0x3d: {  	_ =	shalt  }
0x3e: {  	_ =	shalt  }
0x3f: {  	_ =	shalt  }
0x40: {  	_ =	shalt  }
0x41: {  	_ =	shalt  }
0x42: {  	_ =	shalt  }
0x43: {  	_ =	shalt  }
0x44: {  	_ =	shalt  }
0x45: {  	_ =	shalt  }
0x46: {  	_ =	shalt  }
0x47: {  	_ =	shalt  }
0x48: {  	_ =	shalt  }
0x49: {  	_ =	shalt  }
0x4a: {  	_ =	shalt  }
0x4b: {  	_ =	shalt  }
0x4c: {  	_ =	shalt  }
0x4d: {  	_ =	shalt  }
0x4e: {  	_ =	shalt  }
0x4f: {  	_ =	shalt  }
0x50: {  	_ =	shalt  }
0x51: {  	_ =	shalt  }
0x52: {  	_ =	shalt  }
0x53: {  	_ =	shalt  }
0x54: {  	_ =	shalt  }
0x55: {  	_ =	shalt  }
0x56: {  	_ =	shalt  }
0x57: {  	_ =	shalt  }
0x58: {  	_ =	shalt  }
0x59: {  	_ =	shalt  }
0x5a: {  	_ =	shalt  }
0x5b: {  	_ =	shalt  }
0x5c: {  	_ =	shalt  }
0x5d: {  	_ =	shalt  }
0x5e: {  	_ =	shalt  }
0x5f: {  	_ =	shalt  }
0x60: {  	_ =	shalt  }
0x61: {  	_ =	shalt  }
0x62: {  	_ =	shalt  }
0x63: {  	_ =	shalt  }
0x64: {  	_ =	shalt  }
0x65: {  	_ =	shalt  }
0x66: {  	_ =	shalt  }
0x67: {  	_ =	shalt  }
0x68: {  	_ =	shalt  }
0x69: {  	_ =	shalt  }
0x6a: {  	_ =	shalt  }
0x6b: {  	_ =	shalt  }
0x6c: {  	_ =	shalt  }
0x6d: {  	_ =	shalt  }
0x6e: {  	_ =	shalt  }
0x6f: {  	_ =	shalt  }
0x70: {  	_ =	shalt  }
0x71: {  	_ =	shalt  }
0x72: {  	_ =	shalt  }
0x73: {  	_ =	shalt  }
0x74: {  	_ =	shalt  }
0x75: {  	_ =	shalt  }
0x76: {  	_ =	shalt  }
0x77: {  	_ =	shalt  }
0x78: {  	_ =	shalt  }
0x79: {  	_ =	shalt  }
0x7a: {  	_ =	shalt  }
0x7b: {  	_ =	shalt  }
0x7c: {  	_ =	shalt  }
0x7d: {  	_ =	shalt  }
0x7e: {  	_ =	shalt  }
0x7f: {  	_ =	shalt  }
0x80: {  	_ =	shalt  }
0x81: {  	_ =	shalt  }
0x82: {  	_ =	shalt  }
0x83: {  	_ =	shalt  }
0x84: {  	_ =	shalt  }
0x85: {  	_ =	shalt  }
0x86: {  	_ =	shalt  }
0x87: {  	_ =	shalt  }
.Lfunc_end0:
.L_simem_size_0:
called_computation.2_lowered:
.L_overlay_start_0:
0x88: {  	s2 =	sld [smem:$0x3FD9]  }
0x89: {  	s3 =	sld [smem:$0x3FFE];
	_ =	sdelay $0x1  }
0x8a: {  	s1 =	srdreg.scid  }
0x8b: {  	s0 =	sand.u32 $0x1, s1  }
0x8c: {  	s16 =	sshll.u32 s0, $0xA;
	s2 =	sadd.s32 s3, s2  }
0x8d: {  	s2 =	sadd.s32 s2, s16  }
0x8e: {  	[smem:$0x3F9D] =	sst s2  }
0x8f: {  	_ = 	snop  }
0x90: {  	(tm) =	ssettm $0x1  }
0x91: {  	s17 =	sld [smem:$0x3FFB];
	_ =	sdelay $0x3  }
0x92: {  	_ =	strace s17  }
0x93: {  	s2 =	sld [smem:$0x3FFC];
	_ =	sdelay $0x3  }
0x94: {  	_ =	strace s2  }
0x95: {  	s2 =	sld [smem:$0x3FFD];
	_ =	sdelay $0x3  }
0x96: {  	_ =	strace s2  }
0x97: {  	_ =	strace $0x8FFFFFFF  }
0x98: {  	s18 =	sld [smem:$0x3FDB];
	_ =	sdelay $0x1  }
0x99: {  	s19 =	simm.s32 $_scs_section_size  }
0x9a: {  	s4 =	simm.s32 $_size__tile_overlayer_lowered;
	s5 =	simm.s32 $_tile_overlayer_lowered  }
0x9b: {  	s22 =	simm.s32 $0x1BFF;
	s21 =	sshll.u32 s5, $0x1;
	s2 =	sadd.s32 s19, s18  }
0x9c: {  	s6 =	simm.s32 $0x0;
	s20 =	sshll.u32 s4, $0x1;
	s4 =	sadd.s32 s21, s2  }
0x9d: {  	[timem:s6], [sflag:s22] =	dma.local [hbm:s4], s20  }
0x9e: {  	_ =	swait.ge [sflag:s22], s20  }
0x9f: {  	s3 =	ssub.s32 $0x0, s20;
	[sflag:s22] =	ssyncset.done $0x0  }
0xa0: {  	[sflag:s22] =	ssyncadd.s32 s3;
	_ =	sdelay $0x1  }
0xa1: {  	s23 =	simm.s32 $0x1B8B  }
0xa2: {  	_ =	swait.ge [sflag:s23], $0x1  }
0xa3: {  	[sflag:s23] =	ssyncset.done $0x0  }
0xa4: {  	s25 =	simm.s32 $0x1B8E;
	s24 =	sld [smem:$0x3FFE];
	[sflag:s23] =	ssyncadd.s32 $0xFFFFFFFF  }
0xa5: {  	s26 =	simm.s32 $execute0_lowered;
	[smem:$0x3FD2] =	sst s25  }
0xa6: {  	s4 =	sshll.u32 s26, $0x1;
	_ =	strace $0x8000004C;
	[dreg:$0x1] =	wrdreg $0xFFFFFFFF  }
0xa7: {  	s28 =	simm.s32 $_size_execute0_lowered;
	s2 =	sadd.s32 s2, s4;
	[dreg:$0x0] =	wrdreg $0x0  }
0xa8: {  	s4 =	sshll.u32 s28, $0x1;
	[dreg:$0x2] =	wrdreg s2  }
0xa9: {  	[dreg:$0x3] =	wrdreg s4  }
0xaa: {  	[dreg:$0x4] =	wrdreg $0xC0  }
0xab: {  	_ =	task [dreg:s6], $0x5FFFF  }
0xac: {  	[dreg:$0x1] =	wrdreg $0xFFFFFFFF  }
0xad: {  	[dreg:$0x0] =	wrdreg $0x60  }
0xae: {  	[dreg:$0x2] =	wrdreg s24  }
0xaf: {  	[dreg:$0x3] =	wrdreg $0x90000  }
0xb0: {  	[dreg:$0x4] =	wrdreg $0x9  }
0xb1: {  	_ =	task.clear_ibuf [dreg:s6], $0x5FFFF;
	_ =	strace $0x9000004C  }
0xb2: {  	s29 =	simm.s32 $0x9;
	_ =	strace $0x8000004E  }
0xb3: {  	_ =	swait.ge [sflag:s29], $0x1  }
0xb4: {  	[sflag:s29] =	ssyncadd.s32 $0xFFFFFFFF  }
0xb5: {  	_ =	strace $0x9000004E  }
0xb6: {  	_ =	sfence  }
0xb7: {  	s30 =	sld [smem:$0x0];
	_ =	sdelay $0x2  }
0xb8: {  	s31 =	sshll.u32 s1, $0xD;
	s1 =	sshrl.u32 s1, $0x2  }
0xb9: {  	s3 =	sand.u32 $0x4000, s31;
	s1 =	sadd.s32 s1, s30  }
0xba: {  	s0 =	sor.u32 s3, s0;
	s1 =	sshll.u32 s1, $0x11  }
0xbb: {  	s0 =	sor.u32 s1, s0  }
0xbc: {  	s0 =	sadd.s32 $0x8F2B, s0  }
0xbd: {  	[sflag:s0] =	ssyncadd.remote.s32 $0x1  }
0xbe: {  	_ =	sfence.sel $0xFFFF  }
0xbf: {  	[dreg:$0x0] =	wrdreg $0xFFFFFFFF;
	(pc) =	sbr.abs _section_cstart, $3  }
0xc0: {  	[dreg:$0x1] =	wrdreg $0xFFFFFFFF  }
0xc1: {  	_ =	task.clear_ibuf [dreg:s6], $0x2FFFF;
	_ =	strace $0x9FFFFFFF  }
0xc2: {  	(tm) =	ssettm $0x7FFFFFFF  }
0xc3: {  	_ =	shalt  }
tec
execute0_lowered:
.L_overlay_start_1:
0x0: {  	(tag) =	ssettag $0x1  }
0x1: {  	s0 =	srdreg.scid;
	s6 =	rddreg [dreg:$0x0]  }
0x2: {  	s2 =	rddreg [dreg:$0x1];
	s1 =	stileid.u32  }
0x3: {  	s3 =	simm.s32 $0x0;
	s22 =	simm.s32 $0x80;
	s23 =	simm.s32 $0x1  }
0x4: {  	s24 =	simm.s32 $0x0;
	s8 =	sand.u32 $0x1, s0;
	s0 =	rddreg [dreg:$0x2]  }
0x5: {  	[smem:$0x7FF] =	sst s3;
	s18 =	sadd.s32 $0x44600, s6;
	s13 =	sshll.u32 s1, $0xE  }
0x6: {  	p0 =	seq.s32 s1, $0xF;
	s4 =	sshll.u32 s8, $0x4;
	_ =	strace $0x8000004D  }
0x7: {  	s7 =	ssub.s32 $0x2, s8;
	s16 =	smul.u32 $0x13C000, s8;
	s14 =	sor.u32 $0x40000, s13  }
0x8: {  	s17 =	sor.u32 $0x80000, s13;
	s19 =	sor.u32 $0xC0000, s13;
	s20 =	sor.u32 $0x100000, s13  }
0x9: {  	s4 =	sor.u32 s1, s4;
	s10 =	sshrl.u32 s7, $0x1;
	s11 =	sadd.s32 s17, s2  }
0xa: {  	s12 =	sadd.s32 s19, s2;
	s5 =	smul.u32 $0x500, s4;
	s4 =	sadd.s32 $0x1C600, s6  }
0xb: {  	s10 =	ssub.s32 s7, s10;
	s15 =	sadd.s32 s16, s13;
	s17 =	sadd.s32 s16, s17  }
0xc: {  	s19 =	sadd.s32 s16, s19;
	s8 =	smax.u32 s10, $0x1;
	s10 =	sadd.s32 s14, s2  }
0xd: {  	s14 =	sadd.s32 s16, s14;
	s15 =	sshrl.u32 s15, $0x3;
	s17 =	sshrl.u32 s17, $0x3  }
0xe: {  	s30 =	sshrl.u32 s19, $0x3;
	s19 =	simm.s32 $0x2;
	s9 =	sadd.s32 s5, s6  }
0xf: {  	s5 =	sadd.s32 $0x43E00, s6;
	s21 =	sshrl.u32 s14, $0x3;
	s14 =	sadd.s32 s18, s15  }
0x10: {  	s6 =	sadd.s32 $0x8600, s9;
	s7 =	sadd.s32 $0x12600, s9;
	s9 =	sadd.s32 s13, s2  }
0x11: {  	s13 =	sadd.s32 s20, s2;
	s15 =	sadd.s32 s18, s21;
	s20 =	sadd.s32 s16, s20  }
0x12: {  	s16 =	sadd.s32 s18, s17;
	s17 =	sadd.s32 s18, s30;
	s31 =	sshrl.u32 s20, $0x3  }
0x13: {  	s21 =	simm.s32 $0x5000;
	s20 =	simm.s32 $0x2800;
	s18 =	sadd.s32 s18, s31  }
.LBB2_1:
0x14: {  	[tilespmem:s3], [sflag:$0x2] =	stream.linear.gather [hbm4b:s6+s3], $0x2800, $0x38;
	[tilespmem:$0x1CC00] =	vst v63  }
0x15: {  	_ =	swait.ge [sflag:s19], $0x2800  }
0x16: {  	[sflag:s19] =	ssyncset.done $0x0  }
0x17: {  	[sflag:s19] =	ssyncadd.s32 $0xFFFFD800  }
0x18: {  	[tilespmem:s20], [sflag:$0x2] =	stream.linear.gather [hbm4b:s7+s3], $0x2800, $0x38;
	[tilespmem:$0x1CC00] =	vst v63  }
0x19: {  	_ =	swait.ge [sflag:s19], $0x2800  }
0x1a: {  	[sflag:s19] =	ssyncset.done $0x0  }
0x1b: {  	[sflag:s19] =	ssyncadd.s32 $0xFFFFD800  }
0x1c: {  	[tilespmem:s21], [sflag:$0x2] =	stream.linear.gather [hbm4b:s5+s3], $0x4000, $0x38;
	[tilespmem:$0x1CC00] =	vst v63  }
0x1d: {  	_ =	swait.ge [sflag:s19], $0x4000  }
0x1e: {  	[sflag:s19] =	ssyncset.done $0x0  }
0x1f: {  	[sflag:s19] =	ssyncadd.s32 $0xFFFFC000  }
0x20: {  	[spmem:s9] =	stream.linear.scatter [tilespmem:s21], [sflag:$0x2], $0x4000, $0x38;
	[tilespmem:$0x1CC00] =	vst v63  }
0x21: {  	_ =	swait.ge [sflag:s19], $0x4000  }
0x22: {  	[sflag:s19] =	ssyncset.done $0x0  }
0x23: {  	[sflag:s19] =	ssyncadd.s32 $0xFFFFC000  }
0x24: {  	[spmem:s10] =	stream.linear.scatter [tilespmem:s21], [sflag:$0x2], $0x4000, $0x38;
	[tilespmem:$0x1CC00] =	vst v63  }
0x25: {  	_ =	swait.ge [sflag:s19], $0x4000  }
0x26: {  	[sflag:s19] =	ssyncset.done $0x0  }
0x27: {  	[sflag:s19] =	ssyncadd.s32 $0xFFFFC000  }
0x28: {  	[spmem:s11] =	stream.linear.scatter [tilespmem:s21], [sflag:$0x2], $0x4000, $0x38;
	[tilespmem:$0x1CC00] =	vst v63  }
0x29: {  	_ =	swait.ge [sflag:s19], $0x4000  }
0x2a: {  	[sflag:s19] =	ssyncset.done $0x0  }
0x2b: {  	[sflag:s19] =	ssyncadd.s32 $0xFFFFC000  }
0x2c: {  	[spmem:s12] =	stream.linear.scatter [tilespmem:s21], [sflag:$0x2], $0x4000, $0x38;
	[tilespmem:$0x1CC00] =	vst v63  }
0x2d: {  	_ =	swait.ge [sflag:s19], $0x4000  }
0x2e: {  	[sflag:s19] =	ssyncset.done $0x0  }
0x2f: {  	s25 =	simm.s32 @!p0 $0x5000;
	[sflag:s19] =	ssyncadd.s32 $0xFFFFC000  }
0x30: {  	[spmem:s13] =	stream.linear.scatter @!p0 [tilespmem:s25], [sflag:$0x2], $0x4000, $0x38;
	[tilespmem:$0x1CC00] =	vst v63  }
0x31: {  	s25 =	simm.s32 @!p0 $0x2  }
0x32: {  	_ =	swait.ge @!p0 [sflag:s25], $0x4000  }
0x33: {  	[sflag:s25] =	ssyncset.done @!p0 $0x0  }
0x34: {  	[sflag:s25] =	ssyncadd.s32 @!p0 $0xFFFFC000  }
0x35: {  	s30 =	simm.s32 $0x0;
	[bflag:$0x0] =	sbarrier.arrive $0xFFFF  }
0x36: {  	[tilespmem:s21], [sflag:$0x1] =	stream.indirect.gather [hbm4b:s4+s22], $0x80, s30, s22, $0xb8;
	[tilespmem:$0x1CC00] =	vst v63  }
0x37: {  	_ =	swait.ge [sflag:s23], $0x4000  }
0x38: {  	[sflag:s23] =	ssyncset.done $0x0  }
0x39: {  	s31 =	simm.s32 $0x2800;
	[sflag:s23] =	ssyncadd.s32 $0xFFFFC000  }
0x3a: {  	[spmem:s2] =	stream.indirect.scatter.add.f32 [tilespmem:s21], [sflag:$0x2], $0x80, s31, s22, $0xb8;
	[tilespmem:$0x1CC00] =	vst v63  }
0x3b: {  	_ =	swait.ge [sflag:s19], $0x4000  }
0x3c: {  	s26 =	simm.s32 $0x400;
	s25 =	simm.s32 $0x200;
	[sflag:s19] =	ssyncset.done $0x0  }
.LBB2_2:
0x3d: {  	s28 =	sshra.s32 s25, $0x2  }
0x3e: {  	[sflag:s19] =	ssyncadd.s32 $0xFFFFC000;
	s25 =	smov.u32 s26;
	s29 =	sadd.s32 $0x200, s26  }
0x3f: {  	[tilespmem:s21], [sflag:$0x1] =	stream.indirect.gather [hbm4b:s4+s22], $0x80, s28, s22, $0xb8;
	[tilespmem:$0x1CC00] =	vst v63  }
0x40: {  	p1 =	sne.s32 s26, $0x9E00;
	_ =	swait.ge [sflag:s23], $0x4000  }
.Ltmp0:
0x41: {  	[sflag:s23] =	ssyncset.done $0x0;
	(pc) =	sbr.rel @p1 .LBB2_2-.Ltmp0, $4  }
0x42: {  	s26 =	sadd.s32 $0x2800, s28;
	[sflag:s23] =	ssyncadd.s32 $0xFFFFC000  }
0x43: {  	[spmem:s2] =	stream.indirect.scatter.add.f32 [tilespmem:s21], [sflag:$0x2], $0x80, s26, s22, $0xb8;
	[tilespmem:$0x1CC00] =	vst v63  }
0x44: {  	_ =	swait.ge [sflag:s19], $0x4000  }
0x45: {  	s26 =	smov.u32 s29;
	[sflag:s19] =	ssyncset.done $0x0  }
0x46: {  	s25 =	sshra.s32 s25, $0x2;
	[sflag:s19] =	ssyncadd.s32 $0xFFFFC000  }
0x47: {  	[tilespmem:s21], [sflag:$0x1] =	stream.indirect.gather [hbm4b:s4+s22], $0x80, s25, s22, $0xb8;
	[tilespmem:$0x1CC00] =	vst v63  }
0x48: {  	_ =	swait.ge [sflag:s23], $0x4000  }
0x49: {  	[sflag:s23] =	ssyncset.done $0x0  }
0x4a: {  	s25 =	sadd.s32 $0x2800, s25;
	[sflag:s23] =	ssyncadd.s32 $0xFFFFC000  }
0x4b: {  	[spmem:s2] =	stream.indirect.scatter.add.f32 [tilespmem:s21], [sflag:$0x2], $0x80, s25, s22, $0xb8;
	[tilespmem:$0x1CC00] =	vst v63  }
0x4c: {  	_ =	swait.ge [sflag:s19], $0x4000  }
0x4d: {  	[sflag:s19] =	ssyncset.done $0x0  }
0x4e: {  	s28 =	sshll.u32 s1, $0x6;
	[sflag:s19] =	ssyncadd.s32 $0xFFFFC000  }
0x4f: {  	s26 =	sshrl.u32 s9, $0x3;
	s25 =	sor.u32 $0x1C02, s28;
	[bflag:$0x0] =	sbarrier.arrive $0xFFFF  }
0x50: {  	[hbm:s14], [sflag:s25] =	dma.local [spmem:s26], $0x800  }
0x51: {  	_ =	swait.ge [sflag:s19], $0x800  }
0x52: {  	[sflag:s19] =	ssyncset.done $0x0  }
0x53: {  	s29 =	sshrl.u32 s10, $0x3;
	[sflag:s19] =	ssyncadd.s32 $0xFFFFF800  }
0x54: {  	[hbm:s15], [sflag:s25] =	dma.local [spmem:s29], $0x800  }
0x55: {  	_ =	swait.ge [sflag:s19], $0x800  }
0x56: {  	[sflag:s19] =	ssyncset.done $0x0  }
0x57: {  	s30 =	sshrl.u32 s11, $0x3;
	[sflag:s19] =	ssyncadd.s32 $0xFFFFF800  }
0x58: {  	[hbm:s16], [sflag:s25] =	dma.local [spmem:s30], $0x800  }
0x59: {  	_ =	swait.ge [sflag:s19], $0x800  }
0x5a: {  	[sflag:s19] =	ssyncset.done $0x0  }
0x5b: {  	s31 =	sshrl.u32 s12, $0x3;
	[sflag:s19] =	ssyncadd.s32 $0xFFFFF800  }
0x5c: {  	[hbm:s17], [sflag:s25] =	dma.local [spmem:s31], $0x800  }
0x5d: {  	_ =	swait.ge [sflag:s19], $0x800  }
0x5e: {  	s24 =	sadd.s32 $0x1, s24;
	[sflag:s19] =	ssyncset.done $0x0  }
0x5f: {  	p1 =	sne.s32 s24, s8;
	s26 =	sshrl.u32 @!p0 s13, $0x3;
	[sflag:s19] =	ssyncadd.s32 $0xFFFFF800  }
0x60: {  	[hbm:s18], [sflag:s25] =	dma.local @!p0 [spmem:s26], $0x800  }
.Ltmp1:
0x61: {  	_ = 	snop;
	(pc) =	sbr.rel @p1 .LBB2_1-.Ltmp1, $4  }
0x62: {  	s25 =	simm.s32 @!p0 $0x2  }
0x63: {  	_ =	swait.ge @!p0 [sflag:s25], $0x800  }
0x64: {  	[sflag:s25] =	ssyncset.done @!p0 $0x0  }
0x65: {  	[sflag:s25] =	ssyncadd.s32 @!p0 $0xFFFFF800  }
0x66: {  	_ =	sfence.sel $0x180000  }
0x67: {  	[bflag:$0x0] =	sbarrier.arrive $0xFFFF  }
0x68: {  	p0 =	sne.s32 s1, $0x0;
	_ =	strace $0x9000004D  }
0x69: {  	s0 =	sadd.s32 @!p0 $0x100000, s0;
	[bflag:$0x2] =	sbarrier.arrive $0xFFFF  }
0x6a: {  	[sflag:s0] =	ssyncadd.tile.s32 @!p0 $0x1;
	_ =	shalt  }
.Lfunc_end2:
_tile_overlayer_lowered:
.L_overlay_start_2:
0x6b: {  	(tag) =	ssettag $0x2  }
0x6c: {  	s0 =	rddreg [dreg:$0x0];
	s2 =	stileid.u32  }
0x6d: {  	s1 =	rddreg [dreg:$0x1];
	p0 =	sne.s32 s2, $0x0  }
0x6e: {  	s3 =	rddreg [dreg:$0x2];
	[bflag:$0x3] =	sbarrier.arrive $0xFFFF;
	s2 =	simm.s32 @!p0 $0x1C02  }
0x6f: {  	[timem:s3], [sflag:s2] =	dma.local @!p0 [hbm:s0], s1  }
0x70: {  	s0 =	simm.s32 @!p0 $0x2  }
0x71: {  	_ =	swait.ge @!p0 [sflag:s0], s1  }
0x72: {  	s1 =	ssub.s32 @!p0 $0x0, s1;
	[sflag:s0] =	ssyncset.done @!p0 $0x0  }
0x73: {  	[sflag:s0] =	ssyncadd.s32 @!p0 s1  }
0x74: {  	[bflag:$0x3] =	sbarrier.arrive $0xFFFF  }
0x75: {  	_ =	shalt  }

// kernel: kernel.28.cloned.1.call-start
scs
__scs_entry_jumppad:
0x0: {  	(pc) =	sbr.rel $0x88, $3  }
0x1: {  	(tag) =	ssettag $0x0;
	lr =	simm.s32 $0x1  }
0x2: {  	[smem:$0x3F76] =	sst lr;
	_ =	strace $0xD0000000  }
0x3: {  	_ = 	snop  }
0x4: {  	_ = 	snop  }
0x5: {  	_ = 	snop  }
0x6: {  	_ = 	snop  }
0x7: {  	_ = 	snop  }
__scs_overlays_trampoline_lowered:
0x8: {  	[smem:$0x3F85] =	sst s0  }
0x9: {  	[smem:$0x3F86] =	sst s1  }
0xa: {  	[smem:$0x3F87] =	sst s2  }
0xb: {  	[smem:$0x3F88] =	sst s3  }
0xc: {  	[smem:$0x3F89] =	sst s4  }
0xd: {  	[smem:$0x3F8A] =	sst s5  }
0xe: {  	[smem:$0x3F8B] =	sst s6  }
0xf: {  	[smem:$0x3F8C] =	sst s7  }
0x10: {  	[smem:$0x3F8D] =	sst s8  }
0x11: {  	[smem:$0x3F8E] =	sst s9;
	s0 =	simm.s32 @!p0 $0x0  }
0x12: {  	s1 =	sld [smem:$0x3F74];
	s0 =	simm.s32 @p0 $0x1  }
0x13: {  	[smem:$0x3F8F] =	sst s0;
	s0 =	simm.s32 @!p1 $0x0  }
0x14: {  	s2 =	sld [smem:$0x3F73];
	s0 =	simm.s32 @p1 $0x1  }
0x15: {  	[smem:$0x3F90] =	sst s0;
	s0 =	simm.s32 @!p2 $0x0  }
0x16: {  	s3 =	sld [smem:$0x3FDB];
	s0 =	simm.s32 @p2 $0x1  }
0x17: {  	s4 =	simm.s32 $0x1BF5;
	[smem:$0x3F92] =	sst s0  }
0x18: {  	s0 =	sld [smem:$0x3F75];
	_ =	swait.ge [sflag:s4], $0x0  }
0x19: {  	s7 =	sld [smem:$0x3F76]  }
0x1a: {  	s8 =	sadd.s32 $0xFFFFE003, lr  }
0x1b: {  	s9 =	sadd.s32 $0xFFFFFEF7, lr;
	s5 =	simm.s32 $0xFFFFFFFF;
	p2 =	slt.u32 s8, $0xFFFFF086  }
0x1c: {  	p1 =	slt.u32 s9, $0xF7A;
	s5 =	simm.s32 @!p2 $0x0  }
0x1d: {  	s5 =	simm.s32 @p1 $0x1;
	p0 =	seq.s32 s7, s2  }
0x1e: {  	s7 =	smul.u32 @!p0 $0xF7A, s2;
	p2 =	seq.s32 @!p0 s5, $0x0  }
0x1f: {  	s9 =	smul.u32 $0xF7A, s1;
	s8 =	simm.s32 @!p0 $0x1BF5;
	p2 =	por !p2, p0  }
0x20: {  	[sflag:s8] =	ssyncset.s32 @!p0 $0xFFFFF086;
	s6 =	sadd.s32 @!p0 s3, s7;
	s7 =	simm.s32 @!p0 $0x108  }
0x21: {  	s3 =	sadd.s32 s3, s9;
	s6 =	sadd.s32 @!p0 $0x88, s6;
	s7 =	simm.s32 @p2 $0x1082  }
0x22: {  	[simem:s7], [sflag:s8] =	dma.local @!p0 [hbm:s6], $0xF7A  }
0x23: {  	s9 =	sor.u32 $0xD0000000, s2;
	s6 =	simm.s32 $0x108;
	_ =	swait.ge @!p0 [sflag:s8], $0x0  }
0x24: {  	s3 =	sadd.s32 $0x88, s3;
	s6 =	simm.s32 @!p1 $0x1082;
	[sflag:s4] =	ssyncset.s32 $0xFFFFF086  }
0x25: {  	[simem:s6], [sflag:s4] =	dma.local [hbm:s3], $0xF7A  }
0x26: {  	[smem:$0x3F76] =	sst s1;
	(tag) =	ssettag s2;
	_ =	strace s9  }
0x27: {  	s1 =	sld [smem:$0x3F86]  }
0x28: {  	s2 =	sld [smem:$0x3F87]  }
0x29: {  	s4 =	sld [smem:$0x3F89]  }
0x2a: {  	p0 =	seq.s32 s5, $0x0;
	s5 =	sld [smem:$0x3F8A]  }
0x2b: {  	s6 =	sld [smem:$0x3F8B]  }
0x2c: {  	s7 =	sld [smem:$0x3F8C]  }
0x2d: {  	s3 =	simm.s32 $0x108;
	s8 =	sld [smem:$0x3F8D]  }
0x2e: {  	s3 =	simm.s32 @!p0 $0x1082;
	s9 =	sld [smem:$0x3F8E]  }
0x2f: {  	lr =	sadd.s32 s0, s3;
	s0 =	sld [smem:$0x3F85]  }
0x30: {  	s3 =	sld [smem:$0x3F88]  }
0x31: {  	[smem:$0x3F91] =	sst s10  }
0x32: {  	s10 =	sld [smem:$0x3F8F];
	_ =	sdelay $0x3  }
0x33: {  	p0 =	seq.s32 s10, $0x1;
	s10 =	sld [smem:$0x3F91];
	_ =	sdelay $0x3  }
0x34: {  	[smem:$0x3F91] =	sst s10  }
0x35: {  	s10 =	sld [smem:$0x3F90];
	_ =	sdelay $0x3  }
0x36: {  	p1 =	seq.s32 s10, $0x1;
	s10 =	sld [smem:$0x3F91];
	_ =	sdelay $0x3  }
0x37: {  	[smem:$0x3F91] =	sst s10  }
0x38: {  	s10 =	sld [smem:$0x3F92]  }
0x39: {  	_ = 	snop;
	(pc) =	sbr.ind lr, $3  }
0x3a: {  	_ = 	snop  }
0x3b: {  	_ = 	snop  }
0x3c: {  	p2 =	seq.s32 s10, $0x1;
	s10 =	sld [smem:$0x3F91]  }
0x3d: {  	_ =	shalt  }
0x3e: {  	_ =	shalt  }
0x3f: {  	_ =	shalt  }
0x40: {  	_ =	shalt  }
0x41: {  	_ =	shalt  }
0x42: {  	_ =	shalt  }
0x43: {  	_ =	shalt  }
0x44: {  	_ =	shalt  }
0x45: {  	_ =	shalt  }
0x46: {  	_ =	shalt  }
0x47: {  	_ =	shalt  }
0x48: {  	_ =	shalt  }
0x49: {  	_ =	shalt  }
0x4a: {  	_ =	shalt  }
0x4b: {  	_ =	shalt  }
0x4c: {  	_ =	shalt  }
0x4d: {  	_ =	shalt  }
0x4e: {  	_ =	shalt  }
0x4f: {  	_ =	shalt  }
0x50: {  	_ =	shalt  }
0x51: {  	_ =	shalt  }
0x52: {  	_ =	shalt  }
0x53: {  	_ =	shalt  }
0x54: {  	_ =	shalt  }
0x55: {  	_ =	shalt  }
0x56: {  	_ =	shalt  }
0x57: {  	_ =	shalt  }
0x58: {  	_ =	shalt  }
0x59: {  	_ =	shalt  }
0x5a: {  	_ =	shalt  }
0x5b: {  	_ =	shalt  }
0x5c: {  	_ =	shalt  }
0x5d: {  	_ =	shalt  }
0x5e: {  	_ =	shalt  }
0x5f: {  	_ =	shalt  }
0x60: {  	_ =	shalt  }
0x61: {  	_ =	shalt  }
0x62: {  	_ =	shalt  }
0x63: {  	_ =	shalt  }
0x64: {  	_ =	shalt  }
0x65: {  	_ =	shalt  }
0x66: {  	_ =	shalt  }
0x67: {  	_ =	shalt  }
0x68: {  	_ =	shalt  }
0x69: {  	_ =	shalt  }
0x6a: {  	_ =	shalt  }
0x6b: {  	_ =	shalt  }
0x6c: {  	_ =	shalt  }
0x6d: {  	_ =	shalt  }
0x6e: {  	_ =	shalt  }
0x6f: {  	_ =	shalt  }
0x70: {  	_ =	shalt  }
0x71: {  	_ =	shalt  }
0x72: {  	_ =	shalt  }
0x73: {  	_ =	shalt  }
0x74: {  	_ =	shalt  }
0x75: {  	_ =	shalt  }
0x76: {  	_ =	shalt  }
0x77: {  	_ =	shalt  }
0x78: {  	_ =	shalt  }
0x79: {  	_ =	shalt  }
0x7a: {  	_ =	shalt  }
0x7b: {  	_ =	shalt  }
0x7c: {  	_ =	shalt  }
0x7d: {  	_ =	shalt  }
0x7e: {  	_ =	shalt  }
0x7f: {  	_ =	shalt  }
0x80: {  	_ =	shalt  }
0x81: {  	_ =	shalt  }
0x82: {  	_ =	shalt  }
0x83: {  	_ =	shalt  }
0x84: {  	_ =	shalt  }
0x85: {  	_ =	shalt  }
0x86: {  	_ =	shalt  }
0x87: {  	_ =	shalt  }
.Lfunc_end0:
.L_simem_size_0:
called_computation.3_lowered:
.L_overlay_start_0:
0x88: {  	s2 =	sld [smem:$0x3FD9]  }
0x89: {  	s3 =	sld [smem:$0x3FFE];
	_ =	sdelay $0x1  }
0x8a: {  	s1 =	srdreg.scid  }
0x8b: {  	s0 =	sand.u32 $0x1, s1  }
0x8c: {  	s16 =	sshll.u32 s0, $0xA;
	s2 =	sadd.s32 s3, s2  }
0x8d: {  	s2 =	sadd.s32 s2, s16  }
0x8e: {  	[smem:$0x3F9D] =	sst s2  }
0x8f: {  	_ = 	snop  }
0x90: {  	(tm) =	ssettm $0x1  }
0x91: {  	s17 =	sld [smem:$0x3FFB];
	_ =	sdelay $0x3  }
0x92: {  	_ =	strace s17  }
0x93: {  	s2 =	sld [smem:$0x3FFC];
	_ =	sdelay $0x3  }
0x94: {  	_ =	strace s2  }
0x95: {  	s2 =	sld [smem:$0x3FFD];
	_ =	sdelay $0x3  }
0x96: {  	_ =	strace s2  }
0x97: {  	_ =	strace $0x8FFFFFFF  }
0x98: {  	s18 =	sld [smem:$0x3FDB];
	_ =	sdelay $0x1  }
0x99: {  	s19 =	simm.s32 $_scs_section_size  }
0x9a: {  	s4 =	simm.s32 $_size__tile_overlayer_lowered;
	s5 =	simm.s32 $_tile_overlayer_lowered  }
0x9b: {  	s22 =	simm.s32 $0x1BFF;
	s21 =	sshll.u32 s5, $0x1;
	s2 =	sadd.s32 s19, s18  }
0x9c: {  	s6 =	simm.s32 $0x0;
	s20 =	sshll.u32 s4, $0x1;
	s4 =	sadd.s32 s21, s2  }
0x9d: {  	[timem:s6], [sflag:s22] =	dma.local [hbm:s4], s20  }
0x9e: {  	_ =	swait.ge [sflag:s22], s20  }
0x9f: {  	s3 =	ssub.s32 $0x0, s20;
	[sflag:s22] =	ssyncset.done $0x0  }
0xa0: {  	[sflag:s22] =	ssyncadd.s32 s3;
	_ =	sdelay $0x1  }
0xa1: {  	s23 =	simm.s32 $0x1B8B  }
0xa2: {  	_ =	swait.ge [sflag:s23], $0x1  }
0xa3: {  	[sflag:s23] =	ssyncset.done $0x0  }
0xa4: {  	s25 =	simm.s32 $0x1B8E;
	s24 =	sld [smem:$0x3FFE];
	[sflag:s23] =	ssyncadd.s32 $0xFFFFFFFF  }
0xa5: {  	s26 =	simm.s32 $execute0_lowered;
	[smem:$0x3FD2] =	sst s25  }
0xa6: {  	s4 =	sshll.u32 s26, $0x1;
	_ =	strace $0x8000004F;
	[dreg:$0x1] =	wrdreg $0xFFFFFFFF  }
0xa7: {  	s28 =	simm.s32 $_size_execute0_lowered;
	s2 =	sadd.s32 s2, s4;
	[dreg:$0x0] =	wrdreg $0x0  }
0xa8: {  	s4 =	sshll.u32 s28, $0x1;
	[dreg:$0x2] =	wrdreg s2  }
0xa9: {  	[dreg:$0x3] =	wrdreg s4  }
0xaa: {  	[dreg:$0x4] =	wrdreg $0xC0  }
0xab: {  	_ =	task [dreg:s6], $0x5FFFF  }
0xac: {  	[dreg:$0x1] =	wrdreg $0xFFFFFFFF  }
0xad: {  	[dreg:$0x0] =	wrdreg $0x60  }
0xae: {  	[dreg:$0x2] =	wrdreg s24  }
0xaf: {  	[dreg:$0x3] =	wrdreg $0x90000  }
0xb0: {  	[dreg:$0x4] =	wrdreg $0x9  }
0xb1: {  	_ =	task.clear_ibuf [dreg:s6], $0x5FFFF;
	_ =	strace $0x9000004F  }
0xb2: {  	s29 =	simm.s32 $0x9;
	_ =	strace $0x80000051  }
0xb3: {  	_ =	swait.ge [sflag:s29], $0x1  }
0xb4: {  	[sflag:s29] =	ssyncadd.s32 $0xFFFFFFFF  }
0xb5: {  	_ =	strace $0x90000051  }
0xb6: {  	_ =	sfence  }
0xb7: {  	s30 =	sld [smem:$0x0];
	_ =	sdelay $0x2  }
0xb8: {  	s31 =	sshll.u32 s1, $0xD;
	s1 =	sshrl.u32 s1, $0x2  }
0xb9: {  	s3 =	sand.u32 $0x4000, s31;
	s1 =	sadd.s32 s1, s30  }
0xba: {  	s0 =	sor.u32 s3, s0;
	s1 =	sshll.u32 s1, $0x11  }
0xbb: {  	s0 =	sor.u32 s1, s0  }
0xbc: {  	s0 =	sadd.s32 $0x8F2B, s0  }
0xbd: {  	[sflag:s0] =	ssyncadd.remote.s32 $0x1  }
0xbe: {  	_ =	sfence.sel $0xFFFF  }
0xbf: {  	[dreg:$0x0] =	wrdreg $0xFFFFFFFF;
	(pc) =	sbr.abs _section_cstart, $3  }
0xc0: {  	[dreg:$0x1] =	wrdreg $0xFFFFFFFF  }
0xc1: {  	_ =	task.clear_ibuf [dreg:s6], $0x2FFFF;
	_ =	strace $0x9FFFFFFF  }
0xc2: {  	(tm) =	ssettm $0x7FFFFFFF  }
0xc3: {  	_ =	shalt  }
tec
execute0_lowered:
.L_overlay_start_1:
0x0: {  	(tag) =	ssettag $0x1  }
0x1: {  	s0 =	srdreg.scid;
	s6 =	rddreg [dreg:$0x0]  }
0x2: {  	s2 =	rddreg [dreg:$0x1];
	s1 =	stileid.u32  }
0x3: {  	s3 =	simm.s32 $0x0;
	s22 =	simm.s32 $0x80;
	s23 =	simm.s32 $0x1  }
0x4: {  	s24 =	simm.s32 $0x0;
	s8 =	sand.u32 $0x1, s0;
	s0 =	rddreg [dreg:$0x2]  }
0x5: {  	[smem:$0x7FF] =	sst s3;
	s18 =	sadd.s32 $0x44600, s6;
	s13 =	sshll.u32 s1, $0xE  }
0x6: {  	p0 =	seq.s32 s1, $0xF;
	s4 =	sshll.u32 s8, $0x4;
	_ =	strace $0x80000050  }
0x7: {  	s7 =	ssub.s32 $0x2, s8;
	s16 =	smul.u32 $0x13C000, s8;
	s14 =	sor.u32 $0x40000, s13  }
0x8: {  	s17 =	sor.u32 $0x80000, s13;
	s19 =	sor.u32 $0xC0000, s13;
	s20 =	sor.u32 $0x100000, s13  }
0x9: {  	s4 =	sor.u32 s1, s4;
	s10 =	sshrl.u32 s7, $0x1;
	s11 =	sadd.s32 s17, s2  }
0xa: {  	s12 =	sadd.s32 s19, s2;
	s5 =	smul.u32 $0x500, s4;
	s4 =	sadd.s32 $0x1C600, s6  }
0xb: {  	s10 =	ssub.s32 s7, s10;
	s15 =	sadd.s32 s16, s13;
	s17 =	sadd.s32 s16, s17  }
0xc: {  	s19 =	sadd.s32 s16, s19;
	s8 =	smax.u32 s10, $0x1;
	s10 =	sadd.s32 s14, s2  }
0xd: {  	s14 =	sadd.s32 s16, s14;
	s15 =	sshrl.u32 s15, $0x3;
	s17 =	sshrl.u32 s17, $0x3  }
0xe: {  	s30 =	sshrl.u32 s19, $0x3;
	s19 =	simm.s32 $0x2;
	s9 =	sadd.s32 s5, s6  }
0xf: {  	s5 =	sadd.s32 $0x43E00, s6;
	s21 =	sshrl.u32 s14, $0x3;
	s14 =	sadd.s32 s18, s15  }
0x10: {  	s6 =	sadd.s32 $0x8600, s9;
	s7 =	sadd.s32 $0x12600, s9;
	s9 =	sadd.s32 s13, s2  }
0x11: {  	s13 =	sadd.s32 s20, s2;
	s15 =	sadd.s32 s18, s21;
	s20 =	sadd.s32 s16, s20  }
0x12: {  	s16 =	sadd.s32 s18, s17;
	s17 =	sadd.s32 s18, s30;
	s31 =	sshrl.u32 s20, $0x3  }
0x13: {  	s21 =	simm.s32 $0x5000;
	s20 =	simm.s32 $0x2800;
	s18 =	sadd.s32 s18, s31  }
.LBB2_1:
0x14: {  	[tilespmem:s3], [sflag:$0x2] =	stream.linear.gather [hbm4b:s6+s3], $0x2800, $0x38;
	[tilespmem:$0x1CC00] =	vst v63  }
0x15: {  	_ =	swait.ge [sflag:s19], $0x2800  }
0x16: {  	[sflag:s19] =	ssyncset.done $0x0  }
0x17: {  	[sflag:s19] =	ssyncadd.s32 $0xFFFFD800  }
0x18: {  	[tilespmem:s20], [sflag:$0x2] =	stream.linear.gather [hbm4b:s7+s3], $0x2800, $0x38;
	[tilespmem:$0x1CC00] =	vst v63  }
0x19: {  	_ =	swait.ge [sflag:s19], $0x2800  }
0x1a: {  	[sflag:s19] =	ssyncset.done $0x0  }
0x1b: {  	[sflag:s19] =	ssyncadd.s32 $0xFFFFD800  }
0x1c: {  	[tilespmem:s21], [sflag:$0x2] =	stream.linear.gather [hbm4b:s5+s3], $0x4000, $0x38;
	[tilespmem:$0x1CC00] =	vst v63  }
0x1d: {  	_ =	swait.ge [sflag:s19], $0x4000  }
0x1e: {  	[sflag:s19] =	ssyncset.done $0x0  }
0x1f: {  	[sflag:s19] =	ssyncadd.s32 $0xFFFFC000  }
0x20: {  	[spmem:s9] =	stream.linear.scatter [tilespmem:s21], [sflag:$0x2], $0x4000, $0x38;
	[tilespmem:$0x1CC00] =	vst v63  }
0x21: {  	_ =	swait.ge [sflag:s19], $0x4000  }
0x22: {  	[sflag:s19] =	ssyncset.done $0x0  }
0x23: {  	[sflag:s19] =	ssyncadd.s32 $0xFFFFC000  }
0x24: {  	[spmem:s10] =	stream.linear.scatter [tilespmem:s21], [sflag:$0x2], $0x4000, $0x38;
	[tilespmem:$0x1CC00] =	vst v63  }
0x25: {  	_ =	swait.ge [sflag:s19], $0x4000  }
0x26: {  	[sflag:s19] =	ssyncset.done $0x0  }
0x27: {  	[sflag:s19] =	ssyncadd.s32 $0xFFFFC000  }
0x28: {  	[spmem:s11] =	stream.linear.scatter [tilespmem:s21], [sflag:$0x2], $0x4000, $0x38;
	[tilespmem:$0x1CC00] =	vst v63  }
0x29: {  	_ =	swait.ge [sflag:s19], $0x4000  }
0x2a: {  	[sflag:s19] =	ssyncset.done $0x0  }
0x2b: {  	[sflag:s19] =	ssyncadd.s32 $0xFFFFC000  }
0x2c: {  	[spmem:s12] =	stream.linear.scatter [tilespmem:s21], [sflag:$0x2], $0x4000, $0x38;
	[tilespmem:$0x1CC00] =	vst v63  }
0x2d: {  	_ =	swait.ge [sflag:s19], $0x4000  }
0x2e: {  	[sflag:s19] =	ssyncset.done $0x0  }
0x2f: {  	s25 =	simm.s32 @!p0 $0x5000;
	[sflag:s19] =	ssyncadd.s32 $0xFFFFC000  }
0x30: {  	[spmem:s13] =	stream.linear.scatter @!p0 [tilespmem:s25], [sflag:$0x2], $0x4000, $0x38;
	[tilespmem:$0x1CC00] =	vst v63  }
0x31: {  	s25 =	simm.s32 @!p0 $0x2  }
0x32: {  	_ =	swait.ge @!p0 [sflag:s25], $0x4000  }
0x33: {  	[sflag:s25] =	ssyncset.done @!p0 $0x0  }
0x34: {  	[sflag:s25] =	ssyncadd.s32 @!p0 $0xFFFFC000  }
0x35: {  	s30 =	simm.s32 $0x0;
	[bflag:$0x0] =	sbarrier.arrive $0xFFFF  }
0x36: {  	[tilespmem:s21], [sflag:$0x1] =	stream.indirect.gather [hbm4b:s4+s22], $0x80, s30, s22, $0xb8;
	[tilespmem:$0x1CC00] =	vst v63  }
0x37: {  	_ =	swait.ge [sflag:s23], $0x4000  }
0x38: {  	[sflag:s23] =	ssyncset.done $0x0  }
0x39: {  	s31 =	simm.s32 $0x2800;
	[sflag:s23] =	ssyncadd.s32 $0xFFFFC000  }
0x3a: {  	[spmem:s2] =	stream.indirect.scatter.add.f32 [tilespmem:s21], [sflag:$0x2], $0x80, s31, s22, $0xb8;
	[tilespmem:$0x1CC00] =	vst v63  }
0x3b: {  	_ =	swait.ge [sflag:s19], $0x4000  }
0x3c: {  	s26 =	simm.s32 $0x400;
	s25 =	simm.s32 $0x200;
	[sflag:s19] =	ssyncset.done $0x0  }
.LBB2_2:
0x3d: {  	s28 =	sshra.s32 s25, $0x2  }
0x3e: {  	[sflag:s19] =	ssyncadd.s32 $0xFFFFC000;
	s25 =	smov.u32 s26;
	s29 =	sadd.s32 $0x200, s26  }
0x3f: {  	[tilespmem:s21], [sflag:$0x1] =	stream.indirect.gather [hbm4b:s4+s22], $0x80, s28, s22, $0xb8;
	[tilespmem:$0x1CC00] =	vst v63  }
0x40: {  	p1 =	sne.s32 s26, $0x9E00;
	_ =	swait.ge [sflag:s23], $0x4000  }
.Ltmp0:
0x41: {  	[sflag:s23] =	ssyncset.done $0x0;
	(pc) =	sbr.rel @p1 .LBB2_2-.Ltmp0, $4  }
0x42: {  	s26 =	sadd.s32 $0x2800, s28;
	[sflag:s23] =	ssyncadd.s32 $0xFFFFC000  }
0x43: {  	[spmem:s2] =	stream.indirect.scatter.add.f32 [tilespmem:s21], [sflag:$0x2], $0x80, s26, s22, $0xb8;
	[tilespmem:$0x1CC00] =	vst v63  }
0x44: {  	_ =	swait.ge [sflag:s19], $0x4000  }
0x45: {  	s26 =	smov.u32 s29;
	[sflag:s19] =	ssyncset.done $0x0  }
0x46: {  	s25 =	sshra.s32 s25, $0x2;
	[sflag:s19] =	ssyncadd.s32 $0xFFFFC000  }
0x47: {  	[tilespmem:s21], [sflag:$0x1] =	stream.indirect.gather [hbm4b:s4+s22], $0x80, s25, s22, $0xb8;
	[tilespmem:$0x1CC00] =	vst v63  }
0x48: {  	_ =	swait.ge [sflag:s23], $0x4000  }
0x49: {  	[sflag:s23] =	ssyncset.done $0x0  }
0x4a: {  	s25 =	sadd.s32 $0x2800, s25;
	[sflag:s23] =	ssyncadd.s32 $0xFFFFC000  }
0x4b: {  	[spmem:s2] =	stream.indirect.scatter.add.f32 [tilespmem:s21], [sflag:$0x2], $0x80, s25, s22, $0xb8;
	[tilespmem:$0x1CC00] =	vst v63  }
0x4c: {  	_ =	swait.ge [sflag:s19], $0x4000  }
0x4d: {  	[sflag:s19] =	ssyncset.done $0x0  }
0x4e: {  	s28 =	sshll.u32 s1, $0x6;
	[sflag:s19] =	ssyncadd.s32 $0xFFFFC000  }
0x4f: {  	s26 =	sshrl.u32 s9, $0x3;
	s25 =	sor.u32 $0x1C02, s28;
	[bflag:$0x0] =	sbarrier.arrive $0xFFFF  }
0x50: {  	[hbm:s14], [sflag:s25] =	dma.local [spmem:s26], $0x800  }
0x51: {  	_ =	swait.ge [sflag:s19], $0x800  }
0x52: {  	[sflag:s19] =	ssyncset.done $0x0  }
0x53: {  	s29 =	sshrl.u32 s10, $0x3;
	[sflag:s19] =	ssyncadd.s32 $0xFFFFF800  }
0x54: {  	[hbm:s15], [sflag:s25] =	dma.local [spmem:s29], $0x800  }
0x55: {  	_ =	swait.ge [sflag:s19], $0x800  }
0x56: {  	[sflag:s19] =	ssyncset.done $0x0  }
0x57: {  	s30 =	sshrl.u32 s11, $0x3;
	[sflag:s19] =	ssyncadd.s32 $0xFFFFF800  }
0x58: {  	[hbm:s16], [sflag:s25] =	dma.local [spmem:s30], $0x800  }
0x59: {  	_ =	swait.ge [sflag:s19], $0x800  }
0x5a: {  	[sflag:s19] =	ssyncset.done $0x0  }
0x5b: {  	s31 =	sshrl.u32 s12, $0x3;
	[sflag:s19] =	ssyncadd.s32 $0xFFFFF800  }
0x5c: {  	[hbm:s17], [sflag:s25] =	dma.local [spmem:s31], $0x800  }
0x5d: {  	_ =	swait.ge [sflag:s19], $0x800  }
0x5e: {  	s24 =	sadd.s32 $0x1, s24;
	[sflag:s19] =	ssyncset.done $0x0  }
0x5f: {  	p1 =	sne.s32 s24, s8;
	s26 =	sshrl.u32 @!p0 s13, $0x3;
	[sflag:s19] =	ssyncadd.s32 $0xFFFFF800  }
0x60: {  	[hbm:s18], [sflag:s25] =	dma.local @!p0 [spmem:s26], $0x800  }
.Ltmp1:
0x61: {  	_ = 	snop;
	(pc) =	sbr.rel @p1 .LBB2_1-.Ltmp1, $4  }
0x62: {  	s25 =	simm.s32 @!p0 $0x2  }
0x63: {  	_ =	swait.ge @!p0 [sflag:s25], $0x800  }
0x64: {  	[sflag:s25] =	ssyncset.done @!p0 $0x0  }
0x65: {  	[sflag:s25] =	ssyncadd.s32 @!p0 $0xFFFFF800  }
0x66: {  	_ =	sfence.sel $0x180000  }
0x67: {  	[bflag:$0x0] =	sbarrier.arrive $0xFFFF  }
0x68: {  	p0 =	sne.s32 s1, $0x0;
	_ =	strace $0x90000050  }
0x69: {  	s0 =	sadd.s32 @!p0 $0x100000, s0;
	[bflag:$0x2] =	sbarrier.arrive $0xFFFF  }
0x6a: {  	[sflag:s0] =	ssyncadd.tile.s32 @!p0 $0x1;
	_ =	shalt  }
.Lfunc_end2:
_tile_overlayer_lowered:
.L_overlay_start_2:
0x6b: {  	(tag) =	ssettag $0x2  }
0x6c: {  	s0 =	rddreg [dreg:$0x0];
	s2 =	stileid.u32  }
0x6d: {  	s1 =	rddreg [dreg:$0x1];
	p0 =	sne.s32 s2, $0x0  }
0x6e: {  	s3 =	rddreg [dreg:$0x2];
	[bflag:$0x3] =	sbarrier.arrive $0xFFFF;
	s2 =	simm.s32 @!p0 $0x1C02  }
0x6f: {  	[timem:s3], [sflag:s2] =	dma.local @!p0 [hbm:s0], s1  }
0x70: {  	s0 =	simm.s32 @!p0 $0x2  }
0x71: {  	_ =	swait.ge @!p0 [sflag:s0], s1  }
0x72: {  	s1 =	ssub.s32 @!p0 $0x0, s1;
	[sflag:s0] =	ssyncset.done @!p0 $0x0  }
0x73: {  	[sflag:s0] =	ssyncadd.s32 @!p0 s1  }
0x74: {  	[bflag:$0x3] =	sbarrier.arrive $0xFFFF  }
0x75: {  	_ =	shalt  }

// kernel: kernel.31.cloned.1.call-start
scs
__scs_entry_jumppad:
0x0: {  	(pc) =	sbr.rel $0x88, $3  }
0x1: {  	(tag) =	ssettag $0x0;
	lr =	simm.s32 $0x1  }
0x2: {  	[smem:$0x3F76] =	sst lr;
	_ =	strace $0xD0000000  }
0x3: {  	_ = 	snop  }
0x4: {  	_ = 	snop  }
0x5: {  	_ = 	snop  }
0x6: {  	_ = 	snop  }
0x7: {  	_ = 	snop  }
__scs_overlays_trampoline_lowered:
0x8: {  	[smem:$0x3F85] =	sst s0  }
0x9: {  	[smem:$0x3F86] =	sst s1  }
0xa: {  	[smem:$0x3F87] =	sst s2  }
0xb: {  	[smem:$0x3F88] =	sst s3  }
0xc: {  	[smem:$0x3F89] =	sst s4  }
0xd: {  	[smem:$0x3F8A] =	sst s5  }
0xe: {  	[smem:$0x3F8B] =	sst s6  }
0xf: {  	[smem:$0x3F8C] =	sst s7  }
0x10: {  	[smem:$0x3F8D] =	sst s8  }
0x11: {  	[smem:$0x3F8E] =	sst s9;
	s0 =	simm.s32 @!p0 $0x0  }
0x12: {  	s1 =	sld [smem:$0x3F74];
	s0 =	simm.s32 @p0 $0x1  }
0x13: {  	[smem:$0x3F8F] =	sst s0;
	s0 =	simm.s32 @!p1 $0x0  }
0x14: {  	s2 =	sld [smem:$0x3F73];
	s0 =	simm.s32 @p1 $0x1  }
0x15: {  	[smem:$0x3F90] =	sst s0;
	s0 =	simm.s32 @!p2 $0x0  }
0x16: {  	s3 =	sld [smem:$0x3FDB];
	s0 =	simm.s32 @p2 $0x1  }
0x17: {  	s4 =	simm.s32 $0x1BF5;
	[smem:$0x3F92] =	sst s0  }
0x18: {  	s0 =	sld [smem:$0x3F75];
	_ =	swait.ge [sflag:s4], $0x0  }
0x19: {  	s7 =	sld [smem:$0x3F76]  }
0x1a: {  	s8 =	sadd.s32 $0xFFFFE003, lr  }
0x1b: {  	s9 =	sadd.s32 $0xFFFFFEF7, lr;
	s5 =	simm.s32 $0xFFFFFFFF;
	p2 =	slt.u32 s8, $0xFFFFF086  }
0x1c: {  	p1 =	slt.u32 s9, $0xF7A;
	s5 =	simm.s32 @!p2 $0x0  }
0x1d: {  	s5 =	simm.s32 @p1 $0x1;
	p0 =	seq.s32 s7, s2  }
0x1e: {  	s7 =	smul.u32 @!p0 $0xF7A, s2;
	p2 =	seq.s32 @!p0 s5, $0x0  }
0x1f: {  	s9 =	smul.u32 $0xF7A, s1;
	s8 =	simm.s32 @!p0 $0x1BF5;
	p2 =	por !p2, p0  }
0x20: {  	[sflag:s8] =	ssyncset.s32 @!p0 $0xFFFFF086;
	s6 =	sadd.s32 @!p0 s3, s7;
	s7 =	simm.s32 @!p0 $0x108  }
0x21: {  	s3 =	sadd.s32 s3, s9;
	s6 =	sadd.s32 @!p0 $0x88, s6;
	s7 =	simm.s32 @p2 $0x1082  }
0x22: {  	[simem:s7], [sflag:s8] =	dma.local @!p0 [hbm:s6], $0xF7A  }
0x23: {  	s9 =	sor.u32 $0xD0000000, s2;
	s6 =	simm.s32 $0x108;
	_ =	swait.ge @!p0 [sflag:s8], $0x0  }
0x24: {  	s3 =	sadd.s32 $0x88, s3;
	s6 =	simm.s32 @!p1 $0x1082;
	[sflag:s4] =	ssyncset.s32 $0xFFFFF086  }
0x25: {  	[simem:s6], [sflag:s4] =	dma.local [hbm:s3], $0xF7A  }
0x26: {  	[smem:$0x3F76] =	sst s1;
	(tag) =	ssettag s2;
	_ =	strace s9  }
0x27: {  	s1 =	sld [smem:$0x3F86]  }
0x28: {  	s2 =	sld [smem:$0x3F87]  }
0x29: {  	s4 =	sld [smem:$0x3F89]  }
0x2a: {  	p0 =	seq.s32 s5, $0x0;
	s5 =	sld [smem:$0x3F8A]  }
0x2b: {  	s6 =	sld [smem:$0x3F8B]  }
0x2c: {  	s7 =	sld [smem:$0x3F8C]  }
0x2d: {  	s3 =	simm.s32 $0x108;
	s8 =	sld [smem:$0x3F8D]  }
0x2e: {  	s3 =	simm.s32 @!p0 $0x1082;
	s9 =	sld [smem:$0x3F8E]  }
0x2f: {  	lr =	sadd.s32 s0, s3;
	s0 =	sld [smem:$0x3F85]  }
0x30: {  	s3 =	sld [smem:$0x3F88]  }
0x31: {  	[smem:$0x3F91] =	sst s10  }
0x32: {  	s10 =	sld [smem:$0x3F8F];
	_ =	sdelay $0x3  }
0x33: {  	p0 =	seq.s32 s10, $0x1;
	s10 =	sld [smem:$0x3F91];
	_ =	sdelay $0x3  }
0x34: {  	[smem:$0x3F91] =	sst s10  }
0x35: {  	s10 =	sld [smem:$0x3F90];
	_ =	sdelay $0x3  }
0x36: {  	p1 =	seq.s32 s10, $0x1;
	s10 =	sld [smem:$0x3F91];
	_ =	sdelay $0x3  }
0x37: {  	[smem:$0x3F91] =	sst s10  }
0x38: {  	s10 =	sld [smem:$0x3F92]  }
0x39: {  	_ = 	snop;
	(pc) =	sbr.ind lr, $3  }
0x3a: {  	_ = 	snop  }
0x3b: {  	_ = 	snop  }
0x3c: {  	p2 =	seq.s32 s10, $0x1;
	s10 =	sld [smem:$0x3F91]  }
0x3d: {  	_ =	shalt  }
0x3e: {  	_ =	shalt  }
0x3f: {  	_ =	shalt  }
0x40: {  	_ =	shalt  }
0x41: {  	_ =	shalt  }
0x42: {  	_ =	shalt  }
0x43: {  	_ =	shalt  }
0x44: {  	_ =	shalt  }
0x45: {  	_ =	shalt  }
0x46: {  	_ =	shalt  }
0x47: {  	_ =	shalt  }
0x48: {  	_ =	shalt  }
0x49: {  	_ =	shalt  }
0x4a: {  	_ =	shalt  }
0x4b: {  	_ =	shalt  }
0x4c: {  	_ =	shalt  }
0x4d: {  	_ =	shalt  }
0x4e: {  	_ =	shalt  }
0x4f: {  	_ =	shalt  }
0x50: {  	_ =	shalt  }
0x51: {  	_ =	shalt  }
0x52: {  	_ =	shalt  }
0x53: {  	_ =	shalt  }
0x54: {  	_ =	shalt  }
0x55: {  	_ =	shalt  }
0x56: {  	_ =	shalt  }
0x57: {  	_ =	shalt  }
0x58: {  	_ =	shalt  }
0x59: {  	_ =	shalt  }
0x5a: {  	_ =	shalt  }
0x5b: {  	_ =	shalt  }
0x5c: {  	_ =	shalt  }
0x5d: {  	_ =	shalt  }
0x5e: {  	_ =	shalt  }
0x5f: {  	_ =	shalt  }
0x60: {  	_ =	shalt  }
0x61: {  	_ =	shalt  }
0x62: {  	_ =	shalt  }
0x63: {  	_ =	shalt  }
0x64: {  	_ =	shalt  }
0x65: {  	_ =	shalt  }
0x66: {  	_ =	shalt  }
0x67: {  	_ =	shalt  }
0x68: {  	_ =	shalt  }
0x69: {  	_ =	shalt  }
0x6a: {  	_ =	shalt  }
0x6b: {  	_ =	shalt  }
0x6c: {  	_ =	shalt  }
0x6d: {  	_ =	shalt  }
0x6e: {  	_ =	shalt  }
0x6f: {  	_ =	shalt  }
0x70: {  	_ =	shalt  }
0x71: {  	_ =	shalt  }
0x72: {  	_ =	shalt  }
0x73: {  	_ =	shalt  }
0x74: {  	_ =	shalt  }
0x75: {  	_ =	shalt  }
0x76: {  	_ =	shalt  }
0x77: {  	_ =	shalt  }
0x78: {  	_ =	shalt  }
0x79: {  	_ =	shalt  }
0x7a: {  	_ =	shalt  }
0x7b: {  	_ =	shalt  }
0x7c: {  	_ =	shalt  }
0x7d: {  	_ =	shalt  }
0x7e: {  	_ =	shalt  }
0x7f: {  	_ =	shalt  }
0x80: {  	_ =	shalt  }
0x81: {  	_ =	shalt  }
0x82: {  	_ =	shalt  }
0x83: {  	_ =	shalt  }
0x84: {  	_ =	shalt  }
0x85: {  	_ =	shalt  }
0x86: {  	_ =	shalt  }
0x87: {  	_ =	shalt  }
.Lfunc_end0:
.L_simem_size_0:
called_computation.4_lowered:
.L_overlay_start_0:
0x88: {  	s2 =	sld [smem:$0x3FD9]  }
0x89: {  	s3 =	sld [smem:$0x3FFE];
	_ =	sdelay $0x1  }
0x8a: {  	s1 =	srdreg.scid  }
0x8b: {  	s0 =	sand.u32 $0x1, s1  }
0x8c: {  	s16 =	sshll.u32 s0, $0xA;
	s2 =	sadd.s32 s3, s2  }
0x8d: {  	s2 =	sadd.s32 s2, s16  }
0x8e: {  	[smem:$0x3F9D] =	sst s2  }
0x8f: {  	_ = 	snop  }
0x90: {  	(tm) =	ssettm $0x1  }
0x91: {  	s17 =	sld [smem:$0x3FFB];
	_ =	sdelay $0x3  }
0x92: {  	_ =	strace s17  }
0x93: {  	s2 =	sld [smem:$0x3FFC];
	_ =	sdelay $0x3  }
0x94: {  	_ =	strace s2  }
0x95: {  	s2 =	sld [smem:$0x3FFD];
	_ =	sdelay $0x3  }
0x96: {  	_ =	strace s2  }
0x97: {  	_ =	strace $0x8FFFFFFF  }
0x98: {  	s18 =	sld [smem:$0x3FDB];
	_ =	sdelay $0x1  }
0x99: {  	s19 =	simm.s32 $_scs_section_size  }
0x9a: {  	s4 =	simm.s32 $_size__tile_overlayer_lowered;
	s5 =	simm.s32 $_tile_overlayer_lowered  }
0x9b: {  	s22 =	simm.s32 $0x1BFF;
	s21 =	sshll.u32 s5, $0x1;
	s2 =	sadd.s32 s19, s18  }
0x9c: {  	s6 =	simm.s32 $0x0;
	s20 =	sshll.u32 s4, $0x1;
	s4 =	sadd.s32 s21, s2  }
0x9d: {  	[timem:s6], [sflag:s22] =	dma.local [hbm:s4], s20  }
0x9e: {  	_ =	swait.ge [sflag:s22], s20  }
0x9f: {  	s3 =	ssub.s32 $0x0, s20;
	[sflag:s22] =	ssyncset.done $0x0  }
0xa0: {  	[sflag:s22] =	ssyncadd.s32 s3;
	_ =	sdelay $0x1  }
0xa1: {  	s23 =	simm.s32 $0x1B8B  }
0xa2: {  	_ =	swait.ge [sflag:s23], $0x1  }
0xa3: {  	[sflag:s23] =	ssyncset.done $0x0  }
0xa4: {  	s25 =	simm.s32 $0x1B8E;
	s24 =	sld [smem:$0x3FFE];
	[sflag:s23] =	ssyncadd.s32 $0xFFFFFFFF  }
0xa5: {  	s26 =	simm.s32 $execute0_lowered;
	[smem:$0x3FD2] =	sst s25  }
0xa6: {  	s4 =	sshll.u32 s26, $0x1;
	_ =	strace $0x80000052;
	[dreg:$0x1] =	wrdreg $0xFFFFFFFF  }
0xa7: {  	s28 =	simm.s32 $_size_execute0_lowered;
	s2 =	sadd.s32 s2, s4;
	[dreg:$0x0] =	wrdreg $0x0  }
0xa8: {  	s4 =	sshll.u32 s28, $0x1;
	[dreg:$0x2] =	wrdreg s2  }
0xa9: {  	[dreg:$0x3] =	wrdreg s4  }
0xaa: {  	[dreg:$0x4] =	wrdreg $0xC0  }
0xab: {  	_ =	task [dreg:s6], $0x5FFFF  }
0xac: {  	[dreg:$0x1] =	wrdreg $0xFFFFFFFF  }
0xad: {  	[dreg:$0x0] =	wrdreg $0x60  }
0xae: {  	[dreg:$0x2] =	wrdreg s24  }
0xaf: {  	[dreg:$0x3] =	wrdreg $0x90000  }
0xb0: {  	[dreg:$0x4] =	wrdreg $0x9  }
0xb1: {  	_ =	task.clear_ibuf [dreg:s6], $0x5FFFF;
	_ =	strace $0x90000052  }
0xb2: {  	s29 =	simm.s32 $0x9;
	_ =	strace $0x80000054  }
0xb3: {  	_ =	swait.ge [sflag:s29], $0x1  }
0xb4: {  	[sflag:s29] =	ssyncadd.s32 $0xFFFFFFFF  }
0xb5: {  	_ =	strace $0x90000054  }
0xb6: {  	_ =	sfence  }
0xb7: {  	s30 =	sld [smem:$0x0];
	_ =	sdelay $0x2  }
0xb8: {  	s31 =	sshll.u32 s1, $0xD;
	s1 =	sshrl.u32 s1, $0x2  }
0xb9: {  	s3 =	sand.u32 $0x4000, s31;
	s1 =	sadd.s32 s1, s30  }
0xba: {  	s0 =	sor.u32 s3, s0;
	s1 =	sshll.u32 s1, $0x11  }
0xbb: {  	s0 =	sor.u32 s1, s0  }
0xbc: {  	s0 =	sadd.s32 $0x8F2B, s0  }
0xbd: {  	[sflag:s0] =	ssyncadd.remote.s32 $0x1  }
0xbe: {  	_ =	sfence.sel $0xFFFF  }
0xbf: {  	[dreg:$0x0] =	wrdreg $0xFFFFFFFF;
	(pc) =	sbr.abs _section_cstart, $3  }
0xc0: {  	[dreg:$0x1] =	wrdreg $0xFFFFFFFF  }
0xc1: {  	_ =	task.clear_ibuf [dreg:s6], $0x2FFFF;
	_ =	strace $0x9FFFFFFF  }
0xc2: {  	(tm) =	ssettm $0x7FFFFFFF  }
0xc3: {  	_ =	shalt  }
tec
execute0_lowered:
.L_overlay_start_1:
0x0: {  	(tag) =	ssettag $0x1  }
0x1: {  	s0 =	srdreg.scid;
	s6 =	rddreg [dreg:$0x0]  }
0x2: {  	s2 =	rddreg [dreg:$0x1];
	s1 =	stileid.u32  }
0x3: {  	s3 =	simm.s32 $0x0;
	s22 =	simm.s32 $0x80;
	s23 =	simm.s32 $0x1  }
0x4: {  	s24 =	simm.s32 $0x0;
	s8 =	sand.u32 $0x1, s0;
	s0 =	rddreg [dreg:$0x2]  }
0x5: {  	[smem:$0x7FF] =	sst s3;
	s18 =	sadd.s32 $0x44600, s6;
	s13 =	sshll.u32 s1, $0xE  }
0x6: {  	p0 =	seq.s32 s1, $0xF;
	s4 =	sshll.u32 s8, $0x4;
	_ =	strace $0x80000053  }
0x7: {  	s7 =	ssub.s32 $0x2, s8;
	s16 =	smul.u32 $0x13C000, s8;
	s14 =	sor.u32 $0x40000, s13  }
0x8: {  	s17 =	sor.u32 $0x80000, s13;
	s19 =	sor.u32 $0xC0000, s13;
	s20 =	sor.u32 $0x100000, s13  }
0x9: {  	s4 =	sor.u32 s1, s4;
	s10 =	sshrl.u32 s7, $0x1;
	s11 =	sadd.s32 s17, s2  }
0xa: {  	s12 =	sadd.s32 s19, s2;
	s5 =	smul.u32 $0x500, s4;
	s4 =	sadd.s32 $0x1C600, s6  }
0xb: {  	s10 =	ssub.s32 s7, s10;
	s15 =	sadd.s32 s16, s13;
	s17 =	sadd.s32 s16, s17  }
0xc: {  	s19 =	sadd.s32 s16, s19;
	s8 =	smax.u32 s10, $0x1;
	s10 =	sadd.s32 s14, s2  }
0xd: {  	s14 =	sadd.s32 s16, s14;
	s15 =	sshrl.u32 s15, $0x3;
	s17 =	sshrl.u32 s17, $0x3  }
0xe: {  	s30 =	sshrl.u32 s19, $0x3;
	s19 =	simm.s32 $0x2;
	s9 =	sadd.s32 s5, s6  }
0xf: {  	s5 =	sadd.s32 $0x43E00, s6;
	s21 =	sshrl.u32 s14, $0x3;
	s14 =	sadd.s32 s18, s15  }
0x10: {  	s6 =	sadd.s32 $0x8600, s9;
	s7 =	sadd.s32 $0x12600, s9;
	s9 =	sadd.s32 s13, s2  }
0x11: {  	s13 =	sadd.s32 s20, s2;
	s15 =	sadd.s32 s18, s21;
	s20 =	sadd.s32 s16, s20  }
0x12: {  	s16 =	sadd.s32 s18, s17;
	s17 =	sadd.s32 s18, s30;
	s31 =	sshrl.u32 s20, $0x3  }
0x13: {  	s21 =	simm.s32 $0x5000;
	s20 =	simm.s32 $0x2800;
	s18 =	sadd.s32 s18, s31  }
.LBB2_1:
0x14: {  	[tilespmem:s3], [sflag:$0x2] =	stream.linear.gather [hbm4b:s6+s3], $0x2800, $0x38;
	[tilespmem:$0x1CC00] =	vst v63  }
0x15: {  	_ =	swait.ge [sflag:s19], $0x2800  }
0x16: {  	[sflag:s19] =	ssyncset.done $0x0  }
0x17: {  	[sflag:s19] =	ssyncadd.s32 $0xFFFFD800  }
0x18: {  	[tilespmem:s20], [sflag:$0x2] =	stream.linear.gather [hbm4b:s7+s3], $0x2800, $0x38;
	[tilespmem:$0x1CC00] =	vst v63  }
0x19: {  	_ =	swait.ge [sflag:s19], $0x2800  }
0x1a: {  	[sflag:s19] =	ssyncset.done $0x0  }
0x1b: {  	[sflag:s19] =	ssyncadd.s32 $0xFFFFD800  }
0x1c: {  	[tilespmem:s21], [sflag:$0x2] =	stream.linear.gather [hbm4b:s5+s3], $0x4000, $0x38;
	[tilespmem:$0x1CC00] =	vst v63  }
0x1d: {  	_ =	swait.ge [sflag:s19], $0x4000  }
0x1e: {  	[sflag:s19] =	ssyncset.done $0x0  }
0x1f: {  	[sflag:s19] =	ssyncadd.s32 $0xFFFFC000  }
0x20: {  	[spmem:s9] =	stream.linear.scatter [tilespmem:s21], [sflag:$0x2], $0x4000, $0x38;
	[tilespmem:$0x1CC00] =	vst v63  }
0x21: {  	_ =	swait.ge [sflag:s19], $0x4000  }
0x22: {  	[sflag:s19] =	ssyncset.done $0x0  }
0x23: {  	[sflag:s19] =	ssyncadd.s32 $0xFFFFC000  }
0x24: {  	[spmem:s10] =	stream.linear.scatter [tilespmem:s21], [sflag:$0x2], $0x4000, $0x38;
	[tilespmem:$0x1CC00] =	vst v63  }
0x25: {  	_ =	swait.ge [sflag:s19], $0x4000  }
0x26: {  	[sflag:s19] =	ssyncset.done $0x0  }
0x27: {  	[sflag:s19] =	ssyncadd.s32 $0xFFFFC000  }
0x28: {  	[spmem:s11] =	stream.linear.scatter [tilespmem:s21], [sflag:$0x2], $0x4000, $0x38;
	[tilespmem:$0x1CC00] =	vst v63  }
0x29: {  	_ =	swait.ge [sflag:s19], $0x4000  }
0x2a: {  	[sflag:s19] =	ssyncset.done $0x0  }
0x2b: {  	[sflag:s19] =	ssyncadd.s32 $0xFFFFC000  }
0x2c: {  	[spmem:s12] =	stream.linear.scatter [tilespmem:s21], [sflag:$0x2], $0x4000, $0x38;
	[tilespmem:$0x1CC00] =	vst v63  }
0x2d: {  	_ =	swait.ge [sflag:s19], $0x4000  }
0x2e: {  	[sflag:s19] =	ssyncset.done $0x0  }
0x2f: {  	s25 =	simm.s32 @!p0 $0x5000;
	[sflag:s19] =	ssyncadd.s32 $0xFFFFC000  }
0x30: {  	[spmem:s13] =	stream.linear.scatter @!p0 [tilespmem:s25], [sflag:$0x2], $0x4000, $0x38;
	[tilespmem:$0x1CC00] =	vst v63  }
0x31: {  	s25 =	simm.s32 @!p0 $0x2  }
0x32: {  	_ =	swait.ge @!p0 [sflag:s25], $0x4000  }
0x33: {  	[sflag:s25] =	ssyncset.done @!p0 $0x0  }
0x34: {  	[sflag:s25] =	ssyncadd.s32 @!p0 $0xFFFFC000  }
0x35: {  	s30 =	simm.s32 $0x0;
	[bflag:$0x0] =	sbarrier.arrive $0xFFFF  }
0x36: {  	[tilespmem:s21], [sflag:$0x1] =	stream.indirect.gather [hbm4b:s4+s22], $0x80, s30, s22, $0xb8;
	[tilespmem:$0x1CC00] =	vst v63  }
0x37: {  	_ =	swait.ge [sflag:s23], $0x4000  }
0x38: {  	[sflag:s23] =	ssyncset.done $0x0  }
0x39: {  	s31 =	simm.s32 $0x2800;
	[sflag:s23] =	ssyncadd.s32 $0xFFFFC000  }
0x3a: {  	[spmem:s2] =	stream.indirect.scatter.add.f32 [tilespmem:s21], [sflag:$0x2], $0x80, s31, s22, $0xb8;
	[tilespmem:$0x1CC00] =	vst v63  }
0x3b: {  	_ =	swait.ge [sflag:s19], $0x4000  }
0x3c: {  	s26 =	simm.s32 $0x400;
	s25 =	simm.s32 $0x200;
	[sflag:s19] =	ssyncset.done $0x0  }
.LBB2_2:
0x3d: {  	s28 =	sshra.s32 s25, $0x2  }
0x3e: {  	[sflag:s19] =	ssyncadd.s32 $0xFFFFC000;
	s25 =	smov.u32 s26;
	s29 =	sadd.s32 $0x200, s26  }
0x3f: {  	[tilespmem:s21], [sflag:$0x1] =	stream.indirect.gather [hbm4b:s4+s22], $0x80, s28, s22, $0xb8;
	[tilespmem:$0x1CC00] =	vst v63  }
0x40: {  	p1 =	sne.s32 s26, $0x9E00;
	_ =	swait.ge [sflag:s23], $0x4000  }
.Ltmp0:
0x41: {  	[sflag:s23] =	ssyncset.done $0x0;
	(pc) =	sbr.rel @p1 .LBB2_2-.Ltmp0, $4  }
0x42: {  	s26 =	sadd.s32 $0x2800, s28;
	[sflag:s23] =	ssyncadd.s32 $0xFFFFC000  }
0x43: {  	[spmem:s2] =	stream.indirect.scatter.add.f32 [tilespmem:s21], [sflag:$0x2], $0x80, s26, s22, $0xb8;
	[tilespmem:$0x1CC00] =	vst v63  }
0x44: {  	_ =	swait.ge [sflag:s19], $0x4000  }
0x45: {  	s26 =	smov.u32 s29;
	[sflag:s19] =	ssyncset.done $0x0  }
0x46: {  	s25 =	sshra.s32 s25, $0x2;
	[sflag:s19] =	ssyncadd.s32 $0xFFFFC000  }
0x47: {  	[tilespmem:s21], [sflag:$0x1] =	stream.indirect.gather [hbm4b:s4+s22], $0x80, s25, s22, $0xb8;
	[tilespmem:$0x1CC00] =	vst v63  }
0x48: {  	_ =	swait.ge [sflag:s23], $0x4000  }
0x49: {  	[sflag:s23] =	ssyncset.done $0x0  }
0x4a: {  	s25 =	sadd.s32 $0x2800, s25;
	[sflag:s23] =	ssyncadd.s32 $0xFFFFC000  }
0x4b: {  	[spmem:s2] =	stream.indirect.scatter.add.f32 [tilespmem:s21], [sflag:$0x2], $0x80, s25, s22, $0xb8;
	[tilespmem:$0x1CC00] =	vst v63  }
0x4c: {  	_ =	swait.ge [sflag:s19], $0x4000  }
0x4d: {  	[sflag:s19] =	ssyncset.done $0x0  }
0x4e: {  	s28 =	sshll.u32 s1, $0x6;
	[sflag:s19] =	ssyncadd.s32 $0xFFFFC000  }
0x4f: {  	s26 =	sshrl.u32 s9, $0x3;
	s25 =	sor.u32 $0x1C02, s28;
	[bflag:$0x0] =	sbarrier.arrive $0xFFFF  }
0x50: {  	[hbm:s14], [sflag:s25] =	dma.local [spmem:s26], $0x800  }
0x51: {  	_ =	swait.ge [sflag:s19], $0x800  }
0x52: {  	[sflag:s19] =	ssyncset.done $0x0  }
0x53: {  	s29 =	sshrl.u32 s10, $0x3;
	[sflag:s19] =	ssyncadd.s32 $0xFFFFF800  }
0x54: {  	[hbm:s15], [sflag:s25] =	dma.local [spmem:s29], $0x800  }
0x55: {  	_ =	swait.ge [sflag:s19], $0x800  }
0x56: {  	[sflag:s19] =	ssyncset.done $0x0  }
0x57: {  	s30 =	sshrl.u32 s11, $0x3;
	[sflag:s19] =	ssyncadd.s32 $0xFFFFF800  }
0x58: {  	[hbm:s16], [sflag:s25] =	dma.local [spmem:s30], $0x800  }
0x59: {  	_ =	swait.ge [sflag:s19], $0x800  }
0x5a: {  	[sflag:s19] =	ssyncset.done $0x0  }
0x5b: {  	s31 =	sshrl.u32 s12, $0x3;
	[sflag:s19] =	ssyncadd.s32 $0xFFFFF800  }
0x5c: {  	[hbm:s17], [sflag:s25] =	dma.local [spmem:s31], $0x800  }
0x5d: {  	_ =	swait.ge [sflag:s19], $0x800  }
0x5e: {  	s24 =	sadd.s32 $0x1, s24;
	[sflag:s19] =	ssyncset.done $0x0  }
0x5f: {  	p1 =	sne.s32 s24, s8;
	s26 =	sshrl.u32 @!p0 s13, $0x3;
	[sflag:s19] =	ssyncadd.s32 $0xFFFFF800  }
0x60: {  	[hbm:s18], [sflag:s25] =	dma.local @!p0 [spmem:s26], $0x800  }
.Ltmp1:
0x61: {  	_ = 	snop;
	(pc) =	sbr.rel @p1 .LBB2_1-.Ltmp1, $4  }
0x62: {  	s25 =	simm.s32 @!p0 $0x2  }
0x63: {  	_ =	swait.ge @!p0 [sflag:s25], $0x800  }
0x64: {  	[sflag:s25] =	ssyncset.done @!p0 $0x0  }
0x65: {  	[sflag:s25] =	ssyncadd.s32 @!p0 $0xFFFFF800  }
0x66: {  	_ =	sfence.sel $0x180000  }
0x67: {  	[bflag:$0x0] =	sbarrier.arrive $0xFFFF  }
0x68: {  	p0 =	sne.s32 s1, $0x0;
	_ =	strace $0x90000053  }
0x69: {  	s0 =	sadd.s32 @!p0 $0x100000, s0;
	[bflag:$0x2] =	sbarrier.arrive $0xFFFF  }
0x6a: {  	[sflag:s0] =	ssyncadd.tile.s32 @!p0 $0x1;
	_ =	shalt  }
.Lfunc_end2:
_tile_overlayer_lowered:
.L_overlay_start_2:
0x6b: {  	(tag) =	ssettag $0x2  }
0x6c: {  	s0 =	rddreg [dreg:$0x0];
	s2 =	stileid.u32  }
0x6d: {  	s1 =	rddreg [dreg:$0x1];
	p0 =	sne.s32 s2, $0x0  }
0x6e: {  	s3 =	rddreg [dreg:$0x2];
	[bflag:$0x3] =	sbarrier.arrive $0xFFFF;
	s2 =	simm.s32 @!p0 $0x1C02  }
0x6f: {  	[timem:s3], [sflag:s2] =	dma.local @!p0 [hbm:s0], s1  }
0x70: {  	s0 =	simm.s32 @!p0 $0x2  }
0x71: {  	_ =	swait.ge @!p0 [sflag:s0], s1  }
0x72: {  	s1 =	ssub.s32 @!p0 $0x0, s1;
	[sflag:s0] =	ssyncset.done @!p0 $0x0  }
0x73: {  	[sflag:s0] =	ssyncadd.s32 @!p0 s1  }
0x74: {  	[bflag:$0x3] =	sbarrier.arrive $0xFFFF  }
0x75: {  	_ =	shalt  }

// kernel: kernel.34.cloned.1.call-start
scs
__scs_entry_jumppad:
0x0: {  	(pc) =	sbr.rel $0x88, $3  }
0x1: {  	(tag) =	ssettag $0x0;
	lr =	simm.s32 $0x1  }
0x2: {  	[smem:$0x3F76] =	sst lr;
	_ =	strace $0xD0000000  }
0x3: {  	_ = 	snop  }
0x4: {  	_ = 	snop  }
0x5: {  	_ = 	snop  }
0x6: {  	_ = 	snop  }
0x7: {  	_ = 	snop  }
__scs_overlays_trampoline_lowered:
0x8: {  	[smem:$0x3F85] =	sst s0  }
0x9: {  	[smem:$0x3F86] =	sst s1  }
0xa: {  	[smem:$0x3F87] =	sst s2  }
0xb: {  	[smem:$0x3F88] =	sst s3  }
0xc: {  	[smem:$0x3F89] =	sst s4  }
0xd: {  	[smem:$0x3F8A] =	sst s5  }
0xe: {  	[smem:$0x3F8B] =	sst s6  }
0xf: {  	[smem:$0x3F8C] =	sst s7  }
0x10: {  	[smem:$0x3F8D] =	sst s8  }
0x11: {  	[smem:$0x3F8E] =	sst s9;
	s0 =	simm.s32 @!p0 $0x0  }
0x12: {  	s1 =	sld [smem:$0x3F74];
	s0 =	simm.s32 @p0 $0x1  }
0x13: {  	[smem:$0x3F8F] =	sst s0;
	s0 =	simm.s32 @!p1 $0x0  }
0x14: {  	s2 =	sld [smem:$0x3F73];
	s0 =	simm.s32 @p1 $0x1  }
0x15: {  	[smem:$0x3F90] =	sst s0;
	s0 =	simm.s32 @!p2 $0x0  }
0x16: {  	s3 =	sld [smem:$0x3FDB];
	s0 =	simm.s32 @p2 $0x1  }
0x17: {  	s4 =	simm.s32 $0x1BF5;
	[smem:$0x3F92] =	sst s0  }
0x18: {  	s0 =	sld [smem:$0x3F75];
	_ =	swait.ge [sflag:s4], $0x0  }
0x19: {  	s7 =	sld [smem:$0x3F76]  }
0x1a: {  	s8 =	sadd.s32 $0xFFFFE003, lr  }
0x1b: {  	s9 =	sadd.s32 $0xFFFFFEF7, lr;
	s5 =	simm.s32 $0xFFFFFFFF;
	p2 =	slt.u32 s8, $0xFFFFF086  }
0x1c: {  	p1 =	slt.u32 s9, $0xF7A;
	s5 =	simm.s32 @!p2 $0x0  }
0x1d: {  	s5 =	simm.s32 @p1 $0x1;
	p0 =	seq.s32 s7, s2  }
0x1e: {  	s7 =	smul.u32 @!p0 $0xF7A, s2;
	p2 =	seq.s32 @!p0 s5, $0x0  }
0x1f: {  	s9 =	smul.u32 $0xF7A, s1;
	s8 =	simm.s32 @!p0 $0x1BF5;
	p2 =	por !p2, p0  }
0x20: {  	[sflag:s8] =	ssyncset.s32 @!p0 $0xFFFFF086;
	s6 =	sadd.s32 @!p0 s3, s7;
	s7 =	simm.s32 @!p0 $0x108  }
0x21: {  	s3 =	sadd.s32 s3, s9;
	s6 =	sadd.s32 @!p0 $0x88, s6;
	s7 =	simm.s32 @p2 $0x1082  }
0x22: {  	[simem:s7], [sflag:s8] =	dma.local @!p0 [hbm:s6], $0xF7A  }
0x23: {  	s9 =	sor.u32 $0xD0000000, s2;
	s6 =	simm.s32 $0x108;
	_ =	swait.ge @!p0 [sflag:s8], $0x0  }
0x24: {  	s3 =	sadd.s32 $0x88, s3;
	s6 =	simm.s32 @!p1 $0x1082;
	[sflag:s4] =	ssyncset.s32 $0xFFFFF086  }
0x25: {  	[simem:s6], [sflag:s4] =	dma.local [hbm:s3], $0xF7A  }
0x26: {  	[smem:$0x3F76] =	sst s1;
	(tag) =	ssettag s2;
	_ =	strace s9  }
0x27: {  	s1 =	sld [smem:$0x3F86]  }
0x28: {  	s2 =	sld [smem:$0x3F87]  }
0x29: {  	s4 =	sld [smem:$0x3F89]  }
0x2a: {  	p0 =	seq.s32 s5, $0x0;
	s5 =	sld [smem:$0x3F8A]  }
0x2b: {  	s6 =	sld [smem:$0x3F8B]  }
0x2c: {  	s7 =	sld [smem:$0x3F8C]  }
0x2d: {  	s3 =	simm.s32 $0x108;
	s8 =	sld [smem:$0x3F8D]  }
0x2e: {  	s3 =	simm.s32 @!p0 $0x1082;
	s9 =	sld [smem:$0x3F8E]  }
0x2f: {  	lr =	sadd.s32 s0, s3;
	s0 =	sld [smem:$0x3F85]  }
0x30: {  	s3 =	sld [smem:$0x3F88]  }
0x31: {  	[smem:$0x3F91] =	sst s10  }
0x32: {  	s10 =	sld [smem:$0x3F8F];
	_ =	sdelay $0x3  }
0x33: {  	p0 =	seq.s32 s10, $0x1;
	s10 =	sld [smem:$0x3F91];
	_ =	sdelay $0x3  }
0x34: {  	[smem:$0x3F91] =	sst s10  }
0x35: {  	s10 =	sld [smem:$0x3F90];
	_ =	sdelay $0x3  }
0x36: {  	p1 =	seq.s32 s10, $0x1;
	s10 =	sld [smem:$0x3F91];
	_ =	sdelay $0x3  }
0x37: {  	[smem:$0x3F91] =	sst s10  }
0x38: {  	s10 =	sld [smem:$0x3F92]  }
0x39: {  	_ = 	snop;
	(pc) =	sbr.ind lr, $3  }
0x3a: {  	_ = 	snop  }
0x3b: {  	_ = 	snop  }
0x3c: {  	p2 =	seq.s32 s10, $0x1;
	s10 =	sld [smem:$0x3F91]  }
0x3d: {  	_ =	shalt  }
0x3e: {  	_ =	shalt  }
0x3f: {  	_ =	shalt  }
0x40: {  	_ =	shalt  }
0x41: {  	_ =	shalt  }
0x42: {  	_ =	shalt  }
0x43: {  	_ =	shalt  }
0x44: {  	_ =	shalt  }
0x45: {  	_ =	shalt  }
0x46: {  	_ =	shalt  }
0x47: {  	_ =	shalt  }
0x48: {  	_ =	shalt  }
0x49: {  	_ =	shalt  }
0x4a: {  	_ =	shalt  }
0x4b: {  	_ =	shalt  }
0x4c: {  	_ =	shalt  }
0x4d: {  	_ =	shalt  }
0x4e: {  	_ =	shalt  }
0x4f: {  	_ =	shalt  }
0x50: {  	_ =	shalt  }
0x51: {  	_ =	shalt  }
0x52: {  	_ =	shalt  }
0x53: {  	_ =	shalt  }
0x54: {  	_ =	shalt  }
0x55: {  	_ =	shalt  }
0x56: {  	_ =	shalt  }
0x57: {  	_ =	shalt  }
0x58: {  	_ =	shalt  }
0x59: {  	_ =	shalt  }
0x5a: {  	_ =	shalt  }
0x5b: {  	_ =	shalt  }
0x5c: {  	_ =	shalt  }
0x5d: {  	_ =	shalt  }
0x5e: {  	_ =	shalt  }
0x5f: {  	_ =	shalt  }
0x60: {  	_ =	shalt  }
0x61: {  	_ =	shalt  }
0x62: {  	_ =	shalt  }
0x63: {  	_ =	shalt  }
0x64: {  	_ =	shalt  }
0x65: {  	_ =	shalt  }
0x66: {  	_ =	shalt  }
0x67: {  	_ =	shalt  }
0x68: {  	_ =	shalt  }
0x69: {  	_ =	shalt  }
0x6a: {  	_ =	shalt  }
0x6b: {  	_ =	shalt  }
0x6c: {  	_ =	shalt  }
0x6d: {  	_ =	shalt  }
0x6e: {  	_ =	shalt  }
0x6f: {  	_ =	shalt  }
0x70: {  	_ =	shalt  }
0x71: {  	_ =	shalt  }
0x72: {  	_ =	shalt  }
0x73: {  	_ =	shalt  }
0x74: {  	_ =	shalt  }
0x75: {  	_ =	shalt  }
0x76: {  	_ =	shalt  }
0x77: {  	_ =	shalt  }
0x78: {  	_ =	shalt  }
0x79: {  	_ =	shalt  }
0x7a: {  	_ =	shalt  }
0x7b: {  	_ =	shalt  }
0x7c: {  	_ =	shalt  }
0x7d: {  	_ =	shalt  }
0x7e: {  	_ =	shalt  }
0x7f: {  	_ =	shalt  }
0x80: {  	_ =	shalt  }
0x81: {  	_ =	shalt  }
0x82: {  	_ =	shalt  }
0x83: {  	_ =	shalt  }
0x84: {  	_ =	shalt  }
0x85: {  	_ =	shalt  }
0x86: {  	_ =	shalt  }
0x87: {  	_ =	shalt  }
.Lfunc_end0:
.L_simem_size_0:
called_computation.5_lowered:
.L_overlay_start_0:
0x88: {  	s2 =	sld [smem:$0x3FD9]  }
0x89: {  	s3 =	sld [smem:$0x3FFE];
	_ =	sdelay $0x1  }
0x8a: {  	s1 =	srdreg.scid  }
0x8b: {  	s0 =	sand.u32 $0x1, s1  }
0x8c: {  	s16 =	sshll.u32 s0, $0xA;
	s2 =	sadd.s32 s3, s2  }
0x8d: {  	s2 =	sadd.s32 s2, s16  }
0x8e: {  	[smem:$0x3F9D] =	sst s2  }
0x8f: {  	_ = 	snop  }
0x90: {  	(tm) =	ssettm $0x1  }
0x91: {  	s17 =	sld [smem:$0x3FFB];
	_ =	sdelay $0x3  }
0x92: {  	_ =	strace s17  }
0x93: {  	s2 =	sld [smem:$0x3FFC];
	_ =	sdelay $0x3  }
0x94: {  	_ =	strace s2  }
0x95: {  	s2 =	sld [smem:$0x3FFD];
	_ =	sdelay $0x3  }
0x96: {  	_ =	strace s2  }
0x97: {  	_ =	strace $0x8FFFFFFF  }
0x98: {  	s18 =	sld [smem:$0x3FDB];
	_ =	sdelay $0x1  }
0x99: {  	s19 =	simm.s32 $_scs_section_size  }
0x9a: {  	s4 =	simm.s32 $_size__tile_overlayer_lowered;
	s5 =	simm.s32 $_tile_overlayer_lowered  }
0x9b: {  	s22 =	simm.s32 $0x1BFF;
	s21 =	sshll.u32 s5, $0x1;
	s2 =	sadd.s32 s19, s18  }
0x9c: {  	s6 =	simm.s32 $0x0;
	s20 =	sshll.u32 s4, $0x1;
	s4 =	sadd.s32 s21, s2  }
0x9d: {  	[timem:s6], [sflag:s22] =	dma.local [hbm:s4], s20  }
0x9e: {  	_ =	swait.ge [sflag:s22], s20  }
0x9f: {  	s3 =	ssub.s32 $0x0, s20;
	[sflag:s22] =	ssyncset.done $0x0  }
0xa0: {  	[sflag:s22] =	ssyncadd.s32 s3;
	_ =	sdelay $0x1  }
0xa1: {  	s23 =	simm.s32 $0x1B8B  }
0xa2: {  	_ =	swait.ge [sflag:s23], $0x1  }
0xa3: {  	[sflag:s23] =	ssyncset.done $0x0  }
0xa4: {  	s25 =	simm.s32 $0x1B8E;
	s24 =	sld [smem:$0x3FFE];
	[sflag:s23] =	ssyncadd.s32 $0xFFFFFFFF  }
0xa5: {  	s26 =	simm.s32 $execute0_lowered;
	[smem:$0x3FD2] =	sst s25  }
0xa6: {  	s4 =	sshll.u32 s26, $0x1;
	_ =	strace $0x80000055;
	[dreg:$0x1] =	wrdreg $0xFFFFFFFF  }
0xa7: {  	s28 =	simm.s32 $_size_execute0_lowered;
	s2 =	sadd.s32 s2, s4;
	[dreg:$0x0] =	wrdreg $0x0  }
0xa8: {  	s4 =	sshll.u32 s28, $0x1;
	[dreg:$0x2] =	wrdreg s2  }
0xa9: {  	[dreg:$0x3] =	wrdreg s4  }
0xaa: {  	[dreg:$0x4] =	wrdreg $0xC0  }
0xab: {  	_ =	task [dreg:s6], $0x5FFFF  }
0xac: {  	[dreg:$0x1] =	wrdreg $0xFFFFFFFF  }
0xad: {  	[dreg:$0x0] =	wrdreg $0x60  }
0xae: {  	[dreg:$0x2] =	wrdreg s24  }
0xaf: {  	[dreg:$0x3] =	wrdreg $0x106000  }
0xb0: {  	[dreg:$0x4] =	wrdreg $0x10E400  }
0xb1: {  	[dreg:$0x5] =	wrdreg $0x9  }
0xb2: {  	_ =	task.clear_ibuf [dreg:s6], $0x6FFFF;
	_ =	strace $0x90000055  }
0xb3: {  	s29 =	simm.s32 $0x9;
	_ =	strace $0x80000057  }
0xb4: {  	_ =	swait.ge [sflag:s29], $0x1  }
0xb5: {  	[sflag:s29] =	ssyncadd.s32 $0xFFFFFFFF  }
0xb6: {  	_ =	strace $0x90000057  }
0xb7: {  	_ =	sfence  }
0xb8: {  	s30 =	sld [smem:$0x0];
	_ =	sdelay $0x2  }
0xb9: {  	s31 =	sshll.u32 s1, $0xD;
	s1 =	sshrl.u32 s1, $0x2  }
0xba: {  	s3 =	sand.u32 $0x4000, s31;
	s1 =	sadd.s32 s1, s30  }
0xbb: {  	s0 =	sor.u32 s3, s0;
	s1 =	sshll.u32 s1, $0x11  }
0xbc: {  	s0 =	sor.u32 s1, s0  }
0xbd: {  	s0 =	sadd.s32 $0x8F2B, s0  }
0xbe: {  	[sflag:s0] =	ssyncadd.remote.s32 $0x1  }
0xbf: {  	_ =	sfence.sel $0xFFFF  }
0xc0: {  	[dreg:$0x0] =	wrdreg $0xFFFFFFFF;
	(pc) =	sbr.abs _section_cstart, $3  }
0xc1: {  	[dreg:$0x1] =	wrdreg $0xFFFFFFFF  }
0xc2: {  	_ =	task.clear_ibuf [dreg:s6], $0x2FFFF;
	_ =	strace $0x9FFFFFFF  }
0xc3: {  	(tm) =	ssettm $0x7FFFFFFF  }
tec
execute0_lowered:
.L_overlay_start_1:
0x0: {  	(tag) =	ssettag $0x1  }
0x1: {  	s0 =	rddreg [dreg:$0x0]  }
0x2: {  	s1 =	rddreg [dreg:$0x1]  }
0x3: {  	s2 =	rddreg [dreg:$0x2];
	s3 =	simm.s32 $0x0  }
0x4: {  	s4 =	srdreg.scid;
	s6 =	stileid.u32;
	s28 =	simm.s32 $0x4200  }
0x5: {  	s29 =	simm.s32 $0x4000;
	s30 =	simm.s32 $0x80;
	s31 =	simm.s32 $0x4080  }
0x6: {  	[smem:$0x7FF] =	sst s3;
	s4 =	sand.u32 $0x1, s4;
	s5 =	sadd.s32 $0x8600, s0  }
0x7: {  	s12 =	sadd.s32 $0x93600, s0;
	s8 =	sshll.u32 s6, $0x8;
	s25 =	sadd.s32 $0x2FE00, s0  }
0x8: {  	s9 =	sadd.s32 $0x32200, s0;
	s18 =	sadd.s32 $0x53A00, s0;
	s19 =	sadd.s32 $0x55C00, s0  }
0x9: {  	s16 =	sshll.u32 s6, $0xB;
	s13 =	sshll.u32 s6, $0x6;
	p0 =	sne.s32 s6, $0x0  }
0xa: {  	_ =	strace $0x80000056;
	s7 =	sshll.u32 s4, $0x4;
	[dreg:$0x4] =	wrdreg s25  }
0xb: {  	s22 =	sadd.s32 s8, s0;
	[dreg:$0x5] =	wrdreg s9;
	s10 =	ssub.s32 $0x2, s4  }
0xc: {  	s14 =	sadd.s32 s16, s1;
	s8 =	sor.u32 $0x1C01, s13;
	s17 =	sadd.s32 s16, s2  }
0xd: {  	s4 =	smul.u32 $0x8400, s4;
	s15 =	sor.u32 s6, s7;
	[dreg:$0x6] =	wrdreg s14  }
0xe: {  	s11 =	sshrl.u32 s10, $0x1;
	s7 =	sadd.s32 $0x31000, s22;
	[dreg:$0x7] =	wrdreg s17  }
0xf: {  	s26 =	smul.u32 $0x1080, s15;
	s24 =	ssub.s32 s10, s11;
	s10 =	sshll.u32 s15, $0x4  }
0x10: {  	s13 =	sor.u32 $0x20, s15;
	s17 =	sor.u32 $0x40, s15;
	s21 =	sshll.u32 s15, $0xB  }
0x11: {  	s25 =	sadd.s32 s16, s4;
	s4 =	sshrl.u32 s4, $0x3;
	p1 =	sgt.u32 s15, $0xE  }
0x12: {  	[dreg:$0xa] =	wrdreg s7;
	s10 =	sadd.s32 s12, s10;
	s11 =	sshll.u32 s13, $0x4  }
0x13: {  	s14 =	sshll.u32 s17, $0x4;
	s22 =	sshll.u32 s13, $0xB;
	s13 =	sadd.s32 s5, s21  }
0x14: {  	s4 =	sadd.s32 $0x1000, s4;
	s21 =	sadd.s32 $0x32000, s0;
	s24 =	smax.u32 s24, $0x1  }
0x15: {  	s23 =	sadd.s32 s26, s0;
	s11 =	sadd.s32 s12, s11;
	s20 =	sadd.s32 s12, s14  }
0x16: {  	s14 =	sadd.s32 s5, s22;
	s26 =	sshll.u32 s17, $0xB;
	s12 =	sshrl.u32 s25, $0x3  }
.Ltmp0:
0x17: {  	s22 =	sadd.s32 $0x8000, s2;
	[dreg:$0xb] =	wrdreg s21;
	(pc) =	sbr.rel .LBB2_1-.Ltmp0, $4  }
0x18: {  	v0 =	vlaneseq.u32;
	s25 =	simm.s32 $0x1;
	[dreg:$0x8] =	wrdreg s20;
	s5 =	sadd.s32 s5, s26  }
0x19: {  	v1 =	vor.u32 $0x10, v0;
	s16 =	sadd.s32 s18, s12;
	s17 =	sadd.s32 s19, s12;
	s18 =	sadd.s32 s18, s4  }
0x1a: {  	v2 =	vor.u32 $0x20, v0;
	v3 =	vor.u32 $0x30, v0;
	v4 =	vor.u32 $0x40, v0;
	s19 =	sadd.s32 s19, s4;
	s20 =	sadd.s32 $0x8000, s1;
	s23 =	sadd.s32 $0x32A00, s23  }
0x1b: {  	v5 =	vor.u32 $0x50, v0;
	v6 =	vor.u32 $0x60, v0;
	v7 =	vor.u32 $0x70, v0;
	s26 =	simm.s32 $0xC600;
	s12 =	simm.s32 $0x0;
	[dreg:$0x9] =	wrdreg s5  }
.LBB2_8:
0x1c: {  	_ =	sdelay $0x3  }
0x1d: {  	v10 =	vld.idx.msk [tilespmem:v8+s28+$0x0], $0xffff;
	s10 =	smov.u32 s11  }
0x1e: {  	s11 =	smov.u32 s13;
	s13 =	smov.u32 s14;
	s14 =	smov.u32 s16  }
0x1f: {  	s16 =	smov.u32 s17;
	s17 =	smov.u32 s18;
	s18 =	smov.u32 s19  }
0x20: {  	s19 =	smov.u32 s20;
	s20 =	smov.u32 s22;
	s22 =	smov.u32 s23  }
0x21: {  	s23 =	smov.u32 s24;
	s2 =	smov.u32 s7;
	s7 =	rddreg [dreg:$0xa]  }
0x22: {  	s24 =	smov.u32 s26;
	s1 =	smov.u32 s31;
	s21 =	rddreg [dreg:$0xb];
	v9 =	vmax.f32 v10, v9  }
0x23: {  	s26 =	simm.s32 $0xC600;
	s30 =	simm.s32 $0x80;
	s31 =	simm.s32 $0x4080;
	[tilespmem:v8+s28+$0x0] =	vst.idx.msk $0xffff, v9  }
.LBB2_9:
0x24: {  	[bflag:$0x0] =	sbarrier.arrive $0xFFFF  }
0x25: {  	[hbm4b:s23+s3] =	stream.linear.scatter [tilespmem:s28], [sflag:$0x1], $0x8400, $0x38;
	[tilespmem:$0x11680] =	vst v63  }
0x26: {  	_ =	swait.ge [sflag:s25], $0x8400  }
0x27: {  	[sflag:s25] =	ssyncset.done $0x0  }
0x28: {  	[sflag:s25] =	ssyncadd.s32 $0xFFFF7C00  }
0x29: {  	[hbm:s16], [sflag:s8] =	dma.local [spmem:s15], $0x100  }
0x2a: {  	_ =	swait.ge [sflag:s25], $0x100  }
0x2b: {  	[sflag:s25] =	ssyncset.done $0x0  }
0x2c: {  	[sflag:s25] =	ssyncadd.s32 $0xFFFFFF00  }
0x2d: {  	[hbm:s17], [sflag:s8] =	dma.local [spmem:s0], $0x100  }
0x2e: {  	_ =	swait.ge [sflag:s25], $0x100  }
0x2f: {  	[sflag:s25] =	ssyncset.done $0x0  }
0x30: {  	s0 =	simm.s32 @!p0 $0x1;
	[sflag:s25] =	ssyncadd.s32 $0xFFFFFF00  }
0x31: {  	[hbm:s18], [sflag:s8] =	dma.local @!p0 [spmem:s4], $0x80  }
0x32: {  	s12 =	sadd.s32 $0x1, s12;
	_ =	swait.ge @!p0 [sflag:s0], $0x80  }
0x33: {  	p2 =	sne.s32 s12, s24;
	[sflag:s0] =	ssyncset.done @!p0 $0x0  }
.Ltmp1:
0x34: {  	[sflag:s0] =	ssyncadd.s32 @!p0 $0xFFFFFF80;
	(pc) =	sbr.rel @!p2 .LBB2_10-.Ltmp1, $4  }
0x35: {  	[hbm:s19], [sflag:s8] =	dma.local @!p0 [spmem:s5], $0x80  }
0x36: {  	_ =	swait.ge @!p0 [sflag:s0], $0x80  }
0x37: {  	[sflag:s0] =	ssyncset.done @!p0 $0x0  }
0x38: {  	[sflag:s0] =	ssyncadd.s32 @!p0 $0xFFFFFF80  }
.LBB2_1:
0x39: {  	s0 =	rddreg [dreg:$0x6]  }
0x3a: {  	s15 =	sshrl.u32 s0, $0x3  }
0x3b: {  	[spmem:s15], [sflag:s8] =	dma.local [hbm:s7], $0x100  }
0x3c: {  	_ =	swait.ge [sflag:s25], $0x100  }
0x3d: {  	[sflag:s25] =	ssyncset.done $0x0;
	s6 =	rddreg [dreg:$0x7]  }
0x3e: {  	[sflag:s25] =	ssyncadd.s32 $0xFFFFFF00;
	s0 =	sshrl.u32 s6, $0x3  }
0x3f: {  	[spmem:s0], [sflag:s8] =	dma.local [hbm:s7], $0x100  }
0x40: {  	_ =	swait.ge [sflag:s25], $0x100  }
0x41: {  	[sflag:s25] =	ssyncset.done $0x0  }
0x42: {  	s4 =	sshrl.u32 @!p0 s20, $0x3;
	s6 =	simm.s32 @!p0 $0x1;
	[sflag:s25] =	ssyncadd.s32 $0xFFFFFF00  }
0x43: {  	[spmem:s4], [sflag:s8] =	dma.local @!p0 [hbm:s21], $0x80  }
0x44: {  	_ =	swait.ge @!p0 [sflag:s6], $0x80  }
0x45: {  	[sflag:s6] =	ssyncset.done @!p0 $0x0  }
0x46: {  	s5 =	sshrl.u32 @!p0 s22, $0x3;
	[sflag:s6] =	ssyncadd.s32 @!p0 $0xFFFFFF80  }
0x47: {  	[spmem:s5], [sflag:s8] =	dma.local @!p0 [hbm:s21], $0x80  }
0x48: {  	_ =	swait.ge @!p0 [sflag:s6], $0x80  }
0x49: {  	[sflag:s6] =	ssyncset.done @!p0 $0x0  }
0x4a: {  	s9 =	rddreg [dreg:$0x5];
	[sflag:s6] =	ssyncadd.s32 @!p0 $0xFFFFFF80  }
0x4b: {  	[tilespmem:s26], [sflag:$0x1] =	stream.linear.gather [hbm4b:s9+s3], $0x4000, $0x38;
	[tilespmem:$0x11680] =	vst v63  }
0x4c: {  	_ =	swait.ge [sflag:s25], $0x4000  }
0x4d: {  	[sflag:s25] =	ssyncset.done $0x0  }
0x4e: {  	s9 =	rddreg [dreg:$0x4];
	[sflag:s25] =	ssyncadd.s32 $0xFFFFC000  }
0x4f: {  	[tilespmem:s28], [sflag:$0x1] =	stream.linear.gather [hbm4b:s9+s3], $0x8400, $0x38;
	[tilespmem:$0x11680] =	vst v63  }
0x50: {  	_ =	swait.ge [sflag:s25], $0x8400  }
0x51: {  	[sflag:s25] =	ssyncset.done $0x0  }
0x52: {  	[sflag:s25] =	ssyncadd.s32 $0xFFFF7C00  }
0x53: {  	[bflag:$0x0] =	sbarrier.arrive $0xFFFF  }
0x54: {  	[tilespmem:s29], [sflag:$0x1] =	stream.linear.gather [hbm4b:s10+s3], $0x80, $0x38;
	[tilespmem:$0x11680] =	vst v63  }
0x55: {  	_ =	swait.ge [sflag:s25], $0x80  }
0x56: {  	[sflag:s25] =	ssyncset.done $0x0  }
0x57: {  	[sflag:s25] =	ssyncadd.s32 $0xFFFFFF80  }
0x58: {  	[tilespmem:s3], [sflag:$0x1] =	stream.linear.gather [hbm4b:s13+s3], $0x4000, $0x38;
	[tilespmem:$0x11680] =	vst v63  }
0x59: {  	_ =	swait.ge [sflag:s25], $0x4000  }
0x5a: {  	[sflag:s25] =	ssyncset.done $0x0  }
0x5b: {  	[sflag:s25] =	ssyncadd.s32 $0xFFFFC000  }
0x5c: {  	[spmem:s1] =	stream.indirect.scatter.add.f32 [tilespmem:s3], [sflag:$0x1], $0x80, s29, s30, $0xb8;
	[tilespmem:$0x11680] =	vst v63  }
0x5d: {  	_ =	swait.ge [sflag:s25], $0x4000  }
0x5e: {  	[sflag:s25] =	ssyncset.done $0x0  }
0x5f: {  	v8 =	vmov s3;
	[sflag:s25] =	ssyncadd.s32 $0xFFFFC000  }
0x60: {  	[spmem:s2] =	stream.indirect.scatter.add.f32 [tilespmem:s26], [sflag:$0x1], $0x80, s29, s30, $0xb8;
	[tilespmem:$0x11680] =	vst v63  }
0x61: {  	_ =	swait.ge [sflag:s25], $0x4000  }
0x62: {  	[sflag:s25] =	ssyncset.done $0x0  }
0x63: {  	[sflag:s25] =	ssyncadd.s32 $0xFFFFC000  }
0x64: {  	v9 =	vld.idx.msk [tilespmem:v8+s29+$0x0], $0xffff;
	_ =	sdelay $0x3  }
0x65: {  	v8 =	vshll.u32 v8, $0x7  }
0x66: {  	v10 =	vor.u32 v0, v8;
	v9 =	vshll.u32 v9, $0x7  }
0x67: {  	v11 =	vor.u32 v0, v9;
	_ =	sdelay $0x3  }
0x68: {  	v10 =	vld.idx.msk [tilespmem:v10+s3+$0x0], $0xffff  }
0x69: {  	v12 =	vld.idx.msk [tilespmem:v11+s28+$0x0], $0xffff;
	_ =	sdelay $0x1  }
0x6a: {  	v13 =	vor.u32 v1, v8  }
0x6b: {  	v14 =	vor.u32 v1, v9;
	_ =	sdelay $0x1  }
0x6c: {  	v10 =	vmax.f32 v12, v10  }
0x6d: {  	[tilespmem:v11+s28+$0x0] =	vst.idx.msk $0xffff, v10  }
0x6e: {  	v10 =	vld.idx.msk [tilespmem:v13+s3+$0x0], $0xffff  }
0x6f: {  	v11 =	vld.idx.msk [tilespmem:v14+s28+$0x0], $0xffff;
	_ =	sdelay $0x1  }
0x70: {  	v53 =	vor.u32 v2, v8  }
0x71: {  	v54 =	vor.u32 v2, v9;
	_ =	sdelay $0x1  }
0x72: {  	v10 =	vmax.f32 v11, v10  }
0x73: {  	[tilespmem:v14+s28+$0x0] =	vst.idx.msk $0xffff, v10  }
0x74: {  	v10 =	vld.idx.msk [tilespmem:v53+s3+$0x0], $0xffff  }
0x75: {  	v11 =	vld.idx.msk [tilespmem:v54+s28+$0x0], $0xffff;
	_ =	sdelay $0x1  }
0x76: {  	v55 =	vor.u32 v3, v8  }
0x77: {  	v56 =	vor.u32 v3, v9;
	_ =	sdelay $0x1  }
0x78: {  	v10 =	vmax.f32 v11, v10  }
0x79: {  	[tilespmem:v54+s28+$0x0] =	vst.idx.msk $0xffff, v10  }
0x7a: {  	v10 =	vld.idx.msk [tilespmem:v55+s3+$0x0], $0xffff  }
0x7b: {  	v11 =	vld.idx.msk [tilespmem:v56+s28+$0x0], $0xffff;
	_ =	sdelay $0x1  }
0x7c: {  	v57 =	vor.u32 v4, v8  }
0x7d: {  	v58 =	vor.u32 v4, v9;
	_ =	sdelay $0x1  }
0x7e: {  	v10 =	vmax.f32 v11, v10  }
0x7f: {  	[tilespmem:v56+s28+$0x0] =	vst.idx.msk $0xffff, v10  }
0x80: {  	v10 =	vld.idx.msk [tilespmem:v57+s3+$0x0], $0xffff  }
0x81: {  	v11 =	vld.idx.msk [tilespmem:v58+s28+$0x0], $0xffff;
	_ =	sdelay $0x1  }
0x82: {  	v59 =	vor.u32 v5, v8  }
0x83: {  	v60 =	vor.u32 v5, v9;
	_ =	sdelay $0x1  }
0x84: {  	v10 =	vmax.f32 v11, v10  }
0x85: {  	[tilespmem:v58+s28+$0x0] =	vst.idx.msk $0xffff, v10  }
0x86: {  	v10 =	vld.idx.msk [tilespmem:v59+s3+$0x0], $0xffff  }
0x87: {  	v11 =	vld.idx.msk [tilespmem:v60+s28+$0x0], $0xffff;
	_ =	sdelay $0x1  }
0x88: {  	v61 =	vor.u32 v6, v8  }
0x89: {  	v62 =	vor.u32 v6, v9;
	_ =	sdelay $0x1  }
0x8a: {  	v10 =	vmax.f32 v11, v10  }
0x8b: {  	[tilespmem:v60+s28+$0x0] =	vst.idx.msk $0xffff, v10  }
0x8c: {  	v10 =	vld.idx.msk [tilespmem:v61+s3+$0x0], $0xffff  }
0x8d: {  	v11 =	vld.idx.msk [tilespmem:v62+s28+$0x0], $0xffff;
	_ =	sdelay $0x4  }
0x8e: {  	v63 =	vor.u32 v7, v8;
	v8 =	vmax.f32 v11, v10  }
0x8f: {  	[tilespmem:v62+s28+$0x0] =	vst.idx.msk $0xffff, v8;
	v8 =	vor.u32 v7, v9;
	_ =	sdelay $0x3  }
0x90: {  	s6 =	simm.s32 $0x1;
	v9 =	vld.idx.msk [tilespmem:v63+s3+$0x0], $0xffff  }
.LBB2_2:
0x91: {  	p2 =	sne.s32 s6, $0x7F;
	v10 =	vld.idx.msk [tilespmem:v8+s28+$0x0], $0xffff;
	s9 =	smov.u32 s6;
	s6 =	sadd.s32 $0x1, s6  }
0x92: {  	_ =	sdelay $0x1  }
0x93: {  	v11 =	vmov s9  }
0x94: {  	v12 =	vshll.u32 v11, $0x7  }
0x95: {  	v13 =	vor.u32 v0, v12  }
0x96: {  	v9 =	vmax.f32 v10, v9  }
0x97: {  	[tilespmem:v8+s28+$0x0] =	vst.idx.msk $0xffff, v9  }
0x98: {  	v8 =	vld.idx.msk [tilespmem:v11+s29+$0x0], $0xffff;
	_ =	sdelay $0x5  }
0x99: {  	v8 =	vshll.u32 v8, $0x7  }
0x9a: {  	v9 =	vor.u32 v0, v8;
	_ =	sdelay $0x3  }
0x9b: {  	v10 =	vld.idx.msk [tilespmem:v13+s3+$0x0], $0xffff  }
0x9c: {  	v11 =	vld.idx.msk [tilespmem:v9+s28+$0x0], $0xffff;
	_ =	sdelay $0x2  }
0x9d: {  	v14 =	vor.u32 v1, v8;
	v13 =	vor.u32 v1, v12;
	_ =	sdelay $0x2  }
0x9e: {  	v10 =	vmax.f32 v11, v10  }
0x9f: {  	[tilespmem:v9+s28+$0x0] =	vst.idx.msk $0xffff, v10  }
0xa0: {  	v9 =	vld.idx.msk [tilespmem:v13+s3+$0x0], $0xffff  }
0xa1: {  	v10 =	vld.idx.msk [tilespmem:v14+s28+$0x0], $0xffff;
	_ =	sdelay $0x2  }
0xa2: {  	v11 =	vor.u32 v2, v12;
	v13 =	vor.u32 v2, v8;
	_ =	sdelay $0x2  }
0xa3: {  	v9 =	vmax.f32 v10, v9  }
0xa4: {  	[tilespmem:v14+s28+$0x0] =	vst.idx.msk $0xffff, v9  }
0xa5: {  	v9 =	vld.idx.msk [tilespmem:v11+s3+$0x0], $0xffff  }
0xa6: {  	v10 =	vld.idx.msk [tilespmem:v13+s28+$0x0], $0xffff;
	_ =	sdelay $0x2  }
0xa7: {  	v14 =	vor.u32 v3, v8;
	v11 =	vor.u32 v3, v12;
	_ =	sdelay $0x2  }
0xa8: {  	v9 =	vmax.f32 v10, v9  }
0xa9: {  	[tilespmem:v13+s28+$0x0] =	vst.idx.msk $0xffff, v9  }
0xaa: {  	v9 =	vld.idx.msk [tilespmem:v11+s3+$0x0], $0xffff  }
0xab: {  	v10 =	vld.idx.msk [tilespmem:v14+s28+$0x0], $0xffff;
	_ =	sdelay $0x2  }
0xac: {  	v13 =	vor.u32 v4, v8;
	v11 =	vor.u32 v4, v12;
	_ =	sdelay $0x2  }
0xad: {  	v9 =	vmax.f32 v10, v9  }
0xae: {  	[tilespmem:v14+s28+$0x0] =	vst.idx.msk $0xffff, v9  }
0xaf: {  	v9 =	vld.idx.msk [tilespmem:v11+s3+$0x0], $0xffff  }
0xb0: {  	v10 =	vld.idx.msk [tilespmem:v13+s28+$0x0], $0xffff;
	_ =	sdelay $0x2  }
0xb1: {  	v14 =	vor.u32 v5, v8;
	v11 =	vor.u32 v5, v12;
	_ =	sdelay $0x2  }
0xb2: {  	v9 =	vmax.f32 v10, v9  }
0xb3: {  	[tilespmem:v13+s28+$0x0] =	vst.idx.msk $0xffff, v9  }
0xb4: {  	v9 =	vld.idx.msk [tilespmem:v11+s3+$0x0], $0xffff  }
0xb5: {  	v10 =	vld.idx.msk [tilespmem:v14+s28+$0x0], $0xffff;
	_ =	sdelay $0x2  }
0xb6: {  	v13 =	vor.u32 v6, v8;
	v11 =	vor.u32 v6, v12;
	_ =	sdelay $0x2  }
0xb7: {  	v9 =	vmax.f32 v10, v9  }
0xb8: {  	[tilespmem:v14+s28+$0x0] =	vst.idx.msk $0xffff, v9  }
0xb9: {  	v9 =	vld.idx.msk [tilespmem:v11+s3+$0x0], $0xffff  }
0xba: {  	v10 =	vld.idx.msk [tilespmem:v13+s28+$0x0], $0xffff;
	_ =	sdelay $0x2  }
0xbb: {  	v8 =	vor.u32 v7, v8;
	v11 =	vor.u32 v7, v12  }
.Ltmp2:
0xbc: {  	(pc) =	sbr.rel @p2 .LBB2_2-.Ltmp2, $4  }
0xbd: {  	_ = 	snop  }
0xbe: {  	v9 =	vmax.f32 v10, v9  }
0xbf: {  	[tilespmem:v13+s28+$0x0] =	vst.idx.msk $0xffff, v9  }
0xc0: {  	v9 =	vld.idx.msk [tilespmem:v11+s3+$0x0], $0xffff  }
0xc1: {  	_ =	sdelay $0x3  }
0xc2: {  	v10 =	vld.idx.msk [tilespmem:v8+s28+$0x0], $0xffff;
	_ =	sdelay $0x4  }
0xc3: {  	v9 =	vmax.f32 v10, v9  }
0xc4: {  	s6 =	simm.s32 $0x0;
	[tilespmem:v8+s28+$0x0] =	vst.idx.msk $0xffff, v9  }
0xc5: {  	[tilespmem:s31], [sflag:$0x1] =	stream.linear.gather [hbm4b:s11+s6], $0x80, $0x38;
	[tilespmem:$0x11680] =	vst v63  }
0xc6: {  	_ =	swait.ge [sflag:s25], $0x80  }
0xc7: {  	[sflag:s25] =	ssyncset.done $0x0  }
0xc8: {  	[sflag:s25] =	ssyncadd.s32 $0xFFFFFF80  }
0xc9: {  	[tilespmem:s6], [sflag:$0x1] =	stream.linear.gather [hbm4b:s14+s6], $0x4000, $0x38;
	[tilespmem:$0x11680] =	vst v63  }
0xca: {  	_ =	swait.ge [sflag:s25], $0x4000  }
0xcb: {  	[sflag:s25] =	ssyncset.done $0x0  }
0xcc: {  	[sflag:s25] =	ssyncadd.s32 $0xFFFFC000  }
0xcd: {  	[spmem:s1] =	stream.indirect.scatter.add.f32 [tilespmem:s6], [sflag:$0x1], $0x80, s31, s30, $0xb8;
	[tilespmem:$0x11680] =	vst v63  }
0xce: {  	_ =	swait.ge [sflag:s25], $0x4000  }
0xcf: {  	v8 =	vmov s6;
	[sflag:s25] =	ssyncset.done $0x0  }
0xd0: {  	v9 =	vor.u32 $0x80, v8;
	[sflag:s25] =	ssyncadd.s32 $0xFFFFC000  }
0xd1: {  	[spmem:s2] =	stream.indirect.scatter.add.f32 [tilespmem:s26], [sflag:$0x1], $0x80, s31, s30, $0xb8;
	[tilespmem:$0x11680] =	vst v63  }
0xd2: {  	_ =	swait.ge [sflag:s25], $0x4000  }
0xd3: {  	[sflag:s25] =	ssyncset.done $0x0  }
0xd4: {  	[sflag:s25] =	ssyncadd.s32 $0xFFFFC000  }
0xd5: {  	v9 =	vld.idx.msk [tilespmem:v9+s29+$0x0], $0xffff;
	_ =	sdelay $0x3  }
0xd6: {  	v8 =	vshll.u32 v8, $0x7  }
0xd7: {  	v10 =	vor.u32 v0, v8;
	v9 =	vshll.u32 v9, $0x7  }
0xd8: {  	v11 =	vor.u32 v0, v9;
	_ =	sdelay $0x3  }
0xd9: {  	v10 =	vld.idx.msk [tilespmem:v10+s3+$0x0], $0xffff  }
0xda: {  	v12 =	vld.idx.msk [tilespmem:v11+s28+$0x0], $0xffff;
	_ =	sdelay $0x1  }
0xdb: {  	v13 =	vor.u32 v1, v8  }
0xdc: {  	v14 =	vor.u32 v1, v9;
	_ =	sdelay $0x1  }
0xdd: {  	v10 =	vmax.f32 v12, v10  }
0xde: {  	[tilespmem:v11+s28+$0x0] =	vst.idx.msk $0xffff, v10  }
0xdf: {  	v10 =	vld.idx.msk [tilespmem:v13+s3+$0x0], $0xffff  }
0xe0: {  	v11 =	vld.idx.msk [tilespmem:v14+s28+$0x0], $0xffff;
	_ =	sdelay $0x1  }
0xe1: {  	v53 =	vor.u32 v2, v8  }
0xe2: {  	v54 =	vor.u32 v2, v9;
	_ =	sdelay $0x1  }
0xe3: {  	v10 =	vmax.f32 v11, v10  }
0xe4: {  	[tilespmem:v14+s28+$0x0] =	vst.idx.msk $0xffff, v10  }
0xe5: {  	v10 =	vld.idx.msk [tilespmem:v53+s3+$0x0], $0xffff  }
0xe6: {  	v11 =	vld.idx.msk [tilespmem:v54+s28+$0x0], $0xffff;
	_ =	sdelay $0x1  }
0xe7: {  	v55 =	vor.u32 v3, v8  }
0xe8: {  	v56 =	vor.u32 v3, v9;
	_ =	sdelay $0x1  }
0xe9: {  	v10 =	vmax.f32 v11, v10  }
0xea: {  	[tilespmem:v54+s28+$0x0] =	vst.idx.msk $0xffff, v10  }
0xeb: {  	v10 =	vld.idx.msk [tilespmem:v55+s3+$0x0], $0xffff  }
0xec: {  	v11 =	vld.idx.msk [tilespmem:v56+s28+$0x0], $0xffff;
	_ =	sdelay $0x1  }
0xed: {  	v57 =	vor.u32 v4, v8  }
0xee: {  	v58 =	vor.u32 v4, v9;
	_ =	sdelay $0x1  }
0xef: {  	v10 =	vmax.f32 v11, v10  }
0xf0: {  	[tilespmem:v56+s28+$0x0] =	vst.idx.msk $0xffff, v10  }
0xf1: {  	v10 =	vld.idx.msk [tilespmem:v57+s3+$0x0], $0xffff  }
0xf2: {  	v11 =	vld.idx.msk [tilespmem:v58+s28+$0x0], $0xffff;
	_ =	sdelay $0x1  }
0xf3: {  	v59 =	vor.u32 v5, v8  }
0xf4: {  	v60 =	vor.u32 v5, v9;
	_ =	sdelay $0x1  }
0xf5: {  	v10 =	vmax.f32 v11, v10  }
0xf6: {  	[tilespmem:v58+s28+$0x0] =	vst.idx.msk $0xffff, v10  }
0xf7: {  	v10 =	vld.idx.msk [tilespmem:v59+s3+$0x0], $0xffff  }
0xf8: {  	v11 =	vld.idx.msk [tilespmem:v60+s28+$0x0], $0xffff;
	_ =	sdelay $0x1  }
0xf9: {  	v61 =	vor.u32 v6, v8  }
0xfa: {  	v62 =	vor.u32 v6, v9;
	_ =	sdelay $0x1  }
0xfb: {  	v10 =	vmax.f32 v11, v10  }
0xfc: {  	[tilespmem:v60+s28+$0x0] =	vst.idx.msk $0xffff, v10  }
0xfd: {  	v10 =	vld.idx.msk [tilespmem:v61+s3+$0x0], $0xffff  }
0xfe: {  	v11 =	vld.idx.msk [tilespmem:v62+s28+$0x0], $0xffff;
	_ =	sdelay $0x4  }
0xff: {  	v63 =	vor.u32 v7, v8;
	v8 =	vmax.f32 v11, v10  }
0x100: {  	[tilespmem:v62+s28+$0x0] =	vst.idx.msk $0xffff, v8;
	v8 =	vor.u32 v7, v9;
	_ =	sdelay $0x3  }
0x101: {  	s6 =	simm.s32 $0x1;
	v9 =	vld.idx.msk [tilespmem:v63+s3+$0x0], $0xffff  }
.LBB2_4:
0x102: {  	p2 =	sne.s32 s6, $0x7F;
	v10 =	vld.idx.msk [tilespmem:v8+s28+$0x0], $0xffff;
	s9 =	smov.u32 s6;
	s6 =	sadd.s32 $0x1, s6  }
0x103: {  	_ = 	snop  }
0x104: {  	v11 =	vmov s9  }
0x105: {  	v12 =	vor.u32 $0x80, v11;
	v11 =	vshll.u32 v11, $0x7  }
0x106: {  	v13 =	vor.u32 v0, v11;
	_ =	sdelay $0x1  }
0x107: {  	v9 =	vmax.f32 v10, v9  }
0x108: {  	[tilespmem:v8+s28+$0x0] =	vst.idx.msk $0xffff, v9  }
0x109: {  	v8 =	vld.idx.msk [tilespmem:v12+s29+$0x0], $0xffff;
	_ =	sdelay $0x5  }
0x10a: {  	v8 =	vshll.u32 v8, $0x7  }
0x10b: {  	v9 =	vor.u32 v0, v8;
	_ =	sdelay $0x3  }
0x10c: {  	v10 =	vld.idx.msk [tilespmem:v13+s3+$0x0], $0xffff  }
0x10d: {  	v12 =	vld.idx.msk [tilespmem:v9+s28+$0x0], $0xffff;
	_ =	sdelay $0x2  }
0x10e: {  	v14 =	vor.u32 v1, v8;
	v13 =	vor.u32 v1, v11;
	_ =	sdelay $0x2  }
0x10f: {  	v10 =	vmax.f32 v12, v10  }
0x110: {  	[tilespmem:v9+s28+$0x0] =	vst.idx.msk $0xffff, v10  }
0x111: {  	v9 =	vld.idx.msk [tilespmem:v13+s3+$0x0], $0xffff  }
0x112: {  	v10 =	vld.idx.msk [tilespmem:v14+s28+$0x0], $0xffff;
	_ =	sdelay $0x2  }
0x113: {  	v12 =	vor.u32 v2, v11;
	v13 =	vor.u32 v2, v8;
	_ =	sdelay $0x2  }
0x114: {  	v9 =	vmax.f32 v10, v9  }
0x115: {  	[tilespmem:v14+s28+$0x0] =	vst.idx.msk $0xffff, v9  }
0x116: {  	v9 =	vld.idx.msk [tilespmem:v12+s3+$0x0], $0xffff  }
0x117: {  	v10 =	vld.idx.msk [tilespmem:v13+s28+$0x0], $0xffff;
	_ =	sdelay $0x2  }
0x118: {  	v14 =	vor.u32 v3, v8;
	v12 =	vor.u32 v3, v11;
	_ =	sdelay $0x2  }
0x119: {  	v9 =	vmax.f32 v10, v9  }
0x11a: {  	[tilespmem:v13+s28+$0x0] =	vst.idx.msk $0xffff, v9  }
0x11b: {  	v9 =	vld.idx.msk [tilespmem:v12+s3+$0x0], $0xffff  }
0x11c: {  	v10 =	vld.idx.msk [tilespmem:v14+s28+$0x0], $0xffff;
	_ =	sdelay $0x2  }
0x11d: {  	v13 =	vor.u32 v4, v8;
	v12 =	vor.u32 v4, v11;
	_ =	sdelay $0x2  }
0x11e: {  	v9 =	vmax.f32 v10, v9  }
0x11f: {  	[tilespmem:v14+s28+$0x0] =	vst.idx.msk $0xffff, v9  }
0x120: {  	v9 =	vld.idx.msk [tilespmem:v12+s3+$0x0], $0xffff  }
0x121: {  	v10 =	vld.idx.msk [tilespmem:v13+s28+$0x0], $0xffff;
	_ =	sdelay $0x2  }
0x122: {  	v14 =	vor.u32 v5, v8;
	v12 =	vor.u32 v5, v11;
	_ =	sdelay $0x2  }
0x123: {  	v9 =	vmax.f32 v10, v9  }
0x124: {  	[tilespmem:v13+s28+$0x0] =	vst.idx.msk $0xffff, v9  }
0x125: {  	v9 =	vld.idx.msk [tilespmem:v12+s3+$0x0], $0xffff  }
0x126: {  	v10 =	vld.idx.msk [tilespmem:v14+s28+$0x0], $0xffff;
	_ =	sdelay $0x2  }
0x127: {  	v13 =	vor.u32 v6, v8;
	v12 =	vor.u32 v6, v11;
	_ =	sdelay $0x2  }
0x128: {  	v9 =	vmax.f32 v10, v9  }
0x129: {  	[tilespmem:v14+s28+$0x0] =	vst.idx.msk $0xffff, v9  }
0x12a: {  	v9 =	vld.idx.msk [tilespmem:v12+s3+$0x0], $0xffff  }
0x12b: {  	v10 =	vld.idx.msk [tilespmem:v13+s28+$0x0], $0xffff;
	_ =	sdelay $0x2  }
0x12c: {  	v8 =	vor.u32 v7, v8;
	v11 =	vor.u32 v7, v11  }
.Ltmp3:
0x12d: {  	(pc) =	sbr.rel @p2 .LBB2_4-.Ltmp3, $4  }
0x12e: {  	_ = 	snop  }
0x12f: {  	v9 =	vmax.f32 v10, v9  }
0x130: {  	[tilespmem:v13+s28+$0x0] =	vst.idx.msk $0xffff, v9  }
0x131: {  	v9 =	vld.idx.msk [tilespmem:v11+s3+$0x0], $0xffff  }
0x132: {  	_ =	sdelay $0x3  }
0x133: {  	v10 =	vld.idx.msk [tilespmem:v8+s28+$0x0], $0xffff;
	_ =	sdelay $0x1  }
.Ltmp4:
0x134: {  	_ = 	snop;
	(pc) =	sbr.rel @p1 .LBB2_9-.Ltmp4, $3  }
0x135: {  	_ =	sdelay $0x1  }
0x136: {  	v9 =	vmax.f32 v10, v9  }
0x137: {  	[tilespmem:v8+s28+$0x0] =	vst.idx.msk $0xffff, v9  }
0x138: {  	s26 =	smov.u32 s24;
	s24 =	smov.u32 s23;
	s23 =	smov.u32 s22  }
0x139: {  	s22 =	smov.u32 s20;
	s20 =	smov.u32 s19;
	s19 =	smov.u32 s18  }
0x13a: {  	s18 =	smov.u32 s17;
	s17 =	smov.u32 s16;
	s16 =	smov.u32 s14  }
0x13b: {  	s14 =	smov.u32 s13;
	s13 =	smov.u32 s11;
	s11 =	smov.u32 s10  }
0x13c: {  	s6 =	simm.s32 $0x0;
	s9 =	rddreg [dreg:$0x8];
	s10 =	simm.s32 $0x4100  }
0x13d: {  	[tilespmem:s10], [sflag:$0x1] =	stream.linear.gather [hbm4b:s9+s6], $0x80, $0x38;
	[tilespmem:$0x11680] =	vst v63  }
0x13e: {  	_ =	swait.ge [sflag:s25], $0x80  }
0x13f: {  	[sflag:s25] =	ssyncset.done $0x0  }
0x140: {  	s7 =	rddreg [dreg:$0x9];
	[sflag:s25] =	ssyncadd.s32 $0xFFFFFF80  }
0x141: {  	[tilespmem:s6], [sflag:$0x1] =	stream.linear.gather [hbm4b:s7+s6], $0x4000, $0x38;
	[tilespmem:$0x11680] =	vst v63  }
0x142: {  	_ =	swait.ge [sflag:s25], $0x4000  }
0x143: {  	[sflag:s25] =	ssyncset.done $0x0  }
0x144: {  	s30 =	simm.s32 $0x80;
	[sflag:s25] =	ssyncadd.s32 $0xFFFFC000  }
0x145: {  	[spmem:s1] =	stream.indirect.scatter.add.f32 [tilespmem:s6], [sflag:$0x1], $0x80, s10, s30, $0xb8;
	[tilespmem:$0x11680] =	vst v63  }
0x146: {  	_ =	swait.ge [sflag:s25], $0x4000  }
0x147: {  	v8 =	vmov s6;
	[sflag:s25] =	ssyncset.done $0x0  }
0x148: {  	s21 =	simm.s32 $0xC600;
	v9 =	vor.u32 $0x100, v8;
	[sflag:s25] =	ssyncadd.s32 $0xFFFFC000  }
0x149: {  	[spmem:s2] =	stream.indirect.scatter.add.f32 [tilespmem:s21], [sflag:$0x1], $0x80, s10, s30, $0xb8;
	[tilespmem:$0x11680] =	vst v63  }
0x14a: {  	_ =	swait.ge [sflag:s25], $0x4000  }
0x14b: {  	[sflag:s25] =	ssyncset.done $0x0  }
0x14c: {  	[sflag:s25] =	ssyncadd.s32 $0xFFFFC000  }
0x14d: {  	v9 =	vld.idx.msk [tilespmem:v9+s29+$0x0], $0xffff;
	_ =	sdelay $0x3  }
0x14e: {  	v8 =	vshll.u32 v8, $0x7  }
0x14f: {  	v10 =	vor.u32 v0, v8;
	v9 =	vshll.u32 v9, $0x7  }
0x150: {  	v11 =	vor.u32 v0, v9;
	_ =	sdelay $0x3  }
0x151: {  	v10 =	vld.idx.msk [tilespmem:v10+s3+$0x0], $0xffff  }
0x152: {  	v12 =	vld.idx.msk [tilespmem:v11+s28+$0x0], $0xffff;
	_ =	sdelay $0x1  }
0x153: {  	v13 =	vor.u32 v1, v8  }
0x154: {  	v14 =	vor.u32 v1, v9;
	_ =	sdelay $0x1  }
0x155: {  	v10 =	vmax.f32 v12, v10  }
0x156: {  	[tilespmem:v11+s28+$0x0] =	vst.idx.msk $0xffff, v10  }
0x157: {  	v10 =	vld.idx.msk [tilespmem:v13+s3+$0x0], $0xffff  }
0x158: {  	v11 =	vld.idx.msk [tilespmem:v14+s28+$0x0], $0xffff;
	_ =	sdelay $0x1  }
0x159: {  	v53 =	vor.u32 v2, v8  }
0x15a: {  	v54 =	vor.u32 v2, v9;
	_ =	sdelay $0x1  }
0x15b: {  	v10 =	vmax.f32 v11, v10  }
0x15c: {  	[tilespmem:v14+s28+$0x0] =	vst.idx.msk $0xffff, v10  }
0x15d: {  	v10 =	vld.idx.msk [tilespmem:v53+s3+$0x0], $0xffff  }
0x15e: {  	v11 =	vld.idx.msk [tilespmem:v54+s28+$0x0], $0xffff;
	_ =	sdelay $0x1  }
0x15f: {  	v55 =	vor.u32 v3, v8  }
0x160: {  	v56 =	vor.u32 v3, v9;
	_ =	sdelay $0x1  }
0x161: {  	v10 =	vmax.f32 v11, v10  }
0x162: {  	[tilespmem:v54+s28+$0x0] =	vst.idx.msk $0xffff, v10  }
0x163: {  	v10 =	vld.idx.msk [tilespmem:v55+s3+$0x0], $0xffff  }
0x164: {  	v11 =	vld.idx.msk [tilespmem:v56+s28+$0x0], $0xffff;
	_ =	sdelay $0x1  }
0x165: {  	v57 =	vor.u32 v4, v8  }
0x166: {  	v58 =	vor.u32 v4, v9;
	_ =	sdelay $0x1  }
0x167: {  	v10 =	vmax.f32 v11, v10  }
0x168: {  	[tilespmem:v56+s28+$0x0] =	vst.idx.msk $0xffff, v10  }
0x169: {  	v10 =	vld.idx.msk [tilespmem:v57+s3+$0x0], $0xffff  }
0x16a: {  	v11 =	vld.idx.msk [tilespmem:v58+s28+$0x0], $0xffff;
	_ =	sdelay $0x1  }
0x16b: {  	v59 =	vor.u32 v5, v8  }
0x16c: {  	v60 =	vor.u32 v5, v9;
	_ =	sdelay $0x1  }
0x16d: {  	v10 =	vmax.f32 v11, v10  }
0x16e: {  	[tilespmem:v58+s28+$0x0] =	vst.idx.msk $0xffff, v10  }
0x16f: {  	v10 =	vld.idx.msk [tilespmem:v59+s3+$0x0], $0xffff  }
0x170: {  	v11 =	vld.idx.msk [tilespmem:v60+s28+$0x0], $0xffff;
	_ =	sdelay $0x1  }
0x171: {  	v61 =	vor.u32 v6, v8  }
0x172: {  	v62 =	vor.u32 v6, v9;
	_ =	sdelay $0x1  }
0x173: {  	v10 =	vmax.f32 v11, v10  }
0x174: {  	[tilespmem:v60+s28+$0x0] =	vst.idx.msk $0xffff, v10  }
0x175: {  	v10 =	vld.idx.msk [tilespmem:v61+s3+$0x0], $0xffff  }
0x176: {  	v11 =	vld.idx.msk [tilespmem:v62+s28+$0x0], $0xffff;
	_ =	sdelay $0x4  }
0x177: {  	v63 =	vor.u32 v7, v8;
	v8 =	vmax.f32 v11, v10  }
0x178: {  	[tilespmem:v62+s28+$0x0] =	vst.idx.msk $0xffff, v8;
	v8 =	vor.u32 v7, v9;
	_ =	sdelay $0x3  }
0x179: {  	s31 =	smov.u32 s1;
	s7 =	smov.u32 s2;
	s6 =	simm.s32 $0x1;
	v9 =	vld.idx.msk [tilespmem:v63+s3+$0x0], $0xffff  }
.LBB2_7:
0x17a: {  	p2 =	sne.s32 s6, $0x7F;
	v10 =	vld.idx.msk [tilespmem:v8+s28+$0x0], $0xffff;
	s9 =	smov.u32 s6;
	s6 =	sadd.s32 $0x1, s6  }
0x17b: {  	_ = 	snop  }
0x17c: {  	v11 =	vmov s9  }
0x17d: {  	v12 =	vor.u32 $0x100, v11;
	v11 =	vshll.u32 v11, $0x7  }
0x17e: {  	v13 =	vor.u32 v0, v11;
	_ =	sdelay $0x1  }
0x17f: {  	v9 =	vmax.f32 v10, v9  }
0x180: {  	[tilespmem:v8+s28+$0x0] =	vst.idx.msk $0xffff, v9  }
0x181: {  	v8 =	vld.idx.msk [tilespmem:v12+s29+$0x0], $0xffff;
	_ =	sdelay $0x5  }
0x182: {  	v8 =	vshll.u32 v8, $0x7  }
0x183: {  	v9 =	vor.u32 v0, v8;
	_ =	sdelay $0x3  }
0x184: {  	v10 =	vld.idx.msk [tilespmem:v13+s3+$0x0], $0xffff  }
0x185: {  	v12 =	vld.idx.msk [tilespmem:v9+s28+$0x0], $0xffff;
	_ =	sdelay $0x2  }
0x186: {  	v14 =	vor.u32 v1, v8;
	v13 =	vor.u32 v1, v11;
	_ =	sdelay $0x2  }
0x187: {  	v10 =	vmax.f32 v12, v10  }
0x188: {  	[tilespmem:v9+s28+$0x0] =	vst.idx.msk $0xffff, v10  }
0x189: {  	v9 =	vld.idx.msk [tilespmem:v13+s3+$0x0], $0xffff  }
0x18a: {  	v10 =	vld.idx.msk [tilespmem:v14+s28+$0x0], $0xffff;
	_ =	sdelay $0x2  }
0x18b: {  	v12 =	vor.u32 v2, v11;
	v13 =	vor.u32 v2, v8;
	_ =	sdelay $0x2  }
0x18c: {  	v9 =	vmax.f32 v10, v9  }
0x18d: {  	[tilespmem:v14+s28+$0x0] =	vst.idx.msk $0xffff, v9  }
0x18e: {  	v9 =	vld.idx.msk [tilespmem:v12+s3+$0x0], $0xffff  }
0x18f: {  	v10 =	vld.idx.msk [tilespmem:v13+s28+$0x0], $0xffff;
	_ =	sdelay $0x2  }
0x190: {  	v14 =	vor.u32 v3, v8;
	v12 =	vor.u32 v3, v11;
	_ =	sdelay $0x2  }
0x191: {  	v9 =	vmax.f32 v10, v9  }
0x192: {  	[tilespmem:v13+s28+$0x0] =	vst.idx.msk $0xffff, v9  }
0x193: {  	v9 =	vld.idx.msk [tilespmem:v12+s3+$0x0], $0xffff  }
0x194: {  	v10 =	vld.idx.msk [tilespmem:v14+s28+$0x0], $0xffff;
	_ =	sdelay $0x2  }
0x195: {  	v13 =	vor.u32 v4, v8;
	v12 =	vor.u32 v4, v11;
	_ =	sdelay $0x2  }
0x196: {  	v9 =	vmax.f32 v10, v9  }
0x197: {  	[tilespmem:v14+s28+$0x0] =	vst.idx.msk $0xffff, v9  }
0x198: {  	v9 =	vld.idx.msk [tilespmem:v12+s3+$0x0], $0xffff  }
0x199: {  	v10 =	vld.idx.msk [tilespmem:v13+s28+$0x0], $0xffff;
	_ =	sdelay $0x2  }
0x19a: {  	v14 =	vor.u32 v5, v8;
	v12 =	vor.u32 v5, v11;
	_ =	sdelay $0x2  }
0x19b: {  	v9 =	vmax.f32 v10, v9  }
0x19c: {  	[tilespmem:v13+s28+$0x0] =	vst.idx.msk $0xffff, v9  }
0x19d: {  	v9 =	vld.idx.msk [tilespmem:v12+s3+$0x0], $0xffff  }
0x19e: {  	v10 =	vld.idx.msk [tilespmem:v14+s28+$0x0], $0xffff;
	_ =	sdelay $0x2  }
0x19f: {  	v13 =	vor.u32 v6, v8;
	v12 =	vor.u32 v6, v11;
	_ =	sdelay $0x2  }
0x1a0: {  	v9 =	vmax.f32 v10, v9  }
0x1a1: {  	[tilespmem:v14+s28+$0x0] =	vst.idx.msk $0xffff, v9  }
0x1a2: {  	v9 =	vld.idx.msk [tilespmem:v12+s3+$0x0], $0xffff  }
0x1a3: {  	v10 =	vld.idx.msk [tilespmem:v13+s28+$0x0], $0xffff;
	_ =	sdelay $0x2  }
0x1a4: {  	v8 =	vor.u32 v7, v8;
	v11 =	vor.u32 v7, v11  }
.Ltmp5:
0x1a5: {  	(pc) =	sbr.rel @p2 .LBB2_7-.Ltmp5, $4  }
0x1a6: {  	_ = 	snop  }
0x1a7: {  	v9 =	vmax.f32 v10, v9  }
0x1a8: {  	[tilespmem:v13+s28+$0x0] =	vst.idx.msk $0xffff, v9  }
0x1a9: {  	v9 =	vld.idx.msk [tilespmem:v11+s3+$0x0], $0xffff  }
.Ltmp6:
0x1aa: {  	_ = 	snop;
	(pc) =	sbr.rel .LBB2_8-.Ltmp6, $1  }
0x1ab: {  	_ =	sdelay $0x3  }
.LBB2_10:
0x1ac: {  	_ =	sfence.sel $0x180000  }
0x1ad: {  	[bflag:$0x0] =	sbarrier.arrive $0xFFFF  }
0x1ae: {  	_ =	strace $0x90000056  }
0x1af: {  	[bflag:$0x2] =	sbarrier.arrive $0xFFFF  }
0x1b0: {  	s0 =	rddreg [dreg:$0x3]  }
0x1b1: {  	s0 =	sadd.s32 @!p0 $0x100000, s0  }
0x1b2: {  	[sflag:s0] =	ssyncadd.tile.s32 @!p0 $0x1;
	_ =	shalt  }
.Lfunc_end2:
_tile_overlayer_lowered:
.L_overlay_start_2:
0x1b3: {  	(tag) =	ssettag $0x2  }
0x1b4: {  	s0 =	rddreg [dreg:$0x0];
	s2 =	stileid.u32  }
0x1b5: {  	s1 =	rddreg [dreg:$0x1];
	p0 =	sne.s32 s2, $0x0  }
0x1b6: {  	s3 =	rddreg [dreg:$0x2];
	[bflag:$0x3] =	sbarrier.arrive $0xFFFF;
	s2 =	simm.s32 @!p0 $0x1C01  }
0x1b7: {  	[timem:s3], [sflag:s2] =	dma.local @!p0 [hbm:s0], s1  }
0x1b8: {  	s0 =	simm.s32 @!p0 $0x1  }
0x1b9: {  	_ =	swait.ge @!p0 [sflag:s0], s1  }
0x1ba: {  	s1 =	ssub.s32 @!p0 $0x0, s1;
	[sflag:s0] =	ssyncset.done @!p0 $0x0  }
0x1bb: {  	[sflag:s0] =	ssyncadd.s32 @!p0 s1  }
0x1bc: {  	[bflag:$0x3] =	sbarrier.arrive $0xFFFF  }
0x1bd: {  	_ =	shalt  }

</sc_bundles>
